<compile_context>
chip_gen: v7x
topology: tpu7x:2x2x1
jax: 0.10.2.dev20260603
libtpu: 0.0.44.dev20260713+nightly
codegen_flags: <defaults>
</compile_context>

<pallas_src>
import functools

import jax
import jax.numpy as jnp
import numpy as np
from jax import lax
from jax.experimental import pallas as pl
from jax.experimental.pallas import tpu as pltpu
from jax.experimental.pallas import tpu_sc as plsc

NUM_NODES = 10000
QROWS = NUM_NODES + 1
QTAIL = 16
QROWS_PAD = NUM_NODES + QTAIL
D = 128
C = 20
B = 1024
L = 50
W = 10

QW = 32
NEI = L * W
NEI_PAD = 512
SELF_PAD = 64
NTERMS = NEI_PAD + SELF_PAD
NC = 2
NS = 16
NW_WORKERS = NC * NS
B_PER_W = B // NW_WORKERS

_LANES = 16

_GDN = lax.GatherDimensionNumbers(
    offset_dims=(), collapsed_slice_dims=(0,), start_index_map=(0,))


def _bcast_lane(v, j):
    idx = jnp.full((_LANES, 1), j, jnp.int32)
    return lax.gather(v, idx, _GDN, (1,),
                      mode=lax.GatherScatterMode.PROMISE_IN_BOUNDS)


def _build_q_tc(node_emb, fc_w_pad, ew10k, node_w):
    blk = 1000

    def body(emb_ref, fcw_ref, ew_ref, nw_ref, out_ref):
        p = lax.dot_general(
            emb_ref[...], fcw_ref[...],
            dimension_numbers=(((1,), (1,)), ((), ())),
            preferred_element_type=jnp.float32)
        col = lax.broadcasted_iota(jnp.int32, (blk, QW), 1)
        q = jnp.where(col == C, ew_ref[...],
                      jnp.where(col == C + 1, nw_ref[...], p))
        out_ref[...] = q

    return pl.pallas_call(
        body,
        grid=(NUM_NODES // blk,),
        in_specs=[
            pl.BlockSpec((blk, D), lambda i: (i, 0)),
            pl.BlockSpec((QW, D), lambda i: (0, 0)),
            pl.BlockSpec((blk, 1), lambda i: (i, 0)),
            pl.BlockSpec((blk, 1), lambda i: (i, 0)),
        ],
        out_specs=pl.BlockSpec((blk, QW), lambda i: (i, 0)),
        out_shape=jax.ShapeDtypeStruct((NUM_NODES, QW), jnp.float32),
    )(node_emb, fc_w_pad, ew10k, node_w)


def _sc_body(q_hbm, qtail_hbm, nx_hbm, idxs_hbm, lmap_hbm, out_hbm,
             nx_all, idx4a, idx4b, idxs_all, lmap_v, nw_v, r0_v, r1_v,
             out_v, q_sh, sem0, sem1):
    sid = lax.axis_index("s")
    wid = sid * NC + lax.axis_index("c")
    iota = lax.iota(jnp.int32, _LANES)
    zeros16 = jnp.zeros((_LANES,), jnp.float32)

    qchunk = NUM_NODES // NS
    pltpu.sync_copy(q_hbm.at[pl.ds(sid * qchunk, qchunk)],
                    q_sh.at[pl.ds(sid * qchunk, qchunk)])

    @pl.when(sid == 0)
    def _():
        pltpu.sync_copy(qtail_hbm, q_sh.at[pl.ds(NUM_NODES, QTAIL)])

    pltpu.sync_copy(lmap_hbm, lmap_v)
    pltpu.sync_copy(nx_hbm.at[pl.ds(wid * B_PER_W, B_PER_W)], nx_all)
    pltpu.sync_copy(idxs_hbm.at[pl.ds(wid * B_PER_W, B_PER_W)], idxs_all)
    plsc.subcore_barrier()

    def fire(i, r_v, sem, idx4_v):
        ivec = jnp.full((_LANES,), i, jnp.int32)
        for k in range(31):
            idx4_v[k // 8, pl.ds((k % 8) * _LANES, _LANES)] = (
                plsc.load_gather(nx_all, [ivec, k * _LANES + iota]))
        ctail = jnp.minimum(31 * _LANES + iota, NEI - 1)
        vtail = jnp.where(iota < NEI - 31 * _LANES,
                          plsc.load_gather(nx_all, [ivec, ctail]), 0)
        idx4_v[3, pl.ds(7 * _LANES, _LANES)] = vtail
        for j in range(4):
            pltpu.async_copy(q_sh.at[idx4_v.at[j]],
                             r_v.at[pl.ds(j * 128, 128)], sem)
        pltpu.async_copy(q_sh.at[idxs_all.at[i]],
                         r_v.at[pl.ds(NEI_PAD, SELF_PAD)], sem)

    def drain(r_v, sem):
        for j in range(4):
            pltpu.make_async_copy(q_sh.at[idx4a.at[j]],
                                  r_v.at[pl.ds(j * 128, 128)], sem).wait()
        pltpu.make_async_copy(q_sh.at[idxs_all.at[0]],
                              r_v.at[pl.ds(NEI_PAD, SELF_PAD)], sem).wait()

    def compute(i, r_v):
        for k2 in range(SELF_PAD // _LANES):
            rows = (NEI_PAD + k2 * _LANES) + iota
            nw_v[pl.ds(k2 * _LANES, _LANES)] = plsc.load_gather(
                r_v, [rows, jnp.full((_LANES,), 21, jnp.int32)])

        def fma_rows(base_t, c, hv0, hv1):
            for j in range(_LANES):
                cb = _bcast_lane(c, j)
                t = base_t + j
                hv0 = hv0 + cb * r_v[t, pl.ds(0, _LANES)]
                hv1 = hv1 + cb * r_v[t, pl.ds(_LANES, _LANES)]
            return hv0, hv1

        def nei_block(k, hv):
            hv0, hv1 = hv
            lvec = lmap_v[pl.ds(k * _LANES, _LANES)]
            nwg = plsc.load_gather(nw_v, [lvec])
            ew = plsc.load_gather(
                r_v, [k * _LANES + iota, jnp.full((_LANES,), 20, jnp.int32)])
            c = (1.0 - nwg) * ew
            return fma_rows(k * _LANES, c, hv0, hv1)

        hv0, hv1 = lax.fori_loop(0, NEI_PAD // _LANES, nei_block,
                                 (zeros16, zeros16))

        for k2 in range(SELF_PAD // _LANES):
            c = nw_v[pl.ds(k2 * _LANES, _LANES)]
            hv0, hv1 = fma_rows(NEI_PAD + k2 * _LANES, c, hv0, hv1)

        h0 = jnp.maximum(hv0, 0.0)
        h1 = jnp.maximum(hv1, 0.0)
        valid1 = iota < (C - _LANES)
        h1m = jnp.where(valid1, h1, -30.0)
        m = jnp.maximum(jnp.max(h0), jnp.max(h1m))
        e0 = jnp.exp(h0 - m)
        e1 = jnp.where(valid1, jnp.exp(h1 - m), 0.0)
        s = jnp.sum(e0) + jnp.sum(e1)
        out_v[i, pl.ds(0, _LANES)] = e0 / s
        out_v[i, pl.ds(_LANES, _LANES)] = e1 / s

    fire(jnp.int32(0), r0_v, sem0, idx4a)

    def outer(i2, _):
        b0 = 2 * i2
        fire(b0 + 1, r1_v, sem1, idx4b)
        drain(r0_v, sem0)
        compute(b0, r0_v)
        fire(jnp.minimum(b0 + 2, B_PER_W - 1), r0_v, sem0, idx4a)
        drain(r1_v, sem1)
        compute(b0 + 1, r1_v)
        return 0

    lax.fori_loop(0, B_PER_W // 2, outer, 0)
    drain(r0_v, sem0)
    pltpu.sync_copy(out_v, out_hbm.at[pl.ds(wid * B_PER_W, B_PER_W)])


@functools.lru_cache(maxsize=1)
def _sc_kernel():
    return pl.kernel(
        _sc_body,
        out_type=jax.ShapeDtypeStruct((B, QW), jnp.float32),
        mesh=plsc.VectorSubcoreMesh(core_axis_name="c", subcore_axis_name="s"),
        compiler_params=pltpu.CompilerParams(needs_layout_passes=False,
                                             use_tc_tiling_on_sc=False),
        scratch_types=[
            pltpu.VMEM((B_PER_W, NEI), jnp.int32),
            pltpu.VMEM((4, 128), jnp.int32),
            pltpu.VMEM((4, 128), jnp.int32),
            pltpu.VMEM((B_PER_W, SELF_PAD), jnp.int32),
            pltpu.VMEM((NEI_PAD,), jnp.int32),
            pltpu.VMEM((SELF_PAD,), jnp.float32),
            pltpu.VMEM((NTERMS, QW), jnp.float32),
            pltpu.VMEM((NTERMS, QW), jnp.float32),
            pltpu.VMEM((B_PER_W, QW), jnp.float32),
            pltpu.VMEM_SHARED((QROWS_PAD, QW), jnp.float32),
            pltpu.SemaphoreType.DMA,
            pltpu.SemaphoreType.DMA,
        ],
    )

_LMAP_NP = np.where(
    np.arange(NEI_PAD) < NEI, np.arange(NEI_PAD) // W, 0).astype(np.int32)


def kernel(X, NX, EW, node_emb, edge_w, node_w, fc_W, fc_b):
    del EW
    x32 = X.astype(jnp.int32)
    nx32 = NX.astype(jnp.int32)

    fc_w_pad = jnp.pad(fc_W, ((0, QW - C), (0, 0)))
    ew10k = lax.slice(edge_w, (0, 0), (NUM_NODES, 1))
    q = _build_q_tc(node_emb, fc_w_pad, ew10k, node_w)
    bias_row = jnp.concatenate(
        [fc_b, jnp.zeros((1,), jnp.float32), jnp.ones((1,), jnp.float32),
         jnp.zeros((QW - C - 2,), jnp.float32)]).reshape(1, QW)
    qtail = jnp.pad(bias_row, ((0, QTAIL - 1), (0, 0)))

    idxs = jnp.concatenate(
        [x32, jnp.full((B, 1), NUM_NODES, jnp.int32),
         jnp.zeros((B, SELF_PAD - L - 1), jnp.int32)], axis=1)

    out = _sc_kernel()(q, qtail, nx32.reshape(B, NEI), idxs,
                       jnp.asarray(_LMAP_NP))
    return out[:, :C]

# --- scband reference (transcript-rebuilt; emitter-appended) ---
"""Pipeline reference for scband-text-level-gnn-24455543783858 (READ-ONLY COPY).

The authoritative reference and input builder live on the scoring server;
editing this copy changes nothing except your own understanding.
"""

import jax, jax.numpy as jnp
import numpy as np

NUM_NODES = 10000
D = 128
C = 20
B = 1024
L = 50
W = 10
EDGE_ROWS = (NUM_NODES - 1) * (NUM_NODES - 1) + 1


def setup_inputs(seed: int = 0) -> dict:
    key = jax.random.key(seed)
    ks = jax.random.split(key, 8)
    X = jax.random.randint(ks[0], (B, L), 0, NUM_NODES)
    NX = jax.random.randint(ks[1], (B, L, W), 0, NUM_NODES)
    EW = jax.random.normal(ks[2], (B, L, W), dtype=jnp.float32)
    node_emb = jax.random.normal(ks[3], (NUM_NODES, D), dtype=jnp.float32) * 0.02
    node_emb = node_emb.at[0].set(0.0)  # padding_idx=0
    edge_w = jax.random.normal(ks[4], (EDGE_ROWS, 1), dtype=jnp.float32) * 0.02
    edge_w = edge_w.at[0].set(0.0)  # padding_idx=0
    node_w = jax.random.normal(ks[5], (NUM_NODES, 1), dtype=jnp.float32) * 0.02
    node_w = node_w.at[0].set(0.0)  # padding_idx=0
    fc_W = jax.random.normal(ks[6], (C, D), dtype=jnp.float32) * 0.05
    fc_b = jnp.zeros((C,), dtype=jnp.float32)
    return {
        "X": X,
        "NX": NX,
        "EW": EW,
        "node_emb": node_emb,
        "edge_w": edge_w,
        "node_w": node_w,
        "fc_W": fc_W,
        "fc_b": fc_b,
    }


def reference(X, NX, EW, node_emb, edge_w, node_w, fc_W, fc_b):
    # Note: original torch forward never uses the EW tensor; it gathers edge
    # weights from the edge_weights table using NX indices (faithful to source).
    Mn = jnp.take(node_emb, NX, axis=0)       # (B, L, W, D)
    En = jnp.take(edge_w, NX, axis=0)         # (B, L, W, 1)
    Mn = jnp.sum(En * Mn, axis=2)             # (B, L, D)
    Rn = jnp.take(node_emb, X, axis=0)        # (B, L, D)
    Nn = jnp.take(node_w, X, axis=0)          # (B, L, 1)
    Rn = (1.0 - Nn) * Mn + Nn * Rn            # (B, L, D)
    Xs = jnp.sum(Rn, axis=1)                  # (B, D)
    h = Xs @ fc_W.T + fc_b                    # Linear(D, C)
    h = jax.nn.relu(h)                        # ReLU (Dropout is identity in eval)
    y = jax.nn.softmax(h, axis=1)             # Softmax(dim=1)
    return y

if __name__ == "__main__":
    import jax
    _d = setup_inputs()
    print(jax.jit(kernel)(*tuple(_d.values())))

</pallas_src>

<mosaic_0001>
#map = affine_map<(d0, d1) -> (0, 0)>
#map1 = affine_map<(d0, d1) -> (0)>
module attributes {stable_mosaic.version = 14 : i64} {
  func.func @_sc_body(%arg0: i32, %arg1: i32, %arg2: memref<10000x32xf32, #tpu.memory_space<hbm>>, %arg3: memref<16x32xf32, #tpu.memory_space<hbm>>, %arg4: memref<1024x500xi32, #tpu.memory_space<hbm>>, %arg5: memref<1024x64xi32, #tpu.memory_space<hbm>>, %arg6: memref<512xi32, #tpu.memory_space<hbm>>, %arg7: memref<1024x32xf32, #tpu.memory_space<hbm>>, %arg8: memref<32x500xi32, #tpu.memory_space<vmem>>, %arg9: memref<4x128xi32, #tpu.memory_space<vmem>>, %arg10: memref<4x128xi32, #tpu.memory_space<vmem>>, %arg11: memref<32x64xi32, #tpu.memory_space<vmem>>, %arg12: memref<512xi32, #tpu.memory_space<vmem>>, %arg13: memref<64xf32, #tpu.memory_space<vmem>>, %arg14: memref<576x32xf32, #tpu.memory_space<vmem>>, %arg15: memref<576x32xf32, #tpu.memory_space<vmem>>, %arg16: memref<32x32xf32, #tpu.memory_space<vmem>>, %arg17: memref<10016x32xf32, #tpu.memory_space<vmem_shared>>, %arg18: memref<!tpu.dma_semaphore, #tpu.memory_space<semaphore_mem>>, %arg19: memref<!tpu.dma_semaphore, #tpu.memory_space<semaphore_mem>>) attributes {dimension_semantics = [#tpu.dimension_semantics<core_parallel>, #tpu.dimension_semantics<subcore_parallel>], iteration_bounds = array<i64: 2, 16>, scalar_prefetch = 0 : i64, scratch_operands = 12 : i64, tpu.core_type = #tpu.core_type<sc_vector_subcore>, window_params = [{transform_indices = #map}, {transform_indices = #map}, {transform_indices = #map}, {transform_indices = #map}, {transform_indices = #map1}, {transform_indices = #map}]} {
    %mul3A = arith.constant 2 : i32
    %mul3A_0 = arith.muli %arg1, %mul3A : i32
    %add3A = arith.addi %mul3A_0, %arg0 : i32
    %iota3A = tpu.iota {dimensions = array<i32: 0>} : vector<16xi32>
    %broadcast_in_dim3A = arith.constant 0.000000e+00 : f32
    %broadcast_in_dim3A_1 = vector.broadcast %broadcast_in_dim3A : f32 to vector<16xf32>
    %mul3A_2 = arith.constant 625 : i32
    %mul3A_3 = arith.muli %arg1, %mul3A_2 : i32
    %mul3A_4 = arith.constant 625 : i32
    %mul3A_5 = arith.muli %arg1, %mul3A_4 : i32
    "tpu.region"() ({
      %run_scoped3A = tpu.sem_alloc : memref<!tpu.dma_semaphore, #tpu.memory_space<semaphore_mem>>
      %dma_start3A_379 = arith.constant 0 : i32
      %dma_start3A_380 = tpu.memref_slice %arg17[%mul3A_5, %dma_start3A_379] : memref<10016x32xf32, #tpu.memory_space<vmem_shared>> -> memref<625x32xf32, #tpu.memory_space<vmem_shared>>
      %dma_start3A_381 = arith.constant 0 : i32
      %dma_start3A_382 = tpu.memref_slice %arg2[%mul3A_3, %dma_start3A_381] : memref<10000x32xf32, #tpu.memory_space<hbm>> -> memref<625x32xf32, #tpu.memory_space<hbm>>
      tpu.enqueue_dma source(%dma_start3A_382 : memref<625x32xf32, #tpu.memory_space<hbm>>) target(%dma_start3A_380 : memref<625x32xf32, #tpu.memory_space<vmem_shared>>) target_semaphore(%run_scoped3A : memref<!tpu.dma_semaphore, #tpu.memory_space<semaphore_mem>>)
      %dma_wait3A_383 = arith.constant 0 : i32
      %dma_wait3A_384 = tpu.memref_slice %arg17[%mul3A_5, %dma_wait3A_383] : memref<10016x32xf32, #tpu.memory_space<vmem_shared>> -> memref<625x32xf32, #tpu.memory_space<vmem_shared>>
      %dma_wait3A_385 = arith.constant 0 : i32
      %dma_wait3A_386 = tpu.memref_slice %arg2[%mul3A_3, %dma_wait3A_385] : memref<10000x32xf32, #tpu.memory_space<hbm>> -> memref<625x32xf32, #tpu.memory_space<hbm>>
      tpu.wait_dma2 semaphore(%run_scoped3A : memref<!tpu.dma_semaphore, #tpu.memory_space<semaphore_mem>>) src(%dma_wait3A_386 : memref<625x32xf32, #tpu.memory_space<hbm>>) dst(%dma_wait3A_384 : memref<625x32xf32, #tpu.memory_space<vmem_shared>>)
      tpu.yield
    }) : () -> ()
    %eq3A = arith.constant 0 : i32
    %eq3A_6 = arith.cmpi eq, %arg1, %eq3A : i32
    %convert_element_type3A = arith.extui %eq3A_6 : i1 to i32
    %cond3A = arith.constant 0 : i32
    %cond3A_7 = arith.cmpi ne, %convert_element_type3A, %cond3A : i32
    scf.if %cond3A_7 {
      "tpu.region"() ({
        %run_scoped3A = tpu.sem_alloc : memref<!tpu.dma_semaphore, #tpu.memory_space<semaphore_mem>>
        %dma_start3A_379 = arith.constant 10000 : i32
        %dma_start3A_380 = arith.constant 0 : i32
        %dma_start3A_381 = tpu.memref_slice %arg17[%dma_start3A_379, %dma_start3A_380] : memref<10016x32xf32, #tpu.memory_space<vmem_shared>> -> memref<16x32xf32, #tpu.memory_space<vmem_shared>>
        tpu.enqueue_dma source(%arg3 : memref<16x32xf32, #tpu.memory_space<hbm>>) target(%dma_start3A_381 : memref<16x32xf32, #tpu.memory_space<vmem_shared>>) target_semaphore(%run_scoped3A : memref<!tpu.dma_semaphore, #tpu.memory_space<semaphore_mem>>)
        %dma_wait3A_382 = arith.constant 10000 : i32
        %dma_wait3A_383 = arith.constant 0 : i32
        %dma_wait3A_384 = tpu.memref_slice %arg17[%dma_wait3A_382, %dma_wait3A_383] : memref<10016x32xf32, #tpu.memory_space<vmem_shared>> -> memref<16x32xf32, #tpu.memory_space<vmem_shared>>
        tpu.wait_dma2 semaphore(%run_scoped3A : memref<!tpu.dma_semaphore, #tpu.memory_space<semaphore_mem>>) src(%arg3 : memref<16x32xf32, #tpu.memory_space<hbm>>) dst(%dma_wait3A_384 : memref<16x32xf32, #tpu.memory_space<vmem_shared>>)
        tpu.yield
      }) : () -> ()
    } else {
    }
    "tpu.region"() ({
      %run_scoped3A = tpu.sem_alloc : memref<!tpu.dma_semaphore, #tpu.memory_space<semaphore_mem>>
      tpu.enqueue_dma source(%arg6 : memref<512xi32, #tpu.memory_space<hbm>>) target(%arg12 : memref<512xi32, #tpu.memory_space<vmem>>) target_semaphore(%run_scoped3A : memref<!tpu.dma_semaphore, #tpu.memory_space<semaphore_mem>>)
      tpu.wait_dma2 semaphore(%run_scoped3A : memref<!tpu.dma_semaphore, #tpu.memory_space<semaphore_mem>>) src(%arg6 : memref<512xi32, #tpu.memory_space<hbm>>) dst(%arg12 : memref<512xi32, #tpu.memory_space<vmem>>)
      tpu.yield
    }) : () -> ()
    %mul3A_8 = arith.constant 32 : i32
    %mul3A_9 = arith.muli %add3A, %mul3A_8 : i32
    "tpu.region"() ({
      %run_scoped3A = tpu.sem_alloc : memref<!tpu.dma_semaphore, #tpu.memory_space<semaphore_mem>>
      %dma_start3A_379 = arith.constant 0 : i32
      %dma_start3A_380 = tpu.memref_slice %arg4[%mul3A_9, %dma_start3A_379] : memref<1024x500xi32, #tpu.memory_space<hbm>> -> memref<32x500xi32, #tpu.memory_space<hbm>>
      %dma_start3A_381 = arith.constant 0 : i32
      %dma_start3A_382 = tpu.memref_slice %arg4[%mul3A_9, %dma_start3A_381] : memref<1024x500xi32, #tpu.memory_space<hbm>> -> memref<32x500xi32, #tpu.memory_space<hbm>>
      tpu.enqueue_dma source(%dma_start3A_382 : memref<32x500xi32, #tpu.memory_space<hbm>>) target(%arg8 : memref<32x500xi32, #tpu.memory_space<vmem>>) target_semaphore(%run_scoped3A : memref<!tpu.dma_semaphore, #tpu.memory_space<semaphore_mem>>)
      %dma_wait3A_383 = arith.constant 0 : i32
      %dma_wait3A_384 = tpu.memref_slice %arg4[%mul3A_9, %dma_wait3A_383] : memref<1024x500xi32, #tpu.memory_space<hbm>> -> memref<32x500xi32, #tpu.memory_space<hbm>>
      %dma_wait3A_385 = arith.constant 0 : i32
      %dma_wait3A_386 = tpu.memref_slice %arg4[%mul3A_9, %dma_wait3A_385] : memref<1024x500xi32, #tpu.memory_space<hbm>> -> memref<32x500xi32, #tpu.memory_space<hbm>>
      tpu.wait_dma2 semaphore(%run_scoped3A : memref<!tpu.dma_semaphore, #tpu.memory_space<semaphore_mem>>) src(%dma_wait3A_386 : memref<32x500xi32, #tpu.memory_space<hbm>>) dst(%arg8 : memref<32x500xi32, #tpu.memory_space<vmem>>)
      tpu.yield
    }) : () -> ()
    %mul3A_10 = arith.constant 32 : i32
    %mul3A_11 = arith.muli %add3A, %mul3A_10 : i32
    "tpu.region"() ({
      %run_scoped3A = tpu.sem_alloc : memref<!tpu.dma_semaphore, #tpu.memory_space<semaphore_mem>>
      %dma_start3A_379 = arith.constant 0 : i32
      %dma_start3A_380 = tpu.memref_slice %arg5[%mul3A_11, %dma_start3A_379] : memref<1024x64xi32, #tpu.memory_space<hbm>> -> memref<32x64xi32, #tpu.memory_space<hbm>>
      %dma_start3A_381 = arith.constant 0 : i32
      %dma_start3A_382 = tpu.memref_slice %arg5[%mul3A_11, %dma_start3A_381] : memref<1024x64xi32, #tpu.memory_space<hbm>> -> memref<32x64xi32, #tpu.memory_space<hbm>>
      tpu.enqueue_dma source(%dma_start3A_382 : memref<32x64xi32, #tpu.memory_space<hbm>>) target(%arg11 : memref<32x64xi32, #tpu.memory_space<vmem>>) target_semaphore(%run_scoped3A : memref<!tpu.dma_semaphore, #tpu.memory_space<semaphore_mem>>)
      %dma_wait3A_383 = arith.constant 0 : i32
      %dma_wait3A_384 = tpu.memref_slice %arg5[%mul3A_11, %dma_wait3A_383] : memref<1024x64xi32, #tpu.memory_space<hbm>> -> memref<32x64xi32, #tpu.memory_space<hbm>>
      %dma_wait3A_385 = arith.constant 0 : i32
      %dma_wait3A_386 = tpu.memref_slice %arg5[%mul3A_11, %dma_wait3A_385] : memref<1024x64xi32, #tpu.memory_space<hbm>> -> memref<32x64xi32, #tpu.memory_space<hbm>>
      tpu.wait_dma2 semaphore(%run_scoped3A : memref<!tpu.dma_semaphore, #tpu.memory_space<semaphore_mem>>) src(%dma_wait3A_386 : memref<32x64xi32, #tpu.memory_space<hbm>>) dst(%arg11 : memref<32x64xi32, #tpu.memory_space<vmem>>)
      tpu.yield
    }) : () -> ()
    %barrier3A = arith.constant 0 : index
    tpu.barrier barrier_id(%barrier3A)
    %broadcast_in_dim3A_12 = arith.constant 0 : i32
    %broadcast_in_dim3A_13 = vector.broadcast %broadcast_in_dim3A_12 : i32 to vector<16xi32>
    %add3A_14 = arith.constant 0 : i32
    %add3A_15 = vector.broadcast %add3A_14 : i32 to vector<16xi32>
    %add3A_16 = arith.addi %add3A_15, %iota3A : vector<16xi32>
    %gather3A = tpu.vector_load_idx %arg8[%broadcast_in_dim3A_13, %add3A_16] : memref<32x500xi32, #tpu.memory_space<vmem>>[vector<16xi32>, vector<16xi32>], vector<16xi32>,
    %swap3A = arith.constant 0 : i32
    %swap3A_17 = arith.index_cast %swap3A : i32 to index
    %swap3A_18 = arith.constant 0 : index
    %swap3A_19 = tpu.vector_load %arg9[%swap3A_17, %swap3A_18] {strides = array<i32>} : memref<4x128xi32, #tpu.memory_space<vmem>>, vector<16xi32>,
    tpu.vector_store %arg9[%swap3A_17, %swap3A_18], %gather3A {strides = array<i32>} : memref<4x128xi32, #tpu.memory_space<vmem>>, vector<16xi32>,
    %add3A_20 = arith.constant 16 : i32
    %add3A_21 = vector.broadcast %add3A_20 : i32 to vector<16xi32>
    %add3A_22 = arith.addi %add3A_21, %iota3A : vector<16xi32>
    %gather3A_23 = tpu.vector_load_idx %arg8[%broadcast_in_dim3A_13, %add3A_22] : memref<32x500xi32, #tpu.memory_space<vmem>>[vector<16xi32>, vector<16xi32>], vector<16xi32>,
    %swap3A_24 = arith.constant 0 : i32
    %swap3A_25 = arith.index_cast %swap3A_24 : i32 to index
    %swap3A_26 = arith.constant 16 : index
    %swap3A_27 = tpu.vector_load %arg9[%swap3A_25, %swap3A_26] {strides = array<i32>} : memref<4x128xi32, #tpu.memory_space<vmem>>, vector<16xi32>,
    tpu.vector_store %arg9[%swap3A_25, %swap3A_26], %gather3A_23 {strides = array<i32>} : memref<4x128xi32, #tpu.memory_space<vmem>>, vector<16xi32>,
    %add3A_28 = arith.constant 32 : i32
    %add3A_29 = vector.broadcast %add3A_28 : i32 to vector<16xi32>
    %add3A_30 = arith.addi %add3A_29, %iota3A : vector<16xi32>
    %gather3A_31 = tpu.vector_load_idx %arg8[%broadcast_in_dim3A_13, %add3A_30] : memref<32x500xi32, #tpu.memory_space<vmem>>[vector<16xi32>, vector<16xi32>], vector<16xi32>,
    %swap3A_32 = arith.constant 0 : i32
    %swap3A_33 = arith.index_cast %swap3A_32 : i32 to index
    %swap3A_34 = arith.constant 32 : index
    %swap3A_35 = tpu.vector_load %arg9[%swap3A_33, %swap3A_34] {strides = array<i32>} : memref<4x128xi32, #tpu.memory_space<vmem>>, vector<16xi32>,
    tpu.vector_store %arg9[%swap3A_33, %swap3A_34], %gather3A_31 {strides = array<i32>} : memref<4x128xi32, #tpu.memory_space<vmem>>, vector<16xi32>,
    %add3A_36 = arith.constant 48 : i32
    %add3A_37 = vector.broadcast %add3A_36 : i32 to vector<16xi32>
    %add3A_38 = arith.addi %add3A_37, %iota3A : vector<16xi32>
    %gather3A_39 = tpu.vector_load_idx %arg8[%broadcast_in_dim3A_13, %add3A_38] : memref<32x500xi32, #tpu.memory_space<vmem>>[vector<16xi32>, vector<16xi32>], vector<16xi32>,
    %swap3A_40 = arith.constant 0 : i32
    %swap3A_41 = arith.index_cast %swap3A_40 : i32 to index
    %swap3A_42 = arith.constant 48 : index
    %swap3A_43 = tpu.vector_load %arg9[%swap3A_41, %swap3A_42] {strides = array<i32>} : memref<4x128xi32, #tpu.memory_space<vmem>>, vector<16xi32>,
    tpu.vector_store %arg9[%swap3A_41, %swap3A_42], %gather3A_39 {strides = array<i32>} : memref<4x128xi32, #tpu.memory_space<vmem>>, vector<16xi32>,
    %add3A_44 = arith.constant 64 : i32
    %add3A_45 = vector.broadcast %add3A_44 : i32 to vector<16xi32>
    %add3A_46 = arith.addi %add3A_45, %iota3A : vector<16xi32>
    %gather3A_47 = tpu.vector_load_idx %arg8[%broadcast_in_dim3A_13, %add3A_46] : memref<32x500xi32, #tpu.memory_space<vmem>>[vector<16xi32>, vector<16xi32>], vector<16xi32>,
    %swap3A_48 = arith.constant 0 : i32
    %swap3A_49 = arith.index_cast %swap3A_48 : i32 to index
    %swap3A_50 = arith.constant 64 : index
    %swap3A_51 = tpu.vector_load %arg9[%swap3A_49, %swap3A_50] {strides = array<i32>} : memref<4x128xi32, #tpu.memory_space<vmem>>, vector<16xi32>,
    tpu.vector_store %arg9[%swap3A_49, %swap3A_50], %gather3A_47 {strides = array<i32>} : memref<4x128xi32, #tpu.memory_space<vmem>>, vector<16xi32>,
    %add3A_52 = arith.constant 80 : i32
    %add3A_53 = vector.broadcast %add3A_52 : i32 to vector<16xi32>
    %add3A_54 = arith.addi %add3A_53, %iota3A : vector<16xi32>
    %gather3A_55 = tpu.vector_load_idx %arg8[%broadcast_in_dim3A_13, %add3A_54] : memref<32x500xi32, #tpu.memory_space<vmem>>[vector<16xi32>, vector<16xi32>], vector<16xi32>,
    %swap3A_56 = arith.constant 0 : i32
    %swap3A_57 = arith.index_cast %swap3A_56 : i32 to index
    %swap3A_58 = arith.constant 80 : index
    %swap3A_59 = tpu.vector_load %arg9[%swap3A_57, %swap3A_58] {strides = array<i32>} : memref<4x128xi32, #tpu.memory_space<vmem>>, vector<16xi32>,
    tpu.vector_store %arg9[%swap3A_57, %swap3A_58], %gather3A_55 {strides = array<i32>} : memref<4x128xi32, #tpu.memory_space<vmem>>, vector<16xi32>,
    %add3A_60 = arith.constant 96 : i32
    %add3A_61 = vector.broadcast %add3A_60 : i32 to vector<16xi32>
    %add3A_62 = arith.addi %add3A_61, %iota3A : vector<16xi32>
    %gather3A_63 = tpu.vector_load_idx %arg8[%broadcast_in_dim3A_13, %add3A_62] : memref<32x500xi32, #tpu.memory_space<vmem>>[vector<16xi32>, vector<16xi32>], vector<16xi32>,
    %swap3A_64 = arith.constant 0 : i32
    %swap3A_65 = arith.index_cast %swap3A_64 : i32 to index
    %swap3A_66 = arith.constant 96 : index
    %swap3A_67 = tpu.vector_load %arg9[%swap3A_65, %swap3A_66] {strides = array<i32>} : memref<4x128xi32, #tpu.memory_space<vmem>>, vector<16xi32>,
    tpu.vector_store %arg9[%swap3A_65, %swap3A_66], %gather3A_63 {strides = array<i32>} : memref<4x128xi32, #tpu.memory_space<vmem>>, vector<16xi32>,
    %add3A_68 = arith.constant 112 : i32
    %add3A_69 = vector.broadcast %add3A_68 : i32 to vector<16xi32>
    %add3A_70 = arith.addi %add3A_69, %iota3A : vector<16xi32>
    %gather3A_71 = tpu.vector_load_idx %arg8[%broadcast_in_dim3A_13, %add3A_70] : memref<32x500xi32, #tpu.memory_space<vmem>>[vector<16xi32>, vector<16xi32>], vector<16xi32>,
    %swap3A_72 = arith.constant 0 : i32
    %swap3A_73 = arith.index_cast %swap3A_72 : i32 to index
    %swap3A_74 = arith.constant 112 : index
    %swap3A_75 = tpu.vector_load %arg9[%swap3A_73, %swap3A_74] {strides = array<i32>} : memref<4x128xi32, #tpu.memory_space<vmem>>, vector<16xi32>,
    tpu.vector_store %arg9[%swap3A_73, %swap3A_74], %gather3A_71 {strides = array<i32>} : memref<4x128xi32, #tpu.memory_space<vmem>>, vector<16xi32>,
    %add3A_76 = arith.constant 128 : i32
    %add3A_77 = vector.broadcast %add3A_76 : i32 to vector<16xi32>
    %add3A_78 = arith.addi %add3A_77, %iota3A : vector<16xi32>
    %gather3A_79 = tpu.vector_load_idx %arg8[%broadcast_in_dim3A_13, %add3A_78] : memref<32x500xi32, #tpu.memory_space<vmem>>[vector<16xi32>, vector<16xi32>], vector<16xi32>,
    %swap3A_80 = arith.constant 1 : i32
    %swap3A_81 = arith.index_cast %swap3A_80 : i32 to index
    %swap3A_82 = arith.constant 0 : index
    %swap3A_83 = tpu.vector_load %arg9[%swap3A_81, %swap3A_82] {strides = array<i32>} : memref<4x128xi32, #tpu.memory_space<vmem>>, vector<16xi32>,
    tpu.vector_store %arg9[%swap3A_81, %swap3A_82], %gather3A_79 {strides = array<i32>} : memref<4x128xi32, #tpu.memory_space<vmem>>, vector<16xi32>,
    %add3A_84 = arith.constant 144 : i32
    %add3A_85 = vector.broadcast %add3A_84 : i32 to vector<16xi32>
    %add3A_86 = arith.addi %add3A_85, %iota3A : vector<16xi32>
    %gather3A_87 = tpu.vector_load_idx %arg8[%broadcast_in_dim3A_13, %add3A_86] : memref<32x500xi32, #tpu.memory_space<vmem>>[vector<16xi32>, vector<16xi32>], vector<16xi32>,
    %swap3A_88 = arith.constant 1 : i32
    %swap3A_89 = arith.index_cast %swap3A_88 : i32 to index
    %swap3A_90 = arith.constant 16 : index
    %swap3A_91 = tpu.vector_load %arg9[%swap3A_89, %swap3A_90] {strides = array<i32>} : memref<4x128xi32, #tpu.memory_space<vmem>>, vector<16xi32>,
    tpu.vector_store %arg9[%swap3A_89, %swap3A_90], %gather3A_87 {strides = array<i32>} : memref<4x128xi32, #tpu.memory_space<vmem>>, vector<16xi32>,
    %add3A_92 = arith.constant 160 : i32
    %add3A_93 = vector.broadcast %add3A_92 : i32 to vector<16xi32>
    %add3A_94 = arith.addi %add3A_93, %iota3A : vector<16xi32>
    %gather3A_95 = tpu.vector_load_idx %arg8[%broadcast_in_dim3A_13, %add3A_94] : memref<32x500xi32, #tpu.memory_space<vmem>>[vector<16xi32>, vector<16xi32>], vector<16xi32>,
    %swap3A_96 = arith.constant 1 : i32
    %swap3A_97 = arith.index_cast %swap3A_96 : i32 to index
    %swap3A_98 = arith.constant 32 : index
    %swap3A_99 = tpu.vector_load %arg9[%swap3A_97, %swap3A_98] {strides = array<i32>} : memref<4x128xi32, #tpu.memory_space<vmem>>, vector<16xi32>,
    tpu.vector_store %arg9[%swap3A_97, %swap3A_98], %gather3A_95 {strides = array<i32>} : memref<4x128xi32, #tpu.memory_space<vmem>>, vector<16xi32>,
    %add3A_100 = arith.constant 176 : i32
    %add3A_101 = vector.broadcast %add3A_100 : i32 to vector<16xi32>
    %add3A_102 = arith.addi %add3A_101, %iota3A : vector<16xi32>
    %gather3A_103 = tpu.vector_load_idx %arg8[%broadcast_in_dim3A_13, %add3A_102] : memref<32x500xi32, #tpu.memory_space<vmem>>[vector<16xi32>, vector<16xi32>], vector<16xi32>,
    %swap3A_104 = arith.constant 1 : i32
    %swap3A_105 = arith.index_cast %swap3A_104 : i32 to index
    %swap3A_106 = arith.constant 48 : index
    %swap3A_107 = tpu.vector_load %arg9[%swap3A_105, %swap3A_106] {strides = array<i32>} : memref<4x128xi32, #tpu.memory_space<vmem>>, vector<16xi32>,
    tpu.vector_store %arg9[%swap3A_105, %swap3A_106], %gather3A_103 {strides = array<i32>} : memref<4x128xi32, #tpu.memory_space<vmem>>, vector<16xi32>,
    %add3A_108 = arith.constant 192 : i32
    %add3A_109 = vector.broadcast %add3A_108 : i32 to vector<16xi32>
    %add3A_110 = arith.addi %add3A_109, %iota3A : vector<16xi32>
    %gather3A_111 = tpu.vector_load_idx %arg8[%broadcast_in_dim3A_13, %add3A_110] : memref<32x500xi32, #tpu.memory_space<vmem>>[vector<16xi32>, vector<16xi32>], vector<16xi32>,
    %swap3A_112 = arith.constant 1 : i32
    %swap3A_113 = arith.index_cast %swap3A_112 : i32 to index
    %swap3A_114 = arith.constant 64 : index
    %swap3A_115 = tpu.vector_load %arg9[%swap3A_113, %swap3A_114] {strides = array<i32>} : memref<4x128xi32, #tpu.memory_space<vmem>>, vector<16xi32>,
    tpu.vector_store %arg9[%swap3A_113, %swap3A_114], %gather3A_111 {strides = array<i32>} : memref<4x128xi32, #tpu.memory_space<vmem>>, vector<16xi32>,
    %add3A_116 = arith.constant 208 : i32
    %add3A_117 = vector.broadcast %add3A_116 : i32 to vector<16xi32>
    %add3A_118 = arith.addi %add3A_117, %iota3A : vector<16xi32>
    %gather3A_119 = tpu.vector_load_idx %arg8[%broadcast_in_dim3A_13, %add3A_118] : memref<32x500xi32, #tpu.memory_space<vmem>>[vector<16xi32>, vector<16xi32>], vector<16xi32>,
    %swap3A_120 = arith.constant 1 : i32
    %swap3A_121 = arith.index_cast %swap3A_120 : i32 to index
    %swap3A_122 = arith.constant 80 : index
    %swap3A_123 = tpu.vector_load %arg9[%swap3A_121, %swap3A_122] {strides = array<i32>} : memref<4x128xi32, #tpu.memory_space<vmem>>, vector<16xi32>,
    tpu.vector_store %arg9[%swap3A_121, %swap3A_122], %gather3A_119 {strides = array<i32>} : memref<4x128xi32, #tpu.memory_space<vmem>>, vector<16xi32>,
    %add3A_124 = arith.constant 224 : i32
    %add3A_125 = vector.broadcast %add3A_124 : i32 to vector<16xi32>
    %add3A_126 = arith.addi %add3A_125, %iota3A : vector<16xi32>
    %gather3A_127 = tpu.vector_load_idx %arg8[%broadcast_in_dim3A_13, %add3A_126] : memref<32x500xi32, #tpu.memory_space<vmem>>[vector<16xi32>, vector<16xi32>], vector<16xi32>,
    %swap3A_128 = arith.constant 1 : i32
    %swap3A_129 = arith.index_cast %swap3A_128 : i32 to index
    %swap3A_130 = arith.constant 96 : index
    %swap3A_131 = tpu.vector_load %arg9[%swap3A_129, %swap3A_130] {strides = array<i32>} : memref<4x128xi32, #tpu.memory_space<vmem>>, vector<16xi32>,
    tpu.vector_store %arg9[%swap3A_129, %swap3A_130], %gather3A_127 {strides = array<i32>} : memref<4x128xi32, #tpu.memory_space<vmem>>, vector<16xi32>,
    %add3A_132 = arith.constant 240 : i32
    %add3A_133 = vector.broadcast %add3A_132 : i32 to vector<16xi32>
    %add3A_134 = arith.addi %add3A_133, %iota3A : vector<16xi32>
    %gather3A_135 = tpu.vector_load_idx %arg8[%broadcast_in_dim3A_13, %add3A_134] : memref<32x500xi32, #tpu.memory_space<vmem>>[vector<16xi32>, vector<16xi32>], vector<16xi32>,
    %swap3A_136 = arith.constant 1 : i32
    %swap3A_137 = arith.index_cast %swap3A_136 : i32 to index
    %swap3A_138 = arith.constant 112 : index
    %swap3A_139 = tpu.vector_load %arg9[%swap3A_137, %swap3A_138] {strides = array<i32>} : memref<4x128xi32, #tpu.memory_space<vmem>>, vector<16xi32>,
    tpu.vector_store %arg9[%swap3A_137, %swap3A_138], %gather3A_135 {strides = array<i32>} : memref<4x128xi32, #tpu.memory_space<vmem>>, vector<16xi32>,
    %add3A_140 = arith.constant 256 : i32
    %add3A_141 = vector.broadcast %add3A_140 : i32 to vector<16xi32>
    %add3A_142 = arith.addi %add3A_141, %iota3A : vector<16xi32>
    %gather3A_143 = tpu.vector_load_idx %arg8[%broadcast_in_dim3A_13, %add3A_142] : memref<32x500xi32, #tpu.memory_space<vmem>>[vector<16xi32>, vector<16xi32>], vector<16xi32>,
    %swap3A_144 = arith.constant 2 : i32
    %swap3A_145 = arith.index_cast %swap3A_144 : i32 to index
    %swap3A_146 = arith.constant 0 : index
    %swap3A_147 = tpu.vector_load %arg9[%swap3A_145, %swap3A_146] {strides = array<i32>} : memref<4x128xi32, #tpu.memory_space<vmem>>, vector<16xi32>,
    tpu.vector_store %arg9[%swap3A_145, %swap3A_146], %gather3A_143 {strides = array<i32>} : memref<4x128xi32, #tpu.memory_space<vmem>>, vector<16xi32>,
    %add3A_148 = arith.constant 272 : i32
    %add3A_149 = vector.broadcast %add3A_148 : i32 to vector<16xi32>
    %add3A_150 = arith.addi %add3A_149, %iota3A : vector<16xi32>
    %gather3A_151 = tpu.vector_load_idx %arg8[%broadcast_in_dim3A_13, %add3A_150] : memref<32x500xi32, #tpu.memory_space<vmem>>[vector<16xi32>, vector<16xi32>], vector<16xi32>,
    %swap3A_152 = arith.constant 2 : i32
    %swap3A_153 = arith.index_cast %swap3A_152 : i32 to index
    %swap3A_154 = arith.constant 16 : index
    %swap3A_155 = tpu.vector_load %arg9[%swap3A_153, %swap3A_154] {strides = array<i32>} : memref<4x128xi32, #tpu.memory_space<vmem>>, vector<16xi32>,
    tpu.vector_store %arg9[%swap3A_153, %swap3A_154], %gather3A_151 {strides = array<i32>} : memref<4x128xi32, #tpu.memory_space<vmem>>, vector<16xi32>,
    %add3A_156 = arith.constant 288 : i32
    %add3A_157 = vector.broadcast %add3A_156 : i32 to vector<16xi32>
    %add3A_158 = arith.addi %add3A_157, %iota3A : vector<16xi32>
    %gather3A_159 = tpu.vector_load_idx %arg8[%broadcast_in_dim3A_13, %add3A_158] : memref<32x500xi32, #tpu.memory_space<vmem>>[vector<16xi32>, vector<16xi32>], vector<16xi32>,
    %swap3A_160 = arith.constant 2 : i32
    %swap3A_161 = arith.index_cast %swap3A_160 : i32 to index
    %swap3A_162 = arith.constant 32 : index
    %swap3A_163 = tpu.vector_load %arg9[%swap3A_161, %swap3A_162] {strides = array<i32>} : memref<4x128xi32, #tpu.memory_space<vmem>>, vector<16xi32>,
    tpu.vector_store %arg9[%swap3A_161, %swap3A_162], %gather3A_159 {strides = array<i32>} : memref<4x128xi32, #tpu.memory_space<vmem>>, vector<16xi32>,
    %add3A_164 = arith.constant 304 : i32
    %add3A_165 = vector.broadcast %add3A_164 : i32 to vector<16xi32>
    %add3A_166 = arith.addi %add3A_165, %iota3A : vector<16xi32>
    %gather3A_167 = tpu.vector_load_idx %arg8[%broadcast_in_dim3A_13, %add3A_166] : memref<32x500xi32, #tpu.memory_space<vmem>>[vector<16xi32>, vector<16xi32>], vector<16xi32>,
    %swap3A_168 = arith.constant 2 : i32
    %swap3A_169 = arith.index_cast %swap3A_168 : i32 to index
    %swap3A_170 = arith.constant 48 : index
    %swap3A_171 = tpu.vector_load %arg9[%swap3A_169, %swap3A_170] {strides = array<i32>} : memref<4x128xi32, #tpu.memory_space<vmem>>, vector<16xi32>,
    tpu.vector_store %arg9[%swap3A_169, %swap3A_170], %gather3A_167 {strides = array<i32>} : memref<4x128xi32, #tpu.memory_space<vmem>>, vector<16xi32>,
    %add3A_172 = arith.constant 320 : i32
    %add3A_173 = vector.broadcast %add3A_172 : i32 to vector<16xi32>
    %add3A_174 = arith.addi %add3A_173, %iota3A : vector<16xi32>
    %gather3A_175 = tpu.vector_load_idx %arg8[%broadcast_in_dim3A_13, %add3A_174] : memref<32x500xi32, #tpu.memory_space<vmem>>[vector<16xi32>, vector<16xi32>], vector<16xi32>,
    %swap3A_176 = arith.constant 2 : i32
    %swap3A_177 = arith.index_cast %swap3A_176 : i32 to index
    %swap3A_178 = arith.constant 64 : index
    %swap3A_179 = tpu.vector_load %arg9[%swap3A_177, %swap3A_178] {strides = array<i32>} : memref<4x128xi32, #tpu.memory_space<vmem>>, vector<16xi32>,
    tpu.vector_store %arg9[%swap3A_177, %swap3A_178], %gather3A_175 {strides = array<i32>} : memref<4x128xi32, #tpu.memory_space<vmem>>, vector<16xi32>,
    %add3A_180 = arith.constant 336 : i32
    %add3A_181 = vector.broadcast %add3A_180 : i32 to vector<16xi32>
    %add3A_182 = arith.addi %add3A_181, %iota3A : vector<16xi32>
    %gather3A_183 = tpu.vector_load_idx %arg8[%broadcast_in_dim3A_13, %add3A_182] : memref<32x500xi32, #tpu.memory_space<vmem>>[vector<16xi32>, vector<16xi32>], vector<16xi32>,
    %swap3A_184 = arith.constant 2 : i32
    %swap3A_185 = arith.index_cast %swap3A_184 : i32 to index
    %swap3A_186 = arith.constant 80 : index
    %swap3A_187 = tpu.vector_load %arg9[%swap3A_185, %swap3A_186] {strides = array<i32>} : memref<4x128xi32, #tpu.memory_space<vmem>>, vector<16xi32>,
    tpu.vector_store %arg9[%swap3A_185, %swap3A_186], %gather3A_183 {strides = array<i32>} : memref<4x128xi32, #tpu.memory_space<vmem>>, vector<16xi32>,
    %add3A_188 = arith.constant 352 : i32
    %add3A_189 = vector.broadcast %add3A_188 : i32 to vector<16xi32>
    %add3A_190 = arith.addi %add3A_189, %iota3A : vector<16xi32>
    %gather3A_191 = tpu.vector_load_idx %arg8[%broadcast_in_dim3A_13, %add3A_190] : memref<32x500xi32, #tpu.memory_space<vmem>>[vector<16xi32>, vector<16xi32>], vector<16xi32>,
    %swap3A_192 = arith.constant 2 : i32
    %swap3A_193 = arith.index_cast %swap3A_192 : i32 to index
    %swap3A_194 = arith.constant 96 : index
    %swap3A_195 = tpu.vector_load %arg9[%swap3A_193, %swap3A_194] {strides = array<i32>} : memref<4x128xi32, #tpu.memory_space<vmem>>, vector<16xi32>,
    tpu.vector_store %arg9[%swap3A_193, %swap3A_194], %gather3A_191 {strides = array<i32>} : memref<4x128xi32, #tpu.memory_space<vmem>>, vector<16xi32>,
    %add3A_196 = arith.constant 368 : i32
    %add3A_197 = vector.broadcast %add3A_196 : i32 to vector<16xi32>
    %add3A_198 = arith.addi %add3A_197, %iota3A : vector<16xi32>
    %gather3A_199 = tpu.vector_load_idx %arg8[%broadcast_in_dim3A_13, %add3A_198] : memref<32x500xi32, #tpu.memory_space<vmem>>[vector<16xi32>, vector<16xi32>], vector<16xi32>,
    %swap3A_200 = arith.constant 2 : i32
    %swap3A_201 = arith.index_cast %swap3A_200 : i32 to index
    %swap3A_202 = arith.constant 112 : index
    %swap3A_203 = tpu.vector_load %arg9[%swap3A_201, %swap3A_202] {strides = array<i32>} : memref<4x128xi32, #tpu.memory_space<vmem>>, vector<16xi32>,
    tpu.vector_store %arg9[%swap3A_201, %swap3A_202], %gather3A_199 {strides = array<i32>} : memref<4x128xi32, #tpu.memory_space<vmem>>, vector<16xi32>,
    %add3A_204 = arith.constant 384 : i32
    %add3A_205 = vector.broadcast %add3A_204 : i32 to vector<16xi32>
    %add3A_206 = arith.addi %add3A_205, %iota3A : vector<16xi32>
    %gather3A_207 = tpu.vector_load_idx %arg8[%broadcast_in_dim3A_13, %add3A_206] : memref<32x500xi32, #tpu.memory_space<vmem>>[vector<16xi32>, vector<16xi32>], vector<16xi32>,
    %swap3A_208 = arith.constant 3 : i32
    %swap3A_209 = arith.index_cast %swap3A_208 : i32 to index
    %swap3A_210 = arith.constant 0 : index
    %swap3A_211 = tpu.vector_load %arg9[%swap3A_209, %swap3A_210] {strides = array<i32>} : memref<4x128xi32, #tpu.memory_space<vmem>>, vector<16xi32>,
    tpu.vector_store %arg9[%swap3A_209, %swap3A_210], %gather3A_207 {strides = array<i32>} : memref<4x128xi32, #tpu.memory_space<vmem>>, vector<16xi32>,
    %add3A_212 = arith.constant 400 : i32
    %add3A_213 = vector.broadcast %add3A_212 : i32 to vector<16xi32>
    %add3A_214 = arith.addi %add3A_213, %iota3A : vector<16xi32>
    %gather3A_215 = tpu.vector_load_idx %arg8[%broadcast_in_dim3A_13, %add3A_214] : memref<32x500xi32, #tpu.memory_space<vmem>>[vector<16xi32>, vector<16xi32>], vector<16xi32>,
    %swap3A_216 = arith.constant 3 : i32
    %swap3A_217 = arith.index_cast %swap3A_216 : i32 to index
    %swap3A_218 = arith.constant 16 : index
    %swap3A_219 = tpu.vector_load %arg9[%swap3A_217, %swap3A_218] {strides = array<i32>} : memref<4x128xi32, #tpu.memory_space<vmem>>, vector<16xi32>,
    tpu.vector_store %arg9[%swap3A_217, %swap3A_218], %gather3A_215 {strides = array<i32>} : memref<4x128xi32, #tpu.memory_space<vmem>>, vector<16xi32>,
    %add3A_220 = arith.constant 416 : i32
    %add3A_221 = vector.broadcast %add3A_220 : i32 to vector<16xi32>
    %add3A_222 = arith.addi %add3A_221, %iota3A : vector<16xi32>
    %gather3A_223 = tpu.vector_load_idx %arg8[%broadcast_in_dim3A_13, %add3A_222] : memref<32x500xi32, #tpu.memory_space<vmem>>[vector<16xi32>, vector<16xi32>], vector<16xi32>,
    %swap3A_224 = arith.constant 3 : i32
    %swap3A_225 = arith.index_cast %swap3A_224 : i32 to index
    %swap3A_226 = arith.constant 32 : index
    %swap3A_227 = tpu.vector_load %arg9[%swap3A_225, %swap3A_226] {strides = array<i32>} : memref<4x128xi32, #tpu.memory_space<vmem>>, vector<16xi32>,
    tpu.vector_store %arg9[%swap3A_225, %swap3A_226], %gather3A_223 {strides = array<i32>} : memref<4x128xi32, #tpu.memory_space<vmem>>, vector<16xi32>,
    %add3A_228 = arith.constant 432 : i32
    %add3A_229 = vector.broadcast %add3A_228 : i32 to vector<16xi32>
    %add3A_230 = arith.addi %add3A_229, %iota3A : vector<16xi32>
    %gather3A_231 = tpu.vector_load_idx %arg8[%broadcast_in_dim3A_13, %add3A_230] : memref<32x500xi32, #tpu.memory_space<vmem>>[vector<16xi32>, vector<16xi32>], vector<16xi32>,
    %swap3A_232 = arith.constant 3 : i32
    %swap3A_233 = arith.index_cast %swap3A_232 : i32 to index
    %swap3A_234 = arith.constant 48 : index
    %swap3A_235 = tpu.vector_load %arg9[%swap3A_233, %swap3A_234] {strides = array<i32>} : memref<4x128xi32, #tpu.memory_space<vmem>>, vector<16xi32>,
    tpu.vector_store %arg9[%swap3A_233, %swap3A_234], %gather3A_231 {strides = array<i32>} : memref<4x128xi32, #tpu.memory_space<vmem>>, vector<16xi32>,
    %add3A_236 = arith.constant 448 : i32
    %add3A_237 = vector.broadcast %add3A_236 : i32 to vector<16xi32>
    %add3A_238 = arith.addi %add3A_237, %iota3A : vector<16xi32>
    %gather3A_239 = tpu.vector_load_idx %arg8[%broadcast_in_dim3A_13, %add3A_238] : memref<32x500xi32, #tpu.memory_space<vmem>>[vector<16xi32>, vector<16xi32>], vector<16xi32>,
    %swap3A_240 = arith.constant 3 : i32
    %swap3A_241 = arith.index_cast %swap3A_240 : i32 to index
    %swap3A_242 = arith.constant 64 : index
    %swap3A_243 = tpu.vector_load %arg9[%swap3A_241, %swap3A_242] {strides = array<i32>} : memref<4x128xi32, #tpu.memory_space<vmem>>, vector<16xi32>,
    tpu.vector_store %arg9[%swap3A_241, %swap3A_242], %gather3A_239 {strides = array<i32>} : memref<4x128xi32, #tpu.memory_space<vmem>>, vector<16xi32>,
    %add3A_244 = arith.constant 464 : i32
    %add3A_245 = vector.broadcast %add3A_244 : i32 to vector<16xi32>
    %add3A_246 = arith.addi %add3A_245, %iota3A : vector<16xi32>
    %gather3A_247 = tpu.vector_load_idx %arg8[%broadcast_in_dim3A_13, %add3A_246] : memref<32x500xi32, #tpu.memory_space<vmem>>[vector<16xi32>, vector<16xi32>], vector<16xi32>,
    %swap3A_248 = arith.constant 3 : i32
    %swap3A_249 = arith.index_cast %swap3A_248 : i32 to index
    %swap3A_250 = arith.constant 80 : index
    %swap3A_251 = tpu.vector_load %arg9[%swap3A_249, %swap3A_250] {strides = array<i32>} : memref<4x128xi32, #tpu.memory_space<vmem>>, vector<16xi32>,
    tpu.vector_store %arg9[%swap3A_249, %swap3A_250], %gather3A_247 {strides = array<i32>} : memref<4x128xi32, #tpu.memory_space<vmem>>, vector<16xi32>,
    %add3A_252 = arith.constant 480 : i32
    %add3A_253 = vector.broadcast %add3A_252 : i32 to vector<16xi32>
    %add3A_254 = arith.addi %add3A_253, %iota3A : vector<16xi32>
    %gather3A_255 = tpu.vector_load_idx %arg8[%broadcast_in_dim3A_13, %add3A_254] : memref<32x500xi32, #tpu.memory_space<vmem>>[vector<16xi32>, vector<16xi32>], vector<16xi32>,
    %swap3A_256 = arith.constant 3 : i32
    %swap3A_257 = arith.index_cast %swap3A_256 : i32 to index
    %swap3A_258 = arith.constant 96 : index
    %swap3A_259 = tpu.vector_load %arg9[%swap3A_257, %swap3A_258] {strides = array<i32>} : memref<4x128xi32, #tpu.memory_space<vmem>>, vector<16xi32>,
    tpu.vector_store %arg9[%swap3A_257, %swap3A_258], %gather3A_255 {strides = array<i32>} : memref<4x128xi32, #tpu.memory_space<vmem>>, vector<16xi32>,
    %add3A_260 = arith.constant 496 : i32
    %add3A_261 = vector.broadcast %add3A_260 : i32 to vector<16xi32>
    %add3A_262 = arith.addi %add3A_261, %iota3A : vector<16xi32>
    %min3A = arith.constant 499 : i32
    %min3A_263 = vector.broadcast %min3A : i32 to vector<16xi32>
    %min3A_264 = arith.minsi %add3A_262, %min3A_263 : vector<16xi32>
    %lt3A = arith.constant 4 : i32
    %lt3A_265 = vector.broadcast %lt3A : i32 to vector<16xi32>
    %lt3A_266 = arith.cmpi slt, %iota3A, %lt3A_265 : vector<16xi32>
    %gather3A_267 = tpu.vector_load_idx %arg8[%broadcast_in_dim3A_13, %min3A_264] : memref<32x500xi32, #tpu.memory_space<vmem>>[vector<16xi32>, vector<16xi32>], vector<16xi32>,
    %jit3A = arith.constant 0 : i32
    %broadcast_in_dim3A_268 = vector.broadcast %jit3A : i32 to vector<16xi32>
    %select_n3A = arith.select %lt3A_266, %gather3A_267, %broadcast_in_dim3A_268 : vector<16xi1>, vector<16xi32>
    %swap3A_269 = arith.constant 3 : i32
    %swap3A_270 = arith.index_cast %swap3A_269 : i32 to index
    %swap3A_271 = arith.constant 112 : index
    %swap3A_272 = tpu.vector_load %arg9[%swap3A_270, %swap3A_271] {strides = array<i32>} : memref<4x128xi32, #tpu.memory_space<vmem>>, vector<16xi32>,
    tpu.vector_store %arg9[%swap3A_270, %swap3A_271], %select_n3A {strides = array<i32>} : memref<4x128xi32, #tpu.memory_space<vmem>>, vector<16xi32>,
    %dma_start3A = arith.constant 0 : i32
    %dma_start3A_273 = arith.constant 0 : i32
    %dma_start3A_274 = arith.constant 0 : i32
    %dma_start3A_275 = tpu.memref_slice %arg14[%dma_start3A_273, %dma_start3A_274] : memref<576x32xf32, #tpu.memory_space<vmem>> -> memref<128x32xf32, #tpu.memory_space<vmem>>
    %dma_start3A_276 = arith.constant 0 : i32
    %dma_start3A_277 = tpu.memref_slice %arg9[%dma_start3A, %dma_start3A_276] : memref<4x128xi32, #tpu.memory_space<vmem>> -> memref<1x128xi32, #tpu.memory_space<vmem>>
    %dma_start3A_278 = tpu.memref_squeeze %dma_start3A_277 : memref<1x128xi32, #tpu.memory_space<vmem>> -> memref<128xi32, #tpu.memory_space<vmem>>
    %dma_start3A_279 = arith.constant 0 : i32
    %dma_start3A_280 = arith.constant 0 : i32
    %dma_start3A_281 = tpu.memref_slice %arg17[%dma_start3A_279, %dma_start3A_280] : memref<10016x32xf32, #tpu.memory_space<vmem_shared>> -> memref<10016x32xf32, #tpu.memory_space<vmem_shared>>
    tpu.enqueue_indirect_dma source(%dma_start3A_281 : memref<10016x32xf32, #tpu.memory_space<vmem_shared>>) target(%dma_start3A_275 : memref<128x32xf32, #tpu.memory_space<vmem>>) offsets(%dma_start3A_278 : memref<128xi32, #tpu.memory_space<vmem>>) semaphore(%arg18 : memref<!tpu.dma_semaphore, #tpu.memory_space<semaphore_mem>>)
    %dma_start3A_282 = arith.constant 1 : i32
    %dma_start3A_283 = arith.constant 128 : i32
    %dma_start3A_284 = arith.constant 0 : i32
    %dma_start3A_285 = tpu.memref_slice %arg14[%dma_start3A_283, %dma_start3A_284] : memref<576x32xf32, #tpu.memory_space<vmem>> -> memref<128x32xf32, #tpu.memory_space<vmem>>
    %dma_start3A_286 = arith.constant 0 : i32
    %dma_start3A_287 = tpu.memref_slice %arg9[%dma_start3A_282, %dma_start3A_286] : memref<4x128xi32, #tpu.memory_space<vmem>> -> memref<1x128xi32, #tpu.memory_space<vmem>>
    %dma_start3A_288 = tpu.memref_squeeze %dma_start3A_287 : memref<1x128xi32, #tpu.memory_space<vmem>> -> memref<128xi32, #tpu.memory_space<vmem>>
    %dma_start3A_289 = arith.constant 0 : i32
    %dma_start3A_290 = arith.constant 0 : i32
    %dma_start3A_291 = tpu.memref_slice %arg17[%dma_start3A_289, %dma_start3A_290] : memref<10016x32xf32, #tpu.memory_space<vmem_shared>> -> memref<10016x32xf32, #tpu.memory_space<vmem_shared>>
    tpu.enqueue_indirect_dma source(%dma_start3A_291 : memref<10016x32xf32, #tpu.memory_space<vmem_shared>>) target(%dma_start3A_285 : memref<128x32xf32, #tpu.memory_space<vmem>>) offsets(%dma_start3A_288 : memref<128xi32, #tpu.memory_space<vmem>>) semaphore(%arg18 : memref<!tpu.dma_semaphore, #tpu.memory_space<semaphore_mem>>)
    %dma_start3A_292 = arith.constant 2 : i32
    %dma_start3A_293 = arith.constant 256 : i32
    %dma_start3A_294 = arith.constant 0 : i32
    %dma_start3A_295 = tpu.memref_slice %arg14[%dma_start3A_293, %dma_start3A_294] : memref<576x32xf32, #tpu.memory_space<vmem>> -> memref<128x32xf32, #tpu.memory_space<vmem>>
    %dma_start3A_296 = arith.constant 0 : i32
    %dma_start3A_297 = tpu.memref_slice %arg9[%dma_start3A_292, %dma_start3A_296] : memref<4x128xi32, #tpu.memory_space<vmem>> -> memref<1x128xi32, #tpu.memory_space<vmem>>
    %dma_start3A_298 = tpu.memref_squeeze %dma_start3A_297 : memref<1x128xi32, #tpu.memory_space<vmem>> -> memref<128xi32, #tpu.memory_space<vmem>>
    %dma_start3A_299 = arith.constant 0 : i32
    %dma_start3A_300 = arith.constant 0 : i32
    %dma_start3A_301 = tpu.memref_slice %arg17[%dma_start3A_299, %dma_start3A_300] : memref<10016x32xf32, #tpu.memory_space<vmem_shared>> -> memref<10016x32xf32, #tpu.memory_space<vmem_shared>>
    tpu.enqueue_indirect_dma source(%dma_start3A_301 : memref<10016x32xf32, #tpu.memory_space<vmem_shared>>) target(%dma_start3A_295 : memref<128x32xf32, #tpu.memory_space<vmem>>) offsets(%dma_start3A_298 : memref<128xi32, #tpu.memory_space<vmem>>) semaphore(%arg18 : memref<!tpu.dma_semaphore, #tpu.memory_space<semaphore_mem>>)
    %dma_start3A_302 = arith.constant 3 : i32
    %dma_start3A_303 = arith.constant 384 : i32
    %dma_start3A_304 = arith.constant 0 : i32
    %dma_start3A_305 = tpu.memref_slice %arg14[%dma_start3A_303, %dma_start3A_304] : memref<576x32xf32, #tpu.memory_space<vmem>> -> memref<128x32xf32, #tpu.memory_space<vmem>>
    %dma_start3A_306 = arith.constant 0 : i32
    %dma_start3A_307 = tpu.memref_slice %arg9[%dma_start3A_302, %dma_start3A_306] : memref<4x128xi32, #tpu.memory_space<vmem>> -> memref<1x128xi32, #tpu.memory_space<vmem>>
    %dma_start3A_308 = tpu.memref_squeeze %dma_start3A_307 : memref<1x128xi32, #tpu.memory_space<vmem>> -> memref<128xi32, #tpu.memory_space<vmem>>
    %dma_start3A_309 = arith.constant 0 : i32
    %dma_start3A_310 = arith.constant 0 : i32
    %dma_start3A_311 = tpu.memref_slice %arg17[%dma_start3A_309, %dma_start3A_310] : memref<10016x32xf32, #tpu.memory_space<vmem_shared>> -> memref<10016x32xf32, #tpu.memory_space<vmem_shared>>
    tpu.enqueue_indirect_dma source(%dma_start3A_311 : memref<10016x32xf32, #tpu.memory_space<vmem_shared>>) target(%dma_start3A_305 : memref<128x32xf32, #tpu.memory_space<vmem>>) offsets(%dma_start3A_308 : memref<128xi32, #tpu.memory_space<vmem>>) semaphore(%arg18 : memref<!tpu.dma_semaphore, #tpu.memory_space<semaphore_mem>>)
    %dma_start3A_312 = arith.constant 0 : i32
    %dma_start3A_313 = arith.constant 512 : i32
    %dma_start3A_314 = arith.constant 0 : i32
    %dma_start3A_315 = tpu.memref_slice %arg14[%dma_start3A_313, %dma_start3A_314] : memref<576x32xf32, #tpu.memory_space<vmem>> -> memref<64x32xf32, #tpu.memory_space<vmem>>
    %dma_start3A_316 = arith.constant 0 : i32
    %dma_start3A_317 = tpu.memref_slice %arg11[%dma_start3A_312, %dma_start3A_316] : memref<32x64xi32, #tpu.memory_space<vmem>> -> memref<1x64xi32, #tpu.memory_space<vmem>>
    %dma_start3A_318 = tpu.memref_squeeze %dma_start3A_317 : memref<1x64xi32, #tpu.memory_space<vmem>> -> memref<64xi32, #tpu.memory_space<vmem>>
    %dma_start3A_319 = arith.constant 0 : i32
    %dma_start3A_320 = arith.constant 0 : i32
    %dma_start3A_321 = tpu.memref_slice %arg17[%dma_start3A_319, %dma_start3A_320] : memref<10016x32xf32, #tpu.memory_space<vmem_shared>> -> memref<10016x32xf32, #tpu.memory_space<vmem_shared>>
    tpu.enqueue_indirect_dma source(%dma_start3A_321 : memref<10016x32xf32, #tpu.memory_space<vmem_shared>>) target(%dma_start3A_315 : memref<64x32xf32, #tpu.memory_space<vmem>>) offsets(%dma_start3A_318 : memref<64xi32, #tpu.memory_space<vmem>>) semaphore(%arg18 : memref<!tpu.dma_semaphore, #tpu.memory_space<semaphore_mem>>)
    %scan3A = arith.constant 0 : i32
    %scan3A_322 = arith.constant 0 : i32
    %scan3A_323 = arith.constant 16 : i32
    %scan3A_324 = arith.addi %scan3A_322, %scan3A_323 : i32
    %scan3A_325 = arith.constant 1 : i32
    %scan3A_326 = scf.for %scan3A_379 = %scan3A_322 to %scan3A_324 step %scan3A_325 iter_args(%scan3A_380 = %scan3A) -> (i32)  : i32 {
      %mul3A_381 = arith.constant 2 : i32
      %mul3A_382 = arith.muli %mul3A_381, %scan3A_379 : i32
      %add3A_383 = arith.constant 1 : i32
      %add3A_384 = arith.addi %mul3A_382, %add3A_383 : i32
      %broadcast_in_dim3A_385 = vector.broadcast %add3A_384 : i32 to vector<16xi32>
      %add3A_386 = arith.constant 0 : i32
      %add3A_387 = vector.broadcast %add3A_386 : i32 to vector<16xi32>
      %add3A_388 = arith.addi %add3A_387, %iota3A : vector<16xi32>
      %gather3A_389 = tpu.vector_load_idx %arg8[%broadcast_in_dim3A_385, %add3A_388] : memref<32x500xi32, #tpu.memory_space<vmem>>[vector<16xi32>, vector<16xi32>], vector<16xi32>,
      %swap3A_390 = arith.constant 0 : i32
      %swap3A_391 = arith.index_cast %swap3A_390 : i32 to index
      %swap3A_392 = arith.constant 0 : index
      %swap3A_393 = tpu.vector_load %arg10[%swap3A_391, %swap3A_392] {strides = array<i32>} : memref<4x128xi32, #tpu.memory_space<vmem>>, vector<16xi32>,
      tpu.vector_store %arg10[%swap3A_391, %swap3A_392], %gather3A_389 {strides = array<i32>} : memref<4x128xi32, #tpu.memory_space<vmem>>, vector<16xi32>,
      %add3A_394 = arith.constant 16 : i32
      %add3A_395 = vector.broadcast %add3A_394 : i32 to vector<16xi32>
      %add3A_396 = arith.addi %add3A_395, %iota3A : vector<16xi32>
      %gather3A_397 = tpu.vector_load_idx %arg8[%broadcast_in_dim3A_385, %add3A_396] : memref<32x500xi32, #tpu.memory_space<vmem>>[vector<16xi32>, vector<16xi32>], vector<16xi32>,
      %swap3A_398 = arith.constant 0 : i32
      %swap3A_399 = arith.index_cast %swap3A_398 : i32 to index
      %swap3A_400 = arith.constant 16 : index
      %swap3A_401 = tpu.vector_load %arg10[%swap3A_399, %swap3A_400] {strides = array<i32>} : memref<4x128xi32, #tpu.memory_space<vmem>>, vector<16xi32>,
      tpu.vector_store %arg10[%swap3A_399, %swap3A_400], %gather3A_397 {strides = array<i32>} : memref<4x128xi32, #tpu.memory_space<vmem>>, vector<16xi32>,
      %add3A_402 = arith.constant 32 : i32
      %add3A_403 = vector.broadcast %add3A_402 : i32 to vector<16xi32>
      %add3A_404 = arith.addi %add3A_403, %iota3A : vector<16xi32>
      %gather3A_405 = tpu.vector_load_idx %arg8[%broadcast_in_dim3A_385, %add3A_404] : memref<32x500xi32, #tpu.memory_space<vmem>>[vector<16xi32>, vector<16xi32>], vector<16xi32>,
      %swap3A_406 = arith.constant 0 : i32
      %swap3A_407 = arith.index_cast %swap3A_406 : i32 to index
      %swap3A_408 = arith.constant 32 : index
      %swap3A_409 = tpu.vector_load %arg10[%swap3A_407, %swap3A_408] {strides = array<i32>} : memref<4x128xi32, #tpu.memory_space<vmem>>, vector<16xi32>,
      tpu.vector_store %arg10[%swap3A_407, %swap3A_408], %gather3A_405 {strides = array<i32>} : memref<4x128xi32, #tpu.memory_space<vmem>>, vector<16xi32>,
      %add3A_410 = arith.constant 48 : i32
      %add3A_411 = vector.broadcast %add3A_410 : i32 to vector<16xi32>
      %add3A_412 = arith.addi %add3A_411, %iota3A : vector<16xi32>
      %gather3A_413 = tpu.vector_load_idx %arg8[%broadcast_in_dim3A_385, %add3A_412] : memref<32x500xi32, #tpu.memory_space<vmem>>[vector<16xi32>, vector<16xi32>], vector<16xi32>,
      %swap3A_414 = arith.constant 0 : i32
      %swap3A_415 = arith.index_cast %swap3A_414 : i32 to index
      %swap3A_416 = arith.constant 48 : index
      %swap3A_417 = tpu.vector_load %arg10[%swap3A_415, %swap3A_416] {strides = array<i32>} : memref<4x128xi32, #tpu.memory_space<vmem>>, vector<16xi32>,
      tpu.vector_store %arg10[%swap3A_415, %swap3A_416], %gather3A_413 {strides = array<i32>} : memref<4x128xi32, #tpu.memory_space<vmem>>, vector<16xi32>,
      %add3A_418 = arith.constant 64 : i32
      %add3A_419 = vector.broadcast %add3A_418 : i32 to vector<16xi32>
      %add3A_420 = arith.addi %add3A_419, %iota3A : vector<16xi32>
      %gather3A_421 = tpu.vector_load_idx %arg8[%broadcast_in_dim3A_385, %add3A_420] : memref<32x500xi32, #tpu.memory_space<vmem>>[vector<16xi32>, vector<16xi32>], vector<16xi32>,
      %swap3A_422 = arith.constant 0 : i32
      %swap3A_423 = arith.index_cast %swap3A_422 : i32 to index
      %swap3A_424 = arith.constant 64 : index
      %swap3A_425 = tpu.vector_load %arg10[%swap3A_423, %swap3A_424] {strides = array<i32>} : memref<4x128xi32, #tpu.memory_space<vmem>>, vector<16xi32>,
      tpu.vector_store %arg10[%swap3A_423, %swap3A_424], %gather3A_421 {strides = array<i32>} : memref<4x128xi32, #tpu.memory_space<vmem>>, vector<16xi32>,
      %add3A_426 = arith.constant 80 : i32
      %add3A_427 = vector.broadcast %add3A_426 : i32 to vector<16xi32>
      %add3A_428 = arith.addi %add3A_427, %iota3A : vector<16xi32>
      %gather3A_429 = tpu.vector_load_idx %arg8[%broadcast_in_dim3A_385, %add3A_428] : memref<32x500xi32, #tpu.memory_space<vmem>>[vector<16xi32>, vector<16xi32>], vector<16xi32>,
      %swap3A_430 = arith.constant 0 : i32
      %swap3A_431 = arith.index_cast %swap3A_430 : i32 to index
      %swap3A_432 = arith.constant 80 : index
      %swap3A_433 = tpu.vector_load %arg10[%swap3A_431, %swap3A_432] {strides = array<i32>} : memref<4x128xi32, #tpu.memory_space<vmem>>, vector<16xi32>,
      tpu.vector_store %arg10[%swap3A_431, %swap3A_432], %gather3A_429 {strides = array<i32>} : memref<4x128xi32, #tpu.memory_space<vmem>>, vector<16xi32>,
      %add3A_434 = arith.constant 96 : i32
      %add3A_435 = vector.broadcast %add3A_434 : i32 to vector<16xi32>
      %add3A_436 = arith.addi %add3A_435, %iota3A : vector<16xi32>
      %gather3A_437 = tpu.vector_load_idx %arg8[%broadcast_in_dim3A_385, %add3A_436] : memref<32x500xi32, #tpu.memory_space<vmem>>[vector<16xi32>, vector<16xi32>], vector<16xi32>,
      %swap3A_438 = arith.constant 0 : i32
      %swap3A_439 = arith.index_cast %swap3A_438 : i32 to index
      %swap3A_440 = arith.constant 96 : index
      %swap3A_441 = tpu.vector_load %arg10[%swap3A_439, %swap3A_440] {strides = array<i32>} : memref<4x128xi32, #tpu.memory_space<vmem>>, vector<16xi32>,
      tpu.vector_store %arg10[%swap3A_439, %swap3A_440], %gather3A_437 {strides = array<i32>} : memref<4x128xi32, #tpu.memory_space<vmem>>, vector<16xi32>,
      %add3A_442 = arith.constant 112 : i32
      %add3A_443 = vector.broadcast %add3A_442 : i32 to vector<16xi32>
      %add3A_444 = arith.addi %add3A_443, %iota3A : vector<16xi32>
      %gather3A_445 = tpu.vector_load_idx %arg8[%broadcast_in_dim3A_385, %add3A_444] : memref<32x500xi32, #tpu.memory_space<vmem>>[vector<16xi32>, vector<16xi32>], vector<16xi32>,
      %swap3A_446 = arith.constant 0 : i32
      %swap3A_447 = arith.index_cast %swap3A_446 : i32 to index
      %swap3A_448 = arith.constant 112 : index
      %swap3A_449 = tpu.vector_load %arg10[%swap3A_447, %swap3A_448] {strides = array<i32>} : memref<4x128xi32, #tpu.memory_space<vmem>>, vector<16xi32>,
      tpu.vector_store %arg10[%swap3A_447, %swap3A_448], %gather3A_445 {strides = array<i32>} : memref<4x128xi32, #tpu.memory_space<vmem>>, vector<16xi32>,
      %add3A_450 = arith.constant 128 : i32
      %add3A_451 = vector.broadcast %add3A_450 : i32 to vector<16xi32>
      %add3A_452 = arith.addi %add3A_451, %iota3A : vector<16xi32>
      %gather3A_453 = tpu.vector_load_idx %arg8[%broadcast_in_dim3A_385, %add3A_452] : memref<32x500xi32, #tpu.memory_space<vmem>>[vector<16xi32>, vector<16xi32>], vector<16xi32>,
      %swap3A_454 = arith.constant 1 : i32
      %swap3A_455 = arith.index_cast %swap3A_454 : i32 to index
      %swap3A_456 = arith.constant 0 : index
      %swap3A_457 = tpu.vector_load %arg10[%swap3A_455, %swap3A_456] {strides = array<i32>} : memref<4x128xi32, #tpu.memory_space<vmem>>, vector<16xi32>,
      tpu.vector_store %arg10[%swap3A_455, %swap3A_456], %gather3A_453 {strides = array<i32>} : memref<4x128xi32, #tpu.memory_space<vmem>>, vector<16xi32>,
      %add3A_458 = arith.constant 144 : i32
      %add3A_459 = vector.broadcast %add3A_458 : i32 to vector<16xi32>
      %add3A_460 = arith.addi %add3A_459, %iota3A : vector<16xi32>
      %gather3A_461 = tpu.vector_load_idx %arg8[%broadcast_in_dim3A_385, %add3A_460] : memref<32x500xi32, #tpu.memory_space<vmem>>[vector<16xi32>, vector<16xi32>], vector<16xi32>,
      %swap3A_462 = arith.constant 1 : i32
      %swap3A_463 = arith.index_cast %swap3A_462 : i32 to index
      %swap3A_464 = arith.constant 16 : index
      %swap3A_465 = tpu.vector_load %arg10[%swap3A_463, %swap3A_464] {strides = array<i32>} : memref<4x128xi32, #tpu.memory_space<vmem>>, vector<16xi32>,
      tpu.vector_store %arg10[%swap3A_463, %swap3A_464], %gather3A_461 {strides = array<i32>} : memref<4x128xi32, #tpu.memory_space<vmem>>, vector<16xi32>,
      %add3A_466 = arith.constant 160 : i32
      %add3A_467 = vector.broadcast %add3A_466 : i32 to vector<16xi32>
      %add3A_468 = arith.addi %add3A_467, %iota3A : vector<16xi32>
      %gather3A_469 = tpu.vector_load_idx %arg8[%broadcast_in_dim3A_385, %add3A_468] : memref<32x500xi32, #tpu.memory_space<vmem>>[vector<16xi32>, vector<16xi32>], vector<16xi32>,
      %swap3A_470 = arith.constant 1 : i32
      %swap3A_471 = arith.index_cast %swap3A_470 : i32 to index
      %swap3A_472 = arith.constant 32 : index
      %swap3A_473 = tpu.vector_load %arg10[%swap3A_471, %swap3A_472] {strides = array<i32>} : memref<4x128xi32, #tpu.memory_space<vmem>>, vector<16xi32>,
      tpu.vector_store %arg10[%swap3A_471, %swap3A_472], %gather3A_469 {strides = array<i32>} : memref<4x128xi32, #tpu.memory_space<vmem>>, vector<16xi32>,
      %add3A_474 = arith.constant 176 : i32
      %add3A_475 = vector.broadcast %add3A_474 : i32 to vector<16xi32>
      %add3A_476 = arith.addi %add3A_475, %iota3A : vector<16xi32>
      %gather3A_477 = tpu.vector_load_idx %arg8[%broadcast_in_dim3A_385, %add3A_476] : memref<32x500xi32, #tpu.memory_space<vmem>>[vector<16xi32>, vector<16xi32>], vector<16xi32>,
      %swap3A_478 = arith.constant 1 : i32
      %swap3A_479 = arith.index_cast %swap3A_478 : i32 to index
      %swap3A_480 = arith.constant 48 : index
      %swap3A_481 = tpu.vector_load %arg10[%swap3A_479, %swap3A_480] {strides = array<i32>} : memref<4x128xi32, #tpu.memory_space<vmem>>, vector<16xi32>,
      tpu.vector_store %arg10[%swap3A_479, %swap3A_480], %gather3A_477 {strides = array<i32>} : memref<4x128xi32, #tpu.memory_space<vmem>>, vector<16xi32>,
      %add3A_482 = arith.constant 192 : i32
      %add3A_483 = vector.broadcast %add3A_482 : i32 to vector<16xi32>
      %add3A_484 = arith.addi %add3A_483, %iota3A : vector<16xi32>
      %gather3A_485 = tpu.vector_load_idx %arg8[%broadcast_in_dim3A_385, %add3A_484] : memref<32x500xi32, #tpu.memory_space<vmem>>[vector<16xi32>, vector<16xi32>], vector<16xi32>,
      %swap3A_486 = arith.constant 1 : i32
      %swap3A_487 = arith.index_cast %swap3A_486 : i32 to index
      %swap3A_488 = arith.constant 64 : index
      %swap3A_489 = tpu.vector_load %arg10[%swap3A_487, %swap3A_488] {strides = array<i32>} : memref<4x128xi32, #tpu.memory_space<vmem>>, vector<16xi32>,
      tpu.vector_store %arg10[%swap3A_487, %swap3A_488], %gather3A_485 {strides = array<i32>} : memref<4x128xi32, #tpu.memory_space<vmem>>, vector<16xi32>,
      %add3A_490 = arith.constant 208 : i32
      %add3A_491 = vector.broadcast %add3A_490 : i32 to vector<16xi32>
      %add3A_492 = arith.addi %add3A_491, %iota3A : vector<16xi32>
      %gather3A_493 = tpu.vector_load_idx %arg8[%broadcast_in_dim3A_385, %add3A_492] : memref<32x500xi32, #tpu.memory_space<vmem>>[vector<16xi32>, vector<16xi32>], vector<16xi32>,
      %swap3A_494 = arith.constant 1 : i32
      %swap3A_495 = arith.index_cast %swap3A_494 : i32 to index
      %swap3A_496 = arith.constant 80 : index
      %swap3A_497 = tpu.vector_load %arg10[%swap3A_495, %swap3A_496] {strides = array<i32>} : memref<4x128xi32, #tpu.memory_space<vmem>>, vector<16xi32>,
      tpu.vector_store %arg10[%swap3A_495, %swap3A_496], %gather3A_493 {strides = array<i32>} : memref<4x128xi32, #tpu.memory_space<vmem>>, vector<16xi32>,
      %add3A_498 = arith.constant 224 : i32
      %add3A_499 = vector.broadcast %add3A_498 : i32 to vector<16xi32>
      %add3A_500 = arith.addi %add3A_499, %iota3A : vector<16xi32>
      %gather3A_501 = tpu.vector_load_idx %arg8[%broadcast_in_dim3A_385, %add3A_500] : memref<32x500xi32, #tpu.memory_space<vmem>>[vector<16xi32>, vector<16xi32>], vector<16xi32>,
      %swap3A_502 = arith.constant 1 : i32
      %swap3A_503 = arith.index_cast %swap3A_502 : i32 to index
      %swap3A_504 = arith.constant 96 : index
      %swap3A_505 = tpu.vector_load %arg10[%swap3A_503, %swap3A_504] {strides = array<i32>} : memref<4x128xi32, #tpu.memory_space<vmem>>, vector<16xi32>,
      tpu.vector_store %arg10[%swap3A_503, %swap3A_504], %gather3A_501 {strides = array<i32>} : memref<4x128xi32, #tpu.memory_space<vmem>>, vector<16xi32>,
      %add3A_506 = arith.constant 240 : i32
      %add3A_507 = vector.broadcast %add3A_506 : i32 to vector<16xi32>
      %add3A_508 = arith.addi %add3A_507, %iota3A : vector<16xi32>
      %gather3A_509 = tpu.vector_load_idx %arg8[%broadcast_in_dim3A_385, %add3A_508] : memref<32x500xi32, #tpu.memory_space<vmem>>[vector<16xi32>, vector<16xi32>], vector<16xi32>,
      %swap3A_510 = arith.constant 1 : i32
      %swap3A_511 = arith.index_cast %swap3A_510 : i32 to index
      %swap3A_512 = arith.constant 112 : index
      %swap3A_513 = tpu.vector_load %arg10[%swap3A_511, %swap3A_512] {strides = array<i32>} : memref<4x128xi32, #tpu.memory_space<vmem>>, vector<16xi32>,
      tpu.vector_store %arg10[%swap3A_511, %swap3A_512], %gather3A_509 {strides = array<i32>} : memref<4x128xi32, #tpu.memory_space<vmem>>, vector<16xi32>,
      %add3A_514 = arith.constant 256 : i32
      %add3A_515 = vector.broadcast %add3A_514 : i32 to vector<16xi32>
      %add3A_516 = arith.addi %add3A_515, %iota3A : vector<16xi32>
      %gather3A_517 = tpu.vector_load_idx %arg8[%broadcast_in_dim3A_385, %add3A_516] : memref<32x500xi32, #tpu.memory_space<vmem>>[vector<16xi32>, vector<16xi32>], vector<16xi32>,
      %swap3A_518 = arith.constant 2 : i32
      %swap3A_519 = arith.index_cast %swap3A_518 : i32 to index
      %swap3A_520 = arith.constant 0 : index
      %swap3A_521 = tpu.vector_load %arg10[%swap3A_519, %swap3A_520] {strides = array<i32>} : memref<4x128xi32, #tpu.memory_space<vmem>>, vector<16xi32>,
      tpu.vector_store %arg10[%swap3A_519, %swap3A_520], %gather3A_517 {strides = array<i32>} : memref<4x128xi32, #tpu.memory_space<vmem>>, vector<16xi32>,
      %add3A_522 = arith.constant 272 : i32
      %add3A_523 = vector.broadcast %add3A_522 : i32 to vector<16xi32>
      %add3A_524 = arith.addi %add3A_523, %iota3A : vector<16xi32>
      %gather3A_525 = tpu.vector_load_idx %arg8[%broadcast_in_dim3A_385, %add3A_524] : memref<32x500xi32, #tpu.memory_space<vmem>>[vector<16xi32>, vector<16xi32>], vector<16xi32>,
      %swap3A_526 = arith.constant 2 : i32
      %swap3A_527 = arith.index_cast %swap3A_526 : i32 to index
      %swap3A_528 = arith.constant 16 : index
      %swap3A_529 = tpu.vector_load %arg10[%swap3A_527, %swap3A_528] {strides = array<i32>} : memref<4x128xi32, #tpu.memory_space<vmem>>, vector<16xi32>,
      tpu.vector_store %arg10[%swap3A_527, %swap3A_528], %gather3A_525 {strides = array<i32>} : memref<4x128xi32, #tpu.memory_space<vmem>>, vector<16xi32>,
      %add3A_530 = arith.constant 288 : i32
      %add3A_531 = vector.broadcast %add3A_530 : i32 to vector<16xi32>
      %add3A_532 = arith.addi %add3A_531, %iota3A : vector<16xi32>
      %gather3A_533 = tpu.vector_load_idx %arg8[%broadcast_in_dim3A_385, %add3A_532] : memref<32x500xi32, #tpu.memory_space<vmem>>[vector<16xi32>, vector<16xi32>], vector<16xi32>,
      %swap3A_534 = arith.constant 2 : i32
      %swap3A_535 = arith.index_cast %swap3A_534 : i32 to index
      %swap3A_536 = arith.constant 32 : index
      %swap3A_537 = tpu.vector_load %arg10[%swap3A_535, %swap3A_536] {strides = array<i32>} : memref<4x128xi32, #tpu.memory_space<vmem>>, vector<16xi32>,
      tpu.vector_store %arg10[%swap3A_535, %swap3A_536], %gather3A_533 {strides = array<i32>} : memref<4x128xi32, #tpu.memory_space<vmem>>, vector<16xi32>,
      %add3A_538 = arith.constant 304 : i32
      %add3A_539 = vector.broadcast %add3A_538 : i32 to vector<16xi32>
      %add3A_540 = arith.addi %add3A_539, %iota3A : vector<16xi32>
      %gather3A_541 = tpu.vector_load_idx %arg8[%broadcast_in_dim3A_385, %add3A_540] : memref<32x500xi32, #tpu.memory_space<vmem>>[vector<16xi32>, vector<16xi32>], vector<16xi32>,
      %swap3A_542 = arith.constant 2 : i32
      %swap3A_543 = arith.index_cast %swap3A_542 : i32 to index
      %swap3A_544 = arith.constant 48 : index
      %swap3A_545 = tpu.vector_load %arg10[%swap3A_543, %swap3A_544] {strides = array<i32>} : memref<4x128xi32, #tpu.memory_space<vmem>>, vector<16xi32>,
      tpu.vector_store %arg10[%swap3A_543, %swap3A_544], %gather3A_541 {strides = array<i32>} : memref<4x128xi32, #tpu.memory_space<vmem>>, vector<16xi32>,
      %add3A_546 = arith.constant 320 : i32
      %add3A_547 = vector.broadcast %add3A_546 : i32 to vector<16xi32>
      %add3A_548 = arith.addi %add3A_547, %iota3A : vector<16xi32>
      %gather3A_549 = tpu.vector_load_idx %arg8[%broadcast_in_dim3A_385, %add3A_548] : memref<32x500xi32, #tpu.memory_space<vmem>>[vector<16xi32>, vector<16xi32>], vector<16xi32>,
      %swap3A_550 = arith.constant 2 : i32
      %swap3A_551 = arith.index_cast %swap3A_550 : i32 to index
      %swap3A_552 = arith.constant 64 : index
      %swap3A_553 = tpu.vector_load %arg10[%swap3A_551, %swap3A_552] {strides = array<i32>} : memref<4x128xi32, #tpu.memory_space<vmem>>, vector<16xi32>,
      tpu.vector_store %arg10[%swap3A_551, %swap3A_552], %gather3A_549 {strides = array<i32>} : memref<4x128xi32, #tpu.memory_space<vmem>>, vector<16xi32>,
      %add3A_554 = arith.constant 336 : i32
      %add3A_555 = vector.broadcast %add3A_554 : i32 to vector<16xi32>
      %add3A_556 = arith.addi %add3A_555, %iota3A : vector<16xi32>
      %gather3A_557 = tpu.vector_load_idx %arg8[%broadcast_in_dim3A_385, %add3A_556] : memref<32x500xi32, #tpu.memory_space<vmem>>[vector<16xi32>, vector<16xi32>], vector<16xi32>,
      %swap3A_558 = arith.constant 2 : i32
      %swap3A_559 = arith.index_cast %swap3A_558 : i32 to index
      %swap3A_560 = arith.constant 80 : index
      %swap3A_561 = tpu.vector_load %arg10[%swap3A_559, %swap3A_560] {strides = array<i32>} : memref<4x128xi32, #tpu.memory_space<vmem>>, vector<16xi32>,
      tpu.vector_store %arg10[%swap3A_559, %swap3A_560], %gather3A_557 {strides = array<i32>} : memref<4x128xi32, #tpu.memory_space<vmem>>, vector<16xi32>,
      %add3A_562 = arith.constant 352 : i32
      %add3A_563 = vector.broadcast %add3A_562 : i32 to vector<16xi32>
      %add3A_564 = arith.addi %add3A_563, %iota3A : vector<16xi32>
      %gather3A_565 = tpu.vector_load_idx %arg8[%broadcast_in_dim3A_385, %add3A_564] : memref<32x500xi32, #tpu.memory_space<vmem>>[vector<16xi32>, vector<16xi32>], vector<16xi32>,
      %swap3A_566 = arith.constant 2 : i32
      %swap3A_567 = arith.index_cast %swap3A_566 : i32 to index
      %swap3A_568 = arith.constant 96 : index
      %swap3A_569 = tpu.vector_load %arg10[%swap3A_567, %swap3A_568] {strides = array<i32>} : memref<4x128xi32, #tpu.memory_space<vmem>>, vector<16xi32>,
      tpu.vector_store %arg10[%swap3A_567, %swap3A_568], %gather3A_565 {strides = array<i32>} : memref<4x128xi32, #tpu.memory_space<vmem>>, vector<16xi32>,
      %add3A_570 = arith.constant 368 : i32
      %add3A_571 = vector.broadcast %add3A_570 : i32 to vector<16xi32>
      %add3A_572 = arith.addi %add3A_571, %iota3A : vector<16xi32>
      %gather3A_573 = tpu.vector_load_idx %arg8[%broadcast_in_dim3A_385, %add3A_572] : memref<32x500xi32, #tpu.memory_space<vmem>>[vector<16xi32>, vector<16xi32>], vector<16xi32>,
      %swap3A_574 = arith.constant 2 : i32
      %swap3A_575 = arith.index_cast %swap3A_574 : i32 to index
      %swap3A_576 = arith.constant 112 : index
      %swap3A_577 = tpu.vector_load %arg10[%swap3A_575, %swap3A_576] {strides = array<i32>} : memref<4x128xi32, #tpu.memory_space<vmem>>, vector<16xi32>,
      tpu.vector_store %arg10[%swap3A_575, %swap3A_576], %gather3A_573 {strides = array<i32>} : memref<4x128xi32, #tpu.memory_space<vmem>>, vector<16xi32>,
      %add3A_578 = arith.constant 384 : i32
      %add3A_579 = vector.broadcast %add3A_578 : i32 to vector<16xi32>
      %add3A_580 = arith.addi %add3A_579, %iota3A : vector<16xi32>
      %gather3A_581 = tpu.vector_load_idx %arg8[%broadcast_in_dim3A_385, %add3A_580] : memref<32x500xi32, #tpu.memory_space<vmem>>[vector<16xi32>, vector<16xi32>], vector<16xi32>,
      %swap3A_582 = arith.constant 3 : i32
      %swap3A_583 = arith.index_cast %swap3A_582 : i32 to index
      %swap3A_584 = arith.constant 0 : index
      %swap3A_585 = tpu.vector_load %arg10[%swap3A_583, %swap3A_584] {strides = array<i32>} : memref<4x128xi32, #tpu.memory_space<vmem>>, vector<16xi32>,
      tpu.vector_store %arg10[%swap3A_583, %swap3A_584], %gather3A_581 {strides = array<i32>} : memref<4x128xi32, #tpu.memory_space<vmem>>, vector<16xi32>,
      %add3A_586 = arith.constant 400 : i32
      %add3A_587 = vector.broadcast %add3A_586 : i32 to vector<16xi32>
      %add3A_588 = arith.addi %add3A_587, %iota3A : vector<16xi32>
      %gather3A_589 = tpu.vector_load_idx %arg8[%broadcast_in_dim3A_385, %add3A_588] : memref<32x500xi32, #tpu.memory_space<vmem>>[vector<16xi32>, vector<16xi32>], vector<16xi32>,
      %swap3A_590 = arith.constant 3 : i32
      %swap3A_591 = arith.index_cast %swap3A_590 : i32 to index
      %swap3A_592 = arith.constant 16 : index
      %swap3A_593 = tpu.vector_load %arg10[%swap3A_591, %swap3A_592] {strides = array<i32>} : memref<4x128xi32, #tpu.memory_space<vmem>>, vector<16xi32>,
      tpu.vector_store %arg10[%swap3A_591, %swap3A_592], %gather3A_589 {strides = array<i32>} : memref<4x128xi32, #tpu.memory_space<vmem>>, vector<16xi32>,
      %add3A_594 = arith.constant 416 : i32
      %add3A_595 = vector.broadcast %add3A_594 : i32 to vector<16xi32>
      %add3A_596 = arith.addi %add3A_595, %iota3A : vector<16xi32>
      %gather3A_597 = tpu.vector_load_idx %arg8[%broadcast_in_dim3A_385, %add3A_596] : memref<32x500xi32, #tpu.memory_space<vmem>>[vector<16xi32>, vector<16xi32>], vector<16xi32>,
      %swap3A_598 = arith.constant 3 : i32
      %swap3A_599 = arith.index_cast %swap3A_598 : i32 to index
      %swap3A_600 = arith.constant 32 : index
      %swap3A_601 = tpu.vector_load %arg10[%swap3A_599, %swap3A_600] {strides = array<i32>} : memref<4x128xi32, #tpu.memory_space<vmem>>, vector<16xi32>,
      tpu.vector_store %arg10[%swap3A_599, %swap3A_600], %gather3A_597 {strides = array<i32>} : memref<4x128xi32, #tpu.memory_space<vmem>>, vector<16xi32>,
      %add3A_602 = arith.constant 432 : i32
      %add3A_603 = vector.broadcast %add3A_602 : i32 to vector<16xi32>
      %add3A_604 = arith.addi %add3A_603, %iota3A : vector<16xi32>
      %gather3A_605 = tpu.vector_load_idx %arg8[%broadcast_in_dim3A_385, %add3A_604] : memref<32x500xi32, #tpu.memory_space<vmem>>[vector<16xi32>, vector<16xi32>], vector<16xi32>,
      %swap3A_606 = arith.constant 3 : i32
      %swap3A_607 = arith.index_cast %swap3A_606 : i32 to index
      %swap3A_608 = arith.constant 48 : index
      %swap3A_609 = tpu.vector_load %arg10[%swap3A_607, %swap3A_608] {strides = array<i32>} : memref<4x128xi32, #tpu.memory_space<vmem>>, vector<16xi32>,
      tpu.vector_store %arg10[%swap3A_607, %swap3A_608], %gather3A_605 {strides = array<i32>} : memref<4x128xi32, #tpu.memory_space<vmem>>, vector<16xi32>,
      %add3A_610 = arith.constant 448 : i32
      %add3A_611 = vector.broadcast %add3A_610 : i32 to vector<16xi32>
      %add3A_612 = arith.addi %add3A_611, %iota3A : vector<16xi32>
      %gather3A_613 = tpu.vector_load_idx %arg8[%broadcast_in_dim3A_385, %add3A_612] : memref<32x500xi32, #tpu.memory_space<vmem>>[vector<16xi32>, vector<16xi32>], vector<16xi32>,
      %swap3A_614 = arith.constant 3 : i32
      %swap3A_615 = arith.index_cast %swap3A_614 : i32 to index
      %swap3A_616 = arith.constant 64 : index
      %swap3A_617 = tpu.vector_load %arg10[%swap3A_615, %swap3A_616] {strides = array<i32>} : memref<4x128xi32, #tpu.memory_space<vmem>>, vector<16xi32>,
      tpu.vector_store %arg10[%swap3A_615, %swap3A_616], %gather3A_613 {strides = array<i32>} : memref<4x128xi32, #tpu.memory_space<vmem>>, vector<16xi32>,
      %add3A_618 = arith.constant 464 : i32
      %add3A_619 = vector.broadcast %add3A_618 : i32 to vector<16xi32>
      %add3A_620 = arith.addi %add3A_619, %iota3A : vector<16xi32>
      %gather3A_621 = tpu.vector_load_idx %arg8[%broadcast_in_dim3A_385, %add3A_620] : memref<32x500xi32, #tpu.memory_space<vmem>>[vector<16xi32>, vector<16xi32>], vector<16xi32>,
      %swap3A_622 = arith.constant 3 : i32
      %swap3A_623 = arith.index_cast %swap3A_622 : i32 to index
      %swap3A_624 = arith.constant 80 : index
      %swap3A_625 = tpu.vector_load %arg10[%swap3A_623, %swap3A_624] {strides = array<i32>} : memref<4x128xi32, #tpu.memory_space<vmem>>, vector<16xi32>,
      tpu.vector_store %arg10[%swap3A_623, %swap3A_624], %gather3A_621 {strides = array<i32>} : memref<4x128xi32, #tpu.memory_space<vmem>>, vector<16xi32>,
      %add3A_626 = arith.constant 480 : i32
      %add3A_627 = vector.broadcast %add3A_626 : i32 to vector<16xi32>
      %add3A_628 = arith.addi %add3A_627, %iota3A : vector<16xi32>
      %gather3A_629 = tpu.vector_load_idx %arg8[%broadcast_in_dim3A_385, %add3A_628] : memref<32x500xi32, #tpu.memory_space<vmem>>[vector<16xi32>, vector<16xi32>], vector<16xi32>,
      %swap3A_630 = arith.constant 3 : i32
      %swap3A_631 = arith.index_cast %swap3A_630 : i32 to index
      %swap3A_632 = arith.constant 96 : index
      %swap3A_633 = tpu.vector_load %arg10[%swap3A_631, %swap3A_632] {strides = array<i32>} : memref<4x128xi32, #tpu.memory_space<vmem>>, vector<16xi32>,
      tpu.vector_store %arg10[%swap3A_631, %swap3A_632], %gather3A_629 {strides = array<i32>} : memref<4x128xi32, #tpu.memory_space<vmem>>, vector<16xi32>,
      %add3A_634 = arith.constant 496 : i32
      %add3A_635 = vector.broadcast %add3A_634 : i32 to vector<16xi32>
      %add3A_636 = arith.addi %add3A_635, %iota3A : vector<16xi32>
      %min3A_637 = arith.constant 499 : i32
      %min3A_638 = vector.broadcast %min3A_637 : i32 to vector<16xi32>
      %min3A_639 = arith.minsi %add3A_636, %min3A_638 : vector<16xi32>
      %lt3A_640 = arith.constant 4 : i32
      %lt3A_641 = vector.broadcast %lt3A_640 : i32 to vector<16xi32>
      %lt3A_642 = arith.cmpi slt, %iota3A, %lt3A_641 : vector<16xi32>
      %gather3A_643 = tpu.vector_load_idx %arg8[%broadcast_in_dim3A_385, %min3A_639] : memref<32x500xi32, #tpu.memory_space<vmem>>[vector<16xi32>, vector<16xi32>], vector<16xi32>,
      %jit3A_644 = arith.constant 0 : i32
      %broadcast_in_dim3A_645 = vector.broadcast %jit3A_644 : i32 to vector<16xi32>
      %select_n3A_646 = arith.select %lt3A_642, %gather3A_643, %broadcast_in_dim3A_645 : vector<16xi1>, vector<16xi32>
      %swap3A_647 = arith.constant 3 : i32
      %swap3A_648 = arith.index_cast %swap3A_647 : i32 to index
      %swap3A_649 = arith.constant 112 : index
      %swap3A_650 = tpu.vector_load %arg10[%swap3A_648, %swap3A_649] {strides = array<i32>} : memref<4x128xi32, #tpu.memory_space<vmem>>, vector<16xi32>,
      tpu.vector_store %arg10[%swap3A_648, %swap3A_649], %select_n3A_646 {strides = array<i32>} : memref<4x128xi32, #tpu.memory_space<vmem>>, vector<16xi32>,
      %dma_start3A_651 = arith.constant 0 : i32
      %dma_start3A_652 = arith.constant 0 : i32
      %dma_start3A_653 = arith.constant 0 : i32
      %dma_start3A_654 = tpu.memref_slice %arg15[%dma_start3A_652, %dma_start3A_653] : memref<576x32xf32, #tpu.memory_space<vmem>> -> memref<128x32xf32, #tpu.memory_space<vmem>>
      %dma_start3A_655 = arith.constant 0 : i32
      %dma_start3A_656 = tpu.memref_slice %arg10[%dma_start3A_651, %dma_start3A_655] : memref<4x128xi32, #tpu.memory_space<vmem>> -> memref<1x128xi32, #tpu.memory_space<vmem>>
      %dma_start3A_657 = tpu.memref_squeeze %dma_start3A_656 : memref<1x128xi32, #tpu.memory_space<vmem>> -> memref<128xi32, #tpu.memory_space<vmem>>
      %dma_start3A_658 = arith.constant 0 : i32
      %dma_start3A_659 = arith.constant 0 : i32
      %dma_start3A_660 = tpu.memref_slice %arg17[%dma_start3A_658, %dma_start3A_659] : memref<10016x32xf32, #tpu.memory_space<vmem_shared>> -> memref<10016x32xf32, #tpu.memory_space<vmem_shared>>
      tpu.enqueue_indirect_dma source(%dma_start3A_660 : memref<10016x32xf32, #tpu.memory_space<vmem_shared>>) target(%dma_start3A_654 : memref<128x32xf32, #tpu.memory_space<vmem>>) offsets(%dma_start3A_657 : memref<128xi32, #tpu.memory_space<vmem>>) semaphore(%arg19 : memref<!tpu.dma_semaphore, #tpu.memory_space<semaphore_mem>>)
      %dma_start3A_661 = arith.constant 1 : i32
      %dma_start3A_662 = arith.constant 128 : i32
      %dma_start3A_663 = arith.constant 0 : i32
      %dma_start3A_664 = tpu.memref_slice %arg15[%dma_start3A_662, %dma_start3A_663] : memref<576x32xf32, #tpu.memory_space<vmem>> -> memref<128x32xf32, #tpu.memory_space<vmem>>
      %dma_start3A_665 = arith.constant 0 : i32
      %dma_start3A_666 = tpu.memref_slice %arg10[%dma_start3A_661, %dma_start3A_665] : memref<4x128xi32, #tpu.memory_space<vmem>> -> memref<1x128xi32, #tpu.memory_space<vmem>>
      %dma_start3A_667 = tpu.memref_squeeze %dma_start3A_666 : memref<1x128xi32, #tpu.memory_space<vmem>> -> memref<128xi32, #tpu.memory_space<vmem>>
      %dma_start3A_668 = arith.constant 0 : i32
      %dma_start3A_669 = arith.constant 0 : i32
      %dma_start3A_670 = tpu.memref_slice %arg17[%dma_start3A_668, %dma_start3A_669] : memref<10016x32xf32, #tpu.memory_space<vmem_shared>> -> memref<10016x32xf32, #tpu.memory_space<vmem_shared>>
      tpu.enqueue_indirect_dma source(%dma_start3A_670 : memref<10016x32xf32, #tpu.memory_space<vmem_shared>>) target(%dma_start3A_664 : memref<128x32xf32, #tpu.memory_space<vmem>>) offsets(%dma_start3A_667 : memref<128xi32, #tpu.memory_space<vmem>>) semaphore(%arg19 : memref<!tpu.dma_semaphore, #tpu.memory_space<semaphore_mem>>)
      %dma_start3A_671 = arith.constant 2 : i32
      %dma_start3A_672 = arith.constant 256 : i32
      %dma_start3A_673 = arith.constant 0 : i32
      %dma_start3A_674 = tpu.memref_slice %arg15[%dma_start3A_672, %dma_start3A_673] : memref<576x32xf32, #tpu.memory_space<vmem>> -> memref<128x32xf32, #tpu.memory_space<vmem>>
      %dma_start3A_675 = arith.constant 0 : i32
      %dma_start3A_676 = tpu.memref_slice %arg10[%dma_start3A_671, %dma_start3A_675] : memref<4x128xi32, #tpu.memory_space<vmem>> -> memref<1x128xi32, #tpu.memory_space<vmem>>
      %dma_start3A_677 = tpu.memref_squeeze %dma_start3A_676 : memref<1x128xi32, #tpu.memory_space<vmem>> -> memref<128xi32, #tpu.memory_space<vmem>>
      %dma_start3A_678 = arith.constant 0 : i32
      %dma_start3A_679 = arith.constant 0 : i32
      %dma_start3A_680 = tpu.memref_slice %arg17[%dma_start3A_678, %dma_start3A_679] : memref<10016x32xf32, #tpu.memory_space<vmem_shared>> -> memref<10016x32xf32, #tpu.memory_space<vmem_shared>>
      tpu.enqueue_indirect_dma source(%dma_start3A_680 : memref<10016x32xf32, #tpu.memory_space<vmem_shared>>) target(%dma_start3A_674 : memref<128x32xf32, #tpu.memory_space<vmem>>) offsets(%dma_start3A_677 : memref<128xi32, #tpu.memory_space<vmem>>) semaphore(%arg19 : memref<!tpu.dma_semaphore, #tpu.memory_space<semaphore_mem>>)
      %dma_start3A_681 = arith.constant 3 : i32
      %dma_start3A_682 = arith.constant 384 : i32
      %dma_start3A_683 = arith.constant 0 : i32
      %dma_start3A_684 = tpu.memref_slice %arg15[%dma_start3A_682, %dma_start3A_683] : memref<576x32xf32, #tpu.memory_space<vmem>> -> memref<128x32xf32, #tpu.memory_space<vmem>>
      %dma_start3A_685 = arith.constant 0 : i32
      %dma_start3A_686 = tpu.memref_slice %arg10[%dma_start3A_681, %dma_start3A_685] : memref<4x128xi32, #tpu.memory_space<vmem>> -> memref<1x128xi32, #tpu.memory_space<vmem>>
      %dma_start3A_687 = tpu.memref_squeeze %dma_start3A_686 : memref<1x128xi32, #tpu.memory_space<vmem>> -> memref<128xi32, #tpu.memory_space<vmem>>
      %dma_start3A_688 = arith.constant 0 : i32
      %dma_start3A_689 = arith.constant 0 : i32
      %dma_start3A_690 = tpu.memref_slice %arg17[%dma_start3A_688, %dma_start3A_689] : memref<10016x32xf32, #tpu.memory_space<vmem_shared>> -> memref<10016x32xf32, #tpu.memory_space<vmem_shared>>
      tpu.enqueue_indirect_dma source(%dma_start3A_690 : memref<10016x32xf32, #tpu.memory_space<vmem_shared>>) target(%dma_start3A_684 : memref<128x32xf32, #tpu.memory_space<vmem>>) offsets(%dma_start3A_687 : memref<128xi32, #tpu.memory_space<vmem>>) semaphore(%arg19 : memref<!tpu.dma_semaphore, #tpu.memory_space<semaphore_mem>>)
      %dma_start3A_691 = arith.constant 512 : i32
      %dma_start3A_692 = arith.constant 0 : i32
      %dma_start3A_693 = tpu.memref_slice %arg15[%dma_start3A_691, %dma_start3A_692] : memref<576x32xf32, #tpu.memory_space<vmem>> -> memref<64x32xf32, #tpu.memory_space<vmem>>
      %dma_start3A_694 = arith.constant 0 : i32
      %dma_start3A_695 = tpu.memref_slice %arg11[%add3A_384, %dma_start3A_694] : memref<32x64xi32, #tpu.memory_space<vmem>> -> memref<1x64xi32, #tpu.memory_space<vmem>>
      %dma_start3A_696 = tpu.memref_squeeze %dma_start3A_695 : memref<1x64xi32, #tpu.memory_space<vmem>> -> memref<64xi32, #tpu.memory_space<vmem>>
      %dma_start3A_697 = arith.constant 0 : i32
      %dma_start3A_698 = arith.constant 0 : i32
      %dma_start3A_699 = tpu.memref_slice %arg17[%dma_start3A_697, %dma_start3A_698] : memref<10016x32xf32, #tpu.memory_space<vmem_shared>> -> memref<10016x32xf32, #tpu.memory_space<vmem_shared>>
      tpu.enqueue_indirect_dma source(%dma_start3A_699 : memref<10016x32xf32, #tpu.memory_space<vmem_shared>>) target(%dma_start3A_693 : memref<64x32xf32, #tpu.memory_space<vmem>>) offsets(%dma_start3A_696 : memref<64xi32, #tpu.memory_space<vmem>>) semaphore(%arg19 : memref<!tpu.dma_semaphore, #tpu.memory_space<semaphore_mem>>)
      %dma_wait3A_700 = arith.constant 0 : i32
      %dma_wait3A_701 = arith.constant 0 : i32
      %dma_wait3A_702 = arith.constant 0 : i32
      %dma_wait3A_703 = tpu.memref_slice %arg14[%dma_wait3A_701, %dma_wait3A_702] : memref<576x32xf32, #tpu.memory_space<vmem>> -> memref<128x32xf32, #tpu.memory_space<vmem>>
      %dma_wait3A_704 = arith.constant 0 : i32
      %dma_wait3A_705 = tpu.memref_slice %arg9[%dma_wait3A_700, %dma_wait3A_704] : memref<4x128xi32, #tpu.memory_space<vmem>> -> memref<1x128xi32, #tpu.memory_space<vmem>>
      %dma_wait3A_706 = tpu.memref_squeeze %dma_wait3A_705 : memref<1x128xi32, #tpu.memory_space<vmem>> -> memref<128xi32, #tpu.memory_space<vmem>>
      %dma_wait3A_707 = arith.constant 0 : i32
      %dma_wait3A_708 = arith.constant 0 : i32
      %dma_wait3A_709 = tpu.memref_slice %arg17[%dma_wait3A_707, %dma_wait3A_708] : memref<10016x32xf32, #tpu.memory_space<vmem_shared>> -> memref<10016x32xf32, #tpu.memory_space<vmem_shared>>
      tpu.wait_indirect_dma semaphore(%arg18 : memref<!tpu.dma_semaphore, #tpu.memory_space<semaphore_mem>>) src(%dma_wait3A_709 : memref<10016x32xf32, #tpu.memory_space<vmem_shared>>) dst(%dma_wait3A_703 : memref<128x32xf32, #tpu.memory_space<vmem>>)
      %dma_wait3A_710 = arith.constant 1 : i32
      %dma_wait3A_711 = arith.constant 128 : i32
      %dma_wait3A_712 = arith.constant 0 : i32
      %dma_wait3A_713 = tpu.memref_slice %arg14[%dma_wait3A_711, %dma_wait3A_712] : memref<576x32xf32, #tpu.memory_space<vmem>> -> memref<128x32xf32, #tpu.memory_space<vmem>>
      %dma_wait3A_714 = arith.constant 0 : i32
      %dma_wait3A_715 = tpu.memref_slice %arg9[%dma_wait3A_710, %dma_wait3A_714] : memref<4x128xi32, #tpu.memory_space<vmem>> -> memref<1x128xi32, #tpu.memory_space<vmem>>
      %dma_wait3A_716 = tpu.memref_squeeze %dma_wait3A_715 : memref<1x128xi32, #tpu.memory_space<vmem>> -> memref<128xi32, #tpu.memory_space<vmem>>
      %dma_wait3A_717 = arith.constant 0 : i32
      %dma_wait3A_718 = arith.constant 0 : i32
      %dma_wait3A_719 = tpu.memref_slice %arg17[%dma_wait3A_717, %dma_wait3A_718] : memref<10016x32xf32, #tpu.memory_space<vmem_shared>> -> memref<10016x32xf32, #tpu.memory_space<vmem_shared>>
      tpu.wait_indirect_dma semaphore(%arg18 : memref<!tpu.dma_semaphore, #tpu.memory_space<semaphore_mem>>) src(%dma_wait3A_719 : memref<10016x32xf32, #tpu.memory_space<vmem_shared>>) dst(%dma_wait3A_713 : memref<128x32xf32, #tpu.memory_space<vmem>>)
      %dma_wait3A_720 = arith.constant 2 : i32
      %dma_wait3A_721 = arith.constant 256 : i32
      %dma_wait3A_722 = arith.constant 0 : i32
      %dma_wait3A_723 = tpu.memref_slice %arg14[%dma_wait3A_721, %dma_wait3A_722] : memref<576x32xf32, #tpu.memory_space<vmem>> -> memref<128x32xf32, #tpu.memory_space<vmem>>
      %dma_wait3A_724 = arith.constant 0 : i32
      %dma_wait3A_725 = tpu.memref_slice %arg9[%dma_wait3A_720, %dma_wait3A_724] : memref<4x128xi32, #tpu.memory_space<vmem>> -> memref<1x128xi32, #tpu.memory_space<vmem>>
      %dma_wait3A_726 = tpu.memref_squeeze %dma_wait3A_725 : memref<1x128xi32, #tpu.memory_space<vmem>> -> memref<128xi32, #tpu.memory_space<vmem>>
      %dma_wait3A_727 = arith.constant 0 : i32
      %dma_wait3A_728 = arith.constant 0 : i32
      %dma_wait3A_729 = tpu.memref_slice %arg17[%dma_wait3A_727, %dma_wait3A_728] : memref<10016x32xf32, #tpu.memory_space<vmem_shared>> -> memref<10016x32xf32, #tpu.memory_space<vmem_shared>>
      tpu.wait_indirect_dma semaphore(%arg18 : memref<!tpu.dma_semaphore, #tpu.memory_space<semaphore_mem>>) src(%dma_wait3A_729 : memref<10016x32xf32, #tpu.memory_space<vmem_shared>>) dst(%dma_wait3A_723 : memref<128x32xf32, #tpu.memory_space<vmem>>)
      %dma_wait3A_730 = arith.constant 3 : i32
      %dma_wait3A_731 = arith.constant 384 : i32
      %dma_wait3A_732 = arith.constant 0 : i32
      %dma_wait3A_733 = tpu.memref_slice %arg14[%dma_wait3A_731, %dma_wait3A_732] : memref<576x32xf32, #tpu.memory_space<vmem>> -> memref<128x32xf32, #tpu.memory_space<vmem>>
      %dma_wait3A_734 = arith.constant 0 : i32
      %dma_wait3A_735 = tpu.memref_slice %arg9[%dma_wait3A_730, %dma_wait3A_734] : memref<4x128xi32, #tpu.memory_space<vmem>> -> memref<1x128xi32, #tpu.memory_space<vmem>>
      %dma_wait3A_736 = tpu.memref_squeeze %dma_wait3A_735 : memref<1x128xi32, #tpu.memory_space<vmem>> -> memref<128xi32, #tpu.memory_space<vmem>>
      %dma_wait3A_737 = arith.constant 0 : i32
      %dma_wait3A_738 = arith.constant 0 : i32
      %dma_wait3A_739 = tpu.memref_slice %arg17[%dma_wait3A_737, %dma_wait3A_738] : memref<10016x32xf32, #tpu.memory_space<vmem_shared>> -> memref<10016x32xf32, #tpu.memory_space<vmem_shared>>
      tpu.wait_indirect_dma semaphore(%arg18 : memref<!tpu.dma_semaphore, #tpu.memory_space<semaphore_mem>>) src(%dma_wait3A_739 : memref<10016x32xf32, #tpu.memory_space<vmem_shared>>) dst(%dma_wait3A_733 : memref<128x32xf32, #tpu.memory_space<vmem>>)
      %dma_wait3A_740 = arith.constant 0 : i32
      %dma_wait3A_741 = arith.constant 512 : i32
      %dma_wait3A_742 = arith.constant 0 : i32
      %dma_wait3A_743 = tpu.memref_slice %arg14[%dma_wait3A_741, %dma_wait3A_742] : memref<576x32xf32, #tpu.memory_space<vmem>> -> memref<64x32xf32, #tpu.memory_space<vmem>>
      %dma_wait3A_744 = arith.constant 0 : i32
      %dma_wait3A_745 = tpu.memref_slice %arg11[%dma_wait3A_740, %dma_wait3A_744] : memref<32x64xi32, #tpu.memory_space<vmem>> -> memref<1x64xi32, #tpu.memory_space<vmem>>
      %dma_wait3A_746 = tpu.memref_squeeze %dma_wait3A_745 : memref<1x64xi32, #tpu.memory_space<vmem>> -> memref<64xi32, #tpu.memory_space<vmem>>
      %dma_wait3A_747 = arith.constant 0 : i32
      %dma_wait3A_748 = arith.constant 0 : i32
      %dma_wait3A_749 = tpu.memref_slice %arg17[%dma_wait3A_747, %dma_wait3A_748] : memref<10016x32xf32, #tpu.memory_space<vmem_shared>> -> memref<10016x32xf32, #tpu.memory_space<vmem_shared>>
      tpu.wait_indirect_dma semaphore(%arg18 : memref<!tpu.dma_semaphore, #tpu.memory_space<semaphore_mem>>) src(%dma_wait3A_749 : memref<10016x32xf32, #tpu.memory_space<vmem_shared>>) dst(%dma_wait3A_743 : memref<64x32xf32, #tpu.memory_space<vmem>>)
      %add3A_750 = arith.constant 512 : i32
      %add3A_751 = vector.broadcast %add3A_750 : i32 to vector<16xi32>
      %add3A_752 = arith.addi %add3A_751, %iota3A : vector<16xi32>
      %broadcast_in_dim3A_753 = arith.constant 21 : i32
      %broadcast_in_dim3A_754 = vector.broadcast %broadcast_in_dim3A_753 : i32 to vector<16xi32>
      %gather3A_755 = tpu.vector_load_idx %arg14[%add3A_752, %broadcast_in_dim3A_754] : memref<576x32xf32, #tpu.memory_space<vmem>>[vector<16xi32>, vector<16xi32>], vector<16xf32>,
      %swap3A_756 = arith.constant 0 : index
      %swap3A_757 = tpu.vector_load %arg13[%swap3A_756] {strides = array<i32>} : memref<64xf32, #tpu.memory_space<vmem>>, vector<16xf32>,
      tpu.vector_store %arg13[%swap3A_756], %gather3A_755 {strides = array<i32>} : memref<64xf32, #tpu.memory_space<vmem>>, vector<16xf32>,
      %add3A_758 = arith.constant 528 : i32
      %add3A_759 = vector.broadcast %add3A_758 : i32 to vector<16xi32>
      %add3A_760 = arith.addi %add3A_759, %iota3A : vector<16xi32>
      %broadcast_in_dim3A_761 = arith.constant 21 : i32
      %broadcast_in_dim3A_762 = vector.broadcast %broadcast_in_dim3A_761 : i32 to vector<16xi32>
      %gather3A_763 = tpu.vector_load_idx %arg14[%add3A_760, %broadcast_in_dim3A_762] : memref<576x32xf32, #tpu.memory_space<vmem>>[vector<16xi32>, vector<16xi32>], vector<16xf32>,
      %swap3A_764 = arith.constant 16 : index
      %swap3A_765 = tpu.vector_load %arg13[%swap3A_764] {strides = array<i32>} : memref<64xf32, #tpu.memory_space<vmem>>, vector<16xf32>,
      tpu.vector_store %arg13[%swap3A_764], %gather3A_763 {strides = array<i32>} : memref<64xf32, #tpu.memory_space<vmem>>, vector<16xf32>,
      %add3A_766 = arith.constant 544 : i32
      %add3A_767 = vector.broadcast %add3A_766 : i32 to vector<16xi32>
      %add3A_768 = arith.addi %add3A_767, %iota3A : vector<16xi32>
      %broadcast_in_dim3A_769 = arith.constant 21 : i32
      %broadcast_in_dim3A_770 = vector.broadcast %broadcast_in_dim3A_769 : i32 to vector<16xi32>
      %gather3A_771 = tpu.vector_load_idx %arg14[%add3A_768, %broadcast_in_dim3A_770] : memref<576x32xf32, #tpu.memory_space<vmem>>[vector<16xi32>, vector<16xi32>], vector<16xf32>,
      %swap3A_772 = arith.constant 32 : index
      %swap3A_773 = tpu.vector_load %arg13[%swap3A_772] {strides = array<i32>} : memref<64xf32, #tpu.memory_space<vmem>>, vector<16xf32>,
      tpu.vector_store %arg13[%swap3A_772], %gather3A_771 {strides = array<i32>} : memref<64xf32, #tpu.memory_space<vmem>>, vector<16xf32>,
      %add3A_774 = arith.constant 560 : i32
      %add3A_775 = vector.broadcast %add3A_774 : i32 to vector<16xi32>
      %add3A_776 = arith.addi %add3A_775, %iota3A : vector<16xi32>
      %broadcast_in_dim3A_777 = arith.constant 21 : i32
      %broadcast_in_dim3A_778 = vector.broadcast %broadcast_in_dim3A_777 : i32 to vector<16xi32>
      %gather3A_779 = tpu.vector_load_idx %arg14[%add3A_776, %broadcast_in_dim3A_778] : memref<576x32xf32, #tpu.memory_space<vmem>>[vector<16xi32>, vector<16xi32>], vector<16xf32>,
      %swap3A_780 = arith.constant 48 : index
      %swap3A_781 = tpu.vector_load %arg13[%swap3A_780] {strides = array<i32>} : memref<64xf32, #tpu.memory_space<vmem>>, vector<16xf32>,
      tpu.vector_store %arg13[%swap3A_780], %gather3A_779 {strides = array<i32>} : memref<64xf32, #tpu.memory_space<vmem>>, vector<16xf32>,
      %scan3A_782 = arith.constant 0 : i32
      %scan3A_783 = arith.constant 32 : i32
      %scan3A_784 = arith.addi %scan3A_782, %scan3A_783 : i32
      %scan3A_785 = arith.constant 1 : i32
      %scan3A_786:2 = scf.for %scan3A_3353 = %scan3A_782 to %scan3A_784 step %scan3A_785 iter_args(%scan3A_3354 = %broadcast_in_dim3A_1, %scan3A_3355 = %broadcast_in_dim3A_1) -> (vector<16xf32>, vector<16xf32>)  : i32 {
        %mul3A_3356 = arith.constant 16 : i32
        %mul3A_3357 = arith.muli %scan3A_3353, %mul3A_3356 : i32
        %get3A_3358 = arith.index_cast %mul3A_3357 : i32 to index
        %get3A_3359 = tpu.vector_load %arg12[%get3A_3358] {strides = array<i32>} : memref<512xi32, #tpu.memory_space<vmem>>, vector<16xi32>,
        %gather3A_3360 = tpu.vector_load_idx %arg13[%get3A_3359] : memref<64xf32, #tpu.memory_space<vmem>>[vector<16xi32>], vector<16xf32>,
        %mul3A_3361 = arith.constant 16 : i32
        %mul3A_3362 = arith.muli %scan3A_3353, %mul3A_3361 : i32
        %add3A_3363 = vector.broadcast %mul3A_3362 : i32 to vector<16xi32>
        %add3A_3364 = arith.addi %add3A_3363, %iota3A : vector<16xi32>
        %broadcast_in_dim3A_3365 = arith.constant 20 : i32
        %broadcast_in_dim3A_3366 = vector.broadcast %broadcast_in_dim3A_3365 : i32 to vector<16xi32>
        %gather3A_3367 = tpu.vector_load_idx %arg14[%add3A_3364, %broadcast_in_dim3A_3366] : memref<576x32xf32, #tpu.memory_space<vmem>>[vector<16xi32>, vector<16xi32>], vector<16xf32>,
        %sub3A_3368 = arith.constant 1.000000e+00 : f32
        %sub3A_3369 = vector.broadcast %sub3A_3368 : f32 to vector<16xf32>
        %sub3A_3370 = arith.subf %sub3A_3369, %gather3A_3360 : vector<16xf32>
        %mul3A_3371 = arith.mulf %sub3A_3370, %gather3A_3367 : vector<16xf32>
        %mul3A_3372 = arith.constant 16 : i32
        %mul3A_3373 = arith.muli %scan3A_3353, %mul3A_3372 : i32
        %broadcast_in_dim3A_3374 = arith.constant 0 : i32
        %broadcast_in_dim3A_3375 = vector.broadcast %broadcast_in_dim3A_3374 : i32 to vector<16x1xi32>
        %gather3A_3376 = vector.shape_cast %broadcast_in_dim3A_3375 : vector<16x1xi32> to vector<16xi32>
        %gather3A_3377 = tpu.dynamic_gather %mul3A_3371[%gather3A_3376] in [0] : vector<16xf32>, vector<16xi32> -> vector<16xf32>
        %add3A_3378 = arith.constant 0 : i32
        %add3A_3379 = arith.addi %mul3A_3373, %add3A_3378 : i32
        %get3A_3380 = arith.index_cast %add3A_3379 : i32 to index
        %get3A_3381 = arith.constant 0 : index
        %get3A_3382 = tpu.vector_load %arg14[%get3A_3380, %get3A_3381] {strides = array<i32>} : memref<576x32xf32, #tpu.memory_space<vmem>>, vector<16xf32>,
        %mul3A_3383 = arith.mulf %gather3A_3377, %get3A_3382 : vector<16xf32>
        %add3A_3384 = arith.addf %scan3A_3354, %mul3A_3383 : vector<16xf32>
        %get3A_3385 = arith.index_cast %add3A_3379 : i32 to index
        %get3A_3386 = arith.constant 16 : index
        %get3A_3387 = tpu.vector_load %arg14[%get3A_3385, %get3A_3386] {strides = array<i32>} : memref<576x32xf32, #tpu.memory_space<vmem>>, vector<16xf32>,
        %mul3A_3388 = arith.mulf %gather3A_3377, %get3A_3387 : vector<16xf32>
        %add3A_3389 = arith.addf %scan3A_3355, %mul3A_3388 : vector<16xf32>
        %broadcast_in_dim3A_3390 = arith.constant 1 : i32
        %broadcast_in_dim3A_3391 = vector.broadcast %broadcast_in_dim3A_3390 : i32 to vector<16x1xi32>
        %gather3A_3392 = vector.shape_cast %broadcast_in_dim3A_3391 : vector<16x1xi32> to vector<16xi32>
        %gather3A_3393 = tpu.dynamic_gather %mul3A_3371[%gather3A_3392] in [0] : vector<16xf32>, vector<16xi32> -> vector<16xf32>
        %add3A_3394 = arith.constant 1 : i32
        %add3A_3395 = arith.addi %mul3A_3373, %add3A_3394 : i32
        %get3A_3396 = arith.index_cast %add3A_3395 : i32 to index
        %get3A_3397 = arith.constant 0 : index
        %get3A_3398 = tpu.vector_load %arg14[%get3A_3396, %get3A_3397] {strides = array<i32>} : memref<576x32xf32, #tpu.memory_space<vmem>>, vector<16xf32>,
        %mul3A_3399 = arith.mulf %gather3A_3393, %get3A_3398 : vector<16xf32>
        %add3A_3400 = arith.addf %add3A_3384, %mul3A_3399 : vector<16xf32>
        %get3A_3401 = arith.index_cast %add3A_3395 : i32 to index
        %get3A_3402 = arith.constant 16 : index
        %get3A_3403 = tpu.vector_load %arg14[%get3A_3401, %get3A_3402] {strides = array<i32>} : memref<576x32xf32, #tpu.memory_space<vmem>>, vector<16xf32>,
        %mul3A_3404 = arith.mulf %gather3A_3393, %get3A_3403 : vector<16xf32>
        %add3A_3405 = arith.addf %add3A_3389, %mul3A_3404 : vector<16xf32>
        %broadcast_in_dim3A_3406 = arith.constant 2 : i32
        %broadcast_in_dim3A_3407 = vector.broadcast %broadcast_in_dim3A_3406 : i32 to vector<16x1xi32>
        %gather3A_3408 = vector.shape_cast %broadcast_in_dim3A_3407 : vector<16x1xi32> to vector<16xi32>
        %gather3A_3409 = tpu.dynamic_gather %mul3A_3371[%gather3A_3408] in [0] : vector<16xf32>, vector<16xi32> -> vector<16xf32>
        %add3A_3410 = arith.constant 2 : i32
        %add3A_3411 = arith.addi %mul3A_3373, %add3A_3410 : i32
        %get3A_3412 = arith.index_cast %add3A_3411 : i32 to index
        %get3A_3413 = arith.constant 0 : index
        %get3A_3414 = tpu.vector_load %arg14[%get3A_3412, %get3A_3413] {strides = array<i32>} : memref<576x32xf32, #tpu.memory_space<vmem>>, vector<16xf32>,
        %mul3A_3415 = arith.mulf %gather3A_3409, %get3A_3414 : vector<16xf32>
        %add3A_3416 = arith.addf %add3A_3400, %mul3A_3415 : vector<16xf32>
        %get3A_3417 = arith.index_cast %add3A_3411 : i32 to index
        %get3A_3418 = arith.constant 16 : index
        %get3A_3419 = tpu.vector_load %arg14[%get3A_3417, %get3A_3418] {strides = array<i32>} : memref<576x32xf32, #tpu.memory_space<vmem>>, vector<16xf32>,
        %mul3A_3420 = arith.mulf %gather3A_3409, %get3A_3419 : vector<16xf32>
        %add3A_3421 = arith.addf %add3A_3405, %mul3A_3420 : vector<16xf32>
        %broadcast_in_dim3A_3422 = arith.constant 3 : i32
        %broadcast_in_dim3A_3423 = vector.broadcast %broadcast_in_dim3A_3422 : i32 to vector<16x1xi32>
        %gather3A_3424 = vector.shape_cast %broadcast_in_dim3A_3423 : vector<16x1xi32> to vector<16xi32>
        %gather3A_3425 = tpu.dynamic_gather %mul3A_3371[%gather3A_3424] in [0] : vector<16xf32>, vector<16xi32> -> vector<16xf32>
        %add3A_3426 = arith.constant 3 : i32
        %add3A_3427 = arith.addi %mul3A_3373, %add3A_3426 : i32
        %get3A_3428 = arith.index_cast %add3A_3427 : i32 to index
        %get3A_3429 = arith.constant 0 : index
        %get3A_3430 = tpu.vector_load %arg14[%get3A_3428, %get3A_3429] {strides = array<i32>} : memref<576x32xf32, #tpu.memory_space<vmem>>, vector<16xf32>,
        %mul3A_3431 = arith.mulf %gather3A_3425, %get3A_3430 : vector<16xf32>
        %add3A_3432 = arith.addf %add3A_3416, %mul3A_3431 : vector<16xf32>
        %get3A_3433 = arith.index_cast %add3A_3427 : i32 to index
        %get3A_3434 = arith.constant 16 : index
        %get3A_3435 = tpu.vector_load %arg14[%get3A_3433, %get3A_3434] {strides = array<i32>} : memref<576x32xf32, #tpu.memory_space<vmem>>, vector<16xf32>,
        %mul3A_3436 = arith.mulf %gather3A_3425, %get3A_3435 : vector<16xf32>
        %add3A_3437 = arith.addf %add3A_3421, %mul3A_3436 : vector<16xf32>
        %broadcast_in_dim3A_3438 = arith.constant 4 : i32
        %broadcast_in_dim3A_3439 = vector.broadcast %broadcast_in_dim3A_3438 : i32 to vector<16x1xi32>
        %gather3A_3440 = vector.shape_cast %broadcast_in_dim3A_3439 : vector<16x1xi32> to vector<16xi32>
        %gather3A_3441 = tpu.dynamic_gather %mul3A_3371[%gather3A_3440] in [0] : vector<16xf32>, vector<16xi32> -> vector<16xf32>
        %add3A_3442 = arith.constant 4 : i32
        %add3A_3443 = arith.addi %mul3A_3373, %add3A_3442 : i32
        %get3A_3444 = arith.index_cast %add3A_3443 : i32 to index
        %get3A_3445 = arith.constant 0 : index
        %get3A_3446 = tpu.vector_load %arg14[%get3A_3444, %get3A_3445] {strides = array<i32>} : memref<576x32xf32, #tpu.memory_space<vmem>>, vector<16xf32>,
        %mul3A_3447 = arith.mulf %gather3A_3441, %get3A_3446 : vector<16xf32>
        %add3A_3448 = arith.addf %add3A_3432, %mul3A_3447 : vector<16xf32>
        %get3A_3449 = arith.index_cast %add3A_3443 : i32 to index
        %get3A_3450 = arith.constant 16 : index
        %get3A_3451 = tpu.vector_load %arg14[%get3A_3449, %get3A_3450] {strides = array<i32>} : memref<576x32xf32, #tpu.memory_space<vmem>>, vector<16xf32>,
        %mul3A_3452 = arith.mulf %gather3A_3441, %get3A_3451 : vector<16xf32>
        %add3A_3453 = arith.addf %add3A_3437, %mul3A_3452 : vector<16xf32>
        %broadcast_in_dim3A_3454 = arith.constant 5 : i32
        %broadcast_in_dim3A_3455 = vector.broadcast %broadcast_in_dim3A_3454 : i32 to vector<16x1xi32>
        %gather3A_3456 = vector.shape_cast %broadcast_in_dim3A_3455 : vector<16x1xi32> to vector<16xi32>
        %gather3A_3457 = tpu.dynamic_gather %mul3A_3371[%gather3A_3456] in [0] : vector<16xf32>, vector<16xi32> -> vector<16xf32>
        %add3A_3458 = arith.constant 5 : i32
        %add3A_3459 = arith.addi %mul3A_3373, %add3A_3458 : i32
        %get3A_3460 = arith.index_cast %add3A_3459 : i32 to index
        %get3A_3461 = arith.constant 0 : index
        %get3A_3462 = tpu.vector_load %arg14[%get3A_3460, %get3A_3461] {strides = array<i32>} : memref<576x32xf32, #tpu.memory_space<vmem>>, vector<16xf32>,
        %mul3A_3463 = arith.mulf %gather3A_3457, %get3A_3462 : vector<16xf32>
        %add3A_3464 = arith.addf %add3A_3448, %mul3A_3463 : vector<16xf32>
        %get3A_3465 = arith.index_cast %add3A_3459 : i32 to index
        %get3A_3466 = arith.constant 16 : index
        %get3A_3467 = tpu.vector_load %arg14[%get3A_3465, %get3A_3466] {strides = array<i32>} : memref<576x32xf32, #tpu.memory_space<vmem>>, vector<16xf32>,
        %mul3A_3468 = arith.mulf %gather3A_3457, %get3A_3467 : vector<16xf32>
        %add3A_3469 = arith.addf %add3A_3453, %mul3A_3468 : vector<16xf32>
        %broadcast_in_dim3A_3470 = arith.constant 6 : i32
        %broadcast_in_dim3A_3471 = vector.broadcast %broadcast_in_dim3A_3470 : i32 to vector<16x1xi32>
        %gather3A_3472 = vector.shape_cast %broadcast_in_dim3A_3471 : vector<16x1xi32> to vector<16xi32>
        %gather3A_3473 = tpu.dynamic_gather %mul3A_3371[%gather3A_3472] in [0] : vector<16xf32>, vector<16xi32> -> vector<16xf32>
        %add3A_3474 = arith.constant 6 : i32
        %add3A_3475 = arith.addi %mul3A_3373, %add3A_3474 : i32
        %get3A_3476 = arith.index_cast %add3A_3475 : i32 to index
        %get3A_3477 = arith.constant 0 : index
        %get3A_3478 = tpu.vector_load %arg14[%get3A_3476, %get3A_3477] {strides = array<i32>} : memref<576x32xf32, #tpu.memory_space<vmem>>, vector<16xf32>,
        %mul3A_3479 = arith.mulf %gather3A_3473, %get3A_3478 : vector<16xf32>
        %add3A_3480 = arith.addf %add3A_3464, %mul3A_3479 : vector<16xf32>
        %get3A_3481 = arith.index_cast %add3A_3475 : i32 to index
        %get3A_3482 = arith.constant 16 : index
        %get3A_3483 = tpu.vector_load %arg14[%get3A_3481, %get3A_3482] {strides = array<i32>} : memref<576x32xf32, #tpu.memory_space<vmem>>, vector<16xf32>,
        %mul3A_3484 = arith.mulf %gather3A_3473, %get3A_3483 : vector<16xf32>
        %add3A_3485 = arith.addf %add3A_3469, %mul3A_3484 : vector<16xf32>
        %broadcast_in_dim3A_3486 = arith.constant 7 : i32
        %broadcast_in_dim3A_3487 = vector.broadcast %broadcast_in_dim3A_3486 : i32 to vector<16x1xi32>
        %gather3A_3488 = vector.shape_cast %broadcast_in_dim3A_3487 : vector<16x1xi32> to vector<16xi32>
        %gather3A_3489 = tpu.dynamic_gather %mul3A_3371[%gather3A_3488] in [0] : vector<16xf32>, vector<16xi32> -> vector<16xf32>
        %add3A_3490 = arith.constant 7 : i32
        %add3A_3491 = arith.addi %mul3A_3373, %add3A_3490 : i32
        %get3A_3492 = arith.index_cast %add3A_3491 : i32 to index
        %get3A_3493 = arith.constant 0 : index
        %get3A_3494 = tpu.vector_load %arg14[%get3A_3492, %get3A_3493] {strides = array<i32>} : memref<576x32xf32, #tpu.memory_space<vmem>>, vector<16xf32>,
        %mul3A_3495 = arith.mulf %gather3A_3489, %get3A_3494 : vector<16xf32>
        %add3A_3496 = arith.addf %add3A_3480, %mul3A_3495 : vector<16xf32>
        %get3A_3497 = arith.index_cast %add3A_3491 : i32 to index
        %get3A_3498 = arith.constant 16 : index
        %get3A_3499 = tpu.vector_load %arg14[%get3A_3497, %get3A_3498] {strides = array<i32>} : memref<576x32xf32, #tpu.memory_space<vmem>>, vector<16xf32>,
        %mul3A_3500 = arith.mulf %gather3A_3489, %get3A_3499 : vector<16xf32>
        %add3A_3501 = arith.addf %add3A_3485, %mul3A_3500 : vector<16xf32>
        %broadcast_in_dim3A_3502 = arith.constant 8 : i32
        %broadcast_in_dim3A_3503 = vector.broadcast %broadcast_in_dim3A_3502 : i32 to vector<16x1xi32>
        %gather3A_3504 = vector.shape_cast %broadcast_in_dim3A_3503 : vector<16x1xi32> to vector<16xi32>
        %gather3A_3505 = tpu.dynamic_gather %mul3A_3371[%gather3A_3504] in [0] : vector<16xf32>, vector<16xi32> -> vector<16xf32>
        %add3A_3506 = arith.constant 8 : i32
        %add3A_3507 = arith.addi %mul3A_3373, %add3A_3506 : i32
        %get3A_3508 = arith.index_cast %add3A_3507 : i32 to index
        %get3A_3509 = arith.constant 0 : index
        %get3A_3510 = tpu.vector_load %arg14[%get3A_3508, %get3A_3509] {strides = array<i32>} : memref<576x32xf32, #tpu.memory_space<vmem>>, vector<16xf32>,
        %mul3A_3511 = arith.mulf %gather3A_3505, %get3A_3510 : vector<16xf32>
        %add3A_3512 = arith.addf %add3A_3496, %mul3A_3511 : vector<16xf32>
        %get3A_3513 = arith.index_cast %add3A_3507 : i32 to index
        %get3A_3514 = arith.constant 16 : index
        %get3A_3515 = tpu.vector_load %arg14[%get3A_3513, %get3A_3514] {strides = array<i32>} : memref<576x32xf32, #tpu.memory_space<vmem>>, vector<16xf32>,
        %mul3A_3516 = arith.mulf %gather3A_3505, %get3A_3515 : vector<16xf32>
        %add3A_3517 = arith.addf %add3A_3501, %mul3A_3516 : vector<16xf32>
        %broadcast_in_dim3A_3518 = arith.constant 9 : i32
        %broadcast_in_dim3A_3519 = vector.broadcast %broadcast_in_dim3A_3518 : i32 to vector<16x1xi32>
        %gather3A_3520 = vector.shape_cast %broadcast_in_dim3A_3519 : vector<16x1xi32> to vector<16xi32>
        %gather3A_3521 = tpu.dynamic_gather %mul3A_3371[%gather3A_3520] in [0] : vector<16xf32>, vector<16xi32> -> vector<16xf32>
        %add3A_3522 = arith.constant 9 : i32
        %add3A_3523 = arith.addi %mul3A_3373, %add3A_3522 : i32
        %get3A_3524 = arith.index_cast %add3A_3523 : i32 to index
        %get3A_3525 = arith.constant 0 : index
        %get3A_3526 = tpu.vector_load %arg14[%get3A_3524, %get3A_3525] {strides = array<i32>} : memref<576x32xf32, #tpu.memory_space<vmem>>, vector<16xf32>,
        %mul3A_3527 = arith.mulf %gather3A_3521, %get3A_3526 : vector<16xf32>
        %add3A_3528 = arith.addf %add3A_3512, %mul3A_3527 : vector<16xf32>
        %get3A_3529 = arith.index_cast %add3A_3523 : i32 to index
        %get3A_3530 = arith.constant 16 : index
        %get3A_3531 = tpu.vector_load %arg14[%get3A_3529, %get3A_3530] {strides = array<i32>} : memref<576x32xf32, #tpu.memory_space<vmem>>, vector<16xf32>,
        %mul3A_3532 = arith.mulf %gather3A_3521, %get3A_3531 : vector<16xf32>
        %add3A_3533 = arith.addf %add3A_3517, %mul3A_3532 : vector<16xf32>
        %broadcast_in_dim3A_3534 = arith.constant 10 : i32
        %broadcast_in_dim3A_3535 = vector.broadcast %broadcast_in_dim3A_3534 : i32 to vector<16x1xi32>
        %gather3A_3536 = vector.shape_cast %broadcast_in_dim3A_3535 : vector<16x1xi32> to vector<16xi32>
        %gather3A_3537 = tpu.dynamic_gather %mul3A_3371[%gather3A_3536] in [0] : vector<16xf32>, vector<16xi32> -> vector<16xf32>
        %add3A_3538 = arith.constant 10 : i32
        %add3A_3539 = arith.addi %mul3A_3373, %add3A_3538 : i32
        %get3A_3540 = arith.index_cast %add3A_3539 : i32 to index
        %get3A_3541 = arith.constant 0 : index
        %get3A_3542 = tpu.vector_load %arg14[%get3A_3540, %get3A_3541] {strides = array<i32>} : memref<576x32xf32, #tpu.memory_space<vmem>>, vector<16xf32>,
        %mul3A_3543 = arith.mulf %gather3A_3537, %get3A_3542 : vector<16xf32>
        %add3A_3544 = arith.addf %add3A_3528, %mul3A_3543 : vector<16xf32>
        %get3A_3545 = arith.index_cast %add3A_3539 : i32 to index
        %get3A_3546 = arith.constant 16 : index
        %get3A_3547 = tpu.vector_load %arg14[%get3A_3545, %get3A_3546] {strides = array<i32>} : memref<576x32xf32, #tpu.memory_space<vmem>>, vector<16xf32>,
        %mul3A_3548 = arith.mulf %gather3A_3537, %get3A_3547 : vector<16xf32>
        %add3A_3549 = arith.addf %add3A_3533, %mul3A_3548 : vector<16xf32>
        %broadcast_in_dim3A_3550 = arith.constant 11 : i32
        %broadcast_in_dim3A_3551 = vector.broadcast %broadcast_in_dim3A_3550 : i32 to vector<16x1xi32>
        %gather3A_3552 = vector.shape_cast %broadcast_in_dim3A_3551 : vector<16x1xi32> to vector<16xi32>
        %gather3A_3553 = tpu.dynamic_gather %mul3A_3371[%gather3A_3552] in [0] : vector<16xf32>, vector<16xi32> -> vector<16xf32>
        %add3A_3554 = arith.constant 11 : i32
        %add3A_3555 = arith.addi %mul3A_3373, %add3A_3554 : i32
        %get3A_3556 = arith.index_cast %add3A_3555 : i32 to index
        %get3A_3557 = arith.constant 0 : index
        %get3A_3558 = tpu.vector_load %arg14[%get3A_3556, %get3A_3557] {strides = array<i32>} : memref<576x32xf32, #tpu.memory_space<vmem>>, vector<16xf32>,
        %mul3A_3559 = arith.mulf %gather3A_3553, %get3A_3558 : vector<16xf32>
        %add3A_3560 = arith.addf %add3A_3544, %mul3A_3559 : vector<16xf32>
        %get3A_3561 = arith.index_cast %add3A_3555 : i32 to index
        %get3A_3562 = arith.constant 16 : index
        %get3A_3563 = tpu.vector_load %arg14[%get3A_3561, %get3A_3562] {strides = array<i32>} : memref<576x32xf32, #tpu.memory_space<vmem>>, vector<16xf32>,
        %mul3A_3564 = arith.mulf %gather3A_3553, %get3A_3563 : vector<16xf32>
        %add3A_3565 = arith.addf %add3A_3549, %mul3A_3564 : vector<16xf32>
        %broadcast_in_dim3A_3566 = arith.constant 12 : i32
        %broadcast_in_dim3A_3567 = vector.broadcast %broadcast_in_dim3A_3566 : i32 to vector<16x1xi32>
        %gather3A_3568 = vector.shape_cast %broadcast_in_dim3A_3567 : vector<16x1xi32> to vector<16xi32>
        %gather3A_3569 = tpu.dynamic_gather %mul3A_3371[%gather3A_3568] in [0] : vector<16xf32>, vector<16xi32> -> vector<16xf32>
        %add3A_3570 = arith.constant 12 : i32
        %add3A_3571 = arith.addi %mul3A_3373, %add3A_3570 : i32
        %get3A_3572 = arith.index_cast %add3A_3571 : i32 to index
        %get3A_3573 = arith.constant 0 : index
        %get3A_3574 = tpu.vector_load %arg14[%get3A_3572, %get3A_3573] {strides = array<i32>} : memref<576x32xf32, #tpu.memory_space<vmem>>, vector<16xf32>,
        %mul3A_3575 = arith.mulf %gather3A_3569, %get3A_3574 : vector<16xf32>
        %add3A_3576 = arith.addf %add3A_3560, %mul3A_3575 : vector<16xf32>
        %get3A_3577 = arith.index_cast %add3A_3571 : i32 to index
        %get3A_3578 = arith.constant 16 : index
        %get3A_3579 = tpu.vector_load %arg14[%get3A_3577, %get3A_3578] {strides = array<i32>} : memref<576x32xf32, #tpu.memory_space<vmem>>, vector<16xf32>,
        %mul3A_3580 = arith.mulf %gather3A_3569, %get3A_3579 : vector<16xf32>
        %add3A_3581 = arith.addf %add3A_3565, %mul3A_3580 : vector<16xf32>
        %broadcast_in_dim3A_3582 = arith.constant 13 : i32
        %broadcast_in_dim3A_3583 = vector.broadcast %broadcast_in_dim3A_3582 : i32 to vector<16x1xi32>
        %gather3A_3584 = vector.shape_cast %broadcast_in_dim3A_3583 : vector<16x1xi32> to vector<16xi32>
        %gather3A_3585 = tpu.dynamic_gather %mul3A_3371[%gather3A_3584] in [0] : vector<16xf32>, vector<16xi32> -> vector<16xf32>
        %add3A_3586 = arith.constant 13 : i32
        %add3A_3587 = arith.addi %mul3A_3373, %add3A_3586 : i32
        %get3A_3588 = arith.index_cast %add3A_3587 : i32 to index
        %get3A_3589 = arith.constant 0 : index
        %get3A_3590 = tpu.vector_load %arg14[%get3A_3588, %get3A_3589] {strides = array<i32>} : memref<576x32xf32, #tpu.memory_space<vmem>>, vector<16xf32>,
        %mul3A_3591 = arith.mulf %gather3A_3585, %get3A_3590 : vector<16xf32>
        %add3A_3592 = arith.addf %add3A_3576, %mul3A_3591 : vector<16xf32>
        %get3A_3593 = arith.index_cast %add3A_3587 : i32 to index
        %get3A_3594 = arith.constant 16 : index
        %get3A_3595 = tpu.vector_load %arg14[%get3A_3593, %get3A_3594] {strides = array<i32>} : memref<576x32xf32, #tpu.memory_space<vmem>>, vector<16xf32>,
        %mul3A_3596 = arith.mulf %gather3A_3585, %get3A_3595 : vector<16xf32>
        %add3A_3597 = arith.addf %add3A_3581, %mul3A_3596 : vector<16xf32>
        %broadcast_in_dim3A_3598 = arith.constant 14 : i32
        %broadcast_in_dim3A_3599 = vector.broadcast %broadcast_in_dim3A_3598 : i32 to vector<16x1xi32>
        %gather3A_3600 = vector.shape_cast %broadcast_in_dim3A_3599 : vector<16x1xi32> to vector<16xi32>
        %gather3A_3601 = tpu.dynamic_gather %mul3A_3371[%gather3A_3600] in [0] : vector<16xf32>, vector<16xi32> -> vector<16xf32>
        %add3A_3602 = arith.constant 14 : i32
        %add3A_3603 = arith.addi %mul3A_3373, %add3A_3602 : i32
        %get3A_3604 = arith.index_cast %add3A_3603 : i32 to index
        %get3A_3605 = arith.constant 0 : index
        %get3A_3606 = tpu.vector_load %arg14[%get3A_3604, %get3A_3605] {strides = array<i32>} : memref<576x32xf32, #tpu.memory_space<vmem>>, vector<16xf32>,
        %mul3A_3607 = arith.mulf %gather3A_3601, %get3A_3606 : vector<16xf32>
        %add3A_3608 = arith.addf %add3A_3592, %mul3A_3607 : vector<16xf32>
        %get3A_3609 = arith.index_cast %add3A_3603 : i32 to index
        %get3A_3610 = arith.constant 16 : index
        %get3A_3611 = tpu.vector_load %arg14[%get3A_3609, %get3A_3610] {strides = array<i32>} : memref<576x32xf32, #tpu.memory_space<vmem>>, vector<16xf32>,
        %mul3A_3612 = arith.mulf %gather3A_3601, %get3A_3611 : vector<16xf32>
        %add3A_3613 = arith.addf %add3A_3597, %mul3A_3612 : vector<16xf32>
        %broadcast_in_dim3A_3614 = arith.constant 15 : i32
        %broadcast_in_dim3A_3615 = vector.broadcast %broadcast_in_dim3A_3614 : i32 to vector<16x1xi32>
        %gather3A_3616 = vector.shape_cast %broadcast_in_dim3A_3615 : vector<16x1xi32> to vector<16xi32>
        %gather3A_3617 = tpu.dynamic_gather %mul3A_3371[%gather3A_3616] in [0] : vector<16xf32>, vector<16xi32> -> vector<16xf32>
        %add3A_3618 = arith.constant 15 : i32
        %add3A_3619 = arith.addi %mul3A_3373, %add3A_3618 : i32
        %get3A_3620 = arith.index_cast %add3A_3619 : i32 to index
        %get3A_3621 = arith.constant 0 : index
        %get3A_3622 = tpu.vector_load %arg14[%get3A_3620, %get3A_3621] {strides = array<i32>} : memref<576x32xf32, #tpu.memory_space<vmem>>, vector<16xf32>,
        %mul3A_3623 = arith.mulf %gather3A_3617, %get3A_3622 : vector<16xf32>
        %add3A_3624 = arith.addf %add3A_3608, %mul3A_3623 : vector<16xf32>
        %get3A_3625 = arith.index_cast %add3A_3619 : i32 to index
        %get3A_3626 = arith.constant 16 : index
        %get3A_3627 = tpu.vector_load %arg14[%get3A_3625, %get3A_3626] {strides = array<i32>} : memref<576x32xf32, #tpu.memory_space<vmem>>, vector<16xf32>,
        %mul3A_3628 = arith.mulf %gather3A_3617, %get3A_3627 : vector<16xf32>
        %add3A_3629 = arith.addf %add3A_3613, %mul3A_3628 : vector<16xf32>
        scf.yield %add3A_3624, %add3A_3629 : vector<16xf32>, vector<16xf32>
      }
      %scan3A_787 = arith.constant 32 : i32
      %get3A = arith.constant 0 : index
      %get3A_788 = tpu.vector_load %arg13[%get3A] {strides = array<i32>} : memref<64xf32, #tpu.memory_space<vmem>>, vector<16xf32>,
      %broadcast_in_dim3A_789 = arith.constant 0 : i32
      %broadcast_in_dim3A_790 = vector.broadcast %broadcast_in_dim3A_789 : i32 to vector<16x1xi32>
      %gather3A_791 = vector.shape_cast %broadcast_in_dim3A_790 : vector<16x1xi32> to vector<16xi32>
      %gather3A_792 = tpu.dynamic_gather %get3A_788[%gather3A_791] in [0] : vector<16xf32>, vector<16xi32> -> vector<16xf32>
      %get3A_793 = arith.constant 512 : i32
      %get3A_794 = arith.index_cast %get3A_793 : i32 to index
      %get3A_795 = arith.constant 0 : index
      %get3A_796 = tpu.vector_load %arg14[%get3A_794, %get3A_795] {strides = array<i32>} : memref<576x32xf32, #tpu.memory_space<vmem>>, vector<16xf32>,
      %mul3A_797 = arith.mulf %gather3A_792, %get3A_796 : vector<16xf32>
      %add3A_798 = arith.addf %scan3A_786#0, %mul3A_797 : vector<16xf32>
      %get3A_799 = arith.constant 512 : i32
      %get3A_800 = arith.index_cast %get3A_799 : i32 to index
      %get3A_801 = arith.constant 16 : index
      %get3A_802 = tpu.vector_load %arg14[%get3A_800, %get3A_801] {strides = array<i32>} : memref<576x32xf32, #tpu.memory_space<vmem>>, vector<16xf32>,
      %mul3A_803 = arith.mulf %gather3A_792, %get3A_802 : vector<16xf32>
      %add3A_804 = arith.addf %scan3A_786#1, %mul3A_803 : vector<16xf32>
      %broadcast_in_dim3A_805 = arith.constant 1 : i32
      %broadcast_in_dim3A_806 = vector.broadcast %broadcast_in_dim3A_805 : i32 to vector<16x1xi32>
      %gather3A_807 = vector.shape_cast %broadcast_in_dim3A_806 : vector<16x1xi32> to vector<16xi32>
      %gather3A_808 = tpu.dynamic_gather %get3A_788[%gather3A_807] in [0] : vector<16xf32>, vector<16xi32> -> vector<16xf32>
      %get3A_809 = arith.constant 513 : i32
      %get3A_810 = arith.index_cast %get3A_809 : i32 to index
      %get3A_811 = arith.constant 0 : index
      %get3A_812 = tpu.vector_load %arg14[%get3A_810, %get3A_811] {strides = array<i32>} : memref<576x32xf32, #tpu.memory_space<vmem>>, vector<16xf32>,
      %mul3A_813 = arith.mulf %gather3A_808, %get3A_812 : vector<16xf32>
      %add3A_814 = arith.addf %add3A_798, %mul3A_813 : vector<16xf32>
      %get3A_815 = arith.constant 513 : i32
      %get3A_816 = arith.index_cast %get3A_815 : i32 to index
      %get3A_817 = arith.constant 16 : index
      %get3A_818 = tpu.vector_load %arg14[%get3A_816, %get3A_817] {strides = array<i32>} : memref<576x32xf32, #tpu.memory_space<vmem>>, vector<16xf32>,
      %mul3A_819 = arith.mulf %gather3A_808, %get3A_818 : vector<16xf32>
      %add3A_820 = arith.addf %add3A_804, %mul3A_819 : vector<16xf32>
      %broadcast_in_dim3A_821 = arith.constant 2 : i32
      %broadcast_in_dim3A_822 = vector.broadcast %broadcast_in_dim3A_821 : i32 to vector<16x1xi32>
      %gather3A_823 = vector.shape_cast %broadcast_in_dim3A_822 : vector<16x1xi32> to vector<16xi32>
      %gather3A_824 = tpu.dynamic_gather %get3A_788[%gather3A_823] in [0] : vector<16xf32>, vector<16xi32> -> vector<16xf32>
      %get3A_825 = arith.constant 514 : i32
      %get3A_826 = arith.index_cast %get3A_825 : i32 to index
      %get3A_827 = arith.constant 0 : index
      %get3A_828 = tpu.vector_load %arg14[%get3A_826, %get3A_827] {strides = array<i32>} : memref<576x32xf32, #tpu.memory_space<vmem>>, vector<16xf32>,
      %mul3A_829 = arith.mulf %gather3A_824, %get3A_828 : vector<16xf32>
      %add3A_830 = arith.addf %add3A_814, %mul3A_829 : vector<16xf32>
      %get3A_831 = arith.constant 514 : i32
      %get3A_832 = arith.index_cast %get3A_831 : i32 to index
      %get3A_833 = arith.constant 16 : index
      %get3A_834 = tpu.vector_load %arg14[%get3A_832, %get3A_833] {strides = array<i32>} : memref<576x32xf32, #tpu.memory_space<vmem>>, vector<16xf32>,
      %mul3A_835 = arith.mulf %gather3A_824, %get3A_834 : vector<16xf32>
      %add3A_836 = arith.addf %add3A_820, %mul3A_835 : vector<16xf32>
      %broadcast_in_dim3A_837 = arith.constant 3 : i32
      %broadcast_in_dim3A_838 = vector.broadcast %broadcast_in_dim3A_837 : i32 to vector<16x1xi32>
      %gather3A_839 = vector.shape_cast %broadcast_in_dim3A_838 : vector<16x1xi32> to vector<16xi32>
      %gather3A_840 = tpu.dynamic_gather %get3A_788[%gather3A_839] in [0] : vector<16xf32>, vector<16xi32> -> vector<16xf32>
      %get3A_841 = arith.constant 515 : i32
      %get3A_842 = arith.index_cast %get3A_841 : i32 to index
      %get3A_843 = arith.constant 0 : index
      %get3A_844 = tpu.vector_load %arg14[%get3A_842, %get3A_843] {strides = array<i32>} : memref<576x32xf32, #tpu.memory_space<vmem>>, vector<16xf32>,
      %mul3A_845 = arith.mulf %gather3A_840, %get3A_844 : vector<16xf32>
      %add3A_846 = arith.addf %add3A_830, %mul3A_845 : vector<16xf32>
      %get3A_847 = arith.constant 515 : i32
      %get3A_848 = arith.index_cast %get3A_847 : i32 to index
      %get3A_849 = arith.constant 16 : index
      %get3A_850 = tpu.vector_load %arg14[%get3A_848, %get3A_849] {strides = array<i32>} : memref<576x32xf32, #tpu.memory_space<vmem>>, vector<16xf32>,
      %mul3A_851 = arith.mulf %gather3A_840, %get3A_850 : vector<16xf32>
      %add3A_852 = arith.addf %add3A_836, %mul3A_851 : vector<16xf32>
      %broadcast_in_dim3A_853 = arith.constant 4 : i32
      %broadcast_in_dim3A_854 = vector.broadcast %broadcast_in_dim3A_853 : i32 to vector<16x1xi32>
      %gather3A_855 = vector.shape_cast %broadcast_in_dim3A_854 : vector<16x1xi32> to vector<16xi32>
      %gather3A_856 = tpu.dynamic_gather %get3A_788[%gather3A_855] in [0] : vector<16xf32>, vector<16xi32> -> vector<16xf32>
      %get3A_857 = arith.constant 516 : i32
      %get3A_858 = arith.index_cast %get3A_857 : i32 to index
      %get3A_859 = arith.constant 0 : index
      %get3A_860 = tpu.vector_load %arg14[%get3A_858, %get3A_859] {strides = array<i32>} : memref<576x32xf32, #tpu.memory_space<vmem>>, vector<16xf32>,
      %mul3A_861 = arith.mulf %gather3A_856, %get3A_860 : vector<16xf32>
      %add3A_862 = arith.addf %add3A_846, %mul3A_861 : vector<16xf32>
      %get3A_863 = arith.constant 516 : i32
      %get3A_864 = arith.index_cast %get3A_863 : i32 to index
      %get3A_865 = arith.constant 16 : index
      %get3A_866 = tpu.vector_load %arg14[%get3A_864, %get3A_865] {strides = array<i32>} : memref<576x32xf32, #tpu.memory_space<vmem>>, vector<16xf32>,
      %mul3A_867 = arith.mulf %gather3A_856, %get3A_866 : vector<16xf32>
      %add3A_868 = arith.addf %add3A_852, %mul3A_867 : vector<16xf32>
      %broadcast_in_dim3A_869 = arith.constant 5 : i32
      %broadcast_in_dim3A_870 = vector.broadcast %broadcast_in_dim3A_869 : i32 to vector<16x1xi32>
      %gather3A_871 = vector.shape_cast %broadcast_in_dim3A_870 : vector<16x1xi32> to vector<16xi32>
      %gather3A_872 = tpu.dynamic_gather %get3A_788[%gather3A_871] in [0] : vector<16xf32>, vector<16xi32> -> vector<16xf32>
      %get3A_873 = arith.constant 517 : i32
      %get3A_874 = arith.index_cast %get3A_873 : i32 to index
      %get3A_875 = arith.constant 0 : index
      %get3A_876 = tpu.vector_load %arg14[%get3A_874, %get3A_875] {strides = array<i32>} : memref<576x32xf32, #tpu.memory_space<vmem>>, vector<16xf32>,
      %mul3A_877 = arith.mulf %gather3A_872, %get3A_876 : vector<16xf32>
      %add3A_878 = arith.addf %add3A_862, %mul3A_877 : vector<16xf32>
      %get3A_879 = arith.constant 517 : i32
      %get3A_880 = arith.index_cast %get3A_879 : i32 to index
      %get3A_881 = arith.constant 16 : index
      %get3A_882 = tpu.vector_load %arg14[%get3A_880, %get3A_881] {strides = array<i32>} : memref<576x32xf32, #tpu.memory_space<vmem>>, vector<16xf32>,
      %mul3A_883 = arith.mulf %gather3A_872, %get3A_882 : vector<16xf32>
      %add3A_884 = arith.addf %add3A_868, %mul3A_883 : vector<16xf32>
      %broadcast_in_dim3A_885 = arith.constant 6 : i32
      %broadcast_in_dim3A_886 = vector.broadcast %broadcast_in_dim3A_885 : i32 to vector<16x1xi32>
      %gather3A_887 = vector.shape_cast %broadcast_in_dim3A_886 : vector<16x1xi32> to vector<16xi32>
      %gather3A_888 = tpu.dynamic_gather %get3A_788[%gather3A_887] in [0] : vector<16xf32>, vector<16xi32> -> vector<16xf32>
      %get3A_889 = arith.constant 518 : i32
      %get3A_890 = arith.index_cast %get3A_889 : i32 to index
      %get3A_891 = arith.constant 0 : index
      %get3A_892 = tpu.vector_load %arg14[%get3A_890, %get3A_891] {strides = array<i32>} : memref<576x32xf32, #tpu.memory_space<vmem>>, vector<16xf32>,
      %mul3A_893 = arith.mulf %gather3A_888, %get3A_892 : vector<16xf32>
      %add3A_894 = arith.addf %add3A_878, %mul3A_893 : vector<16xf32>
      %get3A_895 = arith.constant 518 : i32
      %get3A_896 = arith.index_cast %get3A_895 : i32 to index
      %get3A_897 = arith.constant 16 : index
      %get3A_898 = tpu.vector_load %arg14[%get3A_896, %get3A_897] {strides = array<i32>} : memref<576x32xf32, #tpu.memory_space<vmem>>, vector<16xf32>,
      %mul3A_899 = arith.mulf %gather3A_888, %get3A_898 : vector<16xf32>
      %add3A_900 = arith.addf %add3A_884, %mul3A_899 : vector<16xf32>
      %broadcast_in_dim3A_901 = arith.constant 7 : i32
      %broadcast_in_dim3A_902 = vector.broadcast %broadcast_in_dim3A_901 : i32 to vector<16x1xi32>
      %gather3A_903 = vector.shape_cast %broadcast_in_dim3A_902 : vector<16x1xi32> to vector<16xi32>
      %gather3A_904 = tpu.dynamic_gather %get3A_788[%gather3A_903] in [0] : vector<16xf32>, vector<16xi32> -> vector<16xf32>
      %get3A_905 = arith.constant 519 : i32
      %get3A_906 = arith.index_cast %get3A_905 : i32 to index
      %get3A_907 = arith.constant 0 : index
      %get3A_908 = tpu.vector_load %arg14[%get3A_906, %get3A_907] {strides = array<i32>} : memref<576x32xf32, #tpu.memory_space<vmem>>, vector<16xf32>,
      %mul3A_909 = arith.mulf %gather3A_904, %get3A_908 : vector<16xf32>
      %add3A_910 = arith.addf %add3A_894, %mul3A_909 : vector<16xf32>
      %get3A_911 = arith.constant 519 : i32
      %get3A_912 = arith.index_cast %get3A_911 : i32 to index
      %get3A_913 = arith.constant 16 : index
      %get3A_914 = tpu.vector_load %arg14[%get3A_912, %get3A_913] {strides = array<i32>} : memref<576x32xf32, #tpu.memory_space<vmem>>, vector<16xf32>,
      %mul3A_915 = arith.mulf %gather3A_904, %get3A_914 : vector<16xf32>
      %add3A_916 = arith.addf %add3A_900, %mul3A_915 : vector<16xf32>
      %broadcast_in_dim3A_917 = arith.constant 8 : i32
      %broadcast_in_dim3A_918 = vector.broadcast %broadcast_in_dim3A_917 : i32 to vector<16x1xi32>
      %gather3A_919 = vector.shape_cast %broadcast_in_dim3A_918 : vector<16x1xi32> to vector<16xi32>
      %gather3A_920 = tpu.dynamic_gather %get3A_788[%gather3A_919] in [0] : vector<16xf32>, vector<16xi32> -> vector<16xf32>
      %get3A_921 = arith.constant 520 : i32
      %get3A_922 = arith.index_cast %get3A_921 : i32 to index
      %get3A_923 = arith.constant 0 : index
      %get3A_924 = tpu.vector_load %arg14[%get3A_922, %get3A_923] {strides = array<i32>} : memref<576x32xf32, #tpu.memory_space<vmem>>, vector<16xf32>,
      %mul3A_925 = arith.mulf %gather3A_920, %get3A_924 : vector<16xf32>
      %add3A_926 = arith.addf %add3A_910, %mul3A_925 : vector<16xf32>
      %get3A_927 = arith.constant 520 : i32
      %get3A_928 = arith.index_cast %get3A_927 : i32 to index
      %get3A_929 = arith.constant 16 : index
      %get3A_930 = tpu.vector_load %arg14[%get3A_928, %get3A_929] {strides = array<i32>} : memref<576x32xf32, #tpu.memory_space<vmem>>, vector<16xf32>,
      %mul3A_931 = arith.mulf %gather3A_920, %get3A_930 : vector<16xf32>
      %add3A_932 = arith.addf %add3A_916, %mul3A_931 : vector<16xf32>
      %broadcast_in_dim3A_933 = arith.constant 9 : i32
      %broadcast_in_dim3A_934 = vector.broadcast %broadcast_in_dim3A_933 : i32 to vector<16x1xi32>
      %gather3A_935 = vector.shape_cast %broadcast_in_dim3A_934 : vector<16x1xi32> to vector<16xi32>
      %gather3A_936 = tpu.dynamic_gather %get3A_788[%gather3A_935] in [0] : vector<16xf32>, vector<16xi32> -> vector<16xf32>
      %get3A_937 = arith.constant 521 : i32
      %get3A_938 = arith.index_cast %get3A_937 : i32 to index
      %get3A_939 = arith.constant 0 : index
      %get3A_940 = tpu.vector_load %arg14[%get3A_938, %get3A_939] {strides = array<i32>} : memref<576x32xf32, #tpu.memory_space<vmem>>, vector<16xf32>,
      %mul3A_941 = arith.mulf %gather3A_936, %get3A_940 : vector<16xf32>
      %add3A_942 = arith.addf %add3A_926, %mul3A_941 : vector<16xf32>
      %get3A_943 = arith.constant 521 : i32
      %get3A_944 = arith.index_cast %get3A_943 : i32 to index
      %get3A_945 = arith.constant 16 : index
      %get3A_946 = tpu.vector_load %arg14[%get3A_944, %get3A_945] {strides = array<i32>} : memref<576x32xf32, #tpu.memory_space<vmem>>, vector<16xf32>,
      %mul3A_947 = arith.mulf %gather3A_936, %get3A_946 : vector<16xf32>
      %add3A_948 = arith.addf %add3A_932, %mul3A_947 : vector<16xf32>
      %broadcast_in_dim3A_949 = arith.constant 10 : i32
      %broadcast_in_dim3A_950 = vector.broadcast %broadcast_in_dim3A_949 : i32 to vector<16x1xi32>
      %gather3A_951 = vector.shape_cast %broadcast_in_dim3A_950 : vector<16x1xi32> to vector<16xi32>
      %gather3A_952 = tpu.dynamic_gather %get3A_788[%gather3A_951] in [0] : vector<16xf32>, vector<16xi32> -> vector<16xf32>
      %get3A_953 = arith.constant 522 : i32
      %get3A_954 = arith.index_cast %get3A_953 : i32 to index
      %get3A_955 = arith.constant 0 : index
      %get3A_956 = tpu.vector_load %arg14[%get3A_954, %get3A_955] {strides = array<i32>} : memref<576x32xf32, #tpu.memory_space<vmem>>, vector<16xf32>,
      %mul3A_957 = arith.mulf %gather3A_952, %get3A_956 : vector<16xf32>
      %add3A_958 = arith.addf %add3A_942, %mul3A_957 : vector<16xf32>
      %get3A_959 = arith.constant 522 : i32
      %get3A_960 = arith.index_cast %get3A_959 : i32 to index
      %get3A_961 = arith.constant 16 : index
      %get3A_962 = tpu.vector_load %arg14[%get3A_960, %get3A_961] {strides = array<i32>} : memref<576x32xf32, #tpu.memory_space<vmem>>, vector<16xf32>,
      %mul3A_963 = arith.mulf %gather3A_952, %get3A_962 : vector<16xf32>
      %add3A_964 = arith.addf %add3A_948, %mul3A_963 : vector<16xf32>
      %broadcast_in_dim3A_965 = arith.constant 11 : i32
      %broadcast_in_dim3A_966 = vector.broadcast %broadcast_in_dim3A_965 : i32 to vector<16x1xi32>
      %gather3A_967 = vector.shape_cast %broadcast_in_dim3A_966 : vector<16x1xi32> to vector<16xi32>
      %gather3A_968 = tpu.dynamic_gather %get3A_788[%gather3A_967] in [0] : vector<16xf32>, vector<16xi32> -> vector<16xf32>
      %get3A_969 = arith.constant 523 : i32
      %get3A_970 = arith.index_cast %get3A_969 : i32 to index
      %get3A_971 = arith.constant 0 : index
      %get3A_972 = tpu.vector_load %arg14[%get3A_970, %get3A_971] {strides = array<i32>} : memref<576x32xf32, #tpu.memory_space<vmem>>, vector<16xf32>,
      %mul3A_973 = arith.mulf %gather3A_968, %get3A_972 : vector<16xf32>
      %add3A_974 = arith.addf %add3A_958, %mul3A_973 : vector<16xf32>
      %get3A_975 = arith.constant 523 : i32
      %get3A_976 = arith.index_cast %get3A_975 : i32 to index
      %get3A_977 = arith.constant 16 : index
      %get3A_978 = tpu.vector_load %arg14[%get3A_976, %get3A_977] {strides = array<i32>} : memref<576x32xf32, #tpu.memory_space<vmem>>, vector<16xf32>,
      %mul3A_979 = arith.mulf %gather3A_968, %get3A_978 : vector<16xf32>
      %add3A_980 = arith.addf %add3A_964, %mul3A_979 : vector<16xf32>
      %broadcast_in_dim3A_981 = arith.constant 12 : i32
      %broadcast_in_dim3A_982 = vector.broadcast %broadcast_in_dim3A_981 : i32 to vector<16x1xi32>
      %gather3A_983 = vector.shape_cast %broadcast_in_dim3A_982 : vector<16x1xi32> to vector<16xi32>
      %gather3A_984 = tpu.dynamic_gather %get3A_788[%gather3A_983] in [0] : vector<16xf32>, vector<16xi32> -> vector<16xf32>
      %get3A_985 = arith.constant 524 : i32
      %get3A_986 = arith.index_cast %get3A_985 : i32 to index
      %get3A_987 = arith.constant 0 : index
      %get3A_988 = tpu.vector_load %arg14[%get3A_986, %get3A_987] {strides = array<i32>} : memref<576x32xf32, #tpu.memory_space<vmem>>, vector<16xf32>,
      %mul3A_989 = arith.mulf %gather3A_984, %get3A_988 : vector<16xf32>
      %add3A_990 = arith.addf %add3A_974, %mul3A_989 : vector<16xf32>
      %get3A_991 = arith.constant 524 : i32
      %get3A_992 = arith.index_cast %get3A_991 : i32 to index
      %get3A_993 = arith.constant 16 : index
      %get3A_994 = tpu.vector_load %arg14[%get3A_992, %get3A_993] {strides = array<i32>} : memref<576x32xf32, #tpu.memory_space<vmem>>, vector<16xf32>,
      %mul3A_995 = arith.mulf %gather3A_984, %get3A_994 : vector<16xf32>
      %add3A_996 = arith.addf %add3A_980, %mul3A_995 : vector<16xf32>
      %broadcast_in_dim3A_997 = arith.constant 13 : i32
      %broadcast_in_dim3A_998 = vector.broadcast %broadcast_in_dim3A_997 : i32 to vector<16x1xi32>
      %gather3A_999 = vector.shape_cast %broadcast_in_dim3A_998 : vector<16x1xi32> to vector<16xi32>
      %gather3A_1000 = tpu.dynamic_gather %get3A_788[%gather3A_999] in [0] : vector<16xf32>, vector<16xi32> -> vector<16xf32>
      %get3A_1001 = arith.constant 525 : i32
      %get3A_1002 = arith.index_cast %get3A_1001 : i32 to index
      %get3A_1003 = arith.constant 0 : index
      %get3A_1004 = tpu.vector_load %arg14[%get3A_1002, %get3A_1003] {strides = array<i32>} : memref<576x32xf32, #tpu.memory_space<vmem>>, vector<16xf32>,
      %mul3A_1005 = arith.mulf %gather3A_1000, %get3A_1004 : vector<16xf32>
      %add3A_1006 = arith.addf %add3A_990, %mul3A_1005 : vector<16xf32>
      %get3A_1007 = arith.constant 525 : i32
      %get3A_1008 = arith.index_cast %get3A_1007 : i32 to index
      %get3A_1009 = arith.constant 16 : index
      %get3A_1010 = tpu.vector_load %arg14[%get3A_1008, %get3A_1009] {strides = array<i32>} : memref<576x32xf32, #tpu.memory_space<vmem>>, vector<16xf32>,
      %mul3A_1011 = arith.mulf %gather3A_1000, %get3A_1010 : vector<16xf32>
      %add3A_1012 = arith.addf %add3A_996, %mul3A_1011 : vector<16xf32>
      %broadcast_in_dim3A_1013 = arith.constant 14 : i32
      %broadcast_in_dim3A_1014 = vector.broadcast %broadcast_in_dim3A_1013 : i32 to vector<16x1xi32>
      %gather3A_1015 = vector.shape_cast %broadcast_in_dim3A_1014 : vector<16x1xi32> to vector<16xi32>
      %gather3A_1016 = tpu.dynamic_gather %get3A_788[%gather3A_1015] in [0] : vector<16xf32>, vector<16xi32> -> vector<16xf32>
      %get3A_1017 = arith.constant 526 : i32
      %get3A_1018 = arith.index_cast %get3A_1017 : i32 to index
      %get3A_1019 = arith.constant 0 : index
      %get3A_1020 = tpu.vector_load %arg14[%get3A_1018, %get3A_1019] {strides = array<i32>} : memref<576x32xf32, #tpu.memory_space<vmem>>, vector<16xf32>,
      %mul3A_1021 = arith.mulf %gather3A_1016, %get3A_1020 : vector<16xf32>
      %add3A_1022 = arith.addf %add3A_1006, %mul3A_1021 : vector<16xf32>
      %get3A_1023 = arith.constant 526 : i32
      %get3A_1024 = arith.index_cast %get3A_1023 : i32 to index
      %get3A_1025 = arith.constant 16 : index
      %get3A_1026 = tpu.vector_load %arg14[%get3A_1024, %get3A_1025] {strides = array<i32>} : memref<576x32xf32, #tpu.memory_space<vmem>>, vector<16xf32>,
      %mul3A_1027 = arith.mulf %gather3A_1016, %get3A_1026 : vector<16xf32>
      %add3A_1028 = arith.addf %add3A_1012, %mul3A_1027 : vector<16xf32>
      %broadcast_in_dim3A_1029 = arith.constant 15 : i32
      %broadcast_in_dim3A_1030 = vector.broadcast %broadcast_in_dim3A_1029 : i32 to vector<16x1xi32>
      %gather3A_1031 = vector.shape_cast %broadcast_in_dim3A_1030 : vector<16x1xi32> to vector<16xi32>
      %gather3A_1032 = tpu.dynamic_gather %get3A_788[%gather3A_1031] in [0] : vector<16xf32>, vector<16xi32> -> vector<16xf32>
      %get3A_1033 = arith.constant 527 : i32
      %get3A_1034 = arith.index_cast %get3A_1033 : i32 to index
      %get3A_1035 = arith.constant 0 : index
      %get3A_1036 = tpu.vector_load %arg14[%get3A_1034, %get3A_1035] {strides = array<i32>} : memref<576x32xf32, #tpu.memory_space<vmem>>, vector<16xf32>,
      %mul3A_1037 = arith.mulf %gather3A_1032, %get3A_1036 : vector<16xf32>
      %add3A_1038 = arith.addf %add3A_1022, %mul3A_1037 : vector<16xf32>
      %get3A_1039 = arith.constant 527 : i32
      %get3A_1040 = arith.index_cast %get3A_1039 : i32 to index
      %get3A_1041 = arith.constant 16 : index
      %get3A_1042 = tpu.vector_load %arg14[%get3A_1040, %get3A_1041] {strides = array<i32>} : memref<576x32xf32, #tpu.memory_space<vmem>>, vector<16xf32>,
      %mul3A_1043 = arith.mulf %gather3A_1032, %get3A_1042 : vector<16xf32>
      %add3A_1044 = arith.addf %add3A_1028, %mul3A_1043 : vector<16xf32>
      %get3A_1045 = arith.constant 16 : index
      %get3A_1046 = tpu.vector_load %arg13[%get3A_1045] {strides = array<i32>} : memref<64xf32, #tpu.memory_space<vmem>>, vector<16xf32>,
      %broadcast_in_dim3A_1047 = arith.constant 0 : i32
      %broadcast_in_dim3A_1048 = vector.broadcast %broadcast_in_dim3A_1047 : i32 to vector<16x1xi32>
      %gather3A_1049 = vector.shape_cast %broadcast_in_dim3A_1048 : vector<16x1xi32> to vector<16xi32>
      %gather3A_1050 = tpu.dynamic_gather %get3A_1046[%gather3A_1049] in [0] : vector<16xf32>, vector<16xi32> -> vector<16xf32>
      %get3A_1051 = arith.constant 528 : i32
      %get3A_1052 = arith.index_cast %get3A_1051 : i32 to index
      %get3A_1053 = arith.constant 0 : index
      %get3A_1054 = tpu.vector_load %arg14[%get3A_1052, %get3A_1053] {strides = array<i32>} : memref<576x32xf32, #tpu.memory_space<vmem>>, vector<16xf32>,
      %mul3A_1055 = arith.mulf %gather3A_1050, %get3A_1054 : vector<16xf32>
      %add3A_1056 = arith.addf %add3A_1038, %mul3A_1055 : vector<16xf32>
      %get3A_1057 = arith.constant 528 : i32
      %get3A_1058 = arith.index_cast %get3A_1057 : i32 to index
      %get3A_1059 = arith.constant 16 : index
      %get3A_1060 = tpu.vector_load %arg14[%get3A_1058, %get3A_1059] {strides = array<i32>} : memref<576x32xf32, #tpu.memory_space<vmem>>, vector<16xf32>,
      %mul3A_1061 = arith.mulf %gather3A_1050, %get3A_1060 : vector<16xf32>
      %add3A_1062 = arith.addf %add3A_1044, %mul3A_1061 : vector<16xf32>
      %broadcast_in_dim3A_1063 = arith.constant 1 : i32
      %broadcast_in_dim3A_1064 = vector.broadcast %broadcast_in_dim3A_1063 : i32 to vector<16x1xi32>
      %gather3A_1065 = vector.shape_cast %broadcast_in_dim3A_1064 : vector<16x1xi32> to vector<16xi32>
      %gather3A_1066 = tpu.dynamic_gather %get3A_1046[%gather3A_1065] in [0] : vector<16xf32>, vector<16xi32> -> vector<16xf32>
      %get3A_1067 = arith.constant 529 : i32
      %get3A_1068 = arith.index_cast %get3A_1067 : i32 to index
      %get3A_1069 = arith.constant 0 : index
      %get3A_1070 = tpu.vector_load %arg14[%get3A_1068, %get3A_1069] {strides = array<i32>} : memref<576x32xf32, #tpu.memory_space<vmem>>, vector<16xf32>,
      %mul3A_1071 = arith.mulf %gather3A_1066, %get3A_1070 : vector<16xf32>
      %add3A_1072 = arith.addf %add3A_1056, %mul3A_1071 : vector<16xf32>
      %get3A_1073 = arith.constant 529 : i32
      %get3A_1074 = arith.index_cast %get3A_1073 : i32 to index
      %get3A_1075 = arith.constant 16 : index
      %get3A_1076 = tpu.vector_load %arg14[%get3A_1074, %get3A_1075] {strides = array<i32>} : memref<576x32xf32, #tpu.memory_space<vmem>>, vector<16xf32>,
      %mul3A_1077 = arith.mulf %gather3A_1066, %get3A_1076 : vector<16xf32>
      %add3A_1078 = arith.addf %add3A_1062, %mul3A_1077 : vector<16xf32>
      %broadcast_in_dim3A_1079 = arith.constant 2 : i32
      %broadcast_in_dim3A_1080 = vector.broadcast %broadcast_in_dim3A_1079 : i32 to vector<16x1xi32>
      %gather3A_1081 = vector.shape_cast %broadcast_in_dim3A_1080 : vector<16x1xi32> to vector<16xi32>
      %gather3A_1082 = tpu.dynamic_gather %get3A_1046[%gather3A_1081] in [0] : vector<16xf32>, vector<16xi32> -> vector<16xf32>
      %get3A_1083 = arith.constant 530 : i32
      %get3A_1084 = arith.index_cast %get3A_1083 : i32 to index
      %get3A_1085 = arith.constant 0 : index
      %get3A_1086 = tpu.vector_load %arg14[%get3A_1084, %get3A_1085] {strides = array<i32>} : memref<576x32xf32, #tpu.memory_space<vmem>>, vector<16xf32>,
      %mul3A_1087 = arith.mulf %gather3A_1082, %get3A_1086 : vector<16xf32>
      %add3A_1088 = arith.addf %add3A_1072, %mul3A_1087 : vector<16xf32>
      %get3A_1089 = arith.constant 530 : i32
      %get3A_1090 = arith.index_cast %get3A_1089 : i32 to index
      %get3A_1091 = arith.constant 16 : index
      %get3A_1092 = tpu.vector_load %arg14[%get3A_1090, %get3A_1091] {strides = array<i32>} : memref<576x32xf32, #tpu.memory_space<vmem>>, vector<16xf32>,
      %mul3A_1093 = arith.mulf %gather3A_1082, %get3A_1092 : vector<16xf32>
      %add3A_1094 = arith.addf %add3A_1078, %mul3A_1093 : vector<16xf32>
      %broadcast_in_dim3A_1095 = arith.constant 3 : i32
      %broadcast_in_dim3A_1096 = vector.broadcast %broadcast_in_dim3A_1095 : i32 to vector<16x1xi32>
      %gather3A_1097 = vector.shape_cast %broadcast_in_dim3A_1096 : vector<16x1xi32> to vector<16xi32>
      %gather3A_1098 = tpu.dynamic_gather %get3A_1046[%gather3A_1097] in [0] : vector<16xf32>, vector<16xi32> -> vector<16xf32>
      %get3A_1099 = arith.constant 531 : i32
      %get3A_1100 = arith.index_cast %get3A_1099 : i32 to index
      %get3A_1101 = arith.constant 0 : index
      %get3A_1102 = tpu.vector_load %arg14[%get3A_1100, %get3A_1101] {strides = array<i32>} : memref<576x32xf32, #tpu.memory_space<vmem>>, vector<16xf32>,
      %mul3A_1103 = arith.mulf %gather3A_1098, %get3A_1102 : vector<16xf32>
      %add3A_1104 = arith.addf %add3A_1088, %mul3A_1103 : vector<16xf32>
      %get3A_1105 = arith.constant 531 : i32
      %get3A_1106 = arith.index_cast %get3A_1105 : i32 to index
      %get3A_1107 = arith.constant 16 : index
      %get3A_1108 = tpu.vector_load %arg14[%get3A_1106, %get3A_1107] {strides = array<i32>} : memref<576x32xf32, #tpu.memory_space<vmem>>, vector<16xf32>,
      %mul3A_1109 = arith.mulf %gather3A_1098, %get3A_1108 : vector<16xf32>
      %add3A_1110 = arith.addf %add3A_1094, %mul3A_1109 : vector<16xf32>
      %broadcast_in_dim3A_1111 = arith.constant 4 : i32
      %broadcast_in_dim3A_1112 = vector.broadcast %broadcast_in_dim3A_1111 : i32 to vector<16x1xi32>
      %gather3A_1113 = vector.shape_cast %broadcast_in_dim3A_1112 : vector<16x1xi32> to vector<16xi32>
      %gather3A_1114 = tpu.dynamic_gather %get3A_1046[%gather3A_1113] in [0] : vector<16xf32>, vector<16xi32> -> vector<16xf32>
      %get3A_1115 = arith.constant 532 : i32
      %get3A_1116 = arith.index_cast %get3A_1115 : i32 to index
      %get3A_1117 = arith.constant 0 : index
      %get3A_1118 = tpu.vector_load %arg14[%get3A_1116, %get3A_1117] {strides = array<i32>} : memref<576x32xf32, #tpu.memory_space<vmem>>, vector<16xf32>,
      %mul3A_1119 = arith.mulf %gather3A_1114, %get3A_1118 : vector<16xf32>
      %add3A_1120 = arith.addf %add3A_1104, %mul3A_1119 : vector<16xf32>
      %get3A_1121 = arith.constant 532 : i32
      %get3A_1122 = arith.index_cast %get3A_1121 : i32 to index
      %get3A_1123 = arith.constant 16 : index
      %get3A_1124 = tpu.vector_load %arg14[%get3A_1122, %get3A_1123] {strides = array<i32>} : memref<576x32xf32, #tpu.memory_space<vmem>>, vector<16xf32>,
      %mul3A_1125 = arith.mulf %gather3A_1114, %get3A_1124 : vector<16xf32>
      %add3A_1126 = arith.addf %add3A_1110, %mul3A_1125 : vector<16xf32>
      %broadcast_in_dim3A_1127 = arith.constant 5 : i32
      %broadcast_in_dim3A_1128 = vector.broadcast %broadcast_in_dim3A_1127 : i32 to vector<16x1xi32>
      %gather3A_1129 = vector.shape_cast %broadcast_in_dim3A_1128 : vector<16x1xi32> to vector<16xi32>
      %gather3A_1130 = tpu.dynamic_gather %get3A_1046[%gather3A_1129] in [0] : vector<16xf32>, vector<16xi32> -> vector<16xf32>
      %get3A_1131 = arith.constant 533 : i32
      %get3A_1132 = arith.index_cast %get3A_1131 : i32 to index
      %get3A_1133 = arith.constant 0 : index
      %get3A_1134 = tpu.vector_load %arg14[%get3A_1132, %get3A_1133] {strides = array<i32>} : memref<576x32xf32, #tpu.memory_space<vmem>>, vector<16xf32>,
      %mul3A_1135 = arith.mulf %gather3A_1130, %get3A_1134 : vector<16xf32>
      %add3A_1136 = arith.addf %add3A_1120, %mul3A_1135 : vector<16xf32>
      %get3A_1137 = arith.constant 533 : i32
      %get3A_1138 = arith.index_cast %get3A_1137 : i32 to index
      %get3A_1139 = arith.constant 16 : index
      %get3A_1140 = tpu.vector_load %arg14[%get3A_1138, %get3A_1139] {strides = array<i32>} : memref<576x32xf32, #tpu.memory_space<vmem>>, vector<16xf32>,
      %mul3A_1141 = arith.mulf %gather3A_1130, %get3A_1140 : vector<16xf32>
      %add3A_1142 = arith.addf %add3A_1126, %mul3A_1141 : vector<16xf32>
      %broadcast_in_dim3A_1143 = arith.constant 6 : i32
      %broadcast_in_dim3A_1144 = vector.broadcast %broadcast_in_dim3A_1143 : i32 to vector<16x1xi32>
      %gather3A_1145 = vector.shape_cast %broadcast_in_dim3A_1144 : vector<16x1xi32> to vector<16xi32>
      %gather3A_1146 = tpu.dynamic_gather %get3A_1046[%gather3A_1145] in [0] : vector<16xf32>, vector<16xi32> -> vector<16xf32>
      %get3A_1147 = arith.constant 534 : i32
      %get3A_1148 = arith.index_cast %get3A_1147 : i32 to index
      %get3A_1149 = arith.constant 0 : index
      %get3A_1150 = tpu.vector_load %arg14[%get3A_1148, %get3A_1149] {strides = array<i32>} : memref<576x32xf32, #tpu.memory_space<vmem>>, vector<16xf32>,
      %mul3A_1151 = arith.mulf %gather3A_1146, %get3A_1150 : vector<16xf32>
      %add3A_1152 = arith.addf %add3A_1136, %mul3A_1151 : vector<16xf32>
      %get3A_1153 = arith.constant 534 : i32
      %get3A_1154 = arith.index_cast %get3A_1153 : i32 to index
      %get3A_1155 = arith.constant 16 : index
      %get3A_1156 = tpu.vector_load %arg14[%get3A_1154, %get3A_1155] {strides = array<i32>} : memref<576x32xf32, #tpu.memory_space<vmem>>, vector<16xf32>,
      %mul3A_1157 = arith.mulf %gather3A_1146, %get3A_1156 : vector<16xf32>
      %add3A_1158 = arith.addf %add3A_1142, %mul3A_1157 : vector<16xf32>
      %broadcast_in_dim3A_1159 = arith.constant 7 : i32
      %broadcast_in_dim3A_1160 = vector.broadcast %broadcast_in_dim3A_1159 : i32 to vector<16x1xi32>
      %gather3A_1161 = vector.shape_cast %broadcast_in_dim3A_1160 : vector<16x1xi32> to vector<16xi32>
      %gather3A_1162 = tpu.dynamic_gather %get3A_1046[%gather3A_1161] in [0] : vector<16xf32>, vector<16xi32> -> vector<16xf32>
      %get3A_1163 = arith.constant 535 : i32
      %get3A_1164 = arith.index_cast %get3A_1163 : i32 to index
      %get3A_1165 = arith.constant 0 : index
      %get3A_1166 = tpu.vector_load %arg14[%get3A_1164, %get3A_1165] {strides = array<i32>} : memref<576x32xf32, #tpu.memory_space<vmem>>, vector<16xf32>,
      %mul3A_1167 = arith.mulf %gather3A_1162, %get3A_1166 : vector<16xf32>
      %add3A_1168 = arith.addf %add3A_1152, %mul3A_1167 : vector<16xf32>
      %get3A_1169 = arith.constant 535 : i32
      %get3A_1170 = arith.index_cast %get3A_1169 : i32 to index
      %get3A_1171 = arith.constant 16 : index
      %get3A_1172 = tpu.vector_load %arg14[%get3A_1170, %get3A_1171] {strides = array<i32>} : memref<576x32xf32, #tpu.memory_space<vmem>>, vector<16xf32>,
      %mul3A_1173 = arith.mulf %gather3A_1162, %get3A_1172 : vector<16xf32>
      %add3A_1174 = arith.addf %add3A_1158, %mul3A_1173 : vector<16xf32>
      %broadcast_in_dim3A_1175 = arith.constant 8 : i32
      %broadcast_in_dim3A_1176 = vector.broadcast %broadcast_in_dim3A_1175 : i32 to vector<16x1xi32>
      %gather3A_1177 = vector.shape_cast %broadcast_in_dim3A_1176 : vector<16x1xi32> to vector<16xi32>
      %gather3A_1178 = tpu.dynamic_gather %get3A_1046[%gather3A_1177] in [0] : vector<16xf32>, vector<16xi32> -> vector<16xf32>
      %get3A_1179 = arith.constant 536 : i32
      %get3A_1180 = arith.index_cast %get3A_1179 : i32 to index
      %get3A_1181 = arith.constant 0 : index
      %get3A_1182 = tpu.vector_load %arg14[%get3A_1180, %get3A_1181] {strides = array<i32>} : memref<576x32xf32, #tpu.memory_space<vmem>>, vector<16xf32>,
      %mul3A_1183 = arith.mulf %gather3A_1178, %get3A_1182 : vector<16xf32>
      %add3A_1184 = arith.addf %add3A_1168, %mul3A_1183 : vector<16xf32>
      %get3A_1185 = arith.constant 536 : i32
      %get3A_1186 = arith.index_cast %get3A_1185 : i32 to index
      %get3A_1187 = arith.constant 16 : index
      %get3A_1188 = tpu.vector_load %arg14[%get3A_1186, %get3A_1187] {strides = array<i32>} : memref<576x32xf32, #tpu.memory_space<vmem>>, vector<16xf32>,
      %mul3A_1189 = arith.mulf %gather3A_1178, %get3A_1188 : vector<16xf32>
      %add3A_1190 = arith.addf %add3A_1174, %mul3A_1189 : vector<16xf32>
      %broadcast_in_dim3A_1191 = arith.constant 9 : i32
      %broadcast_in_dim3A_1192 = vector.broadcast %broadcast_in_dim3A_1191 : i32 to vector<16x1xi32>
      %gather3A_1193 = vector.shape_cast %broadcast_in_dim3A_1192 : vector<16x1xi32> to vector<16xi32>
      %gather3A_1194 = tpu.dynamic_gather %get3A_1046[%gather3A_1193] in [0] : vector<16xf32>, vector<16xi32> -> vector<16xf32>
      %get3A_1195 = arith.constant 537 : i32
      %get3A_1196 = arith.index_cast %get3A_1195 : i32 to index
      %get3A_1197 = arith.constant 0 : index
      %get3A_1198 = tpu.vector_load %arg14[%get3A_1196, %get3A_1197] {strides = array<i32>} : memref<576x32xf32, #tpu.memory_space<vmem>>, vector<16xf32>,
      %mul3A_1199 = arith.mulf %gather3A_1194, %get3A_1198 : vector<16xf32>
      %add3A_1200 = arith.addf %add3A_1184, %mul3A_1199 : vector<16xf32>
      %get3A_1201 = arith.constant 537 : i32
      %get3A_1202 = arith.index_cast %get3A_1201 : i32 to index
      %get3A_1203 = arith.constant 16 : index
      %get3A_1204 = tpu.vector_load %arg14[%get3A_1202, %get3A_1203] {strides = array<i32>} : memref<576x32xf32, #tpu.memory_space<vmem>>, vector<16xf32>,
      %mul3A_1205 = arith.mulf %gather3A_1194, %get3A_1204 : vector<16xf32>
      %add3A_1206 = arith.addf %add3A_1190, %mul3A_1205 : vector<16xf32>
      %broadcast_in_dim3A_1207 = arith.constant 10 : i32
      %broadcast_in_dim3A_1208 = vector.broadcast %broadcast_in_dim3A_1207 : i32 to vector<16x1xi32>
      %gather3A_1209 = vector.shape_cast %broadcast_in_dim3A_1208 : vector<16x1xi32> to vector<16xi32>
      %gather3A_1210 = tpu.dynamic_gather %get3A_1046[%gather3A_1209] in [0] : vector<16xf32>, vector<16xi32> -> vector<16xf32>
      %get3A_1211 = arith.constant 538 : i32
      %get3A_1212 = arith.index_cast %get3A_1211 : i32 to index
      %get3A_1213 = arith.constant 0 : index
      %get3A_1214 = tpu.vector_load %arg14[%get3A_1212, %get3A_1213] {strides = array<i32>} : memref<576x32xf32, #tpu.memory_space<vmem>>, vector<16xf32>,
      %mul3A_1215 = arith.mulf %gather3A_1210, %get3A_1214 : vector<16xf32>
      %add3A_1216 = arith.addf %add3A_1200, %mul3A_1215 : vector<16xf32>
      %get3A_1217 = arith.constant 538 : i32
      %get3A_1218 = arith.index_cast %get3A_1217 : i32 to index
      %get3A_1219 = arith.constant 16 : index
      %get3A_1220 = tpu.vector_load %arg14[%get3A_1218, %get3A_1219] {strides = array<i32>} : memref<576x32xf32, #tpu.memory_space<vmem>>, vector<16xf32>,
      %mul3A_1221 = arith.mulf %gather3A_1210, %get3A_1220 : vector<16xf32>
      %add3A_1222 = arith.addf %add3A_1206, %mul3A_1221 : vector<16xf32>
      %broadcast_in_dim3A_1223 = arith.constant 11 : i32
      %broadcast_in_dim3A_1224 = vector.broadcast %broadcast_in_dim3A_1223 : i32 to vector<16x1xi32>
      %gather3A_1225 = vector.shape_cast %broadcast_in_dim3A_1224 : vector<16x1xi32> to vector<16xi32>
      %gather3A_1226 = tpu.dynamic_gather %get3A_1046[%gather3A_1225] in [0] : vector<16xf32>, vector<16xi32> -> vector<16xf32>
      %get3A_1227 = arith.constant 539 : i32
      %get3A_1228 = arith.index_cast %get3A_1227 : i32 to index
      %get3A_1229 = arith.constant 0 : index
      %get3A_1230 = tpu.vector_load %arg14[%get3A_1228, %get3A_1229] {strides = array<i32>} : memref<576x32xf32, #tpu.memory_space<vmem>>, vector<16xf32>,
      %mul3A_1231 = arith.mulf %gather3A_1226, %get3A_1230 : vector<16xf32>
      %add3A_1232 = arith.addf %add3A_1216, %mul3A_1231 : vector<16xf32>
      %get3A_1233 = arith.constant 539 : i32
      %get3A_1234 = arith.index_cast %get3A_1233 : i32 to index
      %get3A_1235 = arith.constant 16 : index
      %get3A_1236 = tpu.vector_load %arg14[%get3A_1234, %get3A_1235] {strides = array<i32>} : memref<576x32xf32, #tpu.memory_space<vmem>>, vector<16xf32>,
      %mul3A_1237 = arith.mulf %gather3A_1226, %get3A_1236 : vector<16xf32>
      %add3A_1238 = arith.addf %add3A_1222, %mul3A_1237 : vector<16xf32>
      %broadcast_in_dim3A_1239 = arith.constant 12 : i32
      %broadcast_in_dim3A_1240 = vector.broadcast %broadcast_in_dim3A_1239 : i32 to vector<16x1xi32>
      %gather3A_1241 = vector.shape_cast %broadcast_in_dim3A_1240 : vector<16x1xi32> to vector<16xi32>
      %gather3A_1242 = tpu.dynamic_gather %get3A_1046[%gather3A_1241] in [0] : vector<16xf32>, vector<16xi32> -> vector<16xf32>
      %get3A_1243 = arith.constant 540 : i32
      %get3A_1244 = arith.index_cast %get3A_1243 : i32 to index
      %get3A_1245 = arith.constant 0 : index
      %get3A_1246 = tpu.vector_load %arg14[%get3A_1244, %get3A_1245] {strides = array<i32>} : memref<576x32xf32, #tpu.memory_space<vmem>>, vector<16xf32>,
      %mul3A_1247 = arith.mulf %gather3A_1242, %get3A_1246 : vector<16xf32>
      %add3A_1248 = arith.addf %add3A_1232, %mul3A_1247 : vector<16xf32>
      %get3A_1249 = arith.constant 540 : i32
      %get3A_1250 = arith.index_cast %get3A_1249 : i32 to index
      %get3A_1251 = arith.constant 16 : index
      %get3A_1252 = tpu.vector_load %arg14[%get3A_1250, %get3A_1251] {strides = array<i32>} : memref<576x32xf32, #tpu.memory_space<vmem>>, vector<16xf32>,
      %mul3A_1253 = arith.mulf %gather3A_1242, %get3A_1252 : vector<16xf32>
      %add3A_1254 = arith.addf %add3A_1238, %mul3A_1253 : vector<16xf32>
      %broadcast_in_dim3A_1255 = arith.constant 13 : i32
      %broadcast_in_dim3A_1256 = vector.broadcast %broadcast_in_dim3A_1255 : i32 to vector<16x1xi32>
      %gather3A_1257 = vector.shape_cast %broadcast_in_dim3A_1256 : vector<16x1xi32> to vector<16xi32>
      %gather3A_1258 = tpu.dynamic_gather %get3A_1046[%gather3A_1257] in [0] : vector<16xf32>, vector<16xi32> -> vector<16xf32>
      %get3A_1259 = arith.constant 541 : i32
      %get3A_1260 = arith.index_cast %get3A_1259 : i32 to index
      %get3A_1261 = arith.constant 0 : index
      %get3A_1262 = tpu.vector_load %arg14[%get3A_1260, %get3A_1261] {strides = array<i32>} : memref<576x32xf32, #tpu.memory_space<vmem>>, vector<16xf32>,
      %mul3A_1263 = arith.mulf %gather3A_1258, %get3A_1262 : vector<16xf32>
      %add3A_1264 = arith.addf %add3A_1248, %mul3A_1263 : vector<16xf32>
      %get3A_1265 = arith.constant 541 : i32
      %get3A_1266 = arith.index_cast %get3A_1265 : i32 to index
      %get3A_1267 = arith.constant 16 : index
      %get3A_1268 = tpu.vector_load %arg14[%get3A_1266, %get3A_1267] {strides = array<i32>} : memref<576x32xf32, #tpu.memory_space<vmem>>, vector<16xf32>,
      %mul3A_1269 = arith.mulf %gather3A_1258, %get3A_1268 : vector<16xf32>
      %add3A_1270 = arith.addf %add3A_1254, %mul3A_1269 : vector<16xf32>
      %broadcast_in_dim3A_1271 = arith.constant 14 : i32
      %broadcast_in_dim3A_1272 = vector.broadcast %broadcast_in_dim3A_1271 : i32 to vector<16x1xi32>
      %gather3A_1273 = vector.shape_cast %broadcast_in_dim3A_1272 : vector<16x1xi32> to vector<16xi32>
      %gather3A_1274 = tpu.dynamic_gather %get3A_1046[%gather3A_1273] in [0] : vector<16xf32>, vector<16xi32> -> vector<16xf32>
      %get3A_1275 = arith.constant 542 : i32
      %get3A_1276 = arith.index_cast %get3A_1275 : i32 to index
      %get3A_1277 = arith.constant 0 : index
      %get3A_1278 = tpu.vector_load %arg14[%get3A_1276, %get3A_1277] {strides = array<i32>} : memref<576x32xf32, #tpu.memory_space<vmem>>, vector<16xf32>,
      %mul3A_1279 = arith.mulf %gather3A_1274, %get3A_1278 : vector<16xf32>
      %add3A_1280 = arith.addf %add3A_1264, %mul3A_1279 : vector<16xf32>
      %get3A_1281 = arith.constant 542 : i32
      %get3A_1282 = arith.index_cast %get3A_1281 : i32 to index
      %get3A_1283 = arith.constant 16 : index
      %get3A_1284 = tpu.vector_load %arg14[%get3A_1282, %get3A_1283] {strides = array<i32>} : memref<576x32xf32, #tpu.memory_space<vmem>>, vector<16xf32>,
      %mul3A_1285 = arith.mulf %gather3A_1274, %get3A_1284 : vector<16xf32>
      %add3A_1286 = arith.addf %add3A_1270, %mul3A_1285 : vector<16xf32>
      %broadcast_in_dim3A_1287 = arith.constant 15 : i32
      %broadcast_in_dim3A_1288 = vector.broadcast %broadcast_in_dim3A_1287 : i32 to vector<16x1xi32>
      %gather3A_1289 = vector.shape_cast %broadcast_in_dim3A_1288 : vector<16x1xi32> to vector<16xi32>
      %gather3A_1290 = tpu.dynamic_gather %get3A_1046[%gather3A_1289] in [0] : vector<16xf32>, vector<16xi32> -> vector<16xf32>
      %get3A_1291 = arith.constant 543 : i32
      %get3A_1292 = arith.index_cast %get3A_1291 : i32 to index
      %get3A_1293 = arith.constant 0 : index
      %get3A_1294 = tpu.vector_load %arg14[%get3A_1292, %get3A_1293] {strides = array<i32>} : memref<576x32xf32, #tpu.memory_space<vmem>>, vector<16xf32>,
      %mul3A_1295 = arith.mulf %gather3A_1290, %get3A_1294 : vector<16xf32>
      %add3A_1296 = arith.addf %add3A_1280, %mul3A_1295 : vector<16xf32>
      %get3A_1297 = arith.constant 543 : i32
      %get3A_1298 = arith.index_cast %get3A_1297 : i32 to index
      %get3A_1299 = arith.constant 16 : index
      %get3A_1300 = tpu.vector_load %arg14[%get3A_1298, %get3A_1299] {strides = array<i32>} : memref<576x32xf32, #tpu.memory_space<vmem>>, vector<16xf32>,
      %mul3A_1301 = arith.mulf %gather3A_1290, %get3A_1300 : vector<16xf32>
      %add3A_1302 = arith.addf %add3A_1286, %mul3A_1301 : vector<16xf32>
      %get3A_1303 = arith.constant 32 : index
      %get3A_1304 = tpu.vector_load %arg13[%get3A_1303] {strides = array<i32>} : memref<64xf32, #tpu.memory_space<vmem>>, vector<16xf32>,
      %broadcast_in_dim3A_1305 = arith.constant 0 : i32
      %broadcast_in_dim3A_1306 = vector.broadcast %broadcast_in_dim3A_1305 : i32 to vector<16x1xi32>
      %gather3A_1307 = vector.shape_cast %broadcast_in_dim3A_1306 : vector<16x1xi32> to vector<16xi32>
      %gather3A_1308 = tpu.dynamic_gather %get3A_1304[%gather3A_1307] in [0] : vector<16xf32>, vector<16xi32> -> vector<16xf32>
      %get3A_1309 = arith.constant 544 : i32
      %get3A_1310 = arith.index_cast %get3A_1309 : i32 to index
      %get3A_1311 = arith.constant 0 : index
      %get3A_1312 = tpu.vector_load %arg14[%get3A_1310, %get3A_1311] {strides = array<i32>} : memref<576x32xf32, #tpu.memory_space<vmem>>, vector<16xf32>,
      %mul3A_1313 = arith.mulf %gather3A_1308, %get3A_1312 : vector<16xf32>
      %add3A_1314 = arith.addf %add3A_1296, %mul3A_1313 : vector<16xf32>
      %get3A_1315 = arith.constant 544 : i32
      %get3A_1316 = arith.index_cast %get3A_1315 : i32 to index
      %get3A_1317 = arith.constant 16 : index
      %get3A_1318 = tpu.vector_load %arg14[%get3A_1316, %get3A_1317] {strides = array<i32>} : memref<576x32xf32, #tpu.memory_space<vmem>>, vector<16xf32>,
      %mul3A_1319 = arith.mulf %gather3A_1308, %get3A_1318 : vector<16xf32>
      %add3A_1320 = arith.addf %add3A_1302, %mul3A_1319 : vector<16xf32>
      %broadcast_in_dim3A_1321 = arith.constant 1 : i32
      %broadcast_in_dim3A_1322 = vector.broadcast %broadcast_in_dim3A_1321 : i32 to vector<16x1xi32>
      %gather3A_1323 = vector.shape_cast %broadcast_in_dim3A_1322 : vector<16x1xi32> to vector<16xi32>
      %gather3A_1324 = tpu.dynamic_gather %get3A_1304[%gather3A_1323] in [0] : vector<16xf32>, vector<16xi32> -> vector<16xf32>
      %get3A_1325 = arith.constant 545 : i32
      %get3A_1326 = arith.index_cast %get3A_1325 : i32 to index
      %get3A_1327 = arith.constant 0 : index
      %get3A_1328 = tpu.vector_load %arg14[%get3A_1326, %get3A_1327] {strides = array<i32>} : memref<576x32xf32, #tpu.memory_space<vmem>>, vector<16xf32>,
      %mul3A_1329 = arith.mulf %gather3A_1324, %get3A_1328 : vector<16xf32>
      %add3A_1330 = arith.addf %add3A_1314, %mul3A_1329 : vector<16xf32>
      %get3A_1331 = arith.constant 545 : i32
      %get3A_1332 = arith.index_cast %get3A_1331 : i32 to index
      %get3A_1333 = arith.constant 16 : index
      %get3A_1334 = tpu.vector_load %arg14[%get3A_1332, %get3A_1333] {strides = array<i32>} : memref<576x32xf32, #tpu.memory_space<vmem>>, vector<16xf32>,
      %mul3A_1335 = arith.mulf %gather3A_1324, %get3A_1334 : vector<16xf32>
      %add3A_1336 = arith.addf %add3A_1320, %mul3A_1335 : vector<16xf32>
      %broadcast_in_dim3A_1337 = arith.constant 2 : i32
      %broadcast_in_dim3A_1338 = vector.broadcast %broadcast_in_dim3A_1337 : i32 to vector<16x1xi32>
      %gather3A_1339 = vector.shape_cast %broadcast_in_dim3A_1338 : vector<16x1xi32> to vector<16xi32>
      %gather3A_1340 = tpu.dynamic_gather %get3A_1304[%gather3A_1339] in [0] : vector<16xf32>, vector<16xi32> -> vector<16xf32>
      %get3A_1341 = arith.constant 546 : i32
      %get3A_1342 = arith.index_cast %get3A_1341 : i32 to index
      %get3A_1343 = arith.constant 0 : index
      %get3A_1344 = tpu.vector_load %arg14[%get3A_1342, %get3A_1343] {strides = array<i32>} : memref<576x32xf32, #tpu.memory_space<vmem>>, vector<16xf32>,
      %mul3A_1345 = arith.mulf %gather3A_1340, %get3A_1344 : vector<16xf32>
      %add3A_1346 = arith.addf %add3A_1330, %mul3A_1345 : vector<16xf32>
      %get3A_1347 = arith.constant 546 : i32
      %get3A_1348 = arith.index_cast %get3A_1347 : i32 to index
      %get3A_1349 = arith.constant 16 : index
      %get3A_1350 = tpu.vector_load %arg14[%get3A_1348, %get3A_1349] {strides = array<i32>} : memref<576x32xf32, #tpu.memory_space<vmem>>, vector<16xf32>,
      %mul3A_1351 = arith.mulf %gather3A_1340, %get3A_1350 : vector<16xf32>
      %add3A_1352 = arith.addf %add3A_1336, %mul3A_1351 : vector<16xf32>
      %broadcast_in_dim3A_1353 = arith.constant 3 : i32
      %broadcast_in_dim3A_1354 = vector.broadcast %broadcast_in_dim3A_1353 : i32 to vector<16x1xi32>
      %gather3A_1355 = vector.shape_cast %broadcast_in_dim3A_1354 : vector<16x1xi32> to vector<16xi32>
      %gather3A_1356 = tpu.dynamic_gather %get3A_1304[%gather3A_1355] in [0] : vector<16xf32>, vector<16xi32> -> vector<16xf32>
      %get3A_1357 = arith.constant 547 : i32
      %get3A_1358 = arith.index_cast %get3A_1357 : i32 to index
      %get3A_1359 = arith.constant 0 : index
      %get3A_1360 = tpu.vector_load %arg14[%get3A_1358, %get3A_1359] {strides = array<i32>} : memref<576x32xf32, #tpu.memory_space<vmem>>, vector<16xf32>,
      %mul3A_1361 = arith.mulf %gather3A_1356, %get3A_1360 : vector<16xf32>
      %add3A_1362 = arith.addf %add3A_1346, %mul3A_1361 : vector<16xf32>
      %get3A_1363 = arith.constant 547 : i32
      %get3A_1364 = arith.index_cast %get3A_1363 : i32 to index
      %get3A_1365 = arith.constant 16 : index
      %get3A_1366 = tpu.vector_load %arg14[%get3A_1364, %get3A_1365] {strides = array<i32>} : memref<576x32xf32, #tpu.memory_space<vmem>>, vector<16xf32>,
      %mul3A_1367 = arith.mulf %gather3A_1356, %get3A_1366 : vector<16xf32>
      %add3A_1368 = arith.addf %add3A_1352, %mul3A_1367 : vector<16xf32>
      %broadcast_in_dim3A_1369 = arith.constant 4 : i32
      %broadcast_in_dim3A_1370 = vector.broadcast %broadcast_in_dim3A_1369 : i32 to vector<16x1xi32>
      %gather3A_1371 = vector.shape_cast %broadcast_in_dim3A_1370 : vector<16x1xi32> to vector<16xi32>
      %gather3A_1372 = tpu.dynamic_gather %get3A_1304[%gather3A_1371] in [0] : vector<16xf32>, vector<16xi32> -> vector<16xf32>
      %get3A_1373 = arith.constant 548 : i32
      %get3A_1374 = arith.index_cast %get3A_1373 : i32 to index
      %get3A_1375 = arith.constant 0 : index
      %get3A_1376 = tpu.vector_load %arg14[%get3A_1374, %get3A_1375] {strides = array<i32>} : memref<576x32xf32, #tpu.memory_space<vmem>>, vector<16xf32>,
      %mul3A_1377 = arith.mulf %gather3A_1372, %get3A_1376 : vector<16xf32>
      %add3A_1378 = arith.addf %add3A_1362, %mul3A_1377 : vector<16xf32>
      %get3A_1379 = arith.constant 548 : i32
      %get3A_1380 = arith.index_cast %get3A_1379 : i32 to index
      %get3A_1381 = arith.constant 16 : index
      %get3A_1382 = tpu.vector_load %arg14[%get3A_1380, %get3A_1381] {strides = array<i32>} : memref<576x32xf32, #tpu.memory_space<vmem>>, vector<16xf32>,
      %mul3A_1383 = arith.mulf %gather3A_1372, %get3A_1382 : vector<16xf32>
      %add3A_1384 = arith.addf %add3A_1368, %mul3A_1383 : vector<16xf32>
      %broadcast_in_dim3A_1385 = arith.constant 5 : i32
      %broadcast_in_dim3A_1386 = vector.broadcast %broadcast_in_dim3A_1385 : i32 to vector<16x1xi32>
      %gather3A_1387 = vector.shape_cast %broadcast_in_dim3A_1386 : vector<16x1xi32> to vector<16xi32>
      %gather3A_1388 = tpu.dynamic_gather %get3A_1304[%gather3A_1387] in [0] : vector<16xf32>, vector<16xi32> -> vector<16xf32>
      %get3A_1389 = arith.constant 549 : i32
      %get3A_1390 = arith.index_cast %get3A_1389 : i32 to index
      %get3A_1391 = arith.constant 0 : index
      %get3A_1392 = tpu.vector_load %arg14[%get3A_1390, %get3A_1391] {strides = array<i32>} : memref<576x32xf32, #tpu.memory_space<vmem>>, vector<16xf32>,
      %mul3A_1393 = arith.mulf %gather3A_1388, %get3A_1392 : vector<16xf32>
      %add3A_1394 = arith.addf %add3A_1378, %mul3A_1393 : vector<16xf32>
      %get3A_1395 = arith.constant 549 : i32
      %get3A_1396 = arith.index_cast %get3A_1395 : i32 to index
      %get3A_1397 = arith.constant 16 : index
      %get3A_1398 = tpu.vector_load %arg14[%get3A_1396, %get3A_1397] {strides = array<i32>} : memref<576x32xf32, #tpu.memory_space<vmem>>, vector<16xf32>,
      %mul3A_1399 = arith.mulf %gather3A_1388, %get3A_1398 : vector<16xf32>
      %add3A_1400 = arith.addf %add3A_1384, %mul3A_1399 : vector<16xf32>
      %broadcast_in_dim3A_1401 = arith.constant 6 : i32
      %broadcast_in_dim3A_1402 = vector.broadcast %broadcast_in_dim3A_1401 : i32 to vector<16x1xi32>
      %gather3A_1403 = vector.shape_cast %broadcast_in_dim3A_1402 : vector<16x1xi32> to vector<16xi32>
      %gather3A_1404 = tpu.dynamic_gather %get3A_1304[%gather3A_1403] in [0] : vector<16xf32>, vector<16xi32> -> vector<16xf32>
      %get3A_1405 = arith.constant 550 : i32
      %get3A_1406 = arith.index_cast %get3A_1405 : i32 to index
      %get3A_1407 = arith.constant 0 : index
      %get3A_1408 = tpu.vector_load %arg14[%get3A_1406, %get3A_1407] {strides = array<i32>} : memref<576x32xf32, #tpu.memory_space<vmem>>, vector<16xf32>,
      %mul3A_1409 = arith.mulf %gather3A_1404, %get3A_1408 : vector<16xf32>
      %add3A_1410 = arith.addf %add3A_1394, %mul3A_1409 : vector<16xf32>
      %get3A_1411 = arith.constant 550 : i32
      %get3A_1412 = arith.index_cast %get3A_1411 : i32 to index
      %get3A_1413 = arith.constant 16 : index
      %get3A_1414 = tpu.vector_load %arg14[%get3A_1412, %get3A_1413] {strides = array<i32>} : memref<576x32xf32, #tpu.memory_space<vmem>>, vector<16xf32>,
      %mul3A_1415 = arith.mulf %gather3A_1404, %get3A_1414 : vector<16xf32>
      %add3A_1416 = arith.addf %add3A_1400, %mul3A_1415 : vector<16xf32>
      %broadcast_in_dim3A_1417 = arith.constant 7 : i32
      %broadcast_in_dim3A_1418 = vector.broadcast %broadcast_in_dim3A_1417 : i32 to vector<16x1xi32>
      %gather3A_1419 = vector.shape_cast %broadcast_in_dim3A_1418 : vector<16x1xi32> to vector<16xi32>
      %gather3A_1420 = tpu.dynamic_gather %get3A_1304[%gather3A_1419] in [0] : vector<16xf32>, vector<16xi32> -> vector<16xf32>
      %get3A_1421 = arith.constant 551 : i32
      %get3A_1422 = arith.index_cast %get3A_1421 : i32 to index
      %get3A_1423 = arith.constant 0 : index
      %get3A_1424 = tpu.vector_load %arg14[%get3A_1422, %get3A_1423] {strides = array<i32>} : memref<576x32xf32, #tpu.memory_space<vmem>>, vector<16xf32>,
      %mul3A_1425 = arith.mulf %gather3A_1420, %get3A_1424 : vector<16xf32>
      %add3A_1426 = arith.addf %add3A_1410, %mul3A_1425 : vector<16xf32>
      %get3A_1427 = arith.constant 551 : i32
      %get3A_1428 = arith.index_cast %get3A_1427 : i32 to index
      %get3A_1429 = arith.constant 16 : index
      %get3A_1430 = tpu.vector_load %arg14[%get3A_1428, %get3A_1429] {strides = array<i32>} : memref<576x32xf32, #tpu.memory_space<vmem>>, vector<16xf32>,
      %mul3A_1431 = arith.mulf %gather3A_1420, %get3A_1430 : vector<16xf32>
      %add3A_1432 = arith.addf %add3A_1416, %mul3A_1431 : vector<16xf32>
      %broadcast_in_dim3A_1433 = arith.constant 8 : i32
      %broadcast_in_dim3A_1434 = vector.broadcast %broadcast_in_dim3A_1433 : i32 to vector<16x1xi32>
      %gather3A_1435 = vector.shape_cast %broadcast_in_dim3A_1434 : vector<16x1xi32> to vector<16xi32>
      %gather3A_1436 = tpu.dynamic_gather %get3A_1304[%gather3A_1435] in [0] : vector<16xf32>, vector<16xi32> -> vector<16xf32>
      %get3A_1437 = arith.constant 552 : i32
      %get3A_1438 = arith.index_cast %get3A_1437 : i32 to index
      %get3A_1439 = arith.constant 0 : index
      %get3A_1440 = tpu.vector_load %arg14[%get3A_1438, %get3A_1439] {strides = array<i32>} : memref<576x32xf32, #tpu.memory_space<vmem>>, vector<16xf32>,
      %mul3A_1441 = arith.mulf %gather3A_1436, %get3A_1440 : vector<16xf32>
      %add3A_1442 = arith.addf %add3A_1426, %mul3A_1441 : vector<16xf32>
      %get3A_1443 = arith.constant 552 : i32
      %get3A_1444 = arith.index_cast %get3A_1443 : i32 to index
      %get3A_1445 = arith.constant 16 : index
      %get3A_1446 = tpu.vector_load %arg14[%get3A_1444, %get3A_1445] {strides = array<i32>} : memref<576x32xf32, #tpu.memory_space<vmem>>, vector<16xf32>,
      %mul3A_1447 = arith.mulf %gather3A_1436, %get3A_1446 : vector<16xf32>
      %add3A_1448 = arith.addf %add3A_1432, %mul3A_1447 : vector<16xf32>
      %broadcast_in_dim3A_1449 = arith.constant 9 : i32
      %broadcast_in_dim3A_1450 = vector.broadcast %broadcast_in_dim3A_1449 : i32 to vector<16x1xi32>
      %gather3A_1451 = vector.shape_cast %broadcast_in_dim3A_1450 : vector<16x1xi32> to vector<16xi32>
      %gather3A_1452 = tpu.dynamic_gather %get3A_1304[%gather3A_1451] in [0] : vector<16xf32>, vector<16xi32> -> vector<16xf32>
      %get3A_1453 = arith.constant 553 : i32
      %get3A_1454 = arith.index_cast %get3A_1453 : i32 to index
      %get3A_1455 = arith.constant 0 : index
      %get3A_1456 = tpu.vector_load %arg14[%get3A_1454, %get3A_1455] {strides = array<i32>} : memref<576x32xf32, #tpu.memory_space<vmem>>, vector<16xf32>,
      %mul3A_1457 = arith.mulf %gather3A_1452, %get3A_1456 : vector<16xf32>
      %add3A_1458 = arith.addf %add3A_1442, %mul3A_1457 : vector<16xf32>
      %get3A_1459 = arith.constant 553 : i32
      %get3A_1460 = arith.index_cast %get3A_1459 : i32 to index
      %get3A_1461 = arith.constant 16 : index
      %get3A_1462 = tpu.vector_load %arg14[%get3A_1460, %get3A_1461] {strides = array<i32>} : memref<576x32xf32, #tpu.memory_space<vmem>>, vector<16xf32>,
      %mul3A_1463 = arith.mulf %gather3A_1452, %get3A_1462 : vector<16xf32>
      %add3A_1464 = arith.addf %add3A_1448, %mul3A_1463 : vector<16xf32>
      %broadcast_in_dim3A_1465 = arith.constant 10 : i32
      %broadcast_in_dim3A_1466 = vector.broadcast %broadcast_in_dim3A_1465 : i32 to vector<16x1xi32>
      %gather3A_1467 = vector.shape_cast %broadcast_in_dim3A_1466 : vector<16x1xi32> to vector<16xi32>
      %gather3A_1468 = tpu.dynamic_gather %get3A_1304[%gather3A_1467] in [0] : vector<16xf32>, vector<16xi32> -> vector<16xf32>
      %get3A_1469 = arith.constant 554 : i32
      %get3A_1470 = arith.index_cast %get3A_1469 : i32 to index
      %get3A_1471 = arith.constant 0 : index
      %get3A_1472 = tpu.vector_load %arg14[%get3A_1470, %get3A_1471] {strides = array<i32>} : memref<576x32xf32, #tpu.memory_space<vmem>>, vector<16xf32>,
      %mul3A_1473 = arith.mulf %gather3A_1468, %get3A_1472 : vector<16xf32>
      %add3A_1474 = arith.addf %add3A_1458, %mul3A_1473 : vector<16xf32>
      %get3A_1475 = arith.constant 554 : i32
      %get3A_1476 = arith.index_cast %get3A_1475 : i32 to index
      %get3A_1477 = arith.constant 16 : index
      %get3A_1478 = tpu.vector_load %arg14[%get3A_1476, %get3A_1477] {strides = array<i32>} : memref<576x32xf32, #tpu.memory_space<vmem>>, vector<16xf32>,
      %mul3A_1479 = arith.mulf %gather3A_1468, %get3A_1478 : vector<16xf32>
      %add3A_1480 = arith.addf %add3A_1464, %mul3A_1479 : vector<16xf32>
      %broadcast_in_dim3A_1481 = arith.constant 11 : i32
      %broadcast_in_dim3A_1482 = vector.broadcast %broadcast_in_dim3A_1481 : i32 to vector<16x1xi32>
      %gather3A_1483 = vector.shape_cast %broadcast_in_dim3A_1482 : vector<16x1xi32> to vector<16xi32>
      %gather3A_1484 = tpu.dynamic_gather %get3A_1304[%gather3A_1483] in [0] : vector<16xf32>, vector<16xi32> -> vector<16xf32>
      %get3A_1485 = arith.constant 555 : i32
      %get3A_1486 = arith.index_cast %get3A_1485 : i32 to index
      %get3A_1487 = arith.constant 0 : index
      %get3A_1488 = tpu.vector_load %arg14[%get3A_1486, %get3A_1487] {strides = array<i32>} : memref<576x32xf32, #tpu.memory_space<vmem>>, vector<16xf32>,
      %mul3A_1489 = arith.mulf %gather3A_1484, %get3A_1488 : vector<16xf32>
      %add3A_1490 = arith.addf %add3A_1474, %mul3A_1489 : vector<16xf32>
      %get3A_1491 = arith.constant 555 : i32
      %get3A_1492 = arith.index_cast %get3A_1491 : i32 to index
      %get3A_1493 = arith.constant 16 : index
      %get3A_1494 = tpu.vector_load %arg14[%get3A_1492, %get3A_1493] {strides = array<i32>} : memref<576x32xf32, #tpu.memory_space<vmem>>, vector<16xf32>,
      %mul3A_1495 = arith.mulf %gather3A_1484, %get3A_1494 : vector<16xf32>
      %add3A_1496 = arith.addf %add3A_1480, %mul3A_1495 : vector<16xf32>
      %broadcast_in_dim3A_1497 = arith.constant 12 : i32
      %broadcast_in_dim3A_1498 = vector.broadcast %broadcast_in_dim3A_1497 : i32 to vector<16x1xi32>
      %gather3A_1499 = vector.shape_cast %broadcast_in_dim3A_1498 : vector<16x1xi32> to vector<16xi32>
      %gather3A_1500 = tpu.dynamic_gather %get3A_1304[%gather3A_1499] in [0] : vector<16xf32>, vector<16xi32> -> vector<16xf32>
      %get3A_1501 = arith.constant 556 : i32
      %get3A_1502 = arith.index_cast %get3A_1501 : i32 to index
      %get3A_1503 = arith.constant 0 : index
      %get3A_1504 = tpu.vector_load %arg14[%get3A_1502, %get3A_1503] {strides = array<i32>} : memref<576x32xf32, #tpu.memory_space<vmem>>, vector<16xf32>,
      %mul3A_1505 = arith.mulf %gather3A_1500, %get3A_1504 : vector<16xf32>
      %add3A_1506 = arith.addf %add3A_1490, %mul3A_1505 : vector<16xf32>
      %get3A_1507 = arith.constant 556 : i32
      %get3A_1508 = arith.index_cast %get3A_1507 : i32 to index
      %get3A_1509 = arith.constant 16 : index
      %get3A_1510 = tpu.vector_load %arg14[%get3A_1508, %get3A_1509] {strides = array<i32>} : memref<576x32xf32, #tpu.memory_space<vmem>>, vector<16xf32>,
      %mul3A_1511 = arith.mulf %gather3A_1500, %get3A_1510 : vector<16xf32>
      %add3A_1512 = arith.addf %add3A_1496, %mul3A_1511 : vector<16xf32>
      %broadcast_in_dim3A_1513 = arith.constant 13 : i32
      %broadcast_in_dim3A_1514 = vector.broadcast %broadcast_in_dim3A_1513 : i32 to vector<16x1xi32>
      %gather3A_1515 = vector.shape_cast %broadcast_in_dim3A_1514 : vector<16x1xi32> to vector<16xi32>
      %gather3A_1516 = tpu.dynamic_gather %get3A_1304[%gather3A_1515] in [0] : vector<16xf32>, vector<16xi32> -> vector<16xf32>
      %get3A_1517 = arith.constant 557 : i32
      %get3A_1518 = arith.index_cast %get3A_1517 : i32 to index
      %get3A_1519 = arith.constant 0 : index
      %get3A_1520 = tpu.vector_load %arg14[%get3A_1518, %get3A_1519] {strides = array<i32>} : memref<576x32xf32, #tpu.memory_space<vmem>>, vector<16xf32>,
      %mul3A_1521 = arith.mulf %gather3A_1516, %get3A_1520 : vector<16xf32>
      %add3A_1522 = arith.addf %add3A_1506, %mul3A_1521 : vector<16xf32>
      %get3A_1523 = arith.constant 557 : i32
      %get3A_1524 = arith.index_cast %get3A_1523 : i32 to index
      %get3A_1525 = arith.constant 16 : index
      %get3A_1526 = tpu.vector_load %arg14[%get3A_1524, %get3A_1525] {strides = array<i32>} : memref<576x32xf32, #tpu.memory_space<vmem>>, vector<16xf32>,
      %mul3A_1527 = arith.mulf %gather3A_1516, %get3A_1526 : vector<16xf32>
      %add3A_1528 = arith.addf %add3A_1512, %mul3A_1527 : vector<16xf32>
      %broadcast_in_dim3A_1529 = arith.constant 14 : i32
      %broadcast_in_dim3A_1530 = vector.broadcast %broadcast_in_dim3A_1529 : i32 to vector<16x1xi32>
      %gather3A_1531 = vector.shape_cast %broadcast_in_dim3A_1530 : vector<16x1xi32> to vector<16xi32>
      %gather3A_1532 = tpu.dynamic_gather %get3A_1304[%gather3A_1531] in [0] : vector<16xf32>, vector<16xi32> -> vector<16xf32>
      %get3A_1533 = arith.constant 558 : i32
      %get3A_1534 = arith.index_cast %get3A_1533 : i32 to index
      %get3A_1535 = arith.constant 0 : index
      %get3A_1536 = tpu.vector_load %arg14[%get3A_1534, %get3A_1535] {strides = array<i32>} : memref<576x32xf32, #tpu.memory_space<vmem>>, vector<16xf32>,
      %mul3A_1537 = arith.mulf %gather3A_1532, %get3A_1536 : vector<16xf32>
      %add3A_1538 = arith.addf %add3A_1522, %mul3A_1537 : vector<16xf32>
      %get3A_1539 = arith.constant 558 : i32
      %get3A_1540 = arith.index_cast %get3A_1539 : i32 to index
      %get3A_1541 = arith.constant 16 : index
      %get3A_1542 = tpu.vector_load %arg14[%get3A_1540, %get3A_1541] {strides = array<i32>} : memref<576x32xf32, #tpu.memory_space<vmem>>, vector<16xf32>,
      %mul3A_1543 = arith.mulf %gather3A_1532, %get3A_1542 : vector<16xf32>
      %add3A_1544 = arith.addf %add3A_1528, %mul3A_1543 : vector<16xf32>
      %broadcast_in_dim3A_1545 = arith.constant 15 : i32
      %broadcast_in_dim3A_1546 = vector.broadcast %broadcast_in_dim3A_1545 : i32 to vector<16x1xi32>
      %gather3A_1547 = vector.shape_cast %broadcast_in_dim3A_1546 : vector<16x1xi32> to vector<16xi32>
      %gather3A_1548 = tpu.dynamic_gather %get3A_1304[%gather3A_1547] in [0] : vector<16xf32>, vector<16xi32> -> vector<16xf32>
      %get3A_1549 = arith.constant 559 : i32
      %get3A_1550 = arith.index_cast %get3A_1549 : i32 to index
      %get3A_1551 = arith.constant 0 : index
      %get3A_1552 = tpu.vector_load %arg14[%get3A_1550, %get3A_1551] {strides = array<i32>} : memref<576x32xf32, #tpu.memory_space<vmem>>, vector<16xf32>,
      %mul3A_1553 = arith.mulf %gather3A_1548, %get3A_1552 : vector<16xf32>
      %add3A_1554 = arith.addf %add3A_1538, %mul3A_1553 : vector<16xf32>
      %get3A_1555 = arith.constant 559 : i32
      %get3A_1556 = arith.index_cast %get3A_1555 : i32 to index
      %get3A_1557 = arith.constant 16 : index
      %get3A_1558 = tpu.vector_load %arg14[%get3A_1556, %get3A_1557] {strides = array<i32>} : memref<576x32xf32, #tpu.memory_space<vmem>>, vector<16xf32>,
      %mul3A_1559 = arith.mulf %gather3A_1548, %get3A_1558 : vector<16xf32>
      %add3A_1560 = arith.addf %add3A_1544, %mul3A_1559 : vector<16xf32>
      %get3A_1561 = arith.constant 48 : index
      %get3A_1562 = tpu.vector_load %arg13[%get3A_1561] {strides = array<i32>} : memref<64xf32, #tpu.memory_space<vmem>>, vector<16xf32>,
      %broadcast_in_dim3A_1563 = arith.constant 0 : i32
      %broadcast_in_dim3A_1564 = vector.broadcast %broadcast_in_dim3A_1563 : i32 to vector<16x1xi32>
      %gather3A_1565 = vector.shape_cast %broadcast_in_dim3A_1564 : vector<16x1xi32> to vector<16xi32>
      %gather3A_1566 = tpu.dynamic_gather %get3A_1562[%gather3A_1565] in [0] : vector<16xf32>, vector<16xi32> -> vector<16xf32>
      %get3A_1567 = arith.constant 560 : i32
      %get3A_1568 = arith.index_cast %get3A_1567 : i32 to index
      %get3A_1569 = arith.constant 0 : index
      %get3A_1570 = tpu.vector_load %arg14[%get3A_1568, %get3A_1569] {strides = array<i32>} : memref<576x32xf32, #tpu.memory_space<vmem>>, vector<16xf32>,
      %mul3A_1571 = arith.mulf %gather3A_1566, %get3A_1570 : vector<16xf32>
      %add3A_1572 = arith.addf %add3A_1554, %mul3A_1571 : vector<16xf32>
      %get3A_1573 = arith.constant 560 : i32
      %get3A_1574 = arith.index_cast %get3A_1573 : i32 to index
      %get3A_1575 = arith.constant 16 : index
      %get3A_1576 = tpu.vector_load %arg14[%get3A_1574, %get3A_1575] {strides = array<i32>} : memref<576x32xf32, #tpu.memory_space<vmem>>, vector<16xf32>,
      %mul3A_1577 = arith.mulf %gather3A_1566, %get3A_1576 : vector<16xf32>
      %add3A_1578 = arith.addf %add3A_1560, %mul3A_1577 : vector<16xf32>
      %broadcast_in_dim3A_1579 = arith.constant 1 : i32
      %broadcast_in_dim3A_1580 = vector.broadcast %broadcast_in_dim3A_1579 : i32 to vector<16x1xi32>
      %gather3A_1581 = vector.shape_cast %broadcast_in_dim3A_1580 : vector<16x1xi32> to vector<16xi32>
      %gather3A_1582 = tpu.dynamic_gather %get3A_1562[%gather3A_1581] in [0] : vector<16xf32>, vector<16xi32> -> vector<16xf32>
      %get3A_1583 = arith.constant 561 : i32
      %get3A_1584 = arith.index_cast %get3A_1583 : i32 to index
      %get3A_1585 = arith.constant 0 : index
      %get3A_1586 = tpu.vector_load %arg14[%get3A_1584, %get3A_1585] {strides = array<i32>} : memref<576x32xf32, #tpu.memory_space<vmem>>, vector<16xf32>,
      %mul3A_1587 = arith.mulf %gather3A_1582, %get3A_1586 : vector<16xf32>
      %add3A_1588 = arith.addf %add3A_1572, %mul3A_1587 : vector<16xf32>
      %get3A_1589 = arith.constant 561 : i32
      %get3A_1590 = arith.index_cast %get3A_1589 : i32 to index
      %get3A_1591 = arith.constant 16 : index
      %get3A_1592 = tpu.vector_load %arg14[%get3A_1590, %get3A_1591] {strides = array<i32>} : memref<576x32xf32, #tpu.memory_space<vmem>>, vector<16xf32>,
      %mul3A_1593 = arith.mulf %gather3A_1582, %get3A_1592 : vector<16xf32>
      %add3A_1594 = arith.addf %add3A_1578, %mul3A_1593 : vector<16xf32>
      %broadcast_in_dim3A_1595 = arith.constant 2 : i32
      %broadcast_in_dim3A_1596 = vector.broadcast %broadcast_in_dim3A_1595 : i32 to vector<16x1xi32>
      %gather3A_1597 = vector.shape_cast %broadcast_in_dim3A_1596 : vector<16x1xi32> to vector<16xi32>
      %gather3A_1598 = tpu.dynamic_gather %get3A_1562[%gather3A_1597] in [0] : vector<16xf32>, vector<16xi32> -> vector<16xf32>
      %get3A_1599 = arith.constant 562 : i32
      %get3A_1600 = arith.index_cast %get3A_1599 : i32 to index
      %get3A_1601 = arith.constant 0 : index
      %get3A_1602 = tpu.vector_load %arg14[%get3A_1600, %get3A_1601] {strides = array<i32>} : memref<576x32xf32, #tpu.memory_space<vmem>>, vector<16xf32>,
      %mul3A_1603 = arith.mulf %gather3A_1598, %get3A_1602 : vector<16xf32>
      %add3A_1604 = arith.addf %add3A_1588, %mul3A_1603 : vector<16xf32>
      %get3A_1605 = arith.constant 562 : i32
      %get3A_1606 = arith.index_cast %get3A_1605 : i32 to index
      %get3A_1607 = arith.constant 16 : index
      %get3A_1608 = tpu.vector_load %arg14[%get3A_1606, %get3A_1607] {strides = array<i32>} : memref<576x32xf32, #tpu.memory_space<vmem>>, vector<16xf32>,
      %mul3A_1609 = arith.mulf %gather3A_1598, %get3A_1608 : vector<16xf32>
      %add3A_1610 = arith.addf %add3A_1594, %mul3A_1609 : vector<16xf32>
      %broadcast_in_dim3A_1611 = arith.constant 3 : i32
      %broadcast_in_dim3A_1612 = vector.broadcast %broadcast_in_dim3A_1611 : i32 to vector<16x1xi32>
      %gather3A_1613 = vector.shape_cast %broadcast_in_dim3A_1612 : vector<16x1xi32> to vector<16xi32>
      %gather3A_1614 = tpu.dynamic_gather %get3A_1562[%gather3A_1613] in [0] : vector<16xf32>, vector<16xi32> -> vector<16xf32>
      %get3A_1615 = arith.constant 563 : i32
      %get3A_1616 = arith.index_cast %get3A_1615 : i32 to index
      %get3A_1617 = arith.constant 0 : index
      %get3A_1618 = tpu.vector_load %arg14[%get3A_1616, %get3A_1617] {strides = array<i32>} : memref<576x32xf32, #tpu.memory_space<vmem>>, vector<16xf32>,
      %mul3A_1619 = arith.mulf %gather3A_1614, %get3A_1618 : vector<16xf32>
      %add3A_1620 = arith.addf %add3A_1604, %mul3A_1619 : vector<16xf32>
      %get3A_1621 = arith.constant 563 : i32
      %get3A_1622 = arith.index_cast %get3A_1621 : i32 to index
      %get3A_1623 = arith.constant 16 : index
      %get3A_1624 = tpu.vector_load %arg14[%get3A_1622, %get3A_1623] {strides = array<i32>} : memref<576x32xf32, #tpu.memory_space<vmem>>, vector<16xf32>,
      %mul3A_1625 = arith.mulf %gather3A_1614, %get3A_1624 : vector<16xf32>
      %add3A_1626 = arith.addf %add3A_1610, %mul3A_1625 : vector<16xf32>
      %broadcast_in_dim3A_1627 = arith.constant 4 : i32
      %broadcast_in_dim3A_1628 = vector.broadcast %broadcast_in_dim3A_1627 : i32 to vector<16x1xi32>
      %gather3A_1629 = vector.shape_cast %broadcast_in_dim3A_1628 : vector<16x1xi32> to vector<16xi32>
      %gather3A_1630 = tpu.dynamic_gather %get3A_1562[%gather3A_1629] in [0] : vector<16xf32>, vector<16xi32> -> vector<16xf32>
      %get3A_1631 = arith.constant 564 : i32
      %get3A_1632 = arith.index_cast %get3A_1631 : i32 to index
      %get3A_1633 = arith.constant 0 : index
      %get3A_1634 = tpu.vector_load %arg14[%get3A_1632, %get3A_1633] {strides = array<i32>} : memref<576x32xf32, #tpu.memory_space<vmem>>, vector<16xf32>,
      %mul3A_1635 = arith.mulf %gather3A_1630, %get3A_1634 : vector<16xf32>
      %add3A_1636 = arith.addf %add3A_1620, %mul3A_1635 : vector<16xf32>
      %get3A_1637 = arith.constant 564 : i32
      %get3A_1638 = arith.index_cast %get3A_1637 : i32 to index
      %get3A_1639 = arith.constant 16 : index
      %get3A_1640 = tpu.vector_load %arg14[%get3A_1638, %get3A_1639] {strides = array<i32>} : memref<576x32xf32, #tpu.memory_space<vmem>>, vector<16xf32>,
      %mul3A_1641 = arith.mulf %gather3A_1630, %get3A_1640 : vector<16xf32>
      %add3A_1642 = arith.addf %add3A_1626, %mul3A_1641 : vector<16xf32>
      %broadcast_in_dim3A_1643 = arith.constant 5 : i32
      %broadcast_in_dim3A_1644 = vector.broadcast %broadcast_in_dim3A_1643 : i32 to vector<16x1xi32>
      %gather3A_1645 = vector.shape_cast %broadcast_in_dim3A_1644 : vector<16x1xi32> to vector<16xi32>
      %gather3A_1646 = tpu.dynamic_gather %get3A_1562[%gather3A_1645] in [0] : vector<16xf32>, vector<16xi32> -> vector<16xf32>
      %get3A_1647 = arith.constant 565 : i32
      %get3A_1648 = arith.index_cast %get3A_1647 : i32 to index
      %get3A_1649 = arith.constant 0 : index
      %get3A_1650 = tpu.vector_load %arg14[%get3A_1648, %get3A_1649] {strides = array<i32>} : memref<576x32xf32, #tpu.memory_space<vmem>>, vector<16xf32>,
      %mul3A_1651 = arith.mulf %gather3A_1646, %get3A_1650 : vector<16xf32>
      %add3A_1652 = arith.addf %add3A_1636, %mul3A_1651 : vector<16xf32>
      %get3A_1653 = arith.constant 565 : i32
      %get3A_1654 = arith.index_cast %get3A_1653 : i32 to index
      %get3A_1655 = arith.constant 16 : index
      %get3A_1656 = tpu.vector_load %arg14[%get3A_1654, %get3A_1655] {strides = array<i32>} : memref<576x32xf32, #tpu.memory_space<vmem>>, vector<16xf32>,
      %mul3A_1657 = arith.mulf %gather3A_1646, %get3A_1656 : vector<16xf32>
      %add3A_1658 = arith.addf %add3A_1642, %mul3A_1657 : vector<16xf32>
      %broadcast_in_dim3A_1659 = arith.constant 6 : i32
      %broadcast_in_dim3A_1660 = vector.broadcast %broadcast_in_dim3A_1659 : i32 to vector<16x1xi32>
      %gather3A_1661 = vector.shape_cast %broadcast_in_dim3A_1660 : vector<16x1xi32> to vector<16xi32>
      %gather3A_1662 = tpu.dynamic_gather %get3A_1562[%gather3A_1661] in [0] : vector<16xf32>, vector<16xi32> -> vector<16xf32>
      %get3A_1663 = arith.constant 566 : i32
      %get3A_1664 = arith.index_cast %get3A_1663 : i32 to index
      %get3A_1665 = arith.constant 0 : index
      %get3A_1666 = tpu.vector_load %arg14[%get3A_1664, %get3A_1665] {strides = array<i32>} : memref<576x32xf32, #tpu.memory_space<vmem>>, vector<16xf32>,
      %mul3A_1667 = arith.mulf %gather3A_1662, %get3A_1666 : vector<16xf32>
      %add3A_1668 = arith.addf %add3A_1652, %mul3A_1667 : vector<16xf32>
      %get3A_1669 = arith.constant 566 : i32
      %get3A_1670 = arith.index_cast %get3A_1669 : i32 to index
      %get3A_1671 = arith.constant 16 : index
      %get3A_1672 = tpu.vector_load %arg14[%get3A_1670, %get3A_1671] {strides = array<i32>} : memref<576x32xf32, #tpu.memory_space<vmem>>, vector<16xf32>,
      %mul3A_1673 = arith.mulf %gather3A_1662, %get3A_1672 : vector<16xf32>
      %add3A_1674 = arith.addf %add3A_1658, %mul3A_1673 : vector<16xf32>
      %broadcast_in_dim3A_1675 = arith.constant 7 : i32
      %broadcast_in_dim3A_1676 = vector.broadcast %broadcast_in_dim3A_1675 : i32 to vector<16x1xi32>
      %gather3A_1677 = vector.shape_cast %broadcast_in_dim3A_1676 : vector<16x1xi32> to vector<16xi32>
      %gather3A_1678 = tpu.dynamic_gather %get3A_1562[%gather3A_1677] in [0] : vector<16xf32>, vector<16xi32> -> vector<16xf32>
      %get3A_1679 = arith.constant 567 : i32
      %get3A_1680 = arith.index_cast %get3A_1679 : i32 to index
      %get3A_1681 = arith.constant 0 : index
      %get3A_1682 = tpu.vector_load %arg14[%get3A_1680, %get3A_1681] {strides = array<i32>} : memref<576x32xf32, #tpu.memory_space<vmem>>, vector<16xf32>,
      %mul3A_1683 = arith.mulf %gather3A_1678, %get3A_1682 : vector<16xf32>
      %add3A_1684 = arith.addf %add3A_1668, %mul3A_1683 : vector<16xf32>
      %get3A_1685 = arith.constant 567 : i32
      %get3A_1686 = arith.index_cast %get3A_1685 : i32 to index
      %get3A_1687 = arith.constant 16 : index
      %get3A_1688 = tpu.vector_load %arg14[%get3A_1686, %get3A_1687] {strides = array<i32>} : memref<576x32xf32, #tpu.memory_space<vmem>>, vector<16xf32>,
      %mul3A_1689 = arith.mulf %gather3A_1678, %get3A_1688 : vector<16xf32>
      %add3A_1690 = arith.addf %add3A_1674, %mul3A_1689 : vector<16xf32>
      %broadcast_in_dim3A_1691 = arith.constant 8 : i32
      %broadcast_in_dim3A_1692 = vector.broadcast %broadcast_in_dim3A_1691 : i32 to vector<16x1xi32>
      %gather3A_1693 = vector.shape_cast %broadcast_in_dim3A_1692 : vector<16x1xi32> to vector<16xi32>
      %gather3A_1694 = tpu.dynamic_gather %get3A_1562[%gather3A_1693] in [0] : vector<16xf32>, vector<16xi32> -> vector<16xf32>
      %get3A_1695 = arith.constant 568 : i32
      %get3A_1696 = arith.index_cast %get3A_1695 : i32 to index
      %get3A_1697 = arith.constant 0 : index
      %get3A_1698 = tpu.vector_load %arg14[%get3A_1696, %get3A_1697] {strides = array<i32>} : memref<576x32xf32, #tpu.memory_space<vmem>>, vector<16xf32>,
      %mul3A_1699 = arith.mulf %gather3A_1694, %get3A_1698 : vector<16xf32>
      %add3A_1700 = arith.addf %add3A_1684, %mul3A_1699 : vector<16xf32>
      %get3A_1701 = arith.constant 568 : i32
      %get3A_1702 = arith.index_cast %get3A_1701 : i32 to index
      %get3A_1703 = arith.constant 16 : index
      %get3A_1704 = tpu.vector_load %arg14[%get3A_1702, %get3A_1703] {strides = array<i32>} : memref<576x32xf32, #tpu.memory_space<vmem>>, vector<16xf32>,
      %mul3A_1705 = arith.mulf %gather3A_1694, %get3A_1704 : vector<16xf32>
      %add3A_1706 = arith.addf %add3A_1690, %mul3A_1705 : vector<16xf32>
      %broadcast_in_dim3A_1707 = arith.constant 9 : i32
      %broadcast_in_dim3A_1708 = vector.broadcast %broadcast_in_dim3A_1707 : i32 to vector<16x1xi32>
      %gather3A_1709 = vector.shape_cast %broadcast_in_dim3A_1708 : vector<16x1xi32> to vector<16xi32>
      %gather3A_1710 = tpu.dynamic_gather %get3A_1562[%gather3A_1709] in [0] : vector<16xf32>, vector<16xi32> -> vector<16xf32>
      %get3A_1711 = arith.constant 569 : i32
      %get3A_1712 = arith.index_cast %get3A_1711 : i32 to index
      %get3A_1713 = arith.constant 0 : index
      %get3A_1714 = tpu.vector_load %arg14[%get3A_1712, %get3A_1713] {strides = array<i32>} : memref<576x32xf32, #tpu.memory_space<vmem>>, vector<16xf32>,
      %mul3A_1715 = arith.mulf %gather3A_1710, %get3A_1714 : vector<16xf32>
      %add3A_1716 = arith.addf %add3A_1700, %mul3A_1715 : vector<16xf32>
      %get3A_1717 = arith.constant 569 : i32
      %get3A_1718 = arith.index_cast %get3A_1717 : i32 to index
      %get3A_1719 = arith.constant 16 : index
      %get3A_1720 = tpu.vector_load %arg14[%get3A_1718, %get3A_1719] {strides = array<i32>} : memref<576x32xf32, #tpu.memory_space<vmem>>, vector<16xf32>,
      %mul3A_1721 = arith.mulf %gather3A_1710, %get3A_1720 : vector<16xf32>
      %add3A_1722 = arith.addf %add3A_1706, %mul3A_1721 : vector<16xf32>
      %broadcast_in_dim3A_1723 = arith.constant 10 : i32
      %broadcast_in_dim3A_1724 = vector.broadcast %broadcast_in_dim3A_1723 : i32 to vector<16x1xi32>
      %gather3A_1725 = vector.shape_cast %broadcast_in_dim3A_1724 : vector<16x1xi32> to vector<16xi32>
      %gather3A_1726 = tpu.dynamic_gather %get3A_1562[%gather3A_1725] in [0] : vector<16xf32>, vector<16xi32> -> vector<16xf32>
      %get3A_1727 = arith.constant 570 : i32
      %get3A_1728 = arith.index_cast %get3A_1727 : i32 to index
      %get3A_1729 = arith.constant 0 : index
      %get3A_1730 = tpu.vector_load %arg14[%get3A_1728, %get3A_1729] {strides = array<i32>} : memref<576x32xf32, #tpu.memory_space<vmem>>, vector<16xf32>,
      %mul3A_1731 = arith.mulf %gather3A_1726, %get3A_1730 : vector<16xf32>
      %add3A_1732 = arith.addf %add3A_1716, %mul3A_1731 : vector<16xf32>
      %get3A_1733 = arith.constant 570 : i32
      %get3A_1734 = arith.index_cast %get3A_1733 : i32 to index
      %get3A_1735 = arith.constant 16 : index
      %get3A_1736 = tpu.vector_load %arg14[%get3A_1734, %get3A_1735] {strides = array<i32>} : memref<576x32xf32, #tpu.memory_space<vmem>>, vector<16xf32>,
      %mul3A_1737 = arith.mulf %gather3A_1726, %get3A_1736 : vector<16xf32>
      %add3A_1738 = arith.addf %add3A_1722, %mul3A_1737 : vector<16xf32>
      %broadcast_in_dim3A_1739 = arith.constant 11 : i32
      %broadcast_in_dim3A_1740 = vector.broadcast %broadcast_in_dim3A_1739 : i32 to vector<16x1xi32>
      %gather3A_1741 = vector.shape_cast %broadcast_in_dim3A_1740 : vector<16x1xi32> to vector<16xi32>
      %gather3A_1742 = tpu.dynamic_gather %get3A_1562[%gather3A_1741] in [0] : vector<16xf32>, vector<16xi32> -> vector<16xf32>
      %get3A_1743 = arith.constant 571 : i32
      %get3A_1744 = arith.index_cast %get3A_1743 : i32 to index
      %get3A_1745 = arith.constant 0 : index
      %get3A_1746 = tpu.vector_load %arg14[%get3A_1744, %get3A_1745] {strides = array<i32>} : memref<576x32xf32, #tpu.memory_space<vmem>>, vector<16xf32>,
      %mul3A_1747 = arith.mulf %gather3A_1742, %get3A_1746 : vector<16xf32>
      %add3A_1748 = arith.addf %add3A_1732, %mul3A_1747 : vector<16xf32>
      %get3A_1749 = arith.constant 571 : i32
      %get3A_1750 = arith.index_cast %get3A_1749 : i32 to index
      %get3A_1751 = arith.constant 16 : index
      %get3A_1752 = tpu.vector_load %arg14[%get3A_1750, %get3A_1751] {strides = array<i32>} : memref<576x32xf32, #tpu.memory_space<vmem>>, vector<16xf32>,
      %mul3A_1753 = arith.mulf %gather3A_1742, %get3A_1752 : vector<16xf32>
      %add3A_1754 = arith.addf %add3A_1738, %mul3A_1753 : vector<16xf32>
      %broadcast_in_dim3A_1755 = arith.constant 12 : i32
      %broadcast_in_dim3A_1756 = vector.broadcast %broadcast_in_dim3A_1755 : i32 to vector<16x1xi32>
      %gather3A_1757 = vector.shape_cast %broadcast_in_dim3A_1756 : vector<16x1xi32> to vector<16xi32>
      %gather3A_1758 = tpu.dynamic_gather %get3A_1562[%gather3A_1757] in [0] : vector<16xf32>, vector<16xi32> -> vector<16xf32>
      %get3A_1759 = arith.constant 572 : i32
      %get3A_1760 = arith.index_cast %get3A_1759 : i32 to index
      %get3A_1761 = arith.constant 0 : index
      %get3A_1762 = tpu.vector_load %arg14[%get3A_1760, %get3A_1761] {strides = array<i32>} : memref<576x32xf32, #tpu.memory_space<vmem>>, vector<16xf32>,
      %mul3A_1763 = arith.mulf %gather3A_1758, %get3A_1762 : vector<16xf32>
      %add3A_1764 = arith.addf %add3A_1748, %mul3A_1763 : vector<16xf32>
      %get3A_1765 = arith.constant 572 : i32
      %get3A_1766 = arith.index_cast %get3A_1765 : i32 to index
      %get3A_1767 = arith.constant 16 : index
      %get3A_1768 = tpu.vector_load %arg14[%get3A_1766, %get3A_1767] {strides = array<i32>} : memref<576x32xf32, #tpu.memory_space<vmem>>, vector<16xf32>,
      %mul3A_1769 = arith.mulf %gather3A_1758, %get3A_1768 : vector<16xf32>
      %add3A_1770 = arith.addf %add3A_1754, %mul3A_1769 : vector<16xf32>
      %broadcast_in_dim3A_1771 = arith.constant 13 : i32
      %broadcast_in_dim3A_1772 = vector.broadcast %broadcast_in_dim3A_1771 : i32 to vector<16x1xi32>
      %gather3A_1773 = vector.shape_cast %broadcast_in_dim3A_1772 : vector<16x1xi32> to vector<16xi32>
      %gather3A_1774 = tpu.dynamic_gather %get3A_1562[%gather3A_1773] in [0] : vector<16xf32>, vector<16xi32> -> vector<16xf32>
      %get3A_1775 = arith.constant 573 : i32
      %get3A_1776 = arith.index_cast %get3A_1775 : i32 to index
      %get3A_1777 = arith.constant 0 : index
      %get3A_1778 = tpu.vector_load %arg14[%get3A_1776, %get3A_1777] {strides = array<i32>} : memref<576x32xf32, #tpu.memory_space<vmem>>, vector<16xf32>,
      %mul3A_1779 = arith.mulf %gather3A_1774, %get3A_1778 : vector<16xf32>
      %add3A_1780 = arith.addf %add3A_1764, %mul3A_1779 : vector<16xf32>
      %get3A_1781 = arith.constant 573 : i32
      %get3A_1782 = arith.index_cast %get3A_1781 : i32 to index
      %get3A_1783 = arith.constant 16 : index
      %get3A_1784 = tpu.vector_load %arg14[%get3A_1782, %get3A_1783] {strides = array<i32>} : memref<576x32xf32, #tpu.memory_space<vmem>>, vector<16xf32>,
      %mul3A_1785 = arith.mulf %gather3A_1774, %get3A_1784 : vector<16xf32>
      %add3A_1786 = arith.addf %add3A_1770, %mul3A_1785 : vector<16xf32>
      %broadcast_in_dim3A_1787 = arith.constant 14 : i32
      %broadcast_in_dim3A_1788 = vector.broadcast %broadcast_in_dim3A_1787 : i32 to vector<16x1xi32>
      %gather3A_1789 = vector.shape_cast %broadcast_in_dim3A_1788 : vector<16x1xi32> to vector<16xi32>
      %gather3A_1790 = tpu.dynamic_gather %get3A_1562[%gather3A_1789] in [0] : vector<16xf32>, vector<16xi32> -> vector<16xf32>
      %get3A_1791 = arith.constant 574 : i32
      %get3A_1792 = arith.index_cast %get3A_1791 : i32 to index
      %get3A_1793 = arith.constant 0 : index
      %get3A_1794 = tpu.vector_load %arg14[%get3A_1792, %get3A_1793] {strides = array<i32>} : memref<576x32xf32, #tpu.memory_space<vmem>>, vector<16xf32>,
      %mul3A_1795 = arith.mulf %gather3A_1790, %get3A_1794 : vector<16xf32>
      %add3A_1796 = arith.addf %add3A_1780, %mul3A_1795 : vector<16xf32>
      %get3A_1797 = arith.constant 574 : i32
      %get3A_1798 = arith.index_cast %get3A_1797 : i32 to index
      %get3A_1799 = arith.constant 16 : index
      %get3A_1800 = tpu.vector_load %arg14[%get3A_1798, %get3A_1799] {strides = array<i32>} : memref<576x32xf32, #tpu.memory_space<vmem>>, vector<16xf32>,
      %mul3A_1801 = arith.mulf %gather3A_1790, %get3A_1800 : vector<16xf32>
      %add3A_1802 = arith.addf %add3A_1786, %mul3A_1801 : vector<16xf32>
      %broadcast_in_dim3A_1803 = arith.constant 15 : i32
      %broadcast_in_dim3A_1804 = vector.broadcast %broadcast_in_dim3A_1803 : i32 to vector<16x1xi32>
      %gather3A_1805 = vector.shape_cast %broadcast_in_dim3A_1804 : vector<16x1xi32> to vector<16xi32>
      %gather3A_1806 = tpu.dynamic_gather %get3A_1562[%gather3A_1805] in [0] : vector<16xf32>, vector<16xi32> -> vector<16xf32>
      %get3A_1807 = arith.constant 575 : i32
      %get3A_1808 = arith.index_cast %get3A_1807 : i32 to index
      %get3A_1809 = arith.constant 0 : index
      %get3A_1810 = tpu.vector_load %arg14[%get3A_1808, %get3A_1809] {strides = array<i32>} : memref<576x32xf32, #tpu.memory_space<vmem>>, vector<16xf32>,
      %mul3A_1811 = arith.mulf %gather3A_1806, %get3A_1810 : vector<16xf32>
      %add3A_1812 = arith.addf %add3A_1796, %mul3A_1811 : vector<16xf32>
      %get3A_1813 = arith.constant 575 : i32
      %get3A_1814 = arith.index_cast %get3A_1813 : i32 to index
      %get3A_1815 = arith.constant 16 : index
      %get3A_1816 = tpu.vector_load %arg14[%get3A_1814, %get3A_1815] {strides = array<i32>} : memref<576x32xf32, #tpu.memory_space<vmem>>, vector<16xf32>,
      %mul3A_1817 = arith.mulf %gather3A_1806, %get3A_1816 : vector<16xf32>
      %add3A_1818 = arith.addf %add3A_1802, %mul3A_1817 : vector<16xf32>
      %max3A = arith.constant 0.000000e+00 : f32
      %max3A_1819 = vector.broadcast %max3A : f32 to vector<16xf32>
      %max3A_1820 = arith.maximumf %add3A_1812, %max3A_1819 : vector<16xf32>
      %max3A_1821 = arith.constant 0.000000e+00 : f32
      %max3A_1822 = vector.broadcast %max3A_1821 : f32 to vector<16xf32>
      %max3A_1823 = arith.maximumf %add3A_1818, %max3A_1822 : vector<16xf32>
      %lt3A_1824 = arith.constant 4 : i32
      %lt3A_1825 = vector.broadcast %lt3A_1824 : i32 to vector<16xi32>
      %lt3A_1826 = arith.cmpi slt, %iota3A, %lt3A_1825 : vector<16xi32>
      %jit3A_1827 = arith.constant -3.000000e+01 : f32
      %broadcast_in_dim3A_1828 = vector.broadcast %jit3A_1827 : f32 to vector<16xf32>
      %select_n3A_1829 = arith.select %lt3A_1826, %max3A_1823, %broadcast_in_dim3A_1828 : vector<16xi1>, vector<16xf32>
      %reduce_max3A = arith.constant true
      %reduce_max3A_1830 = vector.broadcast %reduce_max3A : i1 to vector<16xi1>
      %reduce_max3A_1831 = tpu.scan <max>, %max3A_1820 masked %reduce_max3A_1830 : vector<16xf32>, vector<16xi1> -> vector<16xf32>
      %reduce_max3A_1832 = vector.extract %reduce_max3A_1831[15] : f32 from vector<16xf32>
      %reduce_max3A_1833 = arith.constant true
      %reduce_max3A_1834 = vector.broadcast %reduce_max3A_1833 : i1 to vector<16xi1>
      %reduce_max3A_1835 = tpu.scan <max>, %select_n3A_1829 masked %reduce_max3A_1834 : vector<16xf32>, vector<16xi1> -> vector<16xf32>
      %reduce_max3A_1836 = vector.extract %reduce_max3A_1835[15] : f32 from vector<16xf32>
      %max3A_1837 = arith.maximumf %reduce_max3A_1832, %reduce_max3A_1836 : f32
      %sub3A = vector.broadcast %max3A_1837 : f32 to vector<16xf32>
      %sub3A_1838 = arith.subf %max3A_1820, %sub3A : vector<16xf32>
      %exp3A = math.exp %sub3A_1838 : vector<16xf32>
      %sub3A_1839 = vector.broadcast %max3A_1837 : f32 to vector<16xf32>
      %sub3A_1840 = arith.subf %max3A_1823, %sub3A_1839 : vector<16xf32>
      %exp3A_1841 = math.exp %sub3A_1840 : vector<16xf32>
      %jit3A_1842 = arith.constant 0.000000e+00 : f32
      %broadcast_in_dim3A_1843 = vector.broadcast %jit3A_1842 : f32 to vector<16xf32>
      %select_n3A_1844 = arith.select %lt3A_1826, %exp3A_1841, %broadcast_in_dim3A_1843 : vector<16xi1>, vector<16xf32>
      %reduce_sum3A = arith.constant true
      %reduce_sum3A_1845 = vector.broadcast %reduce_sum3A : i1 to vector<16xi1>
      %reduce_sum3A_1846 = tpu.scan <sum>, %exp3A masked %reduce_sum3A_1845 : vector<16xf32>, vector<16xi1> -> vector<16xf32>
      %reduce_sum3A_1847 = vector.extract %reduce_sum3A_1846[15] : f32 from vector<16xf32>
      %reduce_sum3A_1848 = arith.constant true
      %reduce_sum3A_1849 = vector.broadcast %reduce_sum3A_1848 : i1 to vector<16xi1>
      %reduce_sum3A_1850 = tpu.scan <sum>, %select_n3A_1844 masked %reduce_sum3A_1849 : vector<16xf32>, vector<16xi1> -> vector<16xf32>
      %reduce_sum3A_1851 = vector.extract %reduce_sum3A_1850[15] : f32 from vector<16xf32>
      %add3A_1852 = arith.addf %reduce_sum3A_1847, %reduce_sum3A_1851 : f32
      %div3A = vector.broadcast %add3A_1852 : f32 to vector<16xf32>
      %div3A_1853 = arith.divf %exp3A, %div3A : vector<16xf32>
      %swap3A_1854 = arith.index_cast %mul3A_382 : i32 to index
      %swap3A_1855 = arith.constant 0 : index
      %swap3A_1856 = tpu.vector_load %arg16[%swap3A_1854, %swap3A_1855] {strides = array<i32>} : memref<32x32xf32, #tpu.memory_space<vmem>>, vector<16xf32>,
      tpu.vector_store %arg16[%swap3A_1854, %swap3A_1855], %div3A_1853 {strides = array<i32>} : memref<32x32xf32, #tpu.memory_space<vmem>>, vector<16xf32>,
      %div3A_1857 = vector.broadcast %add3A_1852 : f32 to vector<16xf32>
      %div3A_1858 = arith.divf %select_n3A_1844, %div3A_1857 : vector<16xf32>
      %swap3A_1859 = arith.index_cast %mul3A_382 : i32 to index
      %swap3A_1860 = arith.constant 16 : index
      %swap3A_1861 = tpu.vector_load %arg16[%swap3A_1859, %swap3A_1860] {strides = array<i32>} : memref<32x32xf32, #tpu.memory_space<vmem>>, vector<16xf32>,
      tpu.vector_store %arg16[%swap3A_1859, %swap3A_1860], %div3A_1858 {strides = array<i32>} : memref<32x32xf32, #tpu.memory_space<vmem>>, vector<16xf32>,
      %add3A_1862 = arith.constant 2 : i32
      %add3A_1863 = arith.addi %mul3A_382, %add3A_1862 : i32
      %min3A_1864 = arith.constant 31 : i32
      %min3A_1865 = arith.minsi %add3A_1863, %min3A_1864 : i32
      %broadcast_in_dim3A_1866 = vector.broadcast %min3A_1865 : i32 to vector<16xi32>
      %add3A_1867 = arith.constant 0 : i32
      %add3A_1868 = vector.broadcast %add3A_1867 : i32 to vector<16xi32>
      %add3A_1869 = arith.addi %add3A_1868, %iota3A : vector<16xi32>
      %gather3A_1870 = tpu.vector_load_idx %arg8[%broadcast_in_dim3A_1866, %add3A_1869] : memref<32x500xi32, #tpu.memory_space<vmem>>[vector<16xi32>, vector<16xi32>], vector<16xi32>,
      %swap3A_1871 = arith.constant 0 : i32
      %swap3A_1872 = arith.index_cast %swap3A_1871 : i32 to index
      %swap3A_1873 = arith.constant 0 : index
      %swap3A_1874 = tpu.vector_load %arg9[%swap3A_1872, %swap3A_1873] {strides = array<i32>} : memref<4x128xi32, #tpu.memory_space<vmem>>, vector<16xi32>,
      tpu.vector_store %arg9[%swap3A_1872, %swap3A_1873], %gather3A_1870 {strides = array<i32>} : memref<4x128xi32, #tpu.memory_space<vmem>>, vector<16xi32>,
      %add3A_1875 = arith.constant 16 : i32
      %add3A_1876 = vector.broadcast %add3A_1875 : i32 to vector<16xi32>
      %add3A_1877 = arith.addi %add3A_1876, %iota3A : vector<16xi32>
      %gather3A_1878 = tpu.vector_load_idx %arg8[%broadcast_in_dim3A_1866, %add3A_1877] : memref<32x500xi32, #tpu.memory_space<vmem>>[vector<16xi32>, vector<16xi32>], vector<16xi32>,
      %swap3A_1879 = arith.constant 0 : i32
      %swap3A_1880 = arith.index_cast %swap3A_1879 : i32 to index
      %swap3A_1881 = arith.constant 16 : index
      %swap3A_1882 = tpu.vector_load %arg9[%swap3A_1880, %swap3A_1881] {strides = array<i32>} : memref<4x128xi32, #tpu.memory_space<vmem>>, vector<16xi32>,
      tpu.vector_store %arg9[%swap3A_1880, %swap3A_1881], %gather3A_1878 {strides = array<i32>} : memref<4x128xi32, #tpu.memory_space<vmem>>, vector<16xi32>,
      %add3A_1883 = arith.constant 32 : i32
      %add3A_1884 = vector.broadcast %add3A_1883 : i32 to vector<16xi32>
      %add3A_1885 = arith.addi %add3A_1884, %iota3A : vector<16xi32>
      %gather3A_1886 = tpu.vector_load_idx %arg8[%broadcast_in_dim3A_1866, %add3A_1885] : memref<32x500xi32, #tpu.memory_space<vmem>>[vector<16xi32>, vector<16xi32>], vector<16xi32>,
      %swap3A_1887 = arith.constant 0 : i32
      %swap3A_1888 = arith.index_cast %swap3A_1887 : i32 to index
      %swap3A_1889 = arith.constant 32 : index
      %swap3A_1890 = tpu.vector_load %arg9[%swap3A_1888, %swap3A_1889] {strides = array<i32>} : memref<4x128xi32, #tpu.memory_space<vmem>>, vector<16xi32>,
      tpu.vector_store %arg9[%swap3A_1888, %swap3A_1889], %gather3A_1886 {strides = array<i32>} : memref<4x128xi32, #tpu.memory_space<vmem>>, vector<16xi32>,
      %add3A_1891 = arith.constant 48 : i32
      %add3A_1892 = vector.broadcast %add3A_1891 : i32 to vector<16xi32>
      %add3A_1893 = arith.addi %add3A_1892, %iota3A : vector<16xi32>
      %gather3A_1894 = tpu.vector_load_idx %arg8[%broadcast_in_dim3A_1866, %add3A_1893] : memref<32x500xi32, #tpu.memory_space<vmem>>[vector<16xi32>, vector<16xi32>], vector<16xi32>,
      %swap3A_1895 = arith.constant 0 : i32
      %swap3A_1896 = arith.index_cast %swap3A_1895 : i32 to index
      %swap3A_1897 = arith.constant 48 : index
      %swap3A_1898 = tpu.vector_load %arg9[%swap3A_1896, %swap3A_1897] {strides = array<i32>} : memref<4x128xi32, #tpu.memory_space<vmem>>, vector<16xi32>,
      tpu.vector_store %arg9[%swap3A_1896, %swap3A_1897], %gather3A_1894 {strides = array<i32>} : memref<4x128xi32, #tpu.memory_space<vmem>>, vector<16xi32>,
      %add3A_1899 = arith.constant 64 : i32
      %add3A_1900 = vector.broadcast %add3A_1899 : i32 to vector<16xi32>
      %add3A_1901 = arith.addi %add3A_1900, %iota3A : vector<16xi32>
      %gather3A_1902 = tpu.vector_load_idx %arg8[%broadcast_in_dim3A_1866, %add3A_1901] : memref<32x500xi32, #tpu.memory_space<vmem>>[vector<16xi32>, vector<16xi32>], vector<16xi32>,
      %swap3A_1903 = arith.constant 0 : i32
      %swap3A_1904 = arith.index_cast %swap3A_1903 : i32 to index
      %swap3A_1905 = arith.constant 64 : index
      %swap3A_1906 = tpu.vector_load %arg9[%swap3A_1904, %swap3A_1905] {strides = array<i32>} : memref<4x128xi32, #tpu.memory_space<vmem>>, vector<16xi32>,
      tpu.vector_store %arg9[%swap3A_1904, %swap3A_1905], %gather3A_1902 {strides = array<i32>} : memref<4x128xi32, #tpu.memory_space<vmem>>, vector<16xi32>,
      %add3A_1907 = arith.constant 80 : i32
      %add3A_1908 = vector.broadcast %add3A_1907 : i32 to vector<16xi32>
      %add3A_1909 = arith.addi %add3A_1908, %iota3A : vector<16xi32>
      %gather3A_1910 = tpu.vector_load_idx %arg8[%broadcast_in_dim3A_1866, %add3A_1909] : memref<32x500xi32, #tpu.memory_space<vmem>>[vector<16xi32>, vector<16xi32>], vector<16xi32>,
      %swap3A_1911 = arith.constant 0 : i32
      %swap3A_1912 = arith.index_cast %swap3A_1911 : i32 to index
      %swap3A_1913 = arith.constant 80 : index
      %swap3A_1914 = tpu.vector_load %arg9[%swap3A_1912, %swap3A_1913] {strides = array<i32>} : memref<4x128xi32, #tpu.memory_space<vmem>>, vector<16xi32>,
      tpu.vector_store %arg9[%swap3A_1912, %swap3A_1913], %gather3A_1910 {strides = array<i32>} : memref<4x128xi32, #tpu.memory_space<vmem>>, vector<16xi32>,
      %add3A_1915 = arith.constant 96 : i32
      %add3A_1916 = vector.broadcast %add3A_1915 : i32 to vector<16xi32>
      %add3A_1917 = arith.addi %add3A_1916, %iota3A : vector<16xi32>
      %gather3A_1918 = tpu.vector_load_idx %arg8[%broadcast_in_dim3A_1866, %add3A_1917] : memref<32x500xi32, #tpu.memory_space<vmem>>[vector<16xi32>, vector<16xi32>], vector<16xi32>,
      %swap3A_1919 = arith.constant 0 : i32
      %swap3A_1920 = arith.index_cast %swap3A_1919 : i32 to index
      %swap3A_1921 = arith.constant 96 : index
      %swap3A_1922 = tpu.vector_load %arg9[%swap3A_1920, %swap3A_1921] {strides = array<i32>} : memref<4x128xi32, #tpu.memory_space<vmem>>, vector<16xi32>,
      tpu.vector_store %arg9[%swap3A_1920, %swap3A_1921], %gather3A_1918 {strides = array<i32>} : memref<4x128xi32, #tpu.memory_space<vmem>>, vector<16xi32>,
      %add3A_1923 = arith.constant 112 : i32
      %add3A_1924 = vector.broadcast %add3A_1923 : i32 to vector<16xi32>
      %add3A_1925 = arith.addi %add3A_1924, %iota3A : vector<16xi32>
      %gather3A_1926 = tpu.vector_load_idx %arg8[%broadcast_in_dim3A_1866, %add3A_1925] : memref<32x500xi32, #tpu.memory_space<vmem>>[vector<16xi32>, vector<16xi32>], vector<16xi32>,
      %swap3A_1927 = arith.constant 0 : i32
      %swap3A_1928 = arith.index_cast %swap3A_1927 : i32 to index
      %swap3A_1929 = arith.constant 112 : index
      %swap3A_1930 = tpu.vector_load %arg9[%swap3A_1928, %swap3A_1929] {strides = array<i32>} : memref<4x128xi32, #tpu.memory_space<vmem>>, vector<16xi32>,
      tpu.vector_store %arg9[%swap3A_1928, %swap3A_1929], %gather3A_1926 {strides = array<i32>} : memref<4x128xi32, #tpu.memory_space<vmem>>, vector<16xi32>,
      %add3A_1931 = arith.constant 128 : i32
      %add3A_1932 = vector.broadcast %add3A_1931 : i32 to vector<16xi32>
      %add3A_1933 = arith.addi %add3A_1932, %iota3A : vector<16xi32>
      %gather3A_1934 = tpu.vector_load_idx %arg8[%broadcast_in_dim3A_1866, %add3A_1933] : memref<32x500xi32, #tpu.memory_space<vmem>>[vector<16xi32>, vector<16xi32>], vector<16xi32>,
      %swap3A_1935 = arith.constant 1 : i32
      %swap3A_1936 = arith.index_cast %swap3A_1935 : i32 to index
      %swap3A_1937 = arith.constant 0 : index
      %swap3A_1938 = tpu.vector_load %arg9[%swap3A_1936, %swap3A_1937] {strides = array<i32>} : memref<4x128xi32, #tpu.memory_space<vmem>>, vector<16xi32>,
      tpu.vector_store %arg9[%swap3A_1936, %swap3A_1937], %gather3A_1934 {strides = array<i32>} : memref<4x128xi32, #tpu.memory_space<vmem>>, vector<16xi32>,
      %add3A_1939 = arith.constant 144 : i32
      %add3A_1940 = vector.broadcast %add3A_1939 : i32 to vector<16xi32>
      %add3A_1941 = arith.addi %add3A_1940, %iota3A : vector<16xi32>
      %gather3A_1942 = tpu.vector_load_idx %arg8[%broadcast_in_dim3A_1866, %add3A_1941] : memref<32x500xi32, #tpu.memory_space<vmem>>[vector<16xi32>, vector<16xi32>], vector<16xi32>,
      %swap3A_1943 = arith.constant 1 : i32
      %swap3A_1944 = arith.index_cast %swap3A_1943 : i32 to index
      %swap3A_1945 = arith.constant 16 : index
      %swap3A_1946 = tpu.vector_load %arg9[%swap3A_1944, %swap3A_1945] {strides = array<i32>} : memref<4x128xi32, #tpu.memory_space<vmem>>, vector<16xi32>,
      tpu.vector_store %arg9[%swap3A_1944, %swap3A_1945], %gather3A_1942 {strides = array<i32>} : memref<4x128xi32, #tpu.memory_space<vmem>>, vector<16xi32>,
      %add3A_1947 = arith.constant 160 : i32
      %add3A_1948 = vector.broadcast %add3A_1947 : i32 to vector<16xi32>
      %add3A_1949 = arith.addi %add3A_1948, %iota3A : vector<16xi32>
      %gather3A_1950 = tpu.vector_load_idx %arg8[%broadcast_in_dim3A_1866, %add3A_1949] : memref<32x500xi32, #tpu.memory_space<vmem>>[vector<16xi32>, vector<16xi32>], vector<16xi32>,
      %swap3A_1951 = arith.constant 1 : i32
      %swap3A_1952 = arith.index_cast %swap3A_1951 : i32 to index
      %swap3A_1953 = arith.constant 32 : index
      %swap3A_1954 = tpu.vector_load %arg9[%swap3A_1952, %swap3A_1953] {strides = array<i32>} : memref<4x128xi32, #tpu.memory_space<vmem>>, vector<16xi32>,
      tpu.vector_store %arg9[%swap3A_1952, %swap3A_1953], %gather3A_1950 {strides = array<i32>} : memref<4x128xi32, #tpu.memory_space<vmem>>, vector<16xi32>,
      %add3A_1955 = arith.constant 176 : i32
      %add3A_1956 = vector.broadcast %add3A_1955 : i32 to vector<16xi32>
      %add3A_1957 = arith.addi %add3A_1956, %iota3A : vector<16xi32>
      %gather3A_1958 = tpu.vector_load_idx %arg8[%broadcast_in_dim3A_1866, %add3A_1957] : memref<32x500xi32, #tpu.memory_space<vmem>>[vector<16xi32>, vector<16xi32>], vector<16xi32>,
      %swap3A_1959 = arith.constant 1 : i32
      %swap3A_1960 = arith.index_cast %swap3A_1959 : i32 to index
      %swap3A_1961 = arith.constant 48 : index
      %swap3A_1962 = tpu.vector_load %arg9[%swap3A_1960, %swap3A_1961] {strides = array<i32>} : memref<4x128xi32, #tpu.memory_space<vmem>>, vector<16xi32>,
      tpu.vector_store %arg9[%swap3A_1960, %swap3A_1961], %gather3A_1958 {strides = array<i32>} : memref<4x128xi32, #tpu.memory_space<vmem>>, vector<16xi32>,
      %add3A_1963 = arith.constant 192 : i32
      %add3A_1964 = vector.broadcast %add3A_1963 : i32 to vector<16xi32>
      %add3A_1965 = arith.addi %add3A_1964, %iota3A : vector<16xi32>
      %gather3A_1966 = tpu.vector_load_idx %arg8[%broadcast_in_dim3A_1866, %add3A_1965] : memref<32x500xi32, #tpu.memory_space<vmem>>[vector<16xi32>, vector<16xi32>], vector<16xi32>,
      %swap3A_1967 = arith.constant 1 : i32
      %swap3A_1968 = arith.index_cast %swap3A_1967 : i32 to index
      %swap3A_1969 = arith.constant 64 : index
      %swap3A_1970 = tpu.vector_load %arg9[%swap3A_1968, %swap3A_1969] {strides = array<i32>} : memref<4x128xi32, #tpu.memory_space<vmem>>, vector<16xi32>,
      tpu.vector_store %arg9[%swap3A_1968, %swap3A_1969], %gather3A_1966 {strides = array<i32>} : memref<4x128xi32, #tpu.memory_space<vmem>>, vector<16xi32>,
      %add3A_1971 = arith.constant 208 : i32
      %add3A_1972 = vector.broadcast %add3A_1971 : i32 to vector<16xi32>
      %add3A_1973 = arith.addi %add3A_1972, %iota3A : vector<16xi32>
      %gather3A_1974 = tpu.vector_load_idx %arg8[%broadcast_in_dim3A_1866, %add3A_1973] : memref<32x500xi32, #tpu.memory_space<vmem>>[vector<16xi32>, vector<16xi32>], vector<16xi32>,
      %swap3A_1975 = arith.constant 1 : i32
      %swap3A_1976 = arith.index_cast %swap3A_1975 : i32 to index
      %swap3A_1977 = arith.constant 80 : index
      %swap3A_1978 = tpu.vector_load %arg9[%swap3A_1976, %swap3A_1977] {strides = array<i32>} : memref<4x128xi32, #tpu.memory_space<vmem>>, vector<16xi32>,
      tpu.vector_store %arg9[%swap3A_1976, %swap3A_1977], %gather3A_1974 {strides = array<i32>} : memref<4x128xi32, #tpu.memory_space<vmem>>, vector<16xi32>,
      %add3A_1979 = arith.constant 224 : i32
      %add3A_1980 = vector.broadcast %add3A_1979 : i32 to vector<16xi32>
      %add3A_1981 = arith.addi %add3A_1980, %iota3A : vector<16xi32>
      %gather3A_1982 = tpu.vector_load_idx %arg8[%broadcast_in_dim3A_1866, %add3A_1981] : memref<32x500xi32, #tpu.memory_space<vmem>>[vector<16xi32>, vector<16xi32>], vector<16xi32>,
      %swap3A_1983 = arith.constant 1 : i32
      %swap3A_1984 = arith.index_cast %swap3A_1983 : i32 to index
      %swap3A_1985 = arith.constant 96 : index
      %swap3A_1986 = tpu.vector_load %arg9[%swap3A_1984, %swap3A_1985] {strides = array<i32>} : memref<4x128xi32, #tpu.memory_space<vmem>>, vector<16xi32>,
      tpu.vector_store %arg9[%swap3A_1984, %swap3A_1985], %gather3A_1982 {strides = array<i32>} : memref<4x128xi32, #tpu.memory_space<vmem>>, vector<16xi32>,
      %add3A_1987 = arith.constant 240 : i32
      %add3A_1988 = vector.broadcast %add3A_1987 : i32 to vector<16xi32>
      %add3A_1989 = arith.addi %add3A_1988, %iota3A : vector<16xi32>
      %gather3A_1990 = tpu.vector_load_idx %arg8[%broadcast_in_dim3A_1866, %add3A_1989] : memref<32x500xi32, #tpu.memory_space<vmem>>[vector<16xi32>, vector<16xi32>], vector<16xi32>,
      %swap3A_1991 = arith.constant 1 : i32
      %swap3A_1992 = arith.index_cast %swap3A_1991 : i32 to index
      %swap3A_1993 = arith.constant 112 : index
      %swap3A_1994 = tpu.vector_load %arg9[%swap3A_1992, %swap3A_1993] {strides = array<i32>} : memref<4x128xi32, #tpu.memory_space<vmem>>, vector<16xi32>,
      tpu.vector_store %arg9[%swap3A_1992, %swap3A_1993], %gather3A_1990 {strides = array<i32>} : memref<4x128xi32, #tpu.memory_space<vmem>>, vector<16xi32>,
      %add3A_1995 = arith.constant 256 : i32
      %add3A_1996 = vector.broadcast %add3A_1995 : i32 to vector<16xi32>
      %add3A_1997 = arith.addi %add3A_1996, %iota3A : vector<16xi32>
      %gather3A_1998 = tpu.vector_load_idx %arg8[%broadcast_in_dim3A_1866, %add3A_1997] : memref<32x500xi32, #tpu.memory_space<vmem>>[vector<16xi32>, vector<16xi32>], vector<16xi32>,
      %swap3A_1999 = arith.constant 2 : i32
      %swap3A_2000 = arith.index_cast %swap3A_1999 : i32 to index
      %swap3A_2001 = arith.constant 0 : index
      %swap3A_2002 = tpu.vector_load %arg9[%swap3A_2000, %swap3A_2001] {strides = array<i32>} : memref<4x128xi32, #tpu.memory_space<vmem>>, vector<16xi32>,
      tpu.vector_store %arg9[%swap3A_2000, %swap3A_2001], %gather3A_1998 {strides = array<i32>} : memref<4x128xi32, #tpu.memory_space<vmem>>, vector<16xi32>,
      %add3A_2003 = arith.constant 272 : i32
      %add3A_2004 = vector.broadcast %add3A_2003 : i32 to vector<16xi32>
      %add3A_2005 = arith.addi %add3A_2004, %iota3A : vector<16xi32>
      %gather3A_2006 = tpu.vector_load_idx %arg8[%broadcast_in_dim3A_1866, %add3A_2005] : memref<32x500xi32, #tpu.memory_space<vmem>>[vector<16xi32>, vector<16xi32>], vector<16xi32>,
      %swap3A_2007 = arith.constant 2 : i32
      %swap3A_2008 = arith.index_cast %swap3A_2007 : i32 to index
      %swap3A_2009 = arith.constant 16 : index
      %swap3A_2010 = tpu.vector_load %arg9[%swap3A_2008, %swap3A_2009] {strides = array<i32>} : memref<4x128xi32, #tpu.memory_space<vmem>>, vector<16xi32>,
      tpu.vector_store %arg9[%swap3A_2008, %swap3A_2009], %gather3A_2006 {strides = array<i32>} : memref<4x128xi32, #tpu.memory_space<vmem>>, vector<16xi32>,
      %add3A_2011 = arith.constant 288 : i32
      %add3A_2012 = vector.broadcast %add3A_2011 : i32 to vector<16xi32>
      %add3A_2013 = arith.addi %add3A_2012, %iota3A : vector<16xi32>
      %gather3A_2014 = tpu.vector_load_idx %arg8[%broadcast_in_dim3A_1866, %add3A_2013] : memref<32x500xi32, #tpu.memory_space<vmem>>[vector<16xi32>, vector<16xi32>], vector<16xi32>,
      %swap3A_2015 = arith.constant 2 : i32
      %swap3A_2016 = arith.index_cast %swap3A_2015 : i32 to index
      %swap3A_2017 = arith.constant 32 : index
      %swap3A_2018 = tpu.vector_load %arg9[%swap3A_2016, %swap3A_2017] {strides = array<i32>} : memref<4x128xi32, #tpu.memory_space<vmem>>, vector<16xi32>,
      tpu.vector_store %arg9[%swap3A_2016, %swap3A_2017], %gather3A_2014 {strides = array<i32>} : memref<4x128xi32, #tpu.memory_space<vmem>>, vector<16xi32>,
      %add3A_2019 = arith.constant 304 : i32
      %add3A_2020 = vector.broadcast %add3A_2019 : i32 to vector<16xi32>
      %add3A_2021 = arith.addi %add3A_2020, %iota3A : vector<16xi32>
      %gather3A_2022 = tpu.vector_load_idx %arg8[%broadcast_in_dim3A_1866, %add3A_2021] : memref<32x500xi32, #tpu.memory_space<vmem>>[vector<16xi32>, vector<16xi32>], vector<16xi32>,
      %swap3A_2023 = arith.constant 2 : i32
      %swap3A_2024 = arith.index_cast %swap3A_2023 : i32 to index
      %swap3A_2025 = arith.constant 48 : index
      %swap3A_2026 = tpu.vector_load %arg9[%swap3A_2024, %swap3A_2025] {strides = array<i32>} : memref<4x128xi32, #tpu.memory_space<vmem>>, vector<16xi32>,
      tpu.vector_store %arg9[%swap3A_2024, %swap3A_2025], %gather3A_2022 {strides = array<i32>} : memref<4x128xi32, #tpu.memory_space<vmem>>, vector<16xi32>,
      %add3A_2027 = arith.constant 320 : i32
      %add3A_2028 = vector.broadcast %add3A_2027 : i32 to vector<16xi32>
      %add3A_2029 = arith.addi %add3A_2028, %iota3A : vector<16xi32>
      %gather3A_2030 = tpu.vector_load_idx %arg8[%broadcast_in_dim3A_1866, %add3A_2029] : memref<32x500xi32, #tpu.memory_space<vmem>>[vector<16xi32>, vector<16xi32>], vector<16xi32>,
      %swap3A_2031 = arith.constant 2 : i32
      %swap3A_2032 = arith.index_cast %swap3A_2031 : i32 to index
      %swap3A_2033 = arith.constant 64 : index
      %swap3A_2034 = tpu.vector_load %arg9[%swap3A_2032, %swap3A_2033] {strides = array<i32>} : memref<4x128xi32, #tpu.memory_space<vmem>>, vector<16xi32>,
      tpu.vector_store %arg9[%swap3A_2032, %swap3A_2033], %gather3A_2030 {strides = array<i32>} : memref<4x128xi32, #tpu.memory_space<vmem>>, vector<16xi32>,
      %add3A_2035 = arith.constant 336 : i32
      %add3A_2036 = vector.broadcast %add3A_2035 : i32 to vector<16xi32>
      %add3A_2037 = arith.addi %add3A_2036, %iota3A : vector<16xi32>
      %gather3A_2038 = tpu.vector_load_idx %arg8[%broadcast_in_dim3A_1866, %add3A_2037] : memref<32x500xi32, #tpu.memory_space<vmem>>[vector<16xi32>, vector<16xi32>], vector<16xi32>,
      %swap3A_2039 = arith.constant 2 : i32
      %swap3A_2040 = arith.index_cast %swap3A_2039 : i32 to index
      %swap3A_2041 = arith.constant 80 : index
      %swap3A_2042 = tpu.vector_load %arg9[%swap3A_2040, %swap3A_2041] {strides = array<i32>} : memref<4x128xi32, #tpu.memory_space<vmem>>, vector<16xi32>,
      tpu.vector_store %arg9[%swap3A_2040, %swap3A_2041], %gather3A_2038 {strides = array<i32>} : memref<4x128xi32, #tpu.memory_space<vmem>>, vector<16xi32>,
      %add3A_2043 = arith.constant 352 : i32
      %add3A_2044 = vector.broadcast %add3A_2043 : i32 to vector<16xi32>
      %add3A_2045 = arith.addi %add3A_2044, %iota3A : vector<16xi32>
      %gather3A_2046 = tpu.vector_load_idx %arg8[%broadcast_in_dim3A_1866, %add3A_2045] : memref<32x500xi32, #tpu.memory_space<vmem>>[vector<16xi32>, vector<16xi32>], vector<16xi32>,
      %swap3A_2047 = arith.constant 2 : i32
      %swap3A_2048 = arith.index_cast %swap3A_2047 : i32 to index
      %swap3A_2049 = arith.constant 96 : index
      %swap3A_2050 = tpu.vector_load %arg9[%swap3A_2048, %swap3A_2049] {strides = array<i32>} : memref<4x128xi32, #tpu.memory_space<vmem>>, vector<16xi32>,
      tpu.vector_store %arg9[%swap3A_2048, %swap3A_2049], %gather3A_2046 {strides = array<i32>} : memref<4x128xi32, #tpu.memory_space<vmem>>, vector<16xi32>,
      %add3A_2051 = arith.constant 368 : i32
      %add3A_2052 = vector.broadcast %add3A_2051 : i32 to vector<16xi32>
      %add3A_2053 = arith.addi %add3A_2052, %iota3A : vector<16xi32>
      %gather3A_2054 = tpu.vector_load_idx %arg8[%broadcast_in_dim3A_1866, %add3A_2053] : memref<32x500xi32, #tpu.memory_space<vmem>>[vector<16xi32>, vector<16xi32>], vector<16xi32>,
      %swap3A_2055 = arith.constant 2 : i32
      %swap3A_2056 = arith.index_cast %swap3A_2055 : i32 to index
      %swap3A_2057 = arith.constant 112 : index
      %swap3A_2058 = tpu.vector_load %arg9[%swap3A_2056, %swap3A_2057] {strides = array<i32>} : memref<4x128xi32, #tpu.memory_space<vmem>>, vector<16xi32>,
      tpu.vector_store %arg9[%swap3A_2056, %swap3A_2057], %gather3A_2054 {strides = array<i32>} : memref<4x128xi32, #tpu.memory_space<vmem>>, vector<16xi32>,
      %add3A_2059 = arith.constant 384 : i32
      %add3A_2060 = vector.broadcast %add3A_2059 : i32 to vector<16xi32>
      %add3A_2061 = arith.addi %add3A_2060, %iota3A : vector<16xi32>
      %gather3A_2062 = tpu.vector_load_idx %arg8[%broadcast_in_dim3A_1866, %add3A_2061] : memref<32x500xi32, #tpu.memory_space<vmem>>[vector<16xi32>, vector<16xi32>], vector<16xi32>,
      %swap3A_2063 = arith.constant 3 : i32
      %swap3A_2064 = arith.index_cast %swap3A_2063 : i32 to index
      %swap3A_2065 = arith.constant 0 : index
      %swap3A_2066 = tpu.vector_load %arg9[%swap3A_2064, %swap3A_2065] {strides = array<i32>} : memref<4x128xi32, #tpu.memory_space<vmem>>, vector<16xi32>,
      tpu.vector_store %arg9[%swap3A_2064, %swap3A_2065], %gather3A_2062 {strides = array<i32>} : memref<4x128xi32, #tpu.memory_space<vmem>>, vector<16xi32>,
      %add3A_2067 = arith.constant 400 : i32
      %add3A_2068 = vector.broadcast %add3A_2067 : i32 to vector<16xi32>
      %add3A_2069 = arith.addi %add3A_2068, %iota3A : vector<16xi32>
      %gather3A_2070 = tpu.vector_load_idx %arg8[%broadcast_in_dim3A_1866, %add3A_2069] : memref<32x500xi32, #tpu.memory_space<vmem>>[vector<16xi32>, vector<16xi32>], vector<16xi32>,
      %swap3A_2071 = arith.constant 3 : i32
      %swap3A_2072 = arith.index_cast %swap3A_2071 : i32 to index
      %swap3A_2073 = arith.constant 16 : index
      %swap3A_2074 = tpu.vector_load %arg9[%swap3A_2072, %swap3A_2073] {strides = array<i32>} : memref<4x128xi32, #tpu.memory_space<vmem>>, vector<16xi32>,
      tpu.vector_store %arg9[%swap3A_2072, %swap3A_2073], %gather3A_2070 {strides = array<i32>} : memref<4x128xi32, #tpu.memory_space<vmem>>, vector<16xi32>,
      %add3A_2075 = arith.constant 416 : i32
      %add3A_2076 = vector.broadcast %add3A_2075 : i32 to vector<16xi32>
      %add3A_2077 = arith.addi %add3A_2076, %iota3A : vector<16xi32>
      %gather3A_2078 = tpu.vector_load_idx %arg8[%broadcast_in_dim3A_1866, %add3A_2077] : memref<32x500xi32, #tpu.memory_space<vmem>>[vector<16xi32>, vector<16xi32>], vector<16xi32>,
      %swap3A_2079 = arith.constant 3 : i32
      %swap3A_2080 = arith.index_cast %swap3A_2079 : i32 to index
      %swap3A_2081 = arith.constant 32 : index
      %swap3A_2082 = tpu.vector_load %arg9[%swap3A_2080, %swap3A_2081] {strides = array<i32>} : memref<4x128xi32, #tpu.memory_space<vmem>>, vector<16xi32>,
      tpu.vector_store %arg9[%swap3A_2080, %swap3A_2081], %gather3A_2078 {strides = array<i32>} : memref<4x128xi32, #tpu.memory_space<vmem>>, vector<16xi32>,
      %add3A_2083 = arith.constant 432 : i32
      %add3A_2084 = vector.broadcast %add3A_2083 : i32 to vector<16xi32>
      %add3A_2085 = arith.addi %add3A_2084, %iota3A : vector<16xi32>
      %gather3A_2086 = tpu.vector_load_idx %arg8[%broadcast_in_dim3A_1866, %add3A_2085] : memref<32x500xi32, #tpu.memory_space<vmem>>[vector<16xi32>, vector<16xi32>], vector<16xi32>,
      %swap3A_2087 = arith.constant 3 : i32
      %swap3A_2088 = arith.index_cast %swap3A_2087 : i32 to index
      %swap3A_2089 = arith.constant 48 : index
      %swap3A_2090 = tpu.vector_load %arg9[%swap3A_2088, %swap3A_2089] {strides = array<i32>} : memref<4x128xi32, #tpu.memory_space<vmem>>, vector<16xi32>,
      tpu.vector_store %arg9[%swap3A_2088, %swap3A_2089], %gather3A_2086 {strides = array<i32>} : memref<4x128xi32, #tpu.memory_space<vmem>>, vector<16xi32>,
      %add3A_2091 = arith.constant 448 : i32
      %add3A_2092 = vector.broadcast %add3A_2091 : i32 to vector<16xi32>
      %add3A_2093 = arith.addi %add3A_2092, %iota3A : vector<16xi32>
      %gather3A_2094 = tpu.vector_load_idx %arg8[%broadcast_in_dim3A_1866, %add3A_2093] : memref<32x500xi32, #tpu.memory_space<vmem>>[vector<16xi32>, vector<16xi32>], vector<16xi32>,
      %swap3A_2095 = arith.constant 3 : i32
      %swap3A_2096 = arith.index_cast %swap3A_2095 : i32 to index
      %swap3A_2097 = arith.constant 64 : index
      %swap3A_2098 = tpu.vector_load %arg9[%swap3A_2096, %swap3A_2097] {strides = array<i32>} : memref<4x128xi32, #tpu.memory_space<vmem>>, vector<16xi32>,
      tpu.vector_store %arg9[%swap3A_2096, %swap3A_2097], %gather3A_2094 {strides = array<i32>} : memref<4x128xi32, #tpu.memory_space<vmem>>, vector<16xi32>,
      %add3A_2099 = arith.constant 464 : i32
      %add3A_2100 = vector.broadcast %add3A_2099 : i32 to vector<16xi32>
      %add3A_2101 = arith.addi %add3A_2100, %iota3A : vector<16xi32>
      %gather3A_2102 = tpu.vector_load_idx %arg8[%broadcast_in_dim3A_1866, %add3A_2101] : memref<32x500xi32, #tpu.memory_space<vmem>>[vector<16xi32>, vector<16xi32>], vector<16xi32>,
      %swap3A_2103 = arith.constant 3 : i32
      %swap3A_2104 = arith.index_cast %swap3A_2103 : i32 to index
      %swap3A_2105 = arith.constant 80 : index
      %swap3A_2106 = tpu.vector_load %arg9[%swap3A_2104, %swap3A_2105] {strides = array<i32>} : memref<4x128xi32, #tpu.memory_space<vmem>>, vector<16xi32>,
      tpu.vector_store %arg9[%swap3A_2104, %swap3A_2105], %gather3A_2102 {strides = array<i32>} : memref<4x128xi32, #tpu.memory_space<vmem>>, vector<16xi32>,
      %add3A_2107 = arith.constant 480 : i32
      %add3A_2108 = vector.broadcast %add3A_2107 : i32 to vector<16xi32>
      %add3A_2109 = arith.addi %add3A_2108, %iota3A : vector<16xi32>
      %gather3A_2110 = tpu.vector_load_idx %arg8[%broadcast_in_dim3A_1866, %add3A_2109] : memref<32x500xi32, #tpu.memory_space<vmem>>[vector<16xi32>, vector<16xi32>], vector<16xi32>,
      %swap3A_2111 = arith.constant 3 : i32
      %swap3A_2112 = arith.index_cast %swap3A_2111 : i32 to index
      %swap3A_2113 = arith.constant 96 : index
      %swap3A_2114 = tpu.vector_load %arg9[%swap3A_2112, %swap3A_2113] {strides = array<i32>} : memref<4x128xi32, #tpu.memory_space<vmem>>, vector<16xi32>,
      tpu.vector_store %arg9[%swap3A_2112, %swap3A_2113], %gather3A_2110 {strides = array<i32>} : memref<4x128xi32, #tpu.memory_space<vmem>>, vector<16xi32>,
      %add3A_2115 = arith.constant 496 : i32
      %add3A_2116 = vector.broadcast %add3A_2115 : i32 to vector<16xi32>
      %add3A_2117 = arith.addi %add3A_2116, %iota3A : vector<16xi32>
      %min3A_2118 = arith.constant 499 : i32
      %min3A_2119 = vector.broadcast %min3A_2118 : i32 to vector<16xi32>
      %min3A_2120 = arith.minsi %add3A_2117, %min3A_2119 : vector<16xi32>
      %lt3A_2121 = arith.constant 4 : i32
      %lt3A_2122 = vector.broadcast %lt3A_2121 : i32 to vector<16xi32>
      %lt3A_2123 = arith.cmpi slt, %iota3A, %lt3A_2122 : vector<16xi32>
      %gather3A_2124 = tpu.vector_load_idx %arg8[%broadcast_in_dim3A_1866, %min3A_2120] : memref<32x500xi32, #tpu.memory_space<vmem>>[vector<16xi32>, vector<16xi32>], vector<16xi32>,
      %jit3A_2125 = arith.constant 0 : i32
      %broadcast_in_dim3A_2126 = vector.broadcast %jit3A_2125 : i32 to vector<16xi32>
      %select_n3A_2127 = arith.select %lt3A_2123, %gather3A_2124, %broadcast_in_dim3A_2126 : vector<16xi1>, vector<16xi32>
      %swap3A_2128 = arith.constant 3 : i32
      %swap3A_2129 = arith.index_cast %swap3A_2128 : i32 to index
      %swap3A_2130 = arith.constant 112 : index
      %swap3A_2131 = tpu.vector_load %arg9[%swap3A_2129, %swap3A_2130] {strides = array<i32>} : memref<4x128xi32, #tpu.memory_space<vmem>>, vector<16xi32>,
      tpu.vector_store %arg9[%swap3A_2129, %swap3A_2130], %select_n3A_2127 {strides = array<i32>} : memref<4x128xi32, #tpu.memory_space<vmem>>, vector<16xi32>,
      %dma_start3A_2132 = arith.constant 0 : i32
      %dma_start3A_2133 = arith.constant 0 : i32
      %dma_start3A_2134 = arith.constant 0 : i32
      %dma_start3A_2135 = tpu.memref_slice %arg14[%dma_start3A_2133, %dma_start3A_2134] : memref<576x32xf32, #tpu.memory_space<vmem>> -> memref<128x32xf32, #tpu.memory_space<vmem>>
      %dma_start3A_2136 = arith.constant 0 : i32
      %dma_start3A_2137 = tpu.memref_slice %arg9[%dma_start3A_2132, %dma_start3A_2136] : memref<4x128xi32, #tpu.memory_space<vmem>> -> memref<1x128xi32, #tpu.memory_space<vmem>>
      %dma_start3A_2138 = tpu.memref_squeeze %dma_start3A_2137 : memref<1x128xi32, #tpu.memory_space<vmem>> -> memref<128xi32, #tpu.memory_space<vmem>>
      %dma_start3A_2139 = arith.constant 0 : i32
      %dma_start3A_2140 = arith.constant 0 : i32
      %dma_start3A_2141 = tpu.memref_slice %arg17[%dma_start3A_2139, %dma_start3A_2140] : memref<10016x32xf32, #tpu.memory_space<vmem_shared>> -> memref<10016x32xf32, #tpu.memory_space<vmem_shared>>
      tpu.enqueue_indirect_dma source(%dma_start3A_2141 : memref<10016x32xf32, #tpu.memory_space<vmem_shared>>) target(%dma_start3A_2135 : memref<128x32xf32, #tpu.memory_space<vmem>>) offsets(%dma_start3A_2138 : memref<128xi32, #tpu.memory_space<vmem>>) semaphore(%arg18 : memref<!tpu.dma_semaphore, #tpu.memory_space<semaphore_mem>>)
      %dma_start3A_2142 = arith.constant 1 : i32
      %dma_start3A_2143 = arith.constant 128 : i32
      %dma_start3A_2144 = arith.constant 0 : i32
      %dma_start3A_2145 = tpu.memref_slice %arg14[%dma_start3A_2143, %dma_start3A_2144] : memref<576x32xf32, #tpu.memory_space<vmem>> -> memref<128x32xf32, #tpu.memory_space<vmem>>
      %dma_start3A_2146 = arith.constant 0 : i32
      %dma_start3A_2147 = tpu.memref_slice %arg9[%dma_start3A_2142, %dma_start3A_2146] : memref<4x128xi32, #tpu.memory_space<vmem>> -> memref<1x128xi32, #tpu.memory_space<vmem>>
      %dma_start3A_2148 = tpu.memref_squeeze %dma_start3A_2147 : memref<1x128xi32, #tpu.memory_space<vmem>> -> memref<128xi32, #tpu.memory_space<vmem>>
      %dma_start3A_2149 = arith.constant 0 : i32
      %dma_start3A_2150 = arith.constant 0 : i32
      %dma_start3A_2151 = tpu.memref_slice %arg17[%dma_start3A_2149, %dma_start3A_2150] : memref<10016x32xf32, #tpu.memory_space<vmem_shared>> -> memref<10016x32xf32, #tpu.memory_space<vmem_shared>>
      tpu.enqueue_indirect_dma source(%dma_start3A_2151 : memref<10016x32xf32, #tpu.memory_space<vmem_shared>>) target(%dma_start3A_2145 : memref<128x32xf32, #tpu.memory_space<vmem>>) offsets(%dma_start3A_2148 : memref<128xi32, #tpu.memory_space<vmem>>) semaphore(%arg18 : memref<!tpu.dma_semaphore, #tpu.memory_space<semaphore_mem>>)
      %dma_start3A_2152 = arith.constant 2 : i32
      %dma_start3A_2153 = arith.constant 256 : i32
      %dma_start3A_2154 = arith.constant 0 : i32
      %dma_start3A_2155 = tpu.memref_slice %arg14[%dma_start3A_2153, %dma_start3A_2154] : memref<576x32xf32, #tpu.memory_space<vmem>> -> memref<128x32xf32, #tpu.memory_space<vmem>>
      %dma_start3A_2156 = arith.constant 0 : i32
      %dma_start3A_2157 = tpu.memref_slice %arg9[%dma_start3A_2152, %dma_start3A_2156] : memref<4x128xi32, #tpu.memory_space<vmem>> -> memref<1x128xi32, #tpu.memory_space<vmem>>
      %dma_start3A_2158 = tpu.memref_squeeze %dma_start3A_2157 : memref<1x128xi32, #tpu.memory_space<vmem>> -> memref<128xi32, #tpu.memory_space<vmem>>
      %dma_start3A_2159 = arith.constant 0 : i32
      %dma_start3A_2160 = arith.constant 0 : i32
      %dma_start3A_2161 = tpu.memref_slice %arg17[%dma_start3A_2159, %dma_start3A_2160] : memref<10016x32xf32, #tpu.memory_space<vmem_shared>> -> memref<10016x32xf32, #tpu.memory_space<vmem_shared>>
      tpu.enqueue_indirect_dma source(%dma_start3A_2161 : memref<10016x32xf32, #tpu.memory_space<vmem_shared>>) target(%dma_start3A_2155 : memref<128x32xf32, #tpu.memory_space<vmem>>) offsets(%dma_start3A_2158 : memref<128xi32, #tpu.memory_space<vmem>>) semaphore(%arg18 : memref<!tpu.dma_semaphore, #tpu.memory_space<semaphore_mem>>)
      %dma_start3A_2162 = arith.constant 3 : i32
      %dma_start3A_2163 = arith.constant 384 : i32
      %dma_start3A_2164 = arith.constant 0 : i32
      %dma_start3A_2165 = tpu.memref_slice %arg14[%dma_start3A_2163, %dma_start3A_2164] : memref<576x32xf32, #tpu.memory_space<vmem>> -> memref<128x32xf32, #tpu.memory_space<vmem>>
      %dma_start3A_2166 = arith.constant 0 : i32
      %dma_start3A_2167 = tpu.memref_slice %arg9[%dma_start3A_2162, %dma_start3A_2166] : memref<4x128xi32, #tpu.memory_space<vmem>> -> memref<1x128xi32, #tpu.memory_space<vmem>>
      %dma_start3A_2168 = tpu.memref_squeeze %dma_start3A_2167 : memref<1x128xi32, #tpu.memory_space<vmem>> -> memref<128xi32, #tpu.memory_space<vmem>>
      %dma_start3A_2169 = arith.constant 0 : i32
      %dma_start3A_2170 = arith.constant 0 : i32
      %dma_start3A_2171 = tpu.memref_slice %arg17[%dma_start3A_2169, %dma_start3A_2170] : memref<10016x32xf32, #tpu.memory_space<vmem_shared>> -> memref<10016x32xf32, #tpu.memory_space<vmem_shared>>
      tpu.enqueue_indirect_dma source(%dma_start3A_2171 : memref<10016x32xf32, #tpu.memory_space<vmem_shared>>) target(%dma_start3A_2165 : memref<128x32xf32, #tpu.memory_space<vmem>>) offsets(%dma_start3A_2168 : memref<128xi32, #tpu.memory_space<vmem>>) semaphore(%arg18 : memref<!tpu.dma_semaphore, #tpu.memory_space<semaphore_mem>>)
      %dma_start3A_2172 = arith.constant 512 : i32
      %dma_start3A_2173 = arith.constant 0 : i32
      %dma_start3A_2174 = tpu.memref_slice %arg14[%dma_start3A_2172, %dma_start3A_2173] : memref<576x32xf32, #tpu.memory_space<vmem>> -> memref<64x32xf32, #tpu.memory_space<vmem>>
      %dma_start3A_2175 = arith.constant 0 : i32
      %dma_start3A_2176 = tpu.memref_slice %arg11[%min3A_1865, %dma_start3A_2175] : memref<32x64xi32, #tpu.memory_space<vmem>> -> memref<1x64xi32, #tpu.memory_space<vmem>>
      %dma_start3A_2177 = tpu.memref_squeeze %dma_start3A_2176 : memref<1x64xi32, #tpu.memory_space<vmem>> -> memref<64xi32, #tpu.memory_space<vmem>>
      %dma_start3A_2178 = arith.constant 0 : i32
      %dma_start3A_2179 = arith.constant 0 : i32
      %dma_start3A_2180 = tpu.memref_slice %arg17[%dma_start3A_2178, %dma_start3A_2179] : memref<10016x32xf32, #tpu.memory_space<vmem_shared>> -> memref<10016x32xf32, #tpu.memory_space<vmem_shared>>
      tpu.enqueue_indirect_dma source(%dma_start3A_2180 : memref<10016x32xf32, #tpu.memory_space<vmem_shared>>) target(%dma_start3A_2174 : memref<64x32xf32, #tpu.memory_space<vmem>>) offsets(%dma_start3A_2177 : memref<64xi32, #tpu.memory_space<vmem>>) semaphore(%arg18 : memref<!tpu.dma_semaphore, #tpu.memory_space<semaphore_mem>>)
      %dma_wait3A_2181 = arith.constant 0 : i32
      %dma_wait3A_2182 = arith.constant 0 : i32
      %dma_wait3A_2183 = arith.constant 0 : i32
      %dma_wait3A_2184 = tpu.memref_slice %arg15[%dma_wait3A_2182, %dma_wait3A_2183] : memref<576x32xf32, #tpu.memory_space<vmem>> -> memref<128x32xf32, #tpu.memory_space<vmem>>
      %dma_wait3A_2185 = arith.constant 0 : i32
      %dma_wait3A_2186 = tpu.memref_slice %arg9[%dma_wait3A_2181, %dma_wait3A_2185] : memref<4x128xi32, #tpu.memory_space<vmem>> -> memref<1x128xi32, #tpu.memory_space<vmem>>
      %dma_wait3A_2187 = tpu.memref_squeeze %dma_wait3A_2186 : memref<1x128xi32, #tpu.memory_space<vmem>> -> memref<128xi32, #tpu.memory_space<vmem>>
      %dma_wait3A_2188 = arith.constant 0 : i32
      %dma_wait3A_2189 = arith.constant 0 : i32
      %dma_wait3A_2190 = tpu.memref_slice %arg17[%dma_wait3A_2188, %dma_wait3A_2189] : memref<10016x32xf32, #tpu.memory_space<vmem_shared>> -> memref<10016x32xf32, #tpu.memory_space<vmem_shared>>
      tpu.wait_indirect_dma semaphore(%arg19 : memref<!tpu.dma_semaphore, #tpu.memory_space<semaphore_mem>>) src(%dma_wait3A_2190 : memref<10016x32xf32, #tpu.memory_space<vmem_shared>>) dst(%dma_wait3A_2184 : memref<128x32xf32, #tpu.memory_space<vmem>>)
      %dma_wait3A_2191 = arith.constant 1 : i32
      %dma_wait3A_2192 = arith.constant 128 : i32
      %dma_wait3A_2193 = arith.constant 0 : i32
      %dma_wait3A_2194 = tpu.memref_slice %arg15[%dma_wait3A_2192, %dma_wait3A_2193] : memref<576x32xf32, #tpu.memory_space<vmem>> -> memref<128x32xf32, #tpu.memory_space<vmem>>
      %dma_wait3A_2195 = arith.constant 0 : i32
      %dma_wait3A_2196 = tpu.memref_slice %arg9[%dma_wait3A_2191, %dma_wait3A_2195] : memref<4x128xi32, #tpu.memory_space<vmem>> -> memref<1x128xi32, #tpu.memory_space<vmem>>
      %dma_wait3A_2197 = tpu.memref_squeeze %dma_wait3A_2196 : memref<1x128xi32, #tpu.memory_space<vmem>> -> memref<128xi32, #tpu.memory_space<vmem>>
      %dma_wait3A_2198 = arith.constant 0 : i32
      %dma_wait3A_2199 = arith.constant 0 : i32
      %dma_wait3A_2200 = tpu.memref_slice %arg17[%dma_wait3A_2198, %dma_wait3A_2199] : memref<10016x32xf32, #tpu.memory_space<vmem_shared>> -> memref<10016x32xf32, #tpu.memory_space<vmem_shared>>
      tpu.wait_indirect_dma semaphore(%arg19 : memref<!tpu.dma_semaphore, #tpu.memory_space<semaphore_mem>>) src(%dma_wait3A_2200 : memref<10016x32xf32, #tpu.memory_space<vmem_shared>>) dst(%dma_wait3A_2194 : memref<128x32xf32, #tpu.memory_space<vmem>>)
      %dma_wait3A_2201 = arith.constant 2 : i32
      %dma_wait3A_2202 = arith.constant 256 : i32
      %dma_wait3A_2203 = arith.constant 0 : i32
      %dma_wait3A_2204 = tpu.memref_slice %arg15[%dma_wait3A_2202, %dma_wait3A_2203] : memref<576x32xf32, #tpu.memory_space<vmem>> -> memref<128x32xf32, #tpu.memory_space<vmem>>
      %dma_wait3A_2205 = arith.constant 0 : i32
      %dma_wait3A_2206 = tpu.memref_slice %arg9[%dma_wait3A_2201, %dma_wait3A_2205] : memref<4x128xi32, #tpu.memory_space<vmem>> -> memref<1x128xi32, #tpu.memory_space<vmem>>
      %dma_wait3A_2207 = tpu.memref_squeeze %dma_wait3A_2206 : memref<1x128xi32, #tpu.memory_space<vmem>> -> memref<128xi32, #tpu.memory_space<vmem>>
      %dma_wait3A_2208 = arith.constant 0 : i32
      %dma_wait3A_2209 = arith.constant 0 : i32
      %dma_wait3A_2210 = tpu.memref_slice %arg17[%dma_wait3A_2208, %dma_wait3A_2209] : memref<10016x32xf32, #tpu.memory_space<vmem_shared>> -> memref<10016x32xf32, #tpu.memory_space<vmem_shared>>
      tpu.wait_indirect_dma semaphore(%arg19 : memref<!tpu.dma_semaphore, #tpu.memory_space<semaphore_mem>>) src(%dma_wait3A_2210 : memref<10016x32xf32, #tpu.memory_space<vmem_shared>>) dst(%dma_wait3A_2204 : memref<128x32xf32, #tpu.memory_space<vmem>>)
      %dma_wait3A_2211 = arith.constant 3 : i32
      %dma_wait3A_2212 = arith.constant 384 : i32
      %dma_wait3A_2213 = arith.constant 0 : i32
      %dma_wait3A_2214 = tpu.memref_slice %arg15[%dma_wait3A_2212, %dma_wait3A_2213] : memref<576x32xf32, #tpu.memory_space<vmem>> -> memref<128x32xf32, #tpu.memory_space<vmem>>
      %dma_wait3A_2215 = arith.constant 0 : i32
      %dma_wait3A_2216 = tpu.memref_slice %arg9[%dma_wait3A_2211, %dma_wait3A_2215] : memref<4x128xi32, #tpu.memory_space<vmem>> -> memref<1x128xi32, #tpu.memory_space<vmem>>
      %dma_wait3A_2217 = tpu.memref_squeeze %dma_wait3A_2216 : memref<1x128xi32, #tpu.memory_space<vmem>> -> memref<128xi32, #tpu.memory_space<vmem>>
      %dma_wait3A_2218 = arith.constant 0 : i32
      %dma_wait3A_2219 = arith.constant 0 : i32
      %dma_wait3A_2220 = tpu.memref_slice %arg17[%dma_wait3A_2218, %dma_wait3A_2219] : memref<10016x32xf32, #tpu.memory_space<vmem_shared>> -> memref<10016x32xf32, #tpu.memory_space<vmem_shared>>
      tpu.wait_indirect_dma semaphore(%arg19 : memref<!tpu.dma_semaphore, #tpu.memory_space<semaphore_mem>>) src(%dma_wait3A_2220 : memref<10016x32xf32, #tpu.memory_space<vmem_shared>>) dst(%dma_wait3A_2214 : memref<128x32xf32, #tpu.memory_space<vmem>>)
      %dma_wait3A_2221 = arith.constant 0 : i32
      %dma_wait3A_2222 = arith.constant 512 : i32
      %dma_wait3A_2223 = arith.constant 0 : i32
      %dma_wait3A_2224 = tpu.memref_slice %arg15[%dma_wait3A_2222, %dma_wait3A_2223] : memref<576x32xf32, #tpu.memory_space<vmem>> -> memref<64x32xf32, #tpu.memory_space<vmem>>
      %dma_wait3A_2225 = arith.constant 0 : i32
      %dma_wait3A_2226 = tpu.memref_slice %arg11[%dma_wait3A_2221, %dma_wait3A_2225] : memref<32x64xi32, #tpu.memory_space<vmem>> -> memref<1x64xi32, #tpu.memory_space<vmem>>
      %dma_wait3A_2227 = tpu.memref_squeeze %dma_wait3A_2226 : memref<1x64xi32, #tpu.memory_space<vmem>> -> memref<64xi32, #tpu.memory_space<vmem>>
      %dma_wait3A_2228 = arith.constant 0 : i32
      %dma_wait3A_2229 = arith.constant 0 : i32
      %dma_wait3A_2230 = tpu.memref_slice %arg17[%dma_wait3A_2228, %dma_wait3A_2229] : memref<10016x32xf32, #tpu.memory_space<vmem_shared>> -> memref<10016x32xf32, #tpu.memory_space<vmem_shared>>
      tpu.wait_indirect_dma semaphore(%arg19 : memref<!tpu.dma_semaphore, #tpu.memory_space<semaphore_mem>>) src(%dma_wait3A_2230 : memref<10016x32xf32, #tpu.memory_space<vmem_shared>>) dst(%dma_wait3A_2224 : memref<64x32xf32, #tpu.memory_space<vmem>>)
      %add3A_2231 = arith.constant 1 : i32
      %add3A_2232 = arith.addi %mul3A_382, %add3A_2231 : i32
      %add3A_2233 = arith.constant 512 : i32
      %add3A_2234 = vector.broadcast %add3A_2233 : i32 to vector<16xi32>
      %add3A_2235 = arith.addi %add3A_2234, %iota3A : vector<16xi32>
      %broadcast_in_dim3A_2236 = arith.constant 21 : i32
      %broadcast_in_dim3A_2237 = vector.broadcast %broadcast_in_dim3A_2236 : i32 to vector<16xi32>
      %gather3A_2238 = tpu.vector_load_idx %arg15[%add3A_2235, %broadcast_in_dim3A_2237] : memref<576x32xf32, #tpu.memory_space<vmem>>[vector<16xi32>, vector<16xi32>], vector<16xf32>,
      %swap3A_2239 = arith.constant 0 : index
      %swap3A_2240 = tpu.vector_load %arg13[%swap3A_2239] {strides = array<i32>} : memref<64xf32, #tpu.memory_space<vmem>>, vector<16xf32>,
      tpu.vector_store %arg13[%swap3A_2239], %gather3A_2238 {strides = array<i32>} : memref<64xf32, #tpu.memory_space<vmem>>, vector<16xf32>,
      %add3A_2241 = arith.constant 528 : i32
      %add3A_2242 = vector.broadcast %add3A_2241 : i32 to vector<16xi32>
      %add3A_2243 = arith.addi %add3A_2242, %iota3A : vector<16xi32>
      %broadcast_in_dim3A_2244 = arith.constant 21 : i32
      %broadcast_in_dim3A_2245 = vector.broadcast %broadcast_in_dim3A_2244 : i32 to vector<16xi32>
      %gather3A_2246 = tpu.vector_load_idx %arg15[%add3A_2243, %broadcast_in_dim3A_2245] : memref<576x32xf32, #tpu.memory_space<vmem>>[vector<16xi32>, vector<16xi32>], vector<16xf32>,
      %swap3A_2247 = arith.constant 16 : index
      %swap3A_2248 = tpu.vector_load %arg13[%swap3A_2247] {strides = array<i32>} : memref<64xf32, #tpu.memory_space<vmem>>, vector<16xf32>,
      tpu.vector_store %arg13[%swap3A_2247], %gather3A_2246 {strides = array<i32>} : memref<64xf32, #tpu.memory_space<vmem>>, vector<16xf32>,
      %add3A_2249 = arith.constant 544 : i32
      %add3A_2250 = vector.broadcast %add3A_2249 : i32 to vector<16xi32>
      %add3A_2251 = arith.addi %add3A_2250, %iota3A : vector<16xi32>
      %broadcast_in_dim3A_2252 = arith.constant 21 : i32
      %broadcast_in_dim3A_2253 = vector.broadcast %broadcast_in_dim3A_2252 : i32 to vector<16xi32>
      %gather3A_2254 = tpu.vector_load_idx %arg15[%add3A_2251, %broadcast_in_dim3A_2253] : memref<576x32xf32, #tpu.memory_space<vmem>>[vector<16xi32>, vector<16xi32>], vector<16xf32>,
      %swap3A_2255 = arith.constant 32 : index
      %swap3A_2256 = tpu.vector_load %arg13[%swap3A_2255] {strides = array<i32>} : memref<64xf32, #tpu.memory_space<vmem>>, vector<16xf32>,
      tpu.vector_store %arg13[%swap3A_2255], %gather3A_2254 {strides = array<i32>} : memref<64xf32, #tpu.memory_space<vmem>>, vector<16xf32>,
      %add3A_2257 = arith.constant 560 : i32
      %add3A_2258 = vector.broadcast %add3A_2257 : i32 to vector<16xi32>
      %add3A_2259 = arith.addi %add3A_2258, %iota3A : vector<16xi32>
      %broadcast_in_dim3A_2260 = arith.constant 21 : i32
      %broadcast_in_dim3A_2261 = vector.broadcast %broadcast_in_dim3A_2260 : i32 to vector<16xi32>
      %gather3A_2262 = tpu.vector_load_idx %arg15[%add3A_2259, %broadcast_in_dim3A_2261] : memref<576x32xf32, #tpu.memory_space<vmem>>[vector<16xi32>, vector<16xi32>], vector<16xf32>,
      %swap3A_2263 = arith.constant 48 : index
      %swap3A_2264 = tpu.vector_load %arg13[%swap3A_2263] {strides = array<i32>} : memref<64xf32, #tpu.memory_space<vmem>>, vector<16xf32>,
      tpu.vector_store %arg13[%swap3A_2263], %gather3A_2262 {strides = array<i32>} : memref<64xf32, #tpu.memory_space<vmem>>, vector<16xf32>,
      %scan3A_2265 = arith.constant 0 : i32
      %scan3A_2266 = arith.constant 32 : i32
      %scan3A_2267 = arith.addi %scan3A_2265, %scan3A_2266 : i32
      %scan3A_2268 = arith.constant 1 : i32
      %scan3A_2269:2 = scf.for %scan3A_3353 = %scan3A_2265 to %scan3A_2267 step %scan3A_2268 iter_args(%scan3A_3354 = %broadcast_in_dim3A_1, %scan3A_3355 = %broadcast_in_dim3A_1) -> (vector<16xf32>, vector<16xf32>)  : i32 {
        %mul3A_3356 = arith.constant 16 : i32
        %mul3A_3357 = arith.muli %scan3A_3353, %mul3A_3356 : i32
        %get3A_3358 = arith.index_cast %mul3A_3357 : i32 to index
        %get3A_3359 = tpu.vector_load %arg12[%get3A_3358] {strides = array<i32>} : memref<512xi32, #tpu.memory_space<vmem>>, vector<16xi32>,
        %gather3A_3360 = tpu.vector_load_idx %arg13[%get3A_3359] : memref<64xf32, #tpu.memory_space<vmem>>[vector<16xi32>], vector<16xf32>,
        %mul3A_3361 = arith.constant 16 : i32
        %mul3A_3362 = arith.muli %scan3A_3353, %mul3A_3361 : i32
        %add3A_3363 = vector.broadcast %mul3A_3362 : i32 to vector<16xi32>
        %add3A_3364 = arith.addi %add3A_3363, %iota3A : vector<16xi32>
        %broadcast_in_dim3A_3365 = arith.constant 20 : i32
        %broadcast_in_dim3A_3366 = vector.broadcast %broadcast_in_dim3A_3365 : i32 to vector<16xi32>
        %gather3A_3367 = tpu.vector_load_idx %arg15[%add3A_3364, %broadcast_in_dim3A_3366] : memref<576x32xf32, #tpu.memory_space<vmem>>[vector<16xi32>, vector<16xi32>], vector<16xf32>,
        %sub3A_3368 = arith.constant 1.000000e+00 : f32
        %sub3A_3369 = vector.broadcast %sub3A_3368 : f32 to vector<16xf32>
        %sub3A_3370 = arith.subf %sub3A_3369, %gather3A_3360 : vector<16xf32>
        %mul3A_3371 = arith.mulf %sub3A_3370, %gather3A_3367 : vector<16xf32>
        %mul3A_3372 = arith.constant 16 : i32
        %mul3A_3373 = arith.muli %scan3A_3353, %mul3A_3372 : i32
        %broadcast_in_dim3A_3374 = arith.constant 0 : i32
        %broadcast_in_dim3A_3375 = vector.broadcast %broadcast_in_dim3A_3374 : i32 to vector<16x1xi32>
        %gather3A_3376 = vector.shape_cast %broadcast_in_dim3A_3375 : vector<16x1xi32> to vector<16xi32>
        %gather3A_3377 = tpu.dynamic_gather %mul3A_3371[%gather3A_3376] in [0] : vector<16xf32>, vector<16xi32> -> vector<16xf32>
        %add3A_3378 = arith.constant 0 : i32
        %add3A_3379 = arith.addi %mul3A_3373, %add3A_3378 : i32
        %get3A_3380 = arith.index_cast %add3A_3379 : i32 to index
        %get3A_3381 = arith.constant 0 : index
        %get3A_3382 = tpu.vector_load %arg15[%get3A_3380, %get3A_3381] {strides = array<i32>} : memref<576x32xf32, #tpu.memory_space<vmem>>, vector<16xf32>,
        %mul3A_3383 = arith.mulf %gather3A_3377, %get3A_3382 : vector<16xf32>
        %add3A_3384 = arith.addf %scan3A_3354, %mul3A_3383 : vector<16xf32>
        %get3A_3385 = arith.index_cast %add3A_3379 : i32 to index
        %get3A_3386 = arith.constant 16 : index
        %get3A_3387 = tpu.vector_load %arg15[%get3A_3385, %get3A_3386] {strides = array<i32>} : memref<576x32xf32, #tpu.memory_space<vmem>>, vector<16xf32>,
        %mul3A_3388 = arith.mulf %gather3A_3377, %get3A_3387 : vector<16xf32>
        %add3A_3389 = arith.addf %scan3A_3355, %mul3A_3388 : vector<16xf32>
        %broadcast_in_dim3A_3390 = arith.constant 1 : i32
        %broadcast_in_dim3A_3391 = vector.broadcast %broadcast_in_dim3A_3390 : i32 to vector<16x1xi32>
        %gather3A_3392 = vector.shape_cast %broadcast_in_dim3A_3391 : vector<16x1xi32> to vector<16xi32>
        %gather3A_3393 = tpu.dynamic_gather %mul3A_3371[%gather3A_3392] in [0] : vector<16xf32>, vector<16xi32> -> vector<16xf32>
        %add3A_3394 = arith.constant 1 : i32
        %add3A_3395 = arith.addi %mul3A_3373, %add3A_3394 : i32
        %get3A_3396 = arith.index_cast %add3A_3395 : i32 to index
        %get3A_3397 = arith.constant 0 : index
        %get3A_3398 = tpu.vector_load %arg15[%get3A_3396, %get3A_3397] {strides = array<i32>} : memref<576x32xf32, #tpu.memory_space<vmem>>, vector<16xf32>,
        %mul3A_3399 = arith.mulf %gather3A_3393, %get3A_3398 : vector<16xf32>
        %add3A_3400 = arith.addf %add3A_3384, %mul3A_3399 : vector<16xf32>
        %get3A_3401 = arith.index_cast %add3A_3395 : i32 to index
        %get3A_3402 = arith.constant 16 : index
        %get3A_3403 = tpu.vector_load %arg15[%get3A_3401, %get3A_3402] {strides = array<i32>} : memref<576x32xf32, #tpu.memory_space<vmem>>, vector<16xf32>,
        %mul3A_3404 = arith.mulf %gather3A_3393, %get3A_3403 : vector<16xf32>
        %add3A_3405 = arith.addf %add3A_3389, %mul3A_3404 : vector<16xf32>
        %broadcast_in_dim3A_3406 = arith.constant 2 : i32
        %broadcast_in_dim3A_3407 = vector.broadcast %broadcast_in_dim3A_3406 : i32 to vector<16x1xi32>
        %gather3A_3408 = vector.shape_cast %broadcast_in_dim3A_3407 : vector<16x1xi32> to vector<16xi32>
        %gather3A_3409 = tpu.dynamic_gather %mul3A_3371[%gather3A_3408] in [0] : vector<16xf32>, vector<16xi32> -> vector<16xf32>
        %add3A_3410 = arith.constant 2 : i32
        %add3A_3411 = arith.addi %mul3A_3373, %add3A_3410 : i32
        %get3A_3412 = arith.index_cast %add3A_3411 : i32 to index
        %get3A_3413 = arith.constant 0 : index
        %get3A_3414 = tpu.vector_load %arg15[%get3A_3412, %get3A_3413] {strides = array<i32>} : memref<576x32xf32, #tpu.memory_space<vmem>>, vector<16xf32>,
        %mul3A_3415 = arith.mulf %gather3A_3409, %get3A_3414 : vector<16xf32>
        %add3A_3416 = arith.addf %add3A_3400, %mul3A_3415 : vector<16xf32>
        %get3A_3417 = arith.index_cast %add3A_3411 : i32 to index
        %get3A_3418 = arith.constant 16 : index
        %get3A_3419 = tpu.vector_load %arg15[%get3A_3417, %get3A_3418] {strides = array<i32>} : memref<576x32xf32, #tpu.memory_space<vmem>>, vector<16xf32>,
        %mul3A_3420 = arith.mulf %gather3A_3409, %get3A_3419 : vector<16xf32>
        %add3A_3421 = arith.addf %add3A_3405, %mul3A_3420 : vector<16xf32>
        %broadcast_in_dim3A_3422 = arith.constant 3 : i32
        %broadcast_in_dim3A_3423 = vector.broadcast %broadcast_in_dim3A_3422 : i32 to vector<16x1xi32>
        %gather3A_3424 = vector.shape_cast %broadcast_in_dim3A_3423 : vector<16x1xi32> to vector<16xi32>
        %gather3A_3425 = tpu.dynamic_gather %mul3A_3371[%gather3A_3424] in [0] : vector<16xf32>, vector<16xi32> -> vector<16xf32>
        %add3A_3426 = arith.constant 3 : i32
        %add3A_3427 = arith.addi %mul3A_3373, %add3A_3426 : i32
        %get3A_3428 = arith.index_cast %add3A_3427 : i32 to index
        %get3A_3429 = arith.constant 0 : index
        %get3A_3430 = tpu.vector_load %arg15[%get3A_3428, %get3A_3429] {strides = array<i32>} : memref<576x32xf32, #tpu.memory_space<vmem>>, vector<16xf32>,
        %mul3A_3431 = arith.mulf %gather3A_3425, %get3A_3430 : vector<16xf32>
        %add3A_3432 = arith.addf %add3A_3416, %mul3A_3431 : vector<16xf32>
        %get3A_3433 = arith.index_cast %add3A_3427 : i32 to index
        %get3A_3434 = arith.constant 16 : index
        %get3A_3435 = tpu.vector_load %arg15[%get3A_3433, %get3A_3434] {strides = array<i32>} : memref<576x32xf32, #tpu.memory_space<vmem>>, vector<16xf32>,
        %mul3A_3436 = arith.mulf %gather3A_3425, %get3A_3435 : vector<16xf32>
        %add3A_3437 = arith.addf %add3A_3421, %mul3A_3436 : vector<16xf32>
        %broadcast_in_dim3A_3438 = arith.constant 4 : i32
        %broadcast_in_dim3A_3439 = vector.broadcast %broadcast_in_dim3A_3438 : i32 to vector<16x1xi32>
        %gather3A_3440 = vector.shape_cast %broadcast_in_dim3A_3439 : vector<16x1xi32> to vector<16xi32>
        %gather3A_3441 = tpu.dynamic_gather %mul3A_3371[%gather3A_3440] in [0] : vector<16xf32>, vector<16xi32> -> vector<16xf32>
        %add3A_3442 = arith.constant 4 : i32
        %add3A_3443 = arith.addi %mul3A_3373, %add3A_3442 : i32
        %get3A_3444 = arith.index_cast %add3A_3443 : i32 to index
        %get3A_3445 = arith.constant 0 : index
        %get3A_3446 = tpu.vector_load %arg15[%get3A_3444, %get3A_3445] {strides = array<i32>} : memref<576x32xf32, #tpu.memory_space<vmem>>, vector<16xf32>,
        %mul3A_3447 = arith.mulf %gather3A_3441, %get3A_3446 : vector<16xf32>
        %add3A_3448 = arith.addf %add3A_3432, %mul3A_3447 : vector<16xf32>
        %get3A_3449 = arith.index_cast %add3A_3443 : i32 to index
        %get3A_3450 = arith.constant 16 : index
        %get3A_3451 = tpu.vector_load %arg15[%get3A_3449, %get3A_3450] {strides = array<i32>} : memref<576x32xf32, #tpu.memory_space<vmem>>, vector<16xf32>,
        %mul3A_3452 = arith.mulf %gather3A_3441, %get3A_3451 : vector<16xf32>
        %add3A_3453 = arith.addf %add3A_3437, %mul3A_3452 : vector<16xf32>
        %broadcast_in_dim3A_3454 = arith.constant 5 : i32
        %broadcast_in_dim3A_3455 = vector.broadcast %broadcast_in_dim3A_3454 : i32 to vector<16x1xi32>
        %gather3A_3456 = vector.shape_cast %broadcast_in_dim3A_3455 : vector<16x1xi32> to vector<16xi32>
        %gather3A_3457 = tpu.dynamic_gather %mul3A_3371[%gather3A_3456] in [0] : vector<16xf32>, vector<16xi32> -> vector<16xf32>
        %add3A_3458 = arith.constant 5 : i32
        %add3A_3459 = arith.addi %mul3A_3373, %add3A_3458 : i32
        %get3A_3460 = arith.index_cast %add3A_3459 : i32 to index
        %get3A_3461 = arith.constant 0 : index
        %get3A_3462 = tpu.vector_load %arg15[%get3A_3460, %get3A_3461] {strides = array<i32>} : memref<576x32xf32, #tpu.memory_space<vmem>>, vector<16xf32>,
        %mul3A_3463 = arith.mulf %gather3A_3457, %get3A_3462 : vector<16xf32>
        %add3A_3464 = arith.addf %add3A_3448, %mul3A_3463 : vector<16xf32>
        %get3A_3465 = arith.index_cast %add3A_3459 : i32 to index
        %get3A_3466 = arith.constant 16 : index
        %get3A_3467 = tpu.vector_load %arg15[%get3A_3465, %get3A_3466] {strides = array<i32>} : memref<576x32xf32, #tpu.memory_space<vmem>>, vector<16xf32>,
        %mul3A_3468 = arith.mulf %gather3A_3457, %get3A_3467 : vector<16xf32>
        %add3A_3469 = arith.addf %add3A_3453, %mul3A_3468 : vector<16xf32>
        %broadcast_in_dim3A_3470 = arith.constant 6 : i32
        %broadcast_in_dim3A_3471 = vector.broadcast %broadcast_in_dim3A_3470 : i32 to vector<16x1xi32>
        %gather3A_3472 = vector.shape_cast %broadcast_in_dim3A_3471 : vector<16x1xi32> to vector<16xi32>
        %gather3A_3473 = tpu.dynamic_gather %mul3A_3371[%gather3A_3472] in [0] : vector<16xf32>, vector<16xi32> -> vector<16xf32>
        %add3A_3474 = arith.constant 6 : i32
        %add3A_3475 = arith.addi %mul3A_3373, %add3A_3474 : i32
        %get3A_3476 = arith.index_cast %add3A_3475 : i32 to index
        %get3A_3477 = arith.constant 0 : index
        %get3A_3478 = tpu.vector_load %arg15[%get3A_3476, %get3A_3477] {strides = array<i32>} : memref<576x32xf32, #tpu.memory_space<vmem>>, vector<16xf32>,
        %mul3A_3479 = arith.mulf %gather3A_3473, %get3A_3478 : vector<16xf32>
        %add3A_3480 = arith.addf %add3A_3464, %mul3A_3479 : vector<16xf32>
        %get3A_3481 = arith.index_cast %add3A_3475 : i32 to index
        %get3A_3482 = arith.constant 16 : index
        %get3A_3483 = tpu.vector_load %arg15[%get3A_3481, %get3A_3482] {strides = array<i32>} : memref<576x32xf32, #tpu.memory_space<vmem>>, vector<16xf32>,
        %mul3A_3484 = arith.mulf %gather3A_3473, %get3A_3483 : vector<16xf32>
        %add3A_3485 = arith.addf %add3A_3469, %mul3A_3484 : vector<16xf32>
        %broadcast_in_dim3A_3486 = arith.constant 7 : i32
        %broadcast_in_dim3A_3487 = vector.broadcast %broadcast_in_dim3A_3486 : i32 to vector<16x1xi32>
        %gather3A_3488 = vector.shape_cast %broadcast_in_dim3A_3487 : vector<16x1xi32> to vector<16xi32>
        %gather3A_3489 = tpu.dynamic_gather %mul3A_3371[%gather3A_3488] in [0] : vector<16xf32>, vector<16xi32> -> vector<16xf32>
        %add3A_3490 = arith.constant 7 : i32
        %add3A_3491 = arith.addi %mul3A_3373, %add3A_3490 : i32
        %get3A_3492 = arith.index_cast %add3A_3491 : i32 to index
        %get3A_3493 = arith.constant 0 : index
        %get3A_3494 = tpu.vector_load %arg15[%get3A_3492, %get3A_3493] {strides = array<i32>} : memref<576x32xf32, #tpu.memory_space<vmem>>, vector<16xf32>,
        %mul3A_3495 = arith.mulf %gather3A_3489, %get3A_3494 : vector<16xf32>
        %add3A_3496 = arith.addf %add3A_3480, %mul3A_3495 : vector<16xf32>
        %get3A_3497 = arith.index_cast %add3A_3491 : i32 to index
        %get3A_3498 = arith.constant 16 : index
        %get3A_3499 = tpu.vector_load %arg15[%get3A_3497, %get3A_3498] {strides = array<i32>} : memref<576x32xf32, #tpu.memory_space<vmem>>, vector<16xf32>,
        %mul3A_3500 = arith.mulf %gather3A_3489, %get3A_3499 : vector<16xf32>
        %add3A_3501 = arith.addf %add3A_3485, %mul3A_3500 : vector<16xf32>
        %broadcast_in_dim3A_3502 = arith.constant 8 : i32
        %broadcast_in_dim3A_3503 = vector.broadcast %broadcast_in_dim3A_3502 : i32 to vector<16x1xi32>
        %gather3A_3504 = vector.shape_cast %broadcast_in_dim3A_3503 : vector<16x1xi32> to vector<16xi32>
        %gather3A_3505 = tpu.dynamic_gather %mul3A_3371[%gather3A_3504] in [0] : vector<16xf32>, vector<16xi32> -> vector<16xf32>
        %add3A_3506 = arith.constant 8 : i32
        %add3A_3507 = arith.addi %mul3A_3373, %add3A_3506 : i32
        %get3A_3508 = arith.index_cast %add3A_3507 : i32 to index
        %get3A_3509 = arith.constant 0 : index
        %get3A_3510 = tpu.vector_load %arg15[%get3A_3508, %get3A_3509] {strides = array<i32>} : memref<576x32xf32, #tpu.memory_space<vmem>>, vector<16xf32>,
        %mul3A_3511 = arith.mulf %gather3A_3505, %get3A_3510 : vector<16xf32>
        %add3A_3512 = arith.addf %add3A_3496, %mul3A_3511 : vector<16xf32>
        %get3A_3513 = arith.index_cast %add3A_3507 : i32 to index
        %get3A_3514 = arith.constant 16 : index
        %get3A_3515 = tpu.vector_load %arg15[%get3A_3513, %get3A_3514] {strides = array<i32>} : memref<576x32xf32, #tpu.memory_space<vmem>>, vector<16xf32>,
        %mul3A_3516 = arith.mulf %gather3A_3505, %get3A_3515 : vector<16xf32>
        %add3A_3517 = arith.addf %add3A_3501, %mul3A_3516 : vector<16xf32>
        %broadcast_in_dim3A_3518 = arith.constant 9 : i32
        %broadcast_in_dim3A_3519 = vector.broadcast %broadcast_in_dim3A_3518 : i32 to vector<16x1xi32>
        %gather3A_3520 = vector.shape_cast %broadcast_in_dim3A_3519 : vector<16x1xi32> to vector<16xi32>
        %gather3A_3521 = tpu.dynamic_gather %mul3A_3371[%gather3A_3520] in [0] : vector<16xf32>, vector<16xi32> -> vector<16xf32>
        %add3A_3522 = arith.constant 9 : i32
        %add3A_3523 = arith.addi %mul3A_3373, %add3A_3522 : i32
        %get3A_3524 = arith.index_cast %add3A_3523 : i32 to index
        %get3A_3525 = arith.constant 0 : index
        %get3A_3526 = tpu.vector_load %arg15[%get3A_3524, %get3A_3525] {strides = array<i32>} : memref<576x32xf32, #tpu.memory_space<vmem>>, vector<16xf32>,
        %mul3A_3527 = arith.mulf %gather3A_3521, %get3A_3526 : vector<16xf32>
        %add3A_3528 = arith.addf %add3A_3512, %mul3A_3527 : vector<16xf32>
        %get3A_3529 = arith.index_cast %add3A_3523 : i32 to index
        %get3A_3530 = arith.constant 16 : index
        %get3A_3531 = tpu.vector_load %arg15[%get3A_3529, %get3A_3530] {strides = array<i32>} : memref<576x32xf32, #tpu.memory_space<vmem>>, vector<16xf32>,
        %mul3A_3532 = arith.mulf %gather3A_3521, %get3A_3531 : vector<16xf32>
        %add3A_3533 = arith.addf %add3A_3517, %mul3A_3532 : vector<16xf32>
        %broadcast_in_dim3A_3534 = arith.constant 10 : i32
        %broadcast_in_dim3A_3535 = vector.broadcast %broadcast_in_dim3A_3534 : i32 to vector<16x1xi32>
        %gather3A_3536 = vector.shape_cast %broadcast_in_dim3A_3535 : vector<16x1xi32> to vector<16xi32>
        %gather3A_3537 = tpu.dynamic_gather %mul3A_3371[%gather3A_3536] in [0] : vector<16xf32>, vector<16xi32> -> vector<16xf32>
        %add3A_3538 = arith.constant 10 : i32
        %add3A_3539 = arith.addi %mul3A_3373, %add3A_3538 : i32
        %get3A_3540 = arith.index_cast %add3A_3539 : i32 to index
        %get3A_3541 = arith.constant 0 : index
        %get3A_3542 = tpu.vector_load %arg15[%get3A_3540, %get3A_3541] {strides = array<i32>} : memref<576x32xf32, #tpu.memory_space<vmem>>, vector<16xf32>,
        %mul3A_3543 = arith.mulf %gather3A_3537, %get3A_3542 : vector<16xf32>
        %add3A_3544 = arith.addf %add3A_3528, %mul3A_3543 : vector<16xf32>
        %get3A_3545 = arith.index_cast %add3A_3539 : i32 to index
        %get3A_3546 = arith.constant 16 : index
        %get3A_3547 = tpu.vector_load %arg15[%get3A_3545, %get3A_3546] {strides = array<i32>} : memref<576x32xf32, #tpu.memory_space<vmem>>, vector<16xf32>,
        %mul3A_3548 = arith.mulf %gather3A_3537, %get3A_3547 : vector<16xf32>
        %add3A_3549 = arith.addf %add3A_3533, %mul3A_3548 : vector<16xf32>
        %broadcast_in_dim3A_3550 = arith.constant 11 : i32
        %broadcast_in_dim3A_3551 = vector.broadcast %broadcast_in_dim3A_3550 : i32 to vector<16x1xi32>
        %gather3A_3552 = vector.shape_cast %broadcast_in_dim3A_3551 : vector<16x1xi32> to vector<16xi32>
        %gather3A_3553 = tpu.dynamic_gather %mul3A_3371[%gather3A_3552] in [0] : vector<16xf32>, vector<16xi32> -> vector<16xf32>
        %add3A_3554 = arith.constant 11 : i32
        %add3A_3555 = arith.addi %mul3A_3373, %add3A_3554 : i32
        %get3A_3556 = arith.index_cast %add3A_3555 : i32 to index
        %get3A_3557 = arith.constant 0 : index
        %get3A_3558 = tpu.vector_load %arg15[%get3A_3556, %get3A_3557] {strides = array<i32>} : memref<576x32xf32, #tpu.memory_space<vmem>>, vector<16xf32>,
        %mul3A_3559 = arith.mulf %gather3A_3553, %get3A_3558 : vector<16xf32>
        %add3A_3560 = arith.addf %add3A_3544, %mul3A_3559 : vector<16xf32>
        %get3A_3561 = arith.index_cast %add3A_3555 : i32 to index
        %get3A_3562 = arith.constant 16 : index
        %get3A_3563 = tpu.vector_load %arg15[%get3A_3561, %get3A_3562] {strides = array<i32>} : memref<576x32xf32, #tpu.memory_space<vmem>>, vector<16xf32>,
        %mul3A_3564 = arith.mulf %gather3A_3553, %get3A_3563 : vector<16xf32>
        %add3A_3565 = arith.addf %add3A_3549, %mul3A_3564 : vector<16xf32>
        %broadcast_in_dim3A_3566 = arith.constant 12 : i32
        %broadcast_in_dim3A_3567 = vector.broadcast %broadcast_in_dim3A_3566 : i32 to vector<16x1xi32>
        %gather3A_3568 = vector.shape_cast %broadcast_in_dim3A_3567 : vector<16x1xi32> to vector<16xi32>
        %gather3A_3569 = tpu.dynamic_gather %mul3A_3371[%gather3A_3568] in [0] : vector<16xf32>, vector<16xi32> -> vector<16xf32>
        %add3A_3570 = arith.constant 12 : i32
        %add3A_3571 = arith.addi %mul3A_3373, %add3A_3570 : i32
        %get3A_3572 = arith.index_cast %add3A_3571 : i32 to index
        %get3A_3573 = arith.constant 0 : index
        %get3A_3574 = tpu.vector_load %arg15[%get3A_3572, %get3A_3573] {strides = array<i32>} : memref<576x32xf32, #tpu.memory_space<vmem>>, vector<16xf32>,
        %mul3A_3575 = arith.mulf %gather3A_3569, %get3A_3574 : vector<16xf32>
        %add3A_3576 = arith.addf %add3A_3560, %mul3A_3575 : vector<16xf32>
        %get3A_3577 = arith.index_cast %add3A_3571 : i32 to index
        %get3A_3578 = arith.constant 16 : index
        %get3A_3579 = tpu.vector_load %arg15[%get3A_3577, %get3A_3578] {strides = array<i32>} : memref<576x32xf32, #tpu.memory_space<vmem>>, vector<16xf32>,
        %mul3A_3580 = arith.mulf %gather3A_3569, %get3A_3579 : vector<16xf32>
        %add3A_3581 = arith.addf %add3A_3565, %mul3A_3580 : vector<16xf32>
        %broadcast_in_dim3A_3582 = arith.constant 13 : i32
        %broadcast_in_dim3A_3583 = vector.broadcast %broadcast_in_dim3A_3582 : i32 to vector<16x1xi32>
        %gather3A_3584 = vector.shape_cast %broadcast_in_dim3A_3583 : vector<16x1xi32> to vector<16xi32>
        %gather3A_3585 = tpu.dynamic_gather %mul3A_3371[%gather3A_3584] in [0] : vector<16xf32>, vector<16xi32> -> vector<16xf32>
        %add3A_3586 = arith.constant 13 : i32
        %add3A_3587 = arith.addi %mul3A_3373, %add3A_3586 : i32
        %get3A_3588 = arith.index_cast %add3A_3587 : i32 to index
        %get3A_3589 = arith.constant 0 : index
        %get3A_3590 = tpu.vector_load %arg15[%get3A_3588, %get3A_3589] {strides = array<i32>} : memref<576x32xf32, #tpu.memory_space<vmem>>, vector<16xf32>,
        %mul3A_3591 = arith.mulf %gather3A_3585, %get3A_3590 : vector<16xf32>
        %add3A_3592 = arith.addf %add3A_3576, %mul3A_3591 : vector<16xf32>
        %get3A_3593 = arith.index_cast %add3A_3587 : i32 to index
        %get3A_3594 = arith.constant 16 : index
        %get3A_3595 = tpu.vector_load %arg15[%get3A_3593, %get3A_3594] {strides = array<i32>} : memref<576x32xf32, #tpu.memory_space<vmem>>, vector<16xf32>,
        %mul3A_3596 = arith.mulf %gather3A_3585, %get3A_3595 : vector<16xf32>
        %add3A_3597 = arith.addf %add3A_3581, %mul3A_3596 : vector<16xf32>
        %broadcast_in_dim3A_3598 = arith.constant 14 : i32
        %broadcast_in_dim3A_3599 = vector.broadcast %broadcast_in_dim3A_3598 : i32 to vector<16x1xi32>
        %gather3A_3600 = vector.shape_cast %broadcast_in_dim3A_3599 : vector<16x1xi32> to vector<16xi32>
        %gather3A_3601 = tpu.dynamic_gather %mul3A_3371[%gather3A_3600] in [0] : vector<16xf32>, vector<16xi32> -> vector<16xf32>
        %add3A_3602 = arith.constant 14 : i32
        %add3A_3603 = arith.addi %mul3A_3373, %add3A_3602 : i32
        %get3A_3604 = arith.index_cast %add3A_3603 : i32 to index
        %get3A_3605 = arith.constant 0 : index
        %get3A_3606 = tpu.vector_load %arg15[%get3A_3604, %get3A_3605] {strides = array<i32>} : memref<576x32xf32, #tpu.memory_space<vmem>>, vector<16xf32>,
        %mul3A_3607 = arith.mulf %gather3A_3601, %get3A_3606 : vector<16xf32>
        %add3A_3608 = arith.addf %add3A_3592, %mul3A_3607 : vector<16xf32>
        %get3A_3609 = arith.index_cast %add3A_3603 : i32 to index
        %get3A_3610 = arith.constant 16 : index
        %get3A_3611 = tpu.vector_load %arg15[%get3A_3609, %get3A_3610] {strides = array<i32>} : memref<576x32xf32, #tpu.memory_space<vmem>>, vector<16xf32>,
        %mul3A_3612 = arith.mulf %gather3A_3601, %get3A_3611 : vector<16xf32>
        %add3A_3613 = arith.addf %add3A_3597, %mul3A_3612 : vector<16xf32>
        %broadcast_in_dim3A_3614 = arith.constant 15 : i32
        %broadcast_in_dim3A_3615 = vector.broadcast %broadcast_in_dim3A_3614 : i32 to vector<16x1xi32>
        %gather3A_3616 = vector.shape_cast %broadcast_in_dim3A_3615 : vector<16x1xi32> to vector<16xi32>
        %gather3A_3617 = tpu.dynamic_gather %mul3A_3371[%gather3A_3616] in [0] : vector<16xf32>, vector<16xi32> -> vector<16xf32>
        %add3A_3618 = arith.constant 15 : i32
        %add3A_3619 = arith.addi %mul3A_3373, %add3A_3618 : i32
        %get3A_3620 = arith.index_cast %add3A_3619 : i32 to index
        %get3A_3621 = arith.constant 0 : index
        %get3A_3622 = tpu.vector_load %arg15[%get3A_3620, %get3A_3621] {strides = array<i32>} : memref<576x32xf32, #tpu.memory_space<vmem>>, vector<16xf32>,
        %mul3A_3623 = arith.mulf %gather3A_3617, %get3A_3622 : vector<16xf32>
        %add3A_3624 = arith.addf %add3A_3608, %mul3A_3623 : vector<16xf32>
        %get3A_3625 = arith.index_cast %add3A_3619 : i32 to index
        %get3A_3626 = arith.constant 16 : index
        %get3A_3627 = tpu.vector_load %arg15[%get3A_3625, %get3A_3626] {strides = array<i32>} : memref<576x32xf32, #tpu.memory_space<vmem>>, vector<16xf32>,
        %mul3A_3628 = arith.mulf %gather3A_3617, %get3A_3627 : vector<16xf32>
        %add3A_3629 = arith.addf %add3A_3613, %mul3A_3628 : vector<16xf32>
        scf.yield %add3A_3624, %add3A_3629 : vector<16xf32>, vector<16xf32>
      }
      %scan3A_2270 = arith.constant 32 : i32
      %get3A_2271 = arith.constant 0 : index
      %get3A_2272 = tpu.vector_load %arg13[%get3A_2271] {strides = array<i32>} : memref<64xf32, #tpu.memory_space<vmem>>, vector<16xf32>,
      %broadcast_in_dim3A_2273 = arith.constant 0 : i32
      %broadcast_in_dim3A_2274 = vector.broadcast %broadcast_in_dim3A_2273 : i32 to vector<16x1xi32>
      %gather3A_2275 = vector.shape_cast %broadcast_in_dim3A_2274 : vector<16x1xi32> to vector<16xi32>
      %gather3A_2276 = tpu.dynamic_gather %get3A_2272[%gather3A_2275] in [0] : vector<16xf32>, vector<16xi32> -> vector<16xf32>
      %get3A_2277 = arith.constant 512 : i32
      %get3A_2278 = arith.index_cast %get3A_2277 : i32 to index
      %get3A_2279 = arith.constant 0 : index
      %get3A_2280 = tpu.vector_load %arg15[%get3A_2278, %get3A_2279] {strides = array<i32>} : memref<576x32xf32, #tpu.memory_space<vmem>>, vector<16xf32>,
      %mul3A_2281 = arith.mulf %gather3A_2276, %get3A_2280 : vector<16xf32>
      %add3A_2282 = arith.addf %scan3A_2269#0, %mul3A_2281 : vector<16xf32>
      %get3A_2283 = arith.constant 512 : i32
      %get3A_2284 = arith.index_cast %get3A_2283 : i32 to index
      %get3A_2285 = arith.constant 16 : index
      %get3A_2286 = tpu.vector_load %arg15[%get3A_2284, %get3A_2285] {strides = array<i32>} : memref<576x32xf32, #tpu.memory_space<vmem>>, vector<16xf32>,
      %mul3A_2287 = arith.mulf %gather3A_2276, %get3A_2286 : vector<16xf32>
      %add3A_2288 = arith.addf %scan3A_2269#1, %mul3A_2287 : vector<16xf32>
      %broadcast_in_dim3A_2289 = arith.constant 1 : i32
      %broadcast_in_dim3A_2290 = vector.broadcast %broadcast_in_dim3A_2289 : i32 to vector<16x1xi32>
      %gather3A_2291 = vector.shape_cast %broadcast_in_dim3A_2290 : vector<16x1xi32> to vector<16xi32>
      %gather3A_2292 = tpu.dynamic_gather %get3A_2272[%gather3A_2291] in [0] : vector<16xf32>, vector<16xi32> -> vector<16xf32>
      %get3A_2293 = arith.constant 513 : i32
      %get3A_2294 = arith.index_cast %get3A_2293 : i32 to index
      %get3A_2295 = arith.constant 0 : index
      %get3A_2296 = tpu.vector_load %arg15[%get3A_2294, %get3A_2295] {strides = array<i32>} : memref<576x32xf32, #tpu.memory_space<vmem>>, vector<16xf32>,
      %mul3A_2297 = arith.mulf %gather3A_2292, %get3A_2296 : vector<16xf32>
      %add3A_2298 = arith.addf %add3A_2282, %mul3A_2297 : vector<16xf32>
      %get3A_2299 = arith.constant 513 : i32
      %get3A_2300 = arith.index_cast %get3A_2299 : i32 to index
      %get3A_2301 = arith.constant 16 : index
      %get3A_2302 = tpu.vector_load %arg15[%get3A_2300, %get3A_2301] {strides = array<i32>} : memref<576x32xf32, #tpu.memory_space<vmem>>, vector<16xf32>,
      %mul3A_2303 = arith.mulf %gather3A_2292, %get3A_2302 : vector<16xf32>
      %add3A_2304 = arith.addf %add3A_2288, %mul3A_2303 : vector<16xf32>
      %broadcast_in_dim3A_2305 = arith.constant 2 : i32
      %broadcast_in_dim3A_2306 = vector.broadcast %broadcast_in_dim3A_2305 : i32 to vector<16x1xi32>
      %gather3A_2307 = vector.shape_cast %broadcast_in_dim3A_2306 : vector<16x1xi32> to vector<16xi32>
      %gather3A_2308 = tpu.dynamic_gather %get3A_2272[%gather3A_2307] in [0] : vector<16xf32>, vector<16xi32> -> vector<16xf32>
      %get3A_2309 = arith.constant 514 : i32
      %get3A_2310 = arith.index_cast %get3A_2309 : i32 to index
      %get3A_2311 = arith.constant 0 : index
      %get3A_2312 = tpu.vector_load %arg15[%get3A_2310, %get3A_2311] {strides = array<i32>} : memref<576x32xf32, #tpu.memory_space<vmem>>, vector<16xf32>,
      %mul3A_2313 = arith.mulf %gather3A_2308, %get3A_2312 : vector<16xf32>
      %add3A_2314 = arith.addf %add3A_2298, %mul3A_2313 : vector<16xf32>
      %get3A_2315 = arith.constant 514 : i32
      %get3A_2316 = arith.index_cast %get3A_2315 : i32 to index
      %get3A_2317 = arith.constant 16 : index
      %get3A_2318 = tpu.vector_load %arg15[%get3A_2316, %get3A_2317] {strides = array<i32>} : memref<576x32xf32, #tpu.memory_space<vmem>>, vector<16xf32>,
      %mul3A_2319 = arith.mulf %gather3A_2308, %get3A_2318 : vector<16xf32>
      %add3A_2320 = arith.addf %add3A_2304, %mul3A_2319 : vector<16xf32>
      %broadcast_in_dim3A_2321 = arith.constant 3 : i32
      %broadcast_in_dim3A_2322 = vector.broadcast %broadcast_in_dim3A_2321 : i32 to vector<16x1xi32>
      %gather3A_2323 = vector.shape_cast %broadcast_in_dim3A_2322 : vector<16x1xi32> to vector<16xi32>
      %gather3A_2324 = tpu.dynamic_gather %get3A_2272[%gather3A_2323] in [0] : vector<16xf32>, vector<16xi32> -> vector<16xf32>
      %get3A_2325 = arith.constant 515 : i32
      %get3A_2326 = arith.index_cast %get3A_2325 : i32 to index
      %get3A_2327 = arith.constant 0 : index
      %get3A_2328 = tpu.vector_load %arg15[%get3A_2326, %get3A_2327] {strides = array<i32>} : memref<576x32xf32, #tpu.memory_space<vmem>>, vector<16xf32>,
      %mul3A_2329 = arith.mulf %gather3A_2324, %get3A_2328 : vector<16xf32>
      %add3A_2330 = arith.addf %add3A_2314, %mul3A_2329 : vector<16xf32>
      %get3A_2331 = arith.constant 515 : i32
      %get3A_2332 = arith.index_cast %get3A_2331 : i32 to index
      %get3A_2333 = arith.constant 16 : index
      %get3A_2334 = tpu.vector_load %arg15[%get3A_2332, %get3A_2333] {strides = array<i32>} : memref<576x32xf32, #tpu.memory_space<vmem>>, vector<16xf32>,
      %mul3A_2335 = arith.mulf %gather3A_2324, %get3A_2334 : vector<16xf32>
      %add3A_2336 = arith.addf %add3A_2320, %mul3A_2335 : vector<16xf32>
      %broadcast_in_dim3A_2337 = arith.constant 4 : i32
      %broadcast_in_dim3A_2338 = vector.broadcast %broadcast_in_dim3A_2337 : i32 to vector<16x1xi32>
      %gather3A_2339 = vector.shape_cast %broadcast_in_dim3A_2338 : vector<16x1xi32> to vector<16xi32>
      %gather3A_2340 = tpu.dynamic_gather %get3A_2272[%gather3A_2339] in [0] : vector<16xf32>, vector<16xi32> -> vector<16xf32>
      %get3A_2341 = arith.constant 516 : i32
      %get3A_2342 = arith.index_cast %get3A_2341 : i32 to index
      %get3A_2343 = arith.constant 0 : index
      %get3A_2344 = tpu.vector_load %arg15[%get3A_2342, %get3A_2343] {strides = array<i32>} : memref<576x32xf32, #tpu.memory_space<vmem>>, vector<16xf32>,
      %mul3A_2345 = arith.mulf %gather3A_2340, %get3A_2344 : vector<16xf32>
      %add3A_2346 = arith.addf %add3A_2330, %mul3A_2345 : vector<16xf32>
      %get3A_2347 = arith.constant 516 : i32
      %get3A_2348 = arith.index_cast %get3A_2347 : i32 to index
      %get3A_2349 = arith.constant 16 : index
      %get3A_2350 = tpu.vector_load %arg15[%get3A_2348, %get3A_2349] {strides = array<i32>} : memref<576x32xf32, #tpu.memory_space<vmem>>, vector<16xf32>,
      %mul3A_2351 = arith.mulf %gather3A_2340, %get3A_2350 : vector<16xf32>
      %add3A_2352 = arith.addf %add3A_2336, %mul3A_2351 : vector<16xf32>
      %broadcast_in_dim3A_2353 = arith.constant 5 : i32
      %broadcast_in_dim3A_2354 = vector.broadcast %broadcast_in_dim3A_2353 : i32 to vector<16x1xi32>
      %gather3A_2355 = vector.shape_cast %broadcast_in_dim3A_2354 : vector<16x1xi32> to vector<16xi32>
      %gather3A_2356 = tpu.dynamic_gather %get3A_2272[%gather3A_2355] in [0] : vector<16xf32>, vector<16xi32> -> vector<16xf32>
      %get3A_2357 = arith.constant 517 : i32
      %get3A_2358 = arith.index_cast %get3A_2357 : i32 to index
      %get3A_2359 = arith.constant 0 : index
      %get3A_2360 = tpu.vector_load %arg15[%get3A_2358, %get3A_2359] {strides = array<i32>} : memref<576x32xf32, #tpu.memory_space<vmem>>, vector<16xf32>,
      %mul3A_2361 = arith.mulf %gather3A_2356, %get3A_2360 : vector<16xf32>
      %add3A_2362 = arith.addf %add3A_2346, %mul3A_2361 : vector<16xf32>
      %get3A_2363 = arith.constant 517 : i32
      %get3A_2364 = arith.index_cast %get3A_2363 : i32 to index
      %get3A_2365 = arith.constant 16 : index
      %get3A_2366 = tpu.vector_load %arg15[%get3A_2364, %get3A_2365] {strides = array<i32>} : memref<576x32xf32, #tpu.memory_space<vmem>>, vector<16xf32>,
      %mul3A_2367 = arith.mulf %gather3A_2356, %get3A_2366 : vector<16xf32>
      %add3A_2368 = arith.addf %add3A_2352, %mul3A_2367 : vector<16xf32>
      %broadcast_in_dim3A_2369 = arith.constant 6 : i32
      %broadcast_in_dim3A_2370 = vector.broadcast %broadcast_in_dim3A_2369 : i32 to vector<16x1xi32>
      %gather3A_2371 = vector.shape_cast %broadcast_in_dim3A_2370 : vector<16x1xi32> to vector<16xi32>
      %gather3A_2372 = tpu.dynamic_gather %get3A_2272[%gather3A_2371] in [0] : vector<16xf32>, vector<16xi32> -> vector<16xf32>
      %get3A_2373 = arith.constant 518 : i32
      %get3A_2374 = arith.index_cast %get3A_2373 : i32 to index
      %get3A_2375 = arith.constant 0 : index
      %get3A_2376 = tpu.vector_load %arg15[%get3A_2374, %get3A_2375] {strides = array<i32>} : memref<576x32xf32, #tpu.memory_space<vmem>>, vector<16xf32>,
      %mul3A_2377 = arith.mulf %gather3A_2372, %get3A_2376 : vector<16xf32>
      %add3A_2378 = arith.addf %add3A_2362, %mul3A_2377 : vector<16xf32>
      %get3A_2379 = arith.constant 518 : i32
      %get3A_2380 = arith.index_cast %get3A_2379 : i32 to index
      %get3A_2381 = arith.constant 16 : index
      %get3A_2382 = tpu.vector_load %arg15[%get3A_2380, %get3A_2381] {strides = array<i32>} : memref<576x32xf32, #tpu.memory_space<vmem>>, vector<16xf32>,
      %mul3A_2383 = arith.mulf %gather3A_2372, %get3A_2382 : vector<16xf32>
      %add3A_2384 = arith.addf %add3A_2368, %mul3A_2383 : vector<16xf32>
      %broadcast_in_dim3A_2385 = arith.constant 7 : i32
      %broadcast_in_dim3A_2386 = vector.broadcast %broadcast_in_dim3A_2385 : i32 to vector<16x1xi32>
      %gather3A_2387 = vector.shape_cast %broadcast_in_dim3A_2386 : vector<16x1xi32> to vector<16xi32>
      %gather3A_2388 = tpu.dynamic_gather %get3A_2272[%gather3A_2387] in [0] : vector<16xf32>, vector<16xi32> -> vector<16xf32>
      %get3A_2389 = arith.constant 519 : i32
      %get3A_2390 = arith.index_cast %get3A_2389 : i32 to index
      %get3A_2391 = arith.constant 0 : index
      %get3A_2392 = tpu.vector_load %arg15[%get3A_2390, %get3A_2391] {strides = array<i32>} : memref<576x32xf32, #tpu.memory_space<vmem>>, vector<16xf32>,
      %mul3A_2393 = arith.mulf %gather3A_2388, %get3A_2392 : vector<16xf32>
      %add3A_2394 = arith.addf %add3A_2378, %mul3A_2393 : vector<16xf32>
      %get3A_2395 = arith.constant 519 : i32
      %get3A_2396 = arith.index_cast %get3A_2395 : i32 to index
      %get3A_2397 = arith.constant 16 : index
      %get3A_2398 = tpu.vector_load %arg15[%get3A_2396, %get3A_2397] {strides = array<i32>} : memref<576x32xf32, #tpu.memory_space<vmem>>, vector<16xf32>,
      %mul3A_2399 = arith.mulf %gather3A_2388, %get3A_2398 : vector<16xf32>
      %add3A_2400 = arith.addf %add3A_2384, %mul3A_2399 : vector<16xf32>
      %broadcast_in_dim3A_2401 = arith.constant 8 : i32
      %broadcast_in_dim3A_2402 = vector.broadcast %broadcast_in_dim3A_2401 : i32 to vector<16x1xi32>
      %gather3A_2403 = vector.shape_cast %broadcast_in_dim3A_2402 : vector<16x1xi32> to vector<16xi32>
      %gather3A_2404 = tpu.dynamic_gather %get3A_2272[%gather3A_2403] in [0] : vector<16xf32>, vector<16xi32> -> vector<16xf32>
      %get3A_2405 = arith.constant 520 : i32
      %get3A_2406 = arith.index_cast %get3A_2405 : i32 to index
      %get3A_2407 = arith.constant 0 : index
      %get3A_2408 = tpu.vector_load %arg15[%get3A_2406, %get3A_2407] {strides = array<i32>} : memref<576x32xf32, #tpu.memory_space<vmem>>, vector<16xf32>,
      %mul3A_2409 = arith.mulf %gather3A_2404, %get3A_2408 : vector<16xf32>
      %add3A_2410 = arith.addf %add3A_2394, %mul3A_2409 : vector<16xf32>
      %get3A_2411 = arith.constant 520 : i32
      %get3A_2412 = arith.index_cast %get3A_2411 : i32 to index
      %get3A_2413 = arith.constant 16 : index
      %get3A_2414 = tpu.vector_load %arg15[%get3A_2412, %get3A_2413] {strides = array<i32>} : memref<576x32xf32, #tpu.memory_space<vmem>>, vector<16xf32>,
      %mul3A_2415 = arith.mulf %gather3A_2404, %get3A_2414 : vector<16xf32>
      %add3A_2416 = arith.addf %add3A_2400, %mul3A_2415 : vector<16xf32>
      %broadcast_in_dim3A_2417 = arith.constant 9 : i32
      %broadcast_in_dim3A_2418 = vector.broadcast %broadcast_in_dim3A_2417 : i32 to vector<16x1xi32>
      %gather3A_2419 = vector.shape_cast %broadcast_in_dim3A_2418 : vector<16x1xi32> to vector<16xi32>
      %gather3A_2420 = tpu.dynamic_gather %get3A_2272[%gather3A_2419] in [0] : vector<16xf32>, vector<16xi32> -> vector<16xf32>
      %get3A_2421 = arith.constant 521 : i32
      %get3A_2422 = arith.index_cast %get3A_2421 : i32 to index
      %get3A_2423 = arith.constant 0 : index
      %get3A_2424 = tpu.vector_load %arg15[%get3A_2422, %get3A_2423] {strides = array<i32>} : memref<576x32xf32, #tpu.memory_space<vmem>>, vector<16xf32>,
      %mul3A_2425 = arith.mulf %gather3A_2420, %get3A_2424 : vector<16xf32>
      %add3A_2426 = arith.addf %add3A_2410, %mul3A_2425 : vector<16xf32>
      %get3A_2427 = arith.constant 521 : i32
      %get3A_2428 = arith.index_cast %get3A_2427 : i32 to index
      %get3A_2429 = arith.constant 16 : index
      %get3A_2430 = tpu.vector_load %arg15[%get3A_2428, %get3A_2429] {strides = array<i32>} : memref<576x32xf32, #tpu.memory_space<vmem>>, vector<16xf32>,
      %mul3A_2431 = arith.mulf %gather3A_2420, %get3A_2430 : vector<16xf32>
      %add3A_2432 = arith.addf %add3A_2416, %mul3A_2431 : vector<16xf32>
      %broadcast_in_dim3A_2433 = arith.constant 10 : i32
      %broadcast_in_dim3A_2434 = vector.broadcast %broadcast_in_dim3A_2433 : i32 to vector<16x1xi32>
      %gather3A_2435 = vector.shape_cast %broadcast_in_dim3A_2434 : vector<16x1xi32> to vector<16xi32>
      %gather3A_2436 = tpu.dynamic_gather %get3A_2272[%gather3A_2435] in [0] : vector<16xf32>, vector<16xi32> -> vector<16xf32>
      %get3A_2437 = arith.constant 522 : i32
      %get3A_2438 = arith.index_cast %get3A_2437 : i32 to index
      %get3A_2439 = arith.constant 0 : index
      %get3A_2440 = tpu.vector_load %arg15[%get3A_2438, %get3A_2439] {strides = array<i32>} : memref<576x32xf32, #tpu.memory_space<vmem>>, vector<16xf32>,
      %mul3A_2441 = arith.mulf %gather3A_2436, %get3A_2440 : vector<16xf32>
      %add3A_2442 = arith.addf %add3A_2426, %mul3A_2441 : vector<16xf32>
      %get3A_2443 = arith.constant 522 : i32
      %get3A_2444 = arith.index_cast %get3A_2443 : i32 to index
      %get3A_2445 = arith.constant 16 : index
      %get3A_2446 = tpu.vector_load %arg15[%get3A_2444, %get3A_2445] {strides = array<i32>} : memref<576x32xf32, #tpu.memory_space<vmem>>, vector<16xf32>,
      %mul3A_2447 = arith.mulf %gather3A_2436, %get3A_2446 : vector<16xf32>
      %add3A_2448 = arith.addf %add3A_2432, %mul3A_2447 : vector<16xf32>
      %broadcast_in_dim3A_2449 = arith.constant 11 : i32
      %broadcast_in_dim3A_2450 = vector.broadcast %broadcast_in_dim3A_2449 : i32 to vector<16x1xi32>
      %gather3A_2451 = vector.shape_cast %broadcast_in_dim3A_2450 : vector<16x1xi32> to vector<16xi32>
      %gather3A_2452 = tpu.dynamic_gather %get3A_2272[%gather3A_2451] in [0] : vector<16xf32>, vector<16xi32> -> vector<16xf32>
      %get3A_2453 = arith.constant 523 : i32
      %get3A_2454 = arith.index_cast %get3A_2453 : i32 to index
      %get3A_2455 = arith.constant 0 : index
      %get3A_2456 = tpu.vector_load %arg15[%get3A_2454, %get3A_2455] {strides = array<i32>} : memref<576x32xf32, #tpu.memory_space<vmem>>, vector<16xf32>,
      %mul3A_2457 = arith.mulf %gather3A_2452, %get3A_2456 : vector<16xf32>
      %add3A_2458 = arith.addf %add3A_2442, %mul3A_2457 : vector<16xf32>
      %get3A_2459 = arith.constant 523 : i32
      %get3A_2460 = arith.index_cast %get3A_2459 : i32 to index
      %get3A_2461 = arith.constant 16 : index
      %get3A_2462 = tpu.vector_load %arg15[%get3A_2460, %get3A_2461] {strides = array<i32>} : memref<576x32xf32, #tpu.memory_space<vmem>>, vector<16xf32>,
      %mul3A_2463 = arith.mulf %gather3A_2452, %get3A_2462 : vector<16xf32>
      %add3A_2464 = arith.addf %add3A_2448, %mul3A_2463 : vector<16xf32>
      %broadcast_in_dim3A_2465 = arith.constant 12 : i32
      %broadcast_in_dim3A_2466 = vector.broadcast %broadcast_in_dim3A_2465 : i32 to vector<16x1xi32>
      %gather3A_2467 = vector.shape_cast %broadcast_in_dim3A_2466 : vector<16x1xi32> to vector<16xi32>
      %gather3A_2468 = tpu.dynamic_gather %get3A_2272[%gather3A_2467] in [0] : vector<16xf32>, vector<16xi32> -> vector<16xf32>
      %get3A_2469 = arith.constant 524 : i32
      %get3A_2470 = arith.index_cast %get3A_2469 : i32 to index
      %get3A_2471 = arith.constant 0 : index
      %get3A_2472 = tpu.vector_load %arg15[%get3A_2470, %get3A_2471] {strides = array<i32>} : memref<576x32xf32, #tpu.memory_space<vmem>>, vector<16xf32>,
      %mul3A_2473 = arith.mulf %gather3A_2468, %get3A_2472 : vector<16xf32>
      %add3A_2474 = arith.addf %add3A_2458, %mul3A_2473 : vector<16xf32>
      %get3A_2475 = arith.constant 524 : i32
      %get3A_2476 = arith.index_cast %get3A_2475 : i32 to index
      %get3A_2477 = arith.constant 16 : index
      %get3A_2478 = tpu.vector_load %arg15[%get3A_2476, %get3A_2477] {strides = array<i32>} : memref<576x32xf32, #tpu.memory_space<vmem>>, vector<16xf32>,
      %mul3A_2479 = arith.mulf %gather3A_2468, %get3A_2478 : vector<16xf32>
      %add3A_2480 = arith.addf %add3A_2464, %mul3A_2479 : vector<16xf32>
      %broadcast_in_dim3A_2481 = arith.constant 13 : i32
      %broadcast_in_dim3A_2482 = vector.broadcast %broadcast_in_dim3A_2481 : i32 to vector<16x1xi32>
      %gather3A_2483 = vector.shape_cast %broadcast_in_dim3A_2482 : vector<16x1xi32> to vector<16xi32>
      %gather3A_2484 = tpu.dynamic_gather %get3A_2272[%gather3A_2483] in [0] : vector<16xf32>, vector<16xi32> -> vector<16xf32>
      %get3A_2485 = arith.constant 525 : i32
      %get3A_2486 = arith.index_cast %get3A_2485 : i32 to index
      %get3A_2487 = arith.constant 0 : index
      %get3A_2488 = tpu.vector_load %arg15[%get3A_2486, %get3A_2487] {strides = array<i32>} : memref<576x32xf32, #tpu.memory_space<vmem>>, vector<16xf32>,
      %mul3A_2489 = arith.mulf %gather3A_2484, %get3A_2488 : vector<16xf32>
      %add3A_2490 = arith.addf %add3A_2474, %mul3A_2489 : vector<16xf32>
      %get3A_2491 = arith.constant 525 : i32
      %get3A_2492 = arith.index_cast %get3A_2491 : i32 to index
      %get3A_2493 = arith.constant 16 : index
      %get3A_2494 = tpu.vector_load %arg15[%get3A_2492, %get3A_2493] {strides = array<i32>} : memref<576x32xf32, #tpu.memory_space<vmem>>, vector<16xf32>,
      %mul3A_2495 = arith.mulf %gather3A_2484, %get3A_2494 : vector<16xf32>
      %add3A_2496 = arith.addf %add3A_2480, %mul3A_2495 : vector<16xf32>
      %broadcast_in_dim3A_2497 = arith.constant 14 : i32
      %broadcast_in_dim3A_2498 = vector.broadcast %broadcast_in_dim3A_2497 : i32 to vector<16x1xi32>
      %gather3A_2499 = vector.shape_cast %broadcast_in_dim3A_2498 : vector<16x1xi32> to vector<16xi32>
      %gather3A_2500 = tpu.dynamic_gather %get3A_2272[%gather3A_2499] in [0] : vector<16xf32>, vector<16xi32> -> vector<16xf32>
      %get3A_2501 = arith.constant 526 : i32
      %get3A_2502 = arith.index_cast %get3A_2501 : i32 to index
      %get3A_2503 = arith.constant 0 : index
      %get3A_2504 = tpu.vector_load %arg15[%get3A_2502, %get3A_2503] {strides = array<i32>} : memref<576x32xf32, #tpu.memory_space<vmem>>, vector<16xf32>,
      %mul3A_2505 = arith.mulf %gather3A_2500, %get3A_2504 : vector<16xf32>
      %add3A_2506 = arith.addf %add3A_2490, %mul3A_2505 : vector<16xf32>
      %get3A_2507 = arith.constant 526 : i32
      %get3A_2508 = arith.index_cast %get3A_2507 : i32 to index
      %get3A_2509 = arith.constant 16 : index
      %get3A_2510 = tpu.vector_load %arg15[%get3A_2508, %get3A_2509] {strides = array<i32>} : memref<576x32xf32, #tpu.memory_space<vmem>>, vector<16xf32>,
      %mul3A_2511 = arith.mulf %gather3A_2500, %get3A_2510 : vector<16xf32>
      %add3A_2512 = arith.addf %add3A_2496, %mul3A_2511 : vector<16xf32>
      %broadcast_in_dim3A_2513 = arith.constant 15 : i32
      %broadcast_in_dim3A_2514 = vector.broadcast %broadcast_in_dim3A_2513 : i32 to vector<16x1xi32>
      %gather3A_2515 = vector.shape_cast %broadcast_in_dim3A_2514 : vector<16x1xi32> to vector<16xi32>
      %gather3A_2516 = tpu.dynamic_gather %get3A_2272[%gather3A_2515] in [0] : vector<16xf32>, vector<16xi32> -> vector<16xf32>
      %get3A_2517 = arith.constant 527 : i32
      %get3A_2518 = arith.index_cast %get3A_2517 : i32 to index
      %get3A_2519 = arith.constant 0 : index
      %get3A_2520 = tpu.vector_load %arg15[%get3A_2518, %get3A_2519] {strides = array<i32>} : memref<576x32xf32, #tpu.memory_space<vmem>>, vector<16xf32>,
      %mul3A_2521 = arith.mulf %gather3A_2516, %get3A_2520 : vector<16xf32>
      %add3A_2522 = arith.addf %add3A_2506, %mul3A_2521 : vector<16xf32>
      %get3A_2523 = arith.constant 527 : i32
      %get3A_2524 = arith.index_cast %get3A_2523 : i32 to index
      %get3A_2525 = arith.constant 16 : index
      %get3A_2526 = tpu.vector_load %arg15[%get3A_2524, %get3A_2525] {strides = array<i32>} : memref<576x32xf32, #tpu.memory_space<vmem>>, vector<16xf32>,
      %mul3A_2527 = arith.mulf %gather3A_2516, %get3A_2526 : vector<16xf32>
      %add3A_2528 = arith.addf %add3A_2512, %mul3A_2527 : vector<16xf32>
      %get3A_2529 = arith.constant 16 : index
      %get3A_2530 = tpu.vector_load %arg13[%get3A_2529] {strides = array<i32>} : memref<64xf32, #tpu.memory_space<vmem>>, vector<16xf32>,
      %broadcast_in_dim3A_2531 = arith.constant 0 : i32
      %broadcast_in_dim3A_2532 = vector.broadcast %broadcast_in_dim3A_2531 : i32 to vector<16x1xi32>
      %gather3A_2533 = vector.shape_cast %broadcast_in_dim3A_2532 : vector<16x1xi32> to vector<16xi32>
      %gather3A_2534 = tpu.dynamic_gather %get3A_2530[%gather3A_2533] in [0] : vector<16xf32>, vector<16xi32> -> vector<16xf32>
      %get3A_2535 = arith.constant 528 : i32
      %get3A_2536 = arith.index_cast %get3A_2535 : i32 to index
      %get3A_2537 = arith.constant 0 : index
      %get3A_2538 = tpu.vector_load %arg15[%get3A_2536, %get3A_2537] {strides = array<i32>} : memref<576x32xf32, #tpu.memory_space<vmem>>, vector<16xf32>,
      %mul3A_2539 = arith.mulf %gather3A_2534, %get3A_2538 : vector<16xf32>
      %add3A_2540 = arith.addf %add3A_2522, %mul3A_2539 : vector<16xf32>
      %get3A_2541 = arith.constant 528 : i32
      %get3A_2542 = arith.index_cast %get3A_2541 : i32 to index
      %get3A_2543 = arith.constant 16 : index
      %get3A_2544 = tpu.vector_load %arg15[%get3A_2542, %get3A_2543] {strides = array<i32>} : memref<576x32xf32, #tpu.memory_space<vmem>>, vector<16xf32>,
      %mul3A_2545 = arith.mulf %gather3A_2534, %get3A_2544 : vector<16xf32>
      %add3A_2546 = arith.addf %add3A_2528, %mul3A_2545 : vector<16xf32>
      %broadcast_in_dim3A_2547 = arith.constant 1 : i32
      %broadcast_in_dim3A_2548 = vector.broadcast %broadcast_in_dim3A_2547 : i32 to vector<16x1xi32>
      %gather3A_2549 = vector.shape_cast %broadcast_in_dim3A_2548 : vector<16x1xi32> to vector<16xi32>
      %gather3A_2550 = tpu.dynamic_gather %get3A_2530[%gather3A_2549] in [0] : vector<16xf32>, vector<16xi32> -> vector<16xf32>
      %get3A_2551 = arith.constant 529 : i32
      %get3A_2552 = arith.index_cast %get3A_2551 : i32 to index
      %get3A_2553 = arith.constant 0 : index
      %get3A_2554 = tpu.vector_load %arg15[%get3A_2552, %get3A_2553] {strides = array<i32>} : memref<576x32xf32, #tpu.memory_space<vmem>>, vector<16xf32>,
      %mul3A_2555 = arith.mulf %gather3A_2550, %get3A_2554 : vector<16xf32>
      %add3A_2556 = arith.addf %add3A_2540, %mul3A_2555 : vector<16xf32>
      %get3A_2557 = arith.constant 529 : i32
      %get3A_2558 = arith.index_cast %get3A_2557 : i32 to index
      %get3A_2559 = arith.constant 16 : index
      %get3A_2560 = tpu.vector_load %arg15[%get3A_2558, %get3A_2559] {strides = array<i32>} : memref<576x32xf32, #tpu.memory_space<vmem>>, vector<16xf32>,
      %mul3A_2561 = arith.mulf %gather3A_2550, %get3A_2560 : vector<16xf32>
      %add3A_2562 = arith.addf %add3A_2546, %mul3A_2561 : vector<16xf32>
      %broadcast_in_dim3A_2563 = arith.constant 2 : i32
      %broadcast_in_dim3A_2564 = vector.broadcast %broadcast_in_dim3A_2563 : i32 to vector<16x1xi32>
      %gather3A_2565 = vector.shape_cast %broadcast_in_dim3A_2564 : vector<16x1xi32> to vector<16xi32>
      %gather3A_2566 = tpu.dynamic_gather %get3A_2530[%gather3A_2565] in [0] : vector<16xf32>, vector<16xi32> -> vector<16xf32>
      %get3A_2567 = arith.constant 530 : i32
      %get3A_2568 = arith.index_cast %get3A_2567 : i32 to index
      %get3A_2569 = arith.constant 0 : index
      %get3A_2570 = tpu.vector_load %arg15[%get3A_2568, %get3A_2569] {strides = array<i32>} : memref<576x32xf32, #tpu.memory_space<vmem>>, vector<16xf32>,
      %mul3A_2571 = arith.mulf %gather3A_2566, %get3A_2570 : vector<16xf32>
      %add3A_2572 = arith.addf %add3A_2556, %mul3A_2571 : vector<16xf32>
      %get3A_2573 = arith.constant 530 : i32
      %get3A_2574 = arith.index_cast %get3A_2573 : i32 to index
      %get3A_2575 = arith.constant 16 : index
      %get3A_2576 = tpu.vector_load %arg15[%get3A_2574, %get3A_2575] {strides = array<i32>} : memref<576x32xf32, #tpu.memory_space<vmem>>, vector<16xf32>,
      %mul3A_2577 = arith.mulf %gather3A_2566, %get3A_2576 : vector<16xf32>
      %add3A_2578 = arith.addf %add3A_2562, %mul3A_2577 : vector<16xf32>
      %broadcast_in_dim3A_2579 = arith.constant 3 : i32
      %broadcast_in_dim3A_2580 = vector.broadcast %broadcast_in_dim3A_2579 : i32 to vector<16x1xi32>
      %gather3A_2581 = vector.shape_cast %broadcast_in_dim3A_2580 : vector<16x1xi32> to vector<16xi32>
      %gather3A_2582 = tpu.dynamic_gather %get3A_2530[%gather3A_2581] in [0] : vector<16xf32>, vector<16xi32> -> vector<16xf32>
      %get3A_2583 = arith.constant 531 : i32
      %get3A_2584 = arith.index_cast %get3A_2583 : i32 to index
      %get3A_2585 = arith.constant 0 : index
      %get3A_2586 = tpu.vector_load %arg15[%get3A_2584, %get3A_2585] {strides = array<i32>} : memref<576x32xf32, #tpu.memory_space<vmem>>, vector<16xf32>,
      %mul3A_2587 = arith.mulf %gather3A_2582, %get3A_2586 : vector<16xf32>
      %add3A_2588 = arith.addf %add3A_2572, %mul3A_2587 : vector<16xf32>
      %get3A_2589 = arith.constant 531 : i32
      %get3A_2590 = arith.index_cast %get3A_2589 : i32 to index
      %get3A_2591 = arith.constant 16 : index
      %get3A_2592 = tpu.vector_load %arg15[%get3A_2590, %get3A_2591] {strides = array<i32>} : memref<576x32xf32, #tpu.memory_space<vmem>>, vector<16xf32>,
      %mul3A_2593 = arith.mulf %gather3A_2582, %get3A_2592 : vector<16xf32>
      %add3A_2594 = arith.addf %add3A_2578, %mul3A_2593 : vector<16xf32>
      %broadcast_in_dim3A_2595 = arith.constant 4 : i32
      %broadcast_in_dim3A_2596 = vector.broadcast %broadcast_in_dim3A_2595 : i32 to vector<16x1xi32>
      %gather3A_2597 = vector.shape_cast %broadcast_in_dim3A_2596 : vector<16x1xi32> to vector<16xi32>
      %gather3A_2598 = tpu.dynamic_gather %get3A_2530[%gather3A_2597] in [0] : vector<16xf32>, vector<16xi32> -> vector<16xf32>
      %get3A_2599 = arith.constant 532 : i32
      %get3A_2600 = arith.index_cast %get3A_2599 : i32 to index
      %get3A_2601 = arith.constant 0 : index
      %get3A_2602 = tpu.vector_load %arg15[%get3A_2600, %get3A_2601] {strides = array<i32>} : memref<576x32xf32, #tpu.memory_space<vmem>>, vector<16xf32>,
      %mul3A_2603 = arith.mulf %gather3A_2598, %get3A_2602 : vector<16xf32>
      %add3A_2604 = arith.addf %add3A_2588, %mul3A_2603 : vector<16xf32>
      %get3A_2605 = arith.constant 532 : i32
      %get3A_2606 = arith.index_cast %get3A_2605 : i32 to index
      %get3A_2607 = arith.constant 16 : index
      %get3A_2608 = tpu.vector_load %arg15[%get3A_2606, %get3A_2607] {strides = array<i32>} : memref<576x32xf32, #tpu.memory_space<vmem>>, vector<16xf32>,
      %mul3A_2609 = arith.mulf %gather3A_2598, %get3A_2608 : vector<16xf32>
      %add3A_2610 = arith.addf %add3A_2594, %mul3A_2609 : vector<16xf32>
      %broadcast_in_dim3A_2611 = arith.constant 5 : i32
      %broadcast_in_dim3A_2612 = vector.broadcast %broadcast_in_dim3A_2611 : i32 to vector<16x1xi32>
      %gather3A_2613 = vector.shape_cast %broadcast_in_dim3A_2612 : vector<16x1xi32> to vector<16xi32>
      %gather3A_2614 = tpu.dynamic_gather %get3A_2530[%gather3A_2613] in [0] : vector<16xf32>, vector<16xi32> -> vector<16xf32>
      %get3A_2615 = arith.constant 533 : i32
      %get3A_2616 = arith.index_cast %get3A_2615 : i32 to index
      %get3A_2617 = arith.constant 0 : index
      %get3A_2618 = tpu.vector_load %arg15[%get3A_2616, %get3A_2617] {strides = array<i32>} : memref<576x32xf32, #tpu.memory_space<vmem>>, vector<16xf32>,
      %mul3A_2619 = arith.mulf %gather3A_2614, %get3A_2618 : vector<16xf32>
      %add3A_2620 = arith.addf %add3A_2604, %mul3A_2619 : vector<16xf32>
      %get3A_2621 = arith.constant 533 : i32
      %get3A_2622 = arith.index_cast %get3A_2621 : i32 to index
      %get3A_2623 = arith.constant 16 : index
      %get3A_2624 = tpu.vector_load %arg15[%get3A_2622, %get3A_2623] {strides = array<i32>} : memref<576x32xf32, #tpu.memory_space<vmem>>, vector<16xf32>,
      %mul3A_2625 = arith.mulf %gather3A_2614, %get3A_2624 : vector<16xf32>
      %add3A_2626 = arith.addf %add3A_2610, %mul3A_2625 : vector<16xf32>
      %broadcast_in_dim3A_2627 = arith.constant 6 : i32
      %broadcast_in_dim3A_2628 = vector.broadcast %broadcast_in_dim3A_2627 : i32 to vector<16x1xi32>
      %gather3A_2629 = vector.shape_cast %broadcast_in_dim3A_2628 : vector<16x1xi32> to vector<16xi32>
      %gather3A_2630 = tpu.dynamic_gather %get3A_2530[%gather3A_2629] in [0] : vector<16xf32>, vector<16xi32> -> vector<16xf32>
      %get3A_2631 = arith.constant 534 : i32
      %get3A_2632 = arith.index_cast %get3A_2631 : i32 to index
      %get3A_2633 = arith.constant 0 : index
      %get3A_2634 = tpu.vector_load %arg15[%get3A_2632, %get3A_2633] {strides = array<i32>} : memref<576x32xf32, #tpu.memory_space<vmem>>, vector<16xf32>,
      %mul3A_2635 = arith.mulf %gather3A_2630, %get3A_2634 : vector<16xf32>
      %add3A_2636 = arith.addf %add3A_2620, %mul3A_2635 : vector<16xf32>
      %get3A_2637 = arith.constant 534 : i32
      %get3A_2638 = arith.index_cast %get3A_2637 : i32 to index
      %get3A_2639 = arith.constant 16 : index
      %get3A_2640 = tpu.vector_load %arg15[%get3A_2638, %get3A_2639] {strides = array<i32>} : memref<576x32xf32, #tpu.memory_space<vmem>>, vector<16xf32>,
      %mul3A_2641 = arith.mulf %gather3A_2630, %get3A_2640 : vector<16xf32>
      %add3A_2642 = arith.addf %add3A_2626, %mul3A_2641 : vector<16xf32>
      %broadcast_in_dim3A_2643 = arith.constant 7 : i32
      %broadcast_in_dim3A_2644 = vector.broadcast %broadcast_in_dim3A_2643 : i32 to vector<16x1xi32>
      %gather3A_2645 = vector.shape_cast %broadcast_in_dim3A_2644 : vector<16x1xi32> to vector<16xi32>
      %gather3A_2646 = tpu.dynamic_gather %get3A_2530[%gather3A_2645] in [0] : vector<16xf32>, vector<16xi32> -> vector<16xf32>
      %get3A_2647 = arith.constant 535 : i32
      %get3A_2648 = arith.index_cast %get3A_2647 : i32 to index
      %get3A_2649 = arith.constant 0 : index
      %get3A_2650 = tpu.vector_load %arg15[%get3A_2648, %get3A_2649] {strides = array<i32>} : memref<576x32xf32, #tpu.memory_space<vmem>>, vector<16xf32>,
      %mul3A_2651 = arith.mulf %gather3A_2646, %get3A_2650 : vector<16xf32>
      %add3A_2652 = arith.addf %add3A_2636, %mul3A_2651 : vector<16xf32>
      %get3A_2653 = arith.constant 535 : i32
      %get3A_2654 = arith.index_cast %get3A_2653 : i32 to index
      %get3A_2655 = arith.constant 16 : index
      %get3A_2656 = tpu.vector_load %arg15[%get3A_2654, %get3A_2655] {strides = array<i32>} : memref<576x32xf32, #tpu.memory_space<vmem>>, vector<16xf32>,
      %mul3A_2657 = arith.mulf %gather3A_2646, %get3A_2656 : vector<16xf32>
      %add3A_2658 = arith.addf %add3A_2642, %mul3A_2657 : vector<16xf32>
      %broadcast_in_dim3A_2659 = arith.constant 8 : i32
      %broadcast_in_dim3A_2660 = vector.broadcast %broadcast_in_dim3A_2659 : i32 to vector<16x1xi32>
      %gather3A_2661 = vector.shape_cast %broadcast_in_dim3A_2660 : vector<16x1xi32> to vector<16xi32>
      %gather3A_2662 = tpu.dynamic_gather %get3A_2530[%gather3A_2661] in [0] : vector<16xf32>, vector<16xi32> -> vector<16xf32>
      %get3A_2663 = arith.constant 536 : i32
      %get3A_2664 = arith.index_cast %get3A_2663 : i32 to index
      %get3A_2665 = arith.constant 0 : index
      %get3A_2666 = tpu.vector_load %arg15[%get3A_2664, %get3A_2665] {strides = array<i32>} : memref<576x32xf32, #tpu.memory_space<vmem>>, vector<16xf32>,
      %mul3A_2667 = arith.mulf %gather3A_2662, %get3A_2666 : vector<16xf32>
      %add3A_2668 = arith.addf %add3A_2652, %mul3A_2667 : vector<16xf32>
      %get3A_2669 = arith.constant 536 : i32
      %get3A_2670 = arith.index_cast %get3A_2669 : i32 to index
      %get3A_2671 = arith.constant 16 : index
      %get3A_2672 = tpu.vector_load %arg15[%get3A_2670, %get3A_2671] {strides = array<i32>} : memref<576x32xf32, #tpu.memory_space<vmem>>, vector<16xf32>,
      %mul3A_2673 = arith.mulf %gather3A_2662, %get3A_2672 : vector<16xf32>
      %add3A_2674 = arith.addf %add3A_2658, %mul3A_2673 : vector<16xf32>
      %broadcast_in_dim3A_2675 = arith.constant 9 : i32
      %broadcast_in_dim3A_2676 = vector.broadcast %broadcast_in_dim3A_2675 : i32 to vector<16x1xi32>
      %gather3A_2677 = vector.shape_cast %broadcast_in_dim3A_2676 : vector<16x1xi32> to vector<16xi32>
      %gather3A_2678 = tpu.dynamic_gather %get3A_2530[%gather3A_2677] in [0] : vector<16xf32>, vector<16xi32> -> vector<16xf32>
      %get3A_2679 = arith.constant 537 : i32
      %get3A_2680 = arith.index_cast %get3A_2679 : i32 to index
      %get3A_2681 = arith.constant 0 : index
      %get3A_2682 = tpu.vector_load %arg15[%get3A_2680, %get3A_2681] {strides = array<i32>} : memref<576x32xf32, #tpu.memory_space<vmem>>, vector<16xf32>,
      %mul3A_2683 = arith.mulf %gather3A_2678, %get3A_2682 : vector<16xf32>
      %add3A_2684 = arith.addf %add3A_2668, %mul3A_2683 : vector<16xf32>
      %get3A_2685 = arith.constant 537 : i32
      %get3A_2686 = arith.index_cast %get3A_2685 : i32 to index
      %get3A_2687 = arith.constant 16 : index
      %get3A_2688 = tpu.vector_load %arg15[%get3A_2686, %get3A_2687] {strides = array<i32>} : memref<576x32xf32, #tpu.memory_space<vmem>>, vector<16xf32>,
      %mul3A_2689 = arith.mulf %gather3A_2678, %get3A_2688 : vector<16xf32>
      %add3A_2690 = arith.addf %add3A_2674, %mul3A_2689 : vector<16xf32>
      %broadcast_in_dim3A_2691 = arith.constant 10 : i32
      %broadcast_in_dim3A_2692 = vector.broadcast %broadcast_in_dim3A_2691 : i32 to vector<16x1xi32>
      %gather3A_2693 = vector.shape_cast %broadcast_in_dim3A_2692 : vector<16x1xi32> to vector<16xi32>
      %gather3A_2694 = tpu.dynamic_gather %get3A_2530[%gather3A_2693] in [0] : vector<16xf32>, vector<16xi32> -> vector<16xf32>
      %get3A_2695 = arith.constant 538 : i32
      %get3A_2696 = arith.index_cast %get3A_2695 : i32 to index
      %get3A_2697 = arith.constant 0 : index
      %get3A_2698 = tpu.vector_load %arg15[%get3A_2696, %get3A_2697] {strides = array<i32>} : memref<576x32xf32, #tpu.memory_space<vmem>>, vector<16xf32>,
      %mul3A_2699 = arith.mulf %gather3A_2694, %get3A_2698 : vector<16xf32>
      %add3A_2700 = arith.addf %add3A_2684, %mul3A_2699 : vector<16xf32>
      %get3A_2701 = arith.constant 538 : i32
      %get3A_2702 = arith.index_cast %get3A_2701 : i32 to index
      %get3A_2703 = arith.constant 16 : index
      %get3A_2704 = tpu.vector_load %arg15[%get3A_2702, %get3A_2703] {strides = array<i32>} : memref<576x32xf32, #tpu.memory_space<vmem>>, vector<16xf32>,
      %mul3A_2705 = arith.mulf %gather3A_2694, %get3A_2704 : vector<16xf32>
      %add3A_2706 = arith.addf %add3A_2690, %mul3A_2705 : vector<16xf32>
      %broadcast_in_dim3A_2707 = arith.constant 11 : i32
      %broadcast_in_dim3A_2708 = vector.broadcast %broadcast_in_dim3A_2707 : i32 to vector<16x1xi32>
      %gather3A_2709 = vector.shape_cast %broadcast_in_dim3A_2708 : vector<16x1xi32> to vector<16xi32>
      %gather3A_2710 = tpu.dynamic_gather %get3A_2530[%gather3A_2709] in [0] : vector<16xf32>, vector<16xi32> -> vector<16xf32>
      %get3A_2711 = arith.constant 539 : i32
      %get3A_2712 = arith.index_cast %get3A_2711 : i32 to index
      %get3A_2713 = arith.constant 0 : index
      %get3A_2714 = tpu.vector_load %arg15[%get3A_2712, %get3A_2713] {strides = array<i32>} : memref<576x32xf32, #tpu.memory_space<vmem>>, vector<16xf32>,
      %mul3A_2715 = arith.mulf %gather3A_2710, %get3A_2714 : vector<16xf32>
      %add3A_2716 = arith.addf %add3A_2700, %mul3A_2715 : vector<16xf32>
      %get3A_2717 = arith.constant 539 : i32
      %get3A_2718 = arith.index_cast %get3A_2717 : i32 to index
      %get3A_2719 = arith.constant 16 : index
      %get3A_2720 = tpu.vector_load %arg15[%get3A_2718, %get3A_2719] {strides = array<i32>} : memref<576x32xf32, #tpu.memory_space<vmem>>, vector<16xf32>,
      %mul3A_2721 = arith.mulf %gather3A_2710, %get3A_2720 : vector<16xf32>
      %add3A_2722 = arith.addf %add3A_2706, %mul3A_2721 : vector<16xf32>
      %broadcast_in_dim3A_2723 = arith.constant 12 : i32
      %broadcast_in_dim3A_2724 = vector.broadcast %broadcast_in_dim3A_2723 : i32 to vector<16x1xi32>
      %gather3A_2725 = vector.shape_cast %broadcast_in_dim3A_2724 : vector<16x1xi32> to vector<16xi32>
      %gather3A_2726 = tpu.dynamic_gather %get3A_2530[%gather3A_2725] in [0] : vector<16xf32>, vector<16xi32> -> vector<16xf32>
      %get3A_2727 = arith.constant 540 : i32
      %get3A_2728 = arith.index_cast %get3A_2727 : i32 to index
      %get3A_2729 = arith.constant 0 : index
      %get3A_2730 = tpu.vector_load %arg15[%get3A_2728, %get3A_2729] {strides = array<i32>} : memref<576x32xf32, #tpu.memory_space<vmem>>, vector<16xf32>,
      %mul3A_2731 = arith.mulf %gather3A_2726, %get3A_2730 : vector<16xf32>
      %add3A_2732 = arith.addf %add3A_2716, %mul3A_2731 : vector<16xf32>
      %get3A_2733 = arith.constant 540 : i32
      %get3A_2734 = arith.index_cast %get3A_2733 : i32 to index
      %get3A_2735 = arith.constant 16 : index
      %get3A_2736 = tpu.vector_load %arg15[%get3A_2734, %get3A_2735] {strides = array<i32>} : memref<576x32xf32, #tpu.memory_space<vmem>>, vector<16xf32>,
      %mul3A_2737 = arith.mulf %gather3A_2726, %get3A_2736 : vector<16xf32>
      %add3A_2738 = arith.addf %add3A_2722, %mul3A_2737 : vector<16xf32>
      %broadcast_in_dim3A_2739 = arith.constant 13 : i32
      %broadcast_in_dim3A_2740 = vector.broadcast %broadcast_in_dim3A_2739 : i32 to vector<16x1xi32>
      %gather3A_2741 = vector.shape_cast %broadcast_in_dim3A_2740 : vector<16x1xi32> to vector<16xi32>
      %gather3A_2742 = tpu.dynamic_gather %get3A_2530[%gather3A_2741] in [0] : vector<16xf32>, vector<16xi32> -> vector<16xf32>
      %get3A_2743 = arith.constant 541 : i32
      %get3A_2744 = arith.index_cast %get3A_2743 : i32 to index
      %get3A_2745 = arith.constant 0 : index
      %get3A_2746 = tpu.vector_load %arg15[%get3A_2744, %get3A_2745] {strides = array<i32>} : memref<576x32xf32, #tpu.memory_space<vmem>>, vector<16xf32>,
      %mul3A_2747 = arith.mulf %gather3A_2742, %get3A_2746 : vector<16xf32>
      %add3A_2748 = arith.addf %add3A_2732, %mul3A_2747 : vector<16xf32>
      %get3A_2749 = arith.constant 541 : i32
      %get3A_2750 = arith.index_cast %get3A_2749 : i32 to index
      %get3A_2751 = arith.constant 16 : index
      %get3A_2752 = tpu.vector_load %arg15[%get3A_2750, %get3A_2751] {strides = array<i32>} : memref<576x32xf32, #tpu.memory_space<vmem>>, vector<16xf32>,
      %mul3A_2753 = arith.mulf %gather3A_2742, %get3A_2752 : vector<16xf32>
      %add3A_2754 = arith.addf %add3A_2738, %mul3A_2753 : vector<16xf32>
      %broadcast_in_dim3A_2755 = arith.constant 14 : i32
      %broadcast_in_dim3A_2756 = vector.broadcast %broadcast_in_dim3A_2755 : i32 to vector<16x1xi32>
      %gather3A_2757 = vector.shape_cast %broadcast_in_dim3A_2756 : vector<16x1xi32> to vector<16xi32>
      %gather3A_2758 = tpu.dynamic_gather %get3A_2530[%gather3A_2757] in [0] : vector<16xf32>, vector<16xi32> -> vector<16xf32>
      %get3A_2759 = arith.constant 542 : i32
      %get3A_2760 = arith.index_cast %get3A_2759 : i32 to index
      %get3A_2761 = arith.constant 0 : index
      %get3A_2762 = tpu.vector_load %arg15[%get3A_2760, %get3A_2761] {strides = array<i32>} : memref<576x32xf32, #tpu.memory_space<vmem>>, vector<16xf32>,
      %mul3A_2763 = arith.mulf %gather3A_2758, %get3A_2762 : vector<16xf32>
      %add3A_2764 = arith.addf %add3A_2748, %mul3A_2763 : vector<16xf32>
      %get3A_2765 = arith.constant 542 : i32
      %get3A_2766 = arith.index_cast %get3A_2765 : i32 to index
      %get3A_2767 = arith.constant 16 : index
      %get3A_2768 = tpu.vector_load %arg15[%get3A_2766, %get3A_2767] {strides = array<i32>} : memref<576x32xf32, #tpu.memory_space<vmem>>, vector<16xf32>,
      %mul3A_2769 = arith.mulf %gather3A_2758, %get3A_2768 : vector<16xf32>
      %add3A_2770 = arith.addf %add3A_2754, %mul3A_2769 : vector<16xf32>
      %broadcast_in_dim3A_2771 = arith.constant 15 : i32
      %broadcast_in_dim3A_2772 = vector.broadcast %broadcast_in_dim3A_2771 : i32 to vector<16x1xi32>
      %gather3A_2773 = vector.shape_cast %broadcast_in_dim3A_2772 : vector<16x1xi32> to vector<16xi32>
      %gather3A_2774 = tpu.dynamic_gather %get3A_2530[%gather3A_2773] in [0] : vector<16xf32>, vector<16xi32> -> vector<16xf32>
      %get3A_2775 = arith.constant 543 : i32
      %get3A_2776 = arith.index_cast %get3A_2775 : i32 to index
      %get3A_2777 = arith.constant 0 : index
      %get3A_2778 = tpu.vector_load %arg15[%get3A_2776, %get3A_2777] {strides = array<i32>} : memref<576x32xf32, #tpu.memory_space<vmem>>, vector<16xf32>,
      %mul3A_2779 = arith.mulf %gather3A_2774, %get3A_2778 : vector<16xf32>
      %add3A_2780 = arith.addf %add3A_2764, %mul3A_2779 : vector<16xf32>
      %get3A_2781 = arith.constant 543 : i32
      %get3A_2782 = arith.index_cast %get3A_2781 : i32 to index
      %get3A_2783 = arith.constant 16 : index
      %get3A_2784 = tpu.vector_load %arg15[%get3A_2782, %get3A_2783] {strides = array<i32>} : memref<576x32xf32, #tpu.memory_space<vmem>>, vector<16xf32>,
      %mul3A_2785 = arith.mulf %gather3A_2774, %get3A_2784 : vector<16xf32>
      %add3A_2786 = arith.addf %add3A_2770, %mul3A_2785 : vector<16xf32>
      %get3A_2787 = arith.constant 32 : index
      %get3A_2788 = tpu.vector_load %arg13[%get3A_2787] {strides = array<i32>} : memref<64xf32, #tpu.memory_space<vmem>>, vector<16xf32>,
      %broadcast_in_dim3A_2789 = arith.constant 0 : i32
      %broadcast_in_dim3A_2790 = vector.broadcast %broadcast_in_dim3A_2789 : i32 to vector<16x1xi32>
      %gather3A_2791 = vector.shape_cast %broadcast_in_dim3A_2790 : vector<16x1xi32> to vector<16xi32>
      %gather3A_2792 = tpu.dynamic_gather %get3A_2788[%gather3A_2791] in [0] : vector<16xf32>, vector<16xi32> -> vector<16xf32>
      %get3A_2793 = arith.constant 544 : i32
      %get3A_2794 = arith.index_cast %get3A_2793 : i32 to index
      %get3A_2795 = arith.constant 0 : index
      %get3A_2796 = tpu.vector_load %arg15[%get3A_2794, %get3A_2795] {strides = array<i32>} : memref<576x32xf32, #tpu.memory_space<vmem>>, vector<16xf32>,
      %mul3A_2797 = arith.mulf %gather3A_2792, %get3A_2796 : vector<16xf32>
      %add3A_2798 = arith.addf %add3A_2780, %mul3A_2797 : vector<16xf32>
      %get3A_2799 = arith.constant 544 : i32
      %get3A_2800 = arith.index_cast %get3A_2799 : i32 to index
      %get3A_2801 = arith.constant 16 : index
      %get3A_2802 = tpu.vector_load %arg15[%get3A_2800, %get3A_2801] {strides = array<i32>} : memref<576x32xf32, #tpu.memory_space<vmem>>, vector<16xf32>,
      %mul3A_2803 = arith.mulf %gather3A_2792, %get3A_2802 : vector<16xf32>
      %add3A_2804 = arith.addf %add3A_2786, %mul3A_2803 : vector<16xf32>
      %broadcast_in_dim3A_2805 = arith.constant 1 : i32
      %broadcast_in_dim3A_2806 = vector.broadcast %broadcast_in_dim3A_2805 : i32 to vector<16x1xi32>
      %gather3A_2807 = vector.shape_cast %broadcast_in_dim3A_2806 : vector<16x1xi32> to vector<16xi32>
      %gather3A_2808 = tpu.dynamic_gather %get3A_2788[%gather3A_2807] in [0] : vector<16xf32>, vector<16xi32> -> vector<16xf32>
      %get3A_2809 = arith.constant 545 : i32
      %get3A_2810 = arith.index_cast %get3A_2809 : i32 to index
      %get3A_2811 = arith.constant 0 : index
      %get3A_2812 = tpu.vector_load %arg15[%get3A_2810, %get3A_2811] {strides = array<i32>} : memref<576x32xf32, #tpu.memory_space<vmem>>, vector<16xf32>,
      %mul3A_2813 = arith.mulf %gather3A_2808, %get3A_2812 : vector<16xf32>
      %add3A_2814 = arith.addf %add3A_2798, %mul3A_2813 : vector<16xf32>
      %get3A_2815 = arith.constant 545 : i32
      %get3A_2816 = arith.index_cast %get3A_2815 : i32 to index
      %get3A_2817 = arith.constant 16 : index
      %get3A_2818 = tpu.vector_load %arg15[%get3A_2816, %get3A_2817] {strides = array<i32>} : memref<576x32xf32, #tpu.memory_space<vmem>>, vector<16xf32>,
      %mul3A_2819 = arith.mulf %gather3A_2808, %get3A_2818 : vector<16xf32>
      %add3A_2820 = arith.addf %add3A_2804, %mul3A_2819 : vector<16xf32>
      %broadcast_in_dim3A_2821 = arith.constant 2 : i32
      %broadcast_in_dim3A_2822 = vector.broadcast %broadcast_in_dim3A_2821 : i32 to vector<16x1xi32>
      %gather3A_2823 = vector.shape_cast %broadcast_in_dim3A_2822 : vector<16x1xi32> to vector<16xi32>
      %gather3A_2824 = tpu.dynamic_gather %get3A_2788[%gather3A_2823] in [0] : vector<16xf32>, vector<16xi32> -> vector<16xf32>
      %get3A_2825 = arith.constant 546 : i32
      %get3A_2826 = arith.index_cast %get3A_2825 : i32 to index
      %get3A_2827 = arith.constant 0 : index
      %get3A_2828 = tpu.vector_load %arg15[%get3A_2826, %get3A_2827] {strides = array<i32>} : memref<576x32xf32, #tpu.memory_space<vmem>>, vector<16xf32>,
      %mul3A_2829 = arith.mulf %gather3A_2824, %get3A_2828 : vector<16xf32>
      %add3A_2830 = arith.addf %add3A_2814, %mul3A_2829 : vector<16xf32>
      %get3A_2831 = arith.constant 546 : i32
      %get3A_2832 = arith.index_cast %get3A_2831 : i32 to index
      %get3A_2833 = arith.constant 16 : index
      %get3A_2834 = tpu.vector_load %arg15[%get3A_2832, %get3A_2833] {strides = array<i32>} : memref<576x32xf32, #tpu.memory_space<vmem>>, vector<16xf32>,
      %mul3A_2835 = arith.mulf %gather3A_2824, %get3A_2834 : vector<16xf32>
      %add3A_2836 = arith.addf %add3A_2820, %mul3A_2835 : vector<16xf32>
      %broadcast_in_dim3A_2837 = arith.constant 3 : i32
      %broadcast_in_dim3A_2838 = vector.broadcast %broadcast_in_dim3A_2837 : i32 to vector<16x1xi32>
      %gather3A_2839 = vector.shape_cast %broadcast_in_dim3A_2838 : vector<16x1xi32> to vector<16xi32>
      %gather3A_2840 = tpu.dynamic_gather %get3A_2788[%gather3A_2839] in [0] : vector<16xf32>, vector<16xi32> -> vector<16xf32>
      %get3A_2841 = arith.constant 547 : i32
      %get3A_2842 = arith.index_cast %get3A_2841 : i32 to index
      %get3A_2843 = arith.constant 0 : index
      %get3A_2844 = tpu.vector_load %arg15[%get3A_2842, %get3A_2843] {strides = array<i32>} : memref<576x32xf32, #tpu.memory_space<vmem>>, vector<16xf32>,
      %mul3A_2845 = arith.mulf %gather3A_2840, %get3A_2844 : vector<16xf32>
      %add3A_2846 = arith.addf %add3A_2830, %mul3A_2845 : vector<16xf32>
      %get3A_2847 = arith.constant 547 : i32
      %get3A_2848 = arith.index_cast %get3A_2847 : i32 to index
      %get3A_2849 = arith.constant 16 : index
      %get3A_2850 = tpu.vector_load %arg15[%get3A_2848, %get3A_2849] {strides = array<i32>} : memref<576x32xf32, #tpu.memory_space<vmem>>, vector<16xf32>,
      %mul3A_2851 = arith.mulf %gather3A_2840, %get3A_2850 : vector<16xf32>
      %add3A_2852 = arith.addf %add3A_2836, %mul3A_2851 : vector<16xf32>
      %broadcast_in_dim3A_2853 = arith.constant 4 : i32
      %broadcast_in_dim3A_2854 = vector.broadcast %broadcast_in_dim3A_2853 : i32 to vector<16x1xi32>
      %gather3A_2855 = vector.shape_cast %broadcast_in_dim3A_2854 : vector<16x1xi32> to vector<16xi32>
      %gather3A_2856 = tpu.dynamic_gather %get3A_2788[%gather3A_2855] in [0] : vector<16xf32>, vector<16xi32> -> vector<16xf32>
      %get3A_2857 = arith.constant 548 : i32
      %get3A_2858 = arith.index_cast %get3A_2857 : i32 to index
      %get3A_2859 = arith.constant 0 : index
      %get3A_2860 = tpu.vector_load %arg15[%get3A_2858, %get3A_2859] {strides = array<i32>} : memref<576x32xf32, #tpu.memory_space<vmem>>, vector<16xf32>,
      %mul3A_2861 = arith.mulf %gather3A_2856, %get3A_2860 : vector<16xf32>
      %add3A_2862 = arith.addf %add3A_2846, %mul3A_2861 : vector<16xf32>
      %get3A_2863 = arith.constant 548 : i32
      %get3A_2864 = arith.index_cast %get3A_2863 : i32 to index
      %get3A_2865 = arith.constant 16 : index
      %get3A_2866 = tpu.vector_load %arg15[%get3A_2864, %get3A_2865] {strides = array<i32>} : memref<576x32xf32, #tpu.memory_space<vmem>>, vector<16xf32>,
      %mul3A_2867 = arith.mulf %gather3A_2856, %get3A_2866 : vector<16xf32>
      %add3A_2868 = arith.addf %add3A_2852, %mul3A_2867 : vector<16xf32>
      %broadcast_in_dim3A_2869 = arith.constant 5 : i32
      %broadcast_in_dim3A_2870 = vector.broadcast %broadcast_in_dim3A_2869 : i32 to vector<16x1xi32>
      %gather3A_2871 = vector.shape_cast %broadcast_in_dim3A_2870 : vector<16x1xi32> to vector<16xi32>
      %gather3A_2872 = tpu.dynamic_gather %get3A_2788[%gather3A_2871] in [0] : vector<16xf32>, vector<16xi32> -> vector<16xf32>
      %get3A_2873 = arith.constant 549 : i32
      %get3A_2874 = arith.index_cast %get3A_2873 : i32 to index
      %get3A_2875 = arith.constant 0 : index
      %get3A_2876 = tpu.vector_load %arg15[%get3A_2874, %get3A_2875] {strides = array<i32>} : memref<576x32xf32, #tpu.memory_space<vmem>>, vector<16xf32>,
      %mul3A_2877 = arith.mulf %gather3A_2872, %get3A_2876 : vector<16xf32>
      %add3A_2878 = arith.addf %add3A_2862, %mul3A_2877 : vector<16xf32>
      %get3A_2879 = arith.constant 549 : i32
      %get3A_2880 = arith.index_cast %get3A_2879 : i32 to index
      %get3A_2881 = arith.constant 16 : index
      %get3A_2882 = tpu.vector_load %arg15[%get3A_2880, %get3A_2881] {strides = array<i32>} : memref<576x32xf32, #tpu.memory_space<vmem>>, vector<16xf32>,
      %mul3A_2883 = arith.mulf %gather3A_2872, %get3A_2882 : vector<16xf32>
      %add3A_2884 = arith.addf %add3A_2868, %mul3A_2883 : vector<16xf32>
      %broadcast_in_dim3A_2885 = arith.constant 6 : i32
      %broadcast_in_dim3A_2886 = vector.broadcast %broadcast_in_dim3A_2885 : i32 to vector<16x1xi32>
      %gather3A_2887 = vector.shape_cast %broadcast_in_dim3A_2886 : vector<16x1xi32> to vector<16xi32>
      %gather3A_2888 = tpu.dynamic_gather %get3A_2788[%gather3A_2887] in [0] : vector<16xf32>, vector<16xi32> -> vector<16xf32>
      %get3A_2889 = arith.constant 550 : i32
      %get3A_2890 = arith.index_cast %get3A_2889 : i32 to index
      %get3A_2891 = arith.constant 0 : index
      %get3A_2892 = tpu.vector_load %arg15[%get3A_2890, %get3A_2891] {strides = array<i32>} : memref<576x32xf32, #tpu.memory_space<vmem>>, vector<16xf32>,
      %mul3A_2893 = arith.mulf %gather3A_2888, %get3A_2892 : vector<16xf32>
      %add3A_2894 = arith.addf %add3A_2878, %mul3A_2893 : vector<16xf32>
      %get3A_2895 = arith.constant 550 : i32
      %get3A_2896 = arith.index_cast %get3A_2895 : i32 to index
      %get3A_2897 = arith.constant 16 : index
      %get3A_2898 = tpu.vector_load %arg15[%get3A_2896, %get3A_2897] {strides = array<i32>} : memref<576x32xf32, #tpu.memory_space<vmem>>, vector<16xf32>,
      %mul3A_2899 = arith.mulf %gather3A_2888, %get3A_2898 : vector<16xf32>
      %add3A_2900 = arith.addf %add3A_2884, %mul3A_2899 : vector<16xf32>
      %broadcast_in_dim3A_2901 = arith.constant 7 : i32
      %broadcast_in_dim3A_2902 = vector.broadcast %broadcast_in_dim3A_2901 : i32 to vector<16x1xi32>
      %gather3A_2903 = vector.shape_cast %broadcast_in_dim3A_2902 : vector<16x1xi32> to vector<16xi32>
      %gather3A_2904 = tpu.dynamic_gather %get3A_2788[%gather3A_2903] in [0] : vector<16xf32>, vector<16xi32> -> vector<16xf32>
      %get3A_2905 = arith.constant 551 : i32
      %get3A_2906 = arith.index_cast %get3A_2905 : i32 to index
      %get3A_2907 = arith.constant 0 : index
      %get3A_2908 = tpu.vector_load %arg15[%get3A_2906, %get3A_2907] {strides = array<i32>} : memref<576x32xf32, #tpu.memory_space<vmem>>, vector<16xf32>,
      %mul3A_2909 = arith.mulf %gather3A_2904, %get3A_2908 : vector<16xf32>
      %add3A_2910 = arith.addf %add3A_2894, %mul3A_2909 : vector<16xf32>
      %get3A_2911 = arith.constant 551 : i32
      %get3A_2912 = arith.index_cast %get3A_2911 : i32 to index
      %get3A_2913 = arith.constant 16 : index
      %get3A_2914 = tpu.vector_load %arg15[%get3A_2912, %get3A_2913] {strides = array<i32>} : memref<576x32xf32, #tpu.memory_space<vmem>>, vector<16xf32>,
      %mul3A_2915 = arith.mulf %gather3A_2904, %get3A_2914 : vector<16xf32>
      %add3A_2916 = arith.addf %add3A_2900, %mul3A_2915 : vector<16xf32>
      %broadcast_in_dim3A_2917 = arith.constant 8 : i32
      %broadcast_in_dim3A_2918 = vector.broadcast %broadcast_in_dim3A_2917 : i32 to vector<16x1xi32>
      %gather3A_2919 = vector.shape_cast %broadcast_in_dim3A_2918 : vector<16x1xi32> to vector<16xi32>
      %gather3A_2920 = tpu.dynamic_gather %get3A_2788[%gather3A_2919] in [0] : vector<16xf32>, vector<16xi32> -> vector<16xf32>
      %get3A_2921 = arith.constant 552 : i32
      %get3A_2922 = arith.index_cast %get3A_2921 : i32 to index
      %get3A_2923 = arith.constant 0 : index
      %get3A_2924 = tpu.vector_load %arg15[%get3A_2922, %get3A_2923] {strides = array<i32>} : memref<576x32xf32, #tpu.memory_space<vmem>>, vector<16xf32>,
      %mul3A_2925 = arith.mulf %gather3A_2920, %get3A_2924 : vector<16xf32>
      %add3A_2926 = arith.addf %add3A_2910, %mul3A_2925 : vector<16xf32>
      %get3A_2927 = arith.constant 552 : i32
      %get3A_2928 = arith.index_cast %get3A_2927 : i32 to index
      %get3A_2929 = arith.constant 16 : index
      %get3A_2930 = tpu.vector_load %arg15[%get3A_2928, %get3A_2929] {strides = array<i32>} : memref<576x32xf32, #tpu.memory_space<vmem>>, vector<16xf32>,
      %mul3A_2931 = arith.mulf %gather3A_2920, %get3A_2930 : vector<16xf32>
      %add3A_2932 = arith.addf %add3A_2916, %mul3A_2931 : vector<16xf32>
      %broadcast_in_dim3A_2933 = arith.constant 9 : i32
      %broadcast_in_dim3A_2934 = vector.broadcast %broadcast_in_dim3A_2933 : i32 to vector<16x1xi32>
      %gather3A_2935 = vector.shape_cast %broadcast_in_dim3A_2934 : vector<16x1xi32> to vector<16xi32>
      %gather3A_2936 = tpu.dynamic_gather %get3A_2788[%gather3A_2935] in [0] : vector<16xf32>, vector<16xi32> -> vector<16xf32>
      %get3A_2937 = arith.constant 553 : i32
      %get3A_2938 = arith.index_cast %get3A_2937 : i32 to index
      %get3A_2939 = arith.constant 0 : index
      %get3A_2940 = tpu.vector_load %arg15[%get3A_2938, %get3A_2939] {strides = array<i32>} : memref<576x32xf32, #tpu.memory_space<vmem>>, vector<16xf32>,
      %mul3A_2941 = arith.mulf %gather3A_2936, %get3A_2940 : vector<16xf32>
      %add3A_2942 = arith.addf %add3A_2926, %mul3A_2941 : vector<16xf32>
      %get3A_2943 = arith.constant 553 : i32
      %get3A_2944 = arith.index_cast %get3A_2943 : i32 to index
      %get3A_2945 = arith.constant 16 : index
      %get3A_2946 = tpu.vector_load %arg15[%get3A_2944, %get3A_2945] {strides = array<i32>} : memref<576x32xf32, #tpu.memory_space<vmem>>, vector<16xf32>,
      %mul3A_2947 = arith.mulf %gather3A_2936, %get3A_2946 : vector<16xf32>
      %add3A_2948 = arith.addf %add3A_2932, %mul3A_2947 : vector<16xf32>
      %broadcast_in_dim3A_2949 = arith.constant 10 : i32
      %broadcast_in_dim3A_2950 = vector.broadcast %broadcast_in_dim3A_2949 : i32 to vector<16x1xi32>
      %gather3A_2951 = vector.shape_cast %broadcast_in_dim3A_2950 : vector<16x1xi32> to vector<16xi32>
      %gather3A_2952 = tpu.dynamic_gather %get3A_2788[%gather3A_2951] in [0] : vector<16xf32>, vector<16xi32> -> vector<16xf32>
      %get3A_2953 = arith.constant 554 : i32
      %get3A_2954 = arith.index_cast %get3A_2953 : i32 to index
      %get3A_2955 = arith.constant 0 : index
      %get3A_2956 = tpu.vector_load %arg15[%get3A_2954, %get3A_2955] {strides = array<i32>} : memref<576x32xf32, #tpu.memory_space<vmem>>, vector<16xf32>,
      %mul3A_2957 = arith.mulf %gather3A_2952, %get3A_2956 : vector<16xf32>
      %add3A_2958 = arith.addf %add3A_2942, %mul3A_2957 : vector<16xf32>
      %get3A_2959 = arith.constant 554 : i32
      %get3A_2960 = arith.index_cast %get3A_2959 : i32 to index
      %get3A_2961 = arith.constant 16 : index
      %get3A_2962 = tpu.vector_load %arg15[%get3A_2960, %get3A_2961] {strides = array<i32>} : memref<576x32xf32, #tpu.memory_space<vmem>>, vector<16xf32>,
      %mul3A_2963 = arith.mulf %gather3A_2952, %get3A_2962 : vector<16xf32>
      %add3A_2964 = arith.addf %add3A_2948, %mul3A_2963 : vector<16xf32>
      %broadcast_in_dim3A_2965 = arith.constant 11 : i32
      %broadcast_in_dim3A_2966 = vector.broadcast %broadcast_in_dim3A_2965 : i32 to vector<16x1xi32>
      %gather3A_2967 = vector.shape_cast %broadcast_in_dim3A_2966 : vector<16x1xi32> to vector<16xi32>
      %gather3A_2968 = tpu.dynamic_gather %get3A_2788[%gather3A_2967] in [0] : vector<16xf32>, vector<16xi32> -> vector<16xf32>
      %get3A_2969 = arith.constant 555 : i32
      %get3A_2970 = arith.index_cast %get3A_2969 : i32 to index
      %get3A_2971 = arith.constant 0 : index
      %get3A_2972 = tpu.vector_load %arg15[%get3A_2970, %get3A_2971] {strides = array<i32>} : memref<576x32xf32, #tpu.memory_space<vmem>>, vector<16xf32>,
      %mul3A_2973 = arith.mulf %gather3A_2968, %get3A_2972 : vector<16xf32>
      %add3A_2974 = arith.addf %add3A_2958, %mul3A_2973 : vector<16xf32>
      %get3A_2975 = arith.constant 555 : i32
      %get3A_2976 = arith.index_cast %get3A_2975 : i32 to index
      %get3A_2977 = arith.constant 16 : index
      %get3A_2978 = tpu.vector_load %arg15[%get3A_2976, %get3A_2977] {strides = array<i32>} : memref<576x32xf32, #tpu.memory_space<vmem>>, vector<16xf32>,
      %mul3A_2979 = arith.mulf %gather3A_2968, %get3A_2978 : vector<16xf32>
      %add3A_2980 = arith.addf %add3A_2964, %mul3A_2979 : vector<16xf32>
      %broadcast_in_dim3A_2981 = arith.constant 12 : i32
      %broadcast_in_dim3A_2982 = vector.broadcast %broadcast_in_dim3A_2981 : i32 to vector<16x1xi32>
      %gather3A_2983 = vector.shape_cast %broadcast_in_dim3A_2982 : vector<16x1xi32> to vector<16xi32>
      %gather3A_2984 = tpu.dynamic_gather %get3A_2788[%gather3A_2983] in [0] : vector<16xf32>, vector<16xi32> -> vector<16xf32>
      %get3A_2985 = arith.constant 556 : i32
      %get3A_2986 = arith.index_cast %get3A_2985 : i32 to index
      %get3A_2987 = arith.constant 0 : index
      %get3A_2988 = tpu.vector_load %arg15[%get3A_2986, %get3A_2987] {strides = array<i32>} : memref<576x32xf32, #tpu.memory_space<vmem>>, vector<16xf32>,
      %mul3A_2989 = arith.mulf %gather3A_2984, %get3A_2988 : vector<16xf32>
      %add3A_2990 = arith.addf %add3A_2974, %mul3A_2989 : vector<16xf32>
      %get3A_2991 = arith.constant 556 : i32
      %get3A_2992 = arith.index_cast %get3A_2991 : i32 to index
      %get3A_2993 = arith.constant 16 : index
      %get3A_2994 = tpu.vector_load %arg15[%get3A_2992, %get3A_2993] {strides = array<i32>} : memref<576x32xf32, #tpu.memory_space<vmem>>, vector<16xf32>,
      %mul3A_2995 = arith.mulf %gather3A_2984, %get3A_2994 : vector<16xf32>
      %add3A_2996 = arith.addf %add3A_2980, %mul3A_2995 : vector<16xf32>
      %broadcast_in_dim3A_2997 = arith.constant 13 : i32
      %broadcast_in_dim3A_2998 = vector.broadcast %broadcast_in_dim3A_2997 : i32 to vector<16x1xi32>
      %gather3A_2999 = vector.shape_cast %broadcast_in_dim3A_2998 : vector<16x1xi32> to vector<16xi32>
      %gather3A_3000 = tpu.dynamic_gather %get3A_2788[%gather3A_2999] in [0] : vector<16xf32>, vector<16xi32> -> vector<16xf32>
      %get3A_3001 = arith.constant 557 : i32
      %get3A_3002 = arith.index_cast %get3A_3001 : i32 to index
      %get3A_3003 = arith.constant 0 : index
      %get3A_3004 = tpu.vector_load %arg15[%get3A_3002, %get3A_3003] {strides = array<i32>} : memref<576x32xf32, #tpu.memory_space<vmem>>, vector<16xf32>,
      %mul3A_3005 = arith.mulf %gather3A_3000, %get3A_3004 : vector<16xf32>
      %add3A_3006 = arith.addf %add3A_2990, %mul3A_3005 : vector<16xf32>
      %get3A_3007 = arith.constant 557 : i32
      %get3A_3008 = arith.index_cast %get3A_3007 : i32 to index
      %get3A_3009 = arith.constant 16 : index
      %get3A_3010 = tpu.vector_load %arg15[%get3A_3008, %get3A_3009] {strides = array<i32>} : memref<576x32xf32, #tpu.memory_space<vmem>>, vector<16xf32>,
      %mul3A_3011 = arith.mulf %gather3A_3000, %get3A_3010 : vector<16xf32>
      %add3A_3012 = arith.addf %add3A_2996, %mul3A_3011 : vector<16xf32>
      %broadcast_in_dim3A_3013 = arith.constant 14 : i32
      %broadcast_in_dim3A_3014 = vector.broadcast %broadcast_in_dim3A_3013 : i32 to vector<16x1xi32>
      %gather3A_3015 = vector.shape_cast %broadcast_in_dim3A_3014 : vector<16x1xi32> to vector<16xi32>
      %gather3A_3016 = tpu.dynamic_gather %get3A_2788[%gather3A_3015] in [0] : vector<16xf32>, vector<16xi32> -> vector<16xf32>
      %get3A_3017 = arith.constant 558 : i32
      %get3A_3018 = arith.index_cast %get3A_3017 : i32 to index
      %get3A_3019 = arith.constant 0 : index
      %get3A_3020 = tpu.vector_load %arg15[%get3A_3018, %get3A_3019] {strides = array<i32>} : memref<576x32xf32, #tpu.memory_space<vmem>>, vector<16xf32>,
      %mul3A_3021 = arith.mulf %gather3A_3016, %get3A_3020 : vector<16xf32>
      %add3A_3022 = arith.addf %add3A_3006, %mul3A_3021 : vector<16xf32>
      %get3A_3023 = arith.constant 558 : i32
      %get3A_3024 = arith.index_cast %get3A_3023 : i32 to index
      %get3A_3025 = arith.constant 16 : index
      %get3A_3026 = tpu.vector_load %arg15[%get3A_3024, %get3A_3025] {strides = array<i32>} : memref<576x32xf32, #tpu.memory_space<vmem>>, vector<16xf32>,
      %mul3A_3027 = arith.mulf %gather3A_3016, %get3A_3026 : vector<16xf32>
      %add3A_3028 = arith.addf %add3A_3012, %mul3A_3027 : vector<16xf32>
      %broadcast_in_dim3A_3029 = arith.constant 15 : i32
      %broadcast_in_dim3A_3030 = vector.broadcast %broadcast_in_dim3A_3029 : i32 to vector<16x1xi32>
      %gather3A_3031 = vector.shape_cast %broadcast_in_dim3A_3030 : vector<16x1xi32> to vector<16xi32>
      %gather3A_3032 = tpu.dynamic_gather %get3A_2788[%gather3A_3031] in [0] : vector<16xf32>, vector<16xi32> -> vector<16xf32>
      %get3A_3033 = arith.constant 559 : i32
      %get3A_3034 = arith.index_cast %get3A_3033 : i32 to index
      %get3A_3035 = arith.constant 0 : index
      %get3A_3036 = tpu.vector_load %arg15[%get3A_3034, %get3A_3035] {strides = array<i32>} : memref<576x32xf32, #tpu.memory_space<vmem>>, vector<16xf32>,
      %mul3A_3037 = arith.mulf %gather3A_3032, %get3A_3036 : vector<16xf32>
      %add3A_3038 = arith.addf %add3A_3022, %mul3A_3037 : vector<16xf32>
      %get3A_3039 = arith.constant 559 : i32
      %get3A_3040 = arith.index_cast %get3A_3039 : i32 to index
      %get3A_3041 = arith.constant 16 : index
      %get3A_3042 = tpu.vector_load %arg15[%get3A_3040, %get3A_3041] {strides = array<i32>} : memref<576x32xf32, #tpu.memory_space<vmem>>, vector<16xf32>,
      %mul3A_3043 = arith.mulf %gather3A_3032, %get3A_3042 : vector<16xf32>
      %add3A_3044 = arith.addf %add3A_3028, %mul3A_3043 : vector<16xf32>
      %get3A_3045 = arith.constant 48 : index
      %get3A_3046 = tpu.vector_load %arg13[%get3A_3045] {strides = array<i32>} : memref<64xf32, #tpu.memory_space<vmem>>, vector<16xf32>,
      %broadcast_in_dim3A_3047 = arith.constant 0 : i32
      %broadcast_in_dim3A_3048 = vector.broadcast %broadcast_in_dim3A_3047 : i32 to vector<16x1xi32>
      %gather3A_3049 = vector.shape_cast %broadcast_in_dim3A_3048 : vector<16x1xi32> to vector<16xi32>
      %gather3A_3050 = tpu.dynamic_gather %get3A_3046[%gather3A_3049] in [0] : vector<16xf32>, vector<16xi32> -> vector<16xf32>
      %get3A_3051 = arith.constant 560 : i32
      %get3A_3052 = arith.index_cast %get3A_3051 : i32 to index
      %get3A_3053 = arith.constant 0 : index
      %get3A_3054 = tpu.vector_load %arg15[%get3A_3052, %get3A_3053] {strides = array<i32>} : memref<576x32xf32, #tpu.memory_space<vmem>>, vector<16xf32>,
      %mul3A_3055 = arith.mulf %gather3A_3050, %get3A_3054 : vector<16xf32>
      %add3A_3056 = arith.addf %add3A_3038, %mul3A_3055 : vector<16xf32>
      %get3A_3057 = arith.constant 560 : i32
      %get3A_3058 = arith.index_cast %get3A_3057 : i32 to index
      %get3A_3059 = arith.constant 16 : index
      %get3A_3060 = tpu.vector_load %arg15[%get3A_3058, %get3A_3059] {strides = array<i32>} : memref<576x32xf32, #tpu.memory_space<vmem>>, vector<16xf32>,
      %mul3A_3061 = arith.mulf %gather3A_3050, %get3A_3060 : vector<16xf32>
      %add3A_3062 = arith.addf %add3A_3044, %mul3A_3061 : vector<16xf32>
      %broadcast_in_dim3A_3063 = arith.constant 1 : i32
      %broadcast_in_dim3A_3064 = vector.broadcast %broadcast_in_dim3A_3063 : i32 to vector<16x1xi32>
      %gather3A_3065 = vector.shape_cast %broadcast_in_dim3A_3064 : vector<16x1xi32> to vector<16xi32>
      %gather3A_3066 = tpu.dynamic_gather %get3A_3046[%gather3A_3065] in [0] : vector<16xf32>, vector<16xi32> -> vector<16xf32>
      %get3A_3067 = arith.constant 561 : i32
      %get3A_3068 = arith.index_cast %get3A_3067 : i32 to index
      %get3A_3069 = arith.constant 0 : index
      %get3A_3070 = tpu.vector_load %arg15[%get3A_3068, %get3A_3069] {strides = array<i32>} : memref<576x32xf32, #tpu.memory_space<vmem>>, vector<16xf32>,
      %mul3A_3071 = arith.mulf %gather3A_3066, %get3A_3070 : vector<16xf32>
      %add3A_3072 = arith.addf %add3A_3056, %mul3A_3071 : vector<16xf32>
      %get3A_3073 = arith.constant 561 : i32
      %get3A_3074 = arith.index_cast %get3A_3073 : i32 to index
      %get3A_3075 = arith.constant 16 : index
      %get3A_3076 = tpu.vector_load %arg15[%get3A_3074, %get3A_3075] {strides = array<i32>} : memref<576x32xf32, #tpu.memory_space<vmem>>, vector<16xf32>,
      %mul3A_3077 = arith.mulf %gather3A_3066, %get3A_3076 : vector<16xf32>
      %add3A_3078 = arith.addf %add3A_3062, %mul3A_3077 : vector<16xf32>
      %broadcast_in_dim3A_3079 = arith.constant 2 : i32
      %broadcast_in_dim3A_3080 = vector.broadcast %broadcast_in_dim3A_3079 : i32 to vector<16x1xi32>
      %gather3A_3081 = vector.shape_cast %broadcast_in_dim3A_3080 : vector<16x1xi32> to vector<16xi32>
      %gather3A_3082 = tpu.dynamic_gather %get3A_3046[%gather3A_3081] in [0] : vector<16xf32>, vector<16xi32> -> vector<16xf32>
      %get3A_3083 = arith.constant 562 : i32
      %get3A_3084 = arith.index_cast %get3A_3083 : i32 to index
      %get3A_3085 = arith.constant 0 : index
      %get3A_3086 = tpu.vector_load %arg15[%get3A_3084, %get3A_3085] {strides = array<i32>} : memref<576x32xf32, #tpu.memory_space<vmem>>, vector<16xf32>,
      %mul3A_3087 = arith.mulf %gather3A_3082, %get3A_3086 : vector<16xf32>
      %add3A_3088 = arith.addf %add3A_3072, %mul3A_3087 : vector<16xf32>
      %get3A_3089 = arith.constant 562 : i32
      %get3A_3090 = arith.index_cast %get3A_3089 : i32 to index
      %get3A_3091 = arith.constant 16 : index
      %get3A_3092 = tpu.vector_load %arg15[%get3A_3090, %get3A_3091] {strides = array<i32>} : memref<576x32xf32, #tpu.memory_space<vmem>>, vector<16xf32>,
      %mul3A_3093 = arith.mulf %gather3A_3082, %get3A_3092 : vector<16xf32>
      %add3A_3094 = arith.addf %add3A_3078, %mul3A_3093 : vector<16xf32>
      %broadcast_in_dim3A_3095 = arith.constant 3 : i32
      %broadcast_in_dim3A_3096 = vector.broadcast %broadcast_in_dim3A_3095 : i32 to vector<16x1xi32>
      %gather3A_3097 = vector.shape_cast %broadcast_in_dim3A_3096 : vector<16x1xi32> to vector<16xi32>
      %gather3A_3098 = tpu.dynamic_gather %get3A_3046[%gather3A_3097] in [0] : vector<16xf32>, vector<16xi32> -> vector<16xf32>
      %get3A_3099 = arith.constant 563 : i32
      %get3A_3100 = arith.index_cast %get3A_3099 : i32 to index
      %get3A_3101 = arith.constant 0 : index
      %get3A_3102 = tpu.vector_load %arg15[%get3A_3100, %get3A_3101] {strides = array<i32>} : memref<576x32xf32, #tpu.memory_space<vmem>>, vector<16xf32>,
      %mul3A_3103 = arith.mulf %gather3A_3098, %get3A_3102 : vector<16xf32>
      %add3A_3104 = arith.addf %add3A_3088, %mul3A_3103 : vector<16xf32>
      %get3A_3105 = arith.constant 563 : i32
      %get3A_3106 = arith.index_cast %get3A_3105 : i32 to index
      %get3A_3107 = arith.constant 16 : index
      %get3A_3108 = tpu.vector_load %arg15[%get3A_3106, %get3A_3107] {strides = array<i32>} : memref<576x32xf32, #tpu.memory_space<vmem>>, vector<16xf32>,
      %mul3A_3109 = arith.mulf %gather3A_3098, %get3A_3108 : vector<16xf32>
      %add3A_3110 = arith.addf %add3A_3094, %mul3A_3109 : vector<16xf32>
      %broadcast_in_dim3A_3111 = arith.constant 4 : i32
      %broadcast_in_dim3A_3112 = vector.broadcast %broadcast_in_dim3A_3111 : i32 to vector<16x1xi32>
      %gather3A_3113 = vector.shape_cast %broadcast_in_dim3A_3112 : vector<16x1xi32> to vector<16xi32>
      %gather3A_3114 = tpu.dynamic_gather %get3A_3046[%gather3A_3113] in [0] : vector<16xf32>, vector<16xi32> -> vector<16xf32>
      %get3A_3115 = arith.constant 564 : i32
      %get3A_3116 = arith.index_cast %get3A_3115 : i32 to index
      %get3A_3117 = arith.constant 0 : index
      %get3A_3118 = tpu.vector_load %arg15[%get3A_3116, %get3A_3117] {strides = array<i32>} : memref<576x32xf32, #tpu.memory_space<vmem>>, vector<16xf32>,
      %mul3A_3119 = arith.mulf %gather3A_3114, %get3A_3118 : vector<16xf32>
      %add3A_3120 = arith.addf %add3A_3104, %mul3A_3119 : vector<16xf32>
      %get3A_3121 = arith.constant 564 : i32
      %get3A_3122 = arith.index_cast %get3A_3121 : i32 to index
      %get3A_3123 = arith.constant 16 : index
      %get3A_3124 = tpu.vector_load %arg15[%get3A_3122, %get3A_3123] {strides = array<i32>} : memref<576x32xf32, #tpu.memory_space<vmem>>, vector<16xf32>,
      %mul3A_3125 = arith.mulf %gather3A_3114, %get3A_3124 : vector<16xf32>
      %add3A_3126 = arith.addf %add3A_3110, %mul3A_3125 : vector<16xf32>
      %broadcast_in_dim3A_3127 = arith.constant 5 : i32
      %broadcast_in_dim3A_3128 = vector.broadcast %broadcast_in_dim3A_3127 : i32 to vector<16x1xi32>
      %gather3A_3129 = vector.shape_cast %broadcast_in_dim3A_3128 : vector<16x1xi32> to vector<16xi32>
      %gather3A_3130 = tpu.dynamic_gather %get3A_3046[%gather3A_3129] in [0] : vector<16xf32>, vector<16xi32> -> vector<16xf32>
      %get3A_3131 = arith.constant 565 : i32
      %get3A_3132 = arith.index_cast %get3A_3131 : i32 to index
      %get3A_3133 = arith.constant 0 : index
      %get3A_3134 = tpu.vector_load %arg15[%get3A_3132, %get3A_3133] {strides = array<i32>} : memref<576x32xf32, #tpu.memory_space<vmem>>, vector<16xf32>,
      %mul3A_3135 = arith.mulf %gather3A_3130, %get3A_3134 : vector<16xf32>
      %add3A_3136 = arith.addf %add3A_3120, %mul3A_3135 : vector<16xf32>
      %get3A_3137 = arith.constant 565 : i32
      %get3A_3138 = arith.index_cast %get3A_3137 : i32 to index
      %get3A_3139 = arith.constant 16 : index
      %get3A_3140 = tpu.vector_load %arg15[%get3A_3138, %get3A_3139] {strides = array<i32>} : memref<576x32xf32, #tpu.memory_space<vmem>>, vector<16xf32>,
      %mul3A_3141 = arith.mulf %gather3A_3130, %get3A_3140 : vector<16xf32>
      %add3A_3142 = arith.addf %add3A_3126, %mul3A_3141 : vector<16xf32>
      %broadcast_in_dim3A_3143 = arith.constant 6 : i32
      %broadcast_in_dim3A_3144 = vector.broadcast %broadcast_in_dim3A_3143 : i32 to vector<16x1xi32>
      %gather3A_3145 = vector.shape_cast %broadcast_in_dim3A_3144 : vector<16x1xi32> to vector<16xi32>
      %gather3A_3146 = tpu.dynamic_gather %get3A_3046[%gather3A_3145] in [0] : vector<16xf32>, vector<16xi32> -> vector<16xf32>
      %get3A_3147 = arith.constant 566 : i32
      %get3A_3148 = arith.index_cast %get3A_3147 : i32 to index
      %get3A_3149 = arith.constant 0 : index
      %get3A_3150 = tpu.vector_load %arg15[%get3A_3148, %get3A_3149] {strides = array<i32>} : memref<576x32xf32, #tpu.memory_space<vmem>>, vector<16xf32>,
      %mul3A_3151 = arith.mulf %gather3A_3146, %get3A_3150 : vector<16xf32>
      %add3A_3152 = arith.addf %add3A_3136, %mul3A_3151 : vector<16xf32>
      %get3A_3153 = arith.constant 566 : i32
      %get3A_3154 = arith.index_cast %get3A_3153 : i32 to index
      %get3A_3155 = arith.constant 16 : index
      %get3A_3156 = tpu.vector_load %arg15[%get3A_3154, %get3A_3155] {strides = array<i32>} : memref<576x32xf32, #tpu.memory_space<vmem>>, vector<16xf32>,
      %mul3A_3157 = arith.mulf %gather3A_3146, %get3A_3156 : vector<16xf32>
      %add3A_3158 = arith.addf %add3A_3142, %mul3A_3157 : vector<16xf32>
      %broadcast_in_dim3A_3159 = arith.constant 7 : i32
      %broadcast_in_dim3A_3160 = vector.broadcast %broadcast_in_dim3A_3159 : i32 to vector<16x1xi32>
      %gather3A_3161 = vector.shape_cast %broadcast_in_dim3A_3160 : vector<16x1xi32> to vector<16xi32>
      %gather3A_3162 = tpu.dynamic_gather %get3A_3046[%gather3A_3161] in [0] : vector<16xf32>, vector<16xi32> -> vector<16xf32>
      %get3A_3163 = arith.constant 567 : i32
      %get3A_3164 = arith.index_cast %get3A_3163 : i32 to index
      %get3A_3165 = arith.constant 0 : index
      %get3A_3166 = tpu.vector_load %arg15[%get3A_3164, %get3A_3165] {strides = array<i32>} : memref<576x32xf32, #tpu.memory_space<vmem>>, vector<16xf32>,
      %mul3A_3167 = arith.mulf %gather3A_3162, %get3A_3166 : vector<16xf32>
      %add3A_3168 = arith.addf %add3A_3152, %mul3A_3167 : vector<16xf32>
      %get3A_3169 = arith.constant 567 : i32
      %get3A_3170 = arith.index_cast %get3A_3169 : i32 to index
      %get3A_3171 = arith.constant 16 : index
      %get3A_3172 = tpu.vector_load %arg15[%get3A_3170, %get3A_3171] {strides = array<i32>} : memref<576x32xf32, #tpu.memory_space<vmem>>, vector<16xf32>,
      %mul3A_3173 = arith.mulf %gather3A_3162, %get3A_3172 : vector<16xf32>
      %add3A_3174 = arith.addf %add3A_3158, %mul3A_3173 : vector<16xf32>
      %broadcast_in_dim3A_3175 = arith.constant 8 : i32
      %broadcast_in_dim3A_3176 = vector.broadcast %broadcast_in_dim3A_3175 : i32 to vector<16x1xi32>
      %gather3A_3177 = vector.shape_cast %broadcast_in_dim3A_3176 : vector<16x1xi32> to vector<16xi32>
      %gather3A_3178 = tpu.dynamic_gather %get3A_3046[%gather3A_3177] in [0] : vector<16xf32>, vector<16xi32> -> vector<16xf32>
      %get3A_3179 = arith.constant 568 : i32
      %get3A_3180 = arith.index_cast %get3A_3179 : i32 to index
      %get3A_3181 = arith.constant 0 : index
      %get3A_3182 = tpu.vector_load %arg15[%get3A_3180, %get3A_3181] {strides = array<i32>} : memref<576x32xf32, #tpu.memory_space<vmem>>, vector<16xf32>,
      %mul3A_3183 = arith.mulf %gather3A_3178, %get3A_3182 : vector<16xf32>
      %add3A_3184 = arith.addf %add3A_3168, %mul3A_3183 : vector<16xf32>
      %get3A_3185 = arith.constant 568 : i32
      %get3A_3186 = arith.index_cast %get3A_3185 : i32 to index
      %get3A_3187 = arith.constant 16 : index
      %get3A_3188 = tpu.vector_load %arg15[%get3A_3186, %get3A_3187] {strides = array<i32>} : memref<576x32xf32, #tpu.memory_space<vmem>>, vector<16xf32>,
      %mul3A_3189 = arith.mulf %gather3A_3178, %get3A_3188 : vector<16xf32>
      %add3A_3190 = arith.addf %add3A_3174, %mul3A_3189 : vector<16xf32>
      %broadcast_in_dim3A_3191 = arith.constant 9 : i32
      %broadcast_in_dim3A_3192 = vector.broadcast %broadcast_in_dim3A_3191 : i32 to vector<16x1xi32>
      %gather3A_3193 = vector.shape_cast %broadcast_in_dim3A_3192 : vector<16x1xi32> to vector<16xi32>
      %gather3A_3194 = tpu.dynamic_gather %get3A_3046[%gather3A_3193] in [0] : vector<16xf32>, vector<16xi32> -> vector<16xf32>
      %get3A_3195 = arith.constant 569 : i32
      %get3A_3196 = arith.index_cast %get3A_3195 : i32 to index
      %get3A_3197 = arith.constant 0 : index
      %get3A_3198 = tpu.vector_load %arg15[%get3A_3196, %get3A_3197] {strides = array<i32>} : memref<576x32xf32, #tpu.memory_space<vmem>>, vector<16xf32>,
      %mul3A_3199 = arith.mulf %gather3A_3194, %get3A_3198 : vector<16xf32>
      %add3A_3200 = arith.addf %add3A_3184, %mul3A_3199 : vector<16xf32>
      %get3A_3201 = arith.constant 569 : i32
      %get3A_3202 = arith.index_cast %get3A_3201 : i32 to index
      %get3A_3203 = arith.constant 16 : index
      %get3A_3204 = tpu.vector_load %arg15[%get3A_3202, %get3A_3203] {strides = array<i32>} : memref<576x32xf32, #tpu.memory_space<vmem>>, vector<16xf32>,
      %mul3A_3205 = arith.mulf %gather3A_3194, %get3A_3204 : vector<16xf32>
      %add3A_3206 = arith.addf %add3A_3190, %mul3A_3205 : vector<16xf32>
      %broadcast_in_dim3A_3207 = arith.constant 10 : i32
      %broadcast_in_dim3A_3208 = vector.broadcast %broadcast_in_dim3A_3207 : i32 to vector<16x1xi32>
      %gather3A_3209 = vector.shape_cast %broadcast_in_dim3A_3208 : vector<16x1xi32> to vector<16xi32>
      %gather3A_3210 = tpu.dynamic_gather %get3A_3046[%gather3A_3209] in [0] : vector<16xf32>, vector<16xi32> -> vector<16xf32>
      %get3A_3211 = arith.constant 570 : i32
      %get3A_3212 = arith.index_cast %get3A_3211 : i32 to index
      %get3A_3213 = arith.constant 0 : index
      %get3A_3214 = tpu.vector_load %arg15[%get3A_3212, %get3A_3213] {strides = array<i32>} : memref<576x32xf32, #tpu.memory_space<vmem>>, vector<16xf32>,
      %mul3A_3215 = arith.mulf %gather3A_3210, %get3A_3214 : vector<16xf32>
      %add3A_3216 = arith.addf %add3A_3200, %mul3A_3215 : vector<16xf32>
      %get3A_3217 = arith.constant 570 : i32
      %get3A_3218 = arith.index_cast %get3A_3217 : i32 to index
      %get3A_3219 = arith.constant 16 : index
      %get3A_3220 = tpu.vector_load %arg15[%get3A_3218, %get3A_3219] {strides = array<i32>} : memref<576x32xf32, #tpu.memory_space<vmem>>, vector<16xf32>,
      %mul3A_3221 = arith.mulf %gather3A_3210, %get3A_3220 : vector<16xf32>
      %add3A_3222 = arith.addf %add3A_3206, %mul3A_3221 : vector<16xf32>
      %broadcast_in_dim3A_3223 = arith.constant 11 : i32
      %broadcast_in_dim3A_3224 = vector.broadcast %broadcast_in_dim3A_3223 : i32 to vector<16x1xi32>
      %gather3A_3225 = vector.shape_cast %broadcast_in_dim3A_3224 : vector<16x1xi32> to vector<16xi32>
      %gather3A_3226 = tpu.dynamic_gather %get3A_3046[%gather3A_3225] in [0] : vector<16xf32>, vector<16xi32> -> vector<16xf32>
      %get3A_3227 = arith.constant 571 : i32
      %get3A_3228 = arith.index_cast %get3A_3227 : i32 to index
      %get3A_3229 = arith.constant 0 : index
      %get3A_3230 = tpu.vector_load %arg15[%get3A_3228, %get3A_3229] {strides = array<i32>} : memref<576x32xf32, #tpu.memory_space<vmem>>, vector<16xf32>,
      %mul3A_3231 = arith.mulf %gather3A_3226, %get3A_3230 : vector<16xf32>
      %add3A_3232 = arith.addf %add3A_3216, %mul3A_3231 : vector<16xf32>
      %get3A_3233 = arith.constant 571 : i32
      %get3A_3234 = arith.index_cast %get3A_3233 : i32 to index
      %get3A_3235 = arith.constant 16 : index
      %get3A_3236 = tpu.vector_load %arg15[%get3A_3234, %get3A_3235] {strides = array<i32>} : memref<576x32xf32, #tpu.memory_space<vmem>>, vector<16xf32>,
      %mul3A_3237 = arith.mulf %gather3A_3226, %get3A_3236 : vector<16xf32>
      %add3A_3238 = arith.addf %add3A_3222, %mul3A_3237 : vector<16xf32>
      %broadcast_in_dim3A_3239 = arith.constant 12 : i32
      %broadcast_in_dim3A_3240 = vector.broadcast %broadcast_in_dim3A_3239 : i32 to vector<16x1xi32>
      %gather3A_3241 = vector.shape_cast %broadcast_in_dim3A_3240 : vector<16x1xi32> to vector<16xi32>
      %gather3A_3242 = tpu.dynamic_gather %get3A_3046[%gather3A_3241] in [0] : vector<16xf32>, vector<16xi32> -> vector<16xf32>
      %get3A_3243 = arith.constant 572 : i32
      %get3A_3244 = arith.index_cast %get3A_3243 : i32 to index
      %get3A_3245 = arith.constant 0 : index
      %get3A_3246 = tpu.vector_load %arg15[%get3A_3244, %get3A_3245] {strides = array<i32>} : memref<576x32xf32, #tpu.memory_space<vmem>>, vector<16xf32>,
      %mul3A_3247 = arith.mulf %gather3A_3242, %get3A_3246 : vector<16xf32>
      %add3A_3248 = arith.addf %add3A_3232, %mul3A_3247 : vector<16xf32>
      %get3A_3249 = arith.constant 572 : i32
      %get3A_3250 = arith.index_cast %get3A_3249 : i32 to index
      %get3A_3251 = arith.constant 16 : index
      %get3A_3252 = tpu.vector_load %arg15[%get3A_3250, %get3A_3251] {strides = array<i32>} : memref<576x32xf32, #tpu.memory_space<vmem>>, vector<16xf32>,
      %mul3A_3253 = arith.mulf %gather3A_3242, %get3A_3252 : vector<16xf32>
      %add3A_3254 = arith.addf %add3A_3238, %mul3A_3253 : vector<16xf32>
      %broadcast_in_dim3A_3255 = arith.constant 13 : i32
      %broadcast_in_dim3A_3256 = vector.broadcast %broadcast_in_dim3A_3255 : i32 to vector<16x1xi32>
      %gather3A_3257 = vector.shape_cast %broadcast_in_dim3A_3256 : vector<16x1xi32> to vector<16xi32>
      %gather3A_3258 = tpu.dynamic_gather %get3A_3046[%gather3A_3257] in [0] : vector<16xf32>, vector<16xi32> -> vector<16xf32>
      %get3A_3259 = arith.constant 573 : i32
      %get3A_3260 = arith.index_cast %get3A_3259 : i32 to index
      %get3A_3261 = arith.constant 0 : index
      %get3A_3262 = tpu.vector_load %arg15[%get3A_3260, %get3A_3261] {strides = array<i32>} : memref<576x32xf32, #tpu.memory_space<vmem>>, vector<16xf32>,
      %mul3A_3263 = arith.mulf %gather3A_3258, %get3A_3262 : vector<16xf32>
      %add3A_3264 = arith.addf %add3A_3248, %mul3A_3263 : vector<16xf32>
      %get3A_3265 = arith.constant 573 : i32
      %get3A_3266 = arith.index_cast %get3A_3265 : i32 to index
      %get3A_3267 = arith.constant 16 : index
      %get3A_3268 = tpu.vector_load %arg15[%get3A_3266, %get3A_3267] {strides = array<i32>} : memref<576x32xf32, #tpu.memory_space<vmem>>, vector<16xf32>,
      %mul3A_3269 = arith.mulf %gather3A_3258, %get3A_3268 : vector<16xf32>
      %add3A_3270 = arith.addf %add3A_3254, %mul3A_3269 : vector<16xf32>
      %broadcast_in_dim3A_3271 = arith.constant 14 : i32
      %broadcast_in_dim3A_3272 = vector.broadcast %broadcast_in_dim3A_3271 : i32 to vector<16x1xi32>
      %gather3A_3273 = vector.shape_cast %broadcast_in_dim3A_3272 : vector<16x1xi32> to vector<16xi32>
      %gather3A_3274 = tpu.dynamic_gather %get3A_3046[%gather3A_3273] in [0] : vector<16xf32>, vector<16xi32> -> vector<16xf32>
      %get3A_3275 = arith.constant 574 : i32
      %get3A_3276 = arith.index_cast %get3A_3275 : i32 to index
      %get3A_3277 = arith.constant 0 : index
      %get3A_3278 = tpu.vector_load %arg15[%get3A_3276, %get3A_3277] {strides = array<i32>} : memref<576x32xf32, #tpu.memory_space<vmem>>, vector<16xf32>,
      %mul3A_3279 = arith.mulf %gather3A_3274, %get3A_3278 : vector<16xf32>
      %add3A_3280 = arith.addf %add3A_3264, %mul3A_3279 : vector<16xf32>
      %get3A_3281 = arith.constant 574 : i32
      %get3A_3282 = arith.index_cast %get3A_3281 : i32 to index
      %get3A_3283 = arith.constant 16 : index
      %get3A_3284 = tpu.vector_load %arg15[%get3A_3282, %get3A_3283] {strides = array<i32>} : memref<576x32xf32, #tpu.memory_space<vmem>>, vector<16xf32>,
      %mul3A_3285 = arith.mulf %gather3A_3274, %get3A_3284 : vector<16xf32>
      %add3A_3286 = arith.addf %add3A_3270, %mul3A_3285 : vector<16xf32>
      %broadcast_in_dim3A_3287 = arith.constant 15 : i32
      %broadcast_in_dim3A_3288 = vector.broadcast %broadcast_in_dim3A_3287 : i32 to vector<16x1xi32>
      %gather3A_3289 = vector.shape_cast %broadcast_in_dim3A_3288 : vector<16x1xi32> to vector<16xi32>
      %gather3A_3290 = tpu.dynamic_gather %get3A_3046[%gather3A_3289] in [0] : vector<16xf32>, vector<16xi32> -> vector<16xf32>
      %get3A_3291 = arith.constant 575 : i32
      %get3A_3292 = arith.index_cast %get3A_3291 : i32 to index
      %get3A_3293 = arith.constant 0 : index
      %get3A_3294 = tpu.vector_load %arg15[%get3A_3292, %get3A_3293] {strides = array<i32>} : memref<576x32xf32, #tpu.memory_space<vmem>>, vector<16xf32>,
      %mul3A_3295 = arith.mulf %gather3A_3290, %get3A_3294 : vector<16xf32>
      %add3A_3296 = arith.addf %add3A_3280, %mul3A_3295 : vector<16xf32>
      %get3A_3297 = arith.constant 575 : i32
      %get3A_3298 = arith.index_cast %get3A_3297 : i32 to index
      %get3A_3299 = arith.constant 16 : index
      %get3A_3300 = tpu.vector_load %arg15[%get3A_3298, %get3A_3299] {strides = array<i32>} : memref<576x32xf32, #tpu.memory_space<vmem>>, vector<16xf32>,
      %mul3A_3301 = arith.mulf %gather3A_3290, %get3A_3300 : vector<16xf32>
      %add3A_3302 = arith.addf %add3A_3286, %mul3A_3301 : vector<16xf32>
      %max3A_3303 = arith.constant 0.000000e+00 : f32
      %max3A_3304 = vector.broadcast %max3A_3303 : f32 to vector<16xf32>
      %max3A_3305 = arith.maximumf %add3A_3296, %max3A_3304 : vector<16xf32>
      %max3A_3306 = arith.constant 0.000000e+00 : f32
      %max3A_3307 = vector.broadcast %max3A_3306 : f32 to vector<16xf32>
      %max3A_3308 = arith.maximumf %add3A_3302, %max3A_3307 : vector<16xf32>
      %lt3A_3309 = arith.constant 4 : i32
      %lt3A_3310 = vector.broadcast %lt3A_3309 : i32 to vector<16xi32>
      %lt3A_3311 = arith.cmpi slt, %iota3A, %lt3A_3310 : vector<16xi32>
      %jit3A_3312 = arith.constant -3.000000e+01 : f32
      %broadcast_in_dim3A_3313 = vector.broadcast %jit3A_3312 : f32 to vector<16xf32>
      %select_n3A_3314 = arith.select %lt3A_3311, %max3A_3308, %broadcast_in_dim3A_3313 : vector<16xi1>, vector<16xf32>
      %reduce_max3A_3315 = arith.constant true
      %reduce_max3A_3316 = vector.broadcast %reduce_max3A_3315 : i1 to vector<16xi1>
      %reduce_max3A_3317 = tpu.scan <max>, %max3A_3305 masked %reduce_max3A_3316 : vector<16xf32>, vector<16xi1> -> vector<16xf32>
      %reduce_max3A_3318 = vector.extract %reduce_max3A_3317[15] : f32 from vector<16xf32>
      %reduce_max3A_3319 = arith.constant true
      %reduce_max3A_3320 = vector.broadcast %reduce_max3A_3319 : i1 to vector<16xi1>
      %reduce_max3A_3321 = tpu.scan <max>, %select_n3A_3314 masked %reduce_max3A_3320 : vector<16xf32>, vector<16xi1> -> vector<16xf32>
      %reduce_max3A_3322 = vector.extract %reduce_max3A_3321[15] : f32 from vector<16xf32>
      %max3A_3323 = arith.maximumf %reduce_max3A_3318, %reduce_max3A_3322 : f32
      %sub3A_3324 = vector.broadcast %max3A_3323 : f32 to vector<16xf32>
      %sub3A_3325 = arith.subf %max3A_3305, %sub3A_3324 : vector<16xf32>
      %exp3A_3326 = math.exp %sub3A_3325 : vector<16xf32>
      %sub3A_3327 = vector.broadcast %max3A_3323 : f32 to vector<16xf32>
      %sub3A_3328 = arith.subf %max3A_3308, %sub3A_3327 : vector<16xf32>
      %exp3A_3329 = math.exp %sub3A_3328 : vector<16xf32>
      %jit3A_3330 = arith.constant 0.000000e+00 : f32
      %broadcast_in_dim3A_3331 = vector.broadcast %jit3A_3330 : f32 to vector<16xf32>
      %select_n3A_3332 = arith.select %lt3A_3311, %exp3A_3329, %broadcast_in_dim3A_3331 : vector<16xi1>, vector<16xf32>
      %reduce_sum3A_3333 = arith.constant true
      %reduce_sum3A_3334 = vector.broadcast %reduce_sum3A_3333 : i1 to vector<16xi1>
      %reduce_sum3A_3335 = tpu.scan <sum>, %exp3A_3326 masked %reduce_sum3A_3334 : vector<16xf32>, vector<16xi1> -> vector<16xf32>
      %reduce_sum3A_3336 = vector.extract %reduce_sum3A_3335[15] : f32 from vector<16xf32>
      %reduce_sum3A_3337 = arith.constant true
      %reduce_sum3A_3338 = vector.broadcast %reduce_sum3A_3337 : i1 to vector<16xi1>
      %reduce_sum3A_3339 = tpu.scan <sum>, %select_n3A_3332 masked %reduce_sum3A_3338 : vector<16xf32>, vector<16xi1> -> vector<16xf32>
      %reduce_sum3A_3340 = vector.extract %reduce_sum3A_3339[15] : f32 from vector<16xf32>
      %add3A_3341 = arith.addf %reduce_sum3A_3336, %reduce_sum3A_3340 : f32
      %div3A_3342 = vector.broadcast %add3A_3341 : f32 to vector<16xf32>
      %div3A_3343 = arith.divf %exp3A_3326, %div3A_3342 : vector<16xf32>
      %swap3A_3344 = arith.index_cast %add3A_2232 : i32 to index
      %swap3A_3345 = arith.constant 0 : index
      %swap3A_3346 = tpu.vector_load %arg16[%swap3A_3344, %swap3A_3345] {strides = array<i32>} : memref<32x32xf32, #tpu.memory_space<vmem>>, vector<16xf32>,
      tpu.vector_store %arg16[%swap3A_3344, %swap3A_3345], %div3A_3343 {strides = array<i32>} : memref<32x32xf32, #tpu.memory_space<vmem>>, vector<16xf32>,
      %div3A_3347 = vector.broadcast %add3A_3341 : f32 to vector<16xf32>
      %div3A_3348 = arith.divf %select_n3A_3332, %div3A_3347 : vector<16xf32>
      %swap3A_3349 = arith.index_cast %add3A_2232 : i32 to index
      %swap3A_3350 = arith.constant 16 : index
      %swap3A_3351 = tpu.vector_load %arg16[%swap3A_3349, %swap3A_3350] {strides = array<i32>} : memref<32x32xf32, #tpu.memory_space<vmem>>, vector<16xf32>,
      tpu.vector_store %arg16[%swap3A_3349, %swap3A_3350], %div3A_3348 {strides = array<i32>} : memref<32x32xf32, #tpu.memory_space<vmem>>, vector<16xf32>,
      %scan3A_3352 = arith.constant 0 : i32
      scf.yield %scan3A_3352 : i32
    }
    %scan3A_327 = arith.constant 16 : i32
    %dma_wait3A = arith.constant 0 : i32
    %dma_wait3A_328 = arith.constant 0 : i32
    %dma_wait3A_329 = arith.constant 0 : i32
    %dma_wait3A_330 = tpu.memref_slice %arg14[%dma_wait3A_328, %dma_wait3A_329] : memref<576x32xf32, #tpu.memory_space<vmem>> -> memref<128x32xf32, #tpu.memory_space<vmem>>
    %dma_wait3A_331 = arith.constant 0 : i32
    %dma_wait3A_332 = tpu.memref_slice %arg9[%dma_wait3A, %dma_wait3A_331] : memref<4x128xi32, #tpu.memory_space<vmem>> -> memref<1x128xi32, #tpu.memory_space<vmem>>
    %dma_wait3A_333 = tpu.memref_squeeze %dma_wait3A_332 : memref<1x128xi32, #tpu.memory_space<vmem>> -> memref<128xi32, #tpu.memory_space<vmem>>
    %dma_wait3A_334 = arith.constant 0 : i32
    %dma_wait3A_335 = arith.constant 0 : i32
    %dma_wait3A_336 = tpu.memref_slice %arg17[%dma_wait3A_334, %dma_wait3A_335] : memref<10016x32xf32, #tpu.memory_space<vmem_shared>> -> memref<10016x32xf32, #tpu.memory_space<vmem_shared>>
    tpu.wait_indirect_dma semaphore(%arg18 : memref<!tpu.dma_semaphore, #tpu.memory_space<semaphore_mem>>) src(%dma_wait3A_336 : memref<10016x32xf32, #tpu.memory_space<vmem_shared>>) dst(%dma_wait3A_330 : memref<128x32xf32, #tpu.memory_space<vmem>>)
    %dma_wait3A_337 = arith.constant 1 : i32
    %dma_wait3A_338 = arith.constant 128 : i32
    %dma_wait3A_339 = arith.constant 0 : i32
    %dma_wait3A_340 = tpu.memref_slice %arg14[%dma_wait3A_338, %dma_wait3A_339] : memref<576x32xf32, #tpu.memory_space<vmem>> -> memref<128x32xf32, #tpu.memory_space<vmem>>
    %dma_wait3A_341 = arith.constant 0 : i32
    %dma_wait3A_342 = tpu.memref_slice %arg9[%dma_wait3A_337, %dma_wait3A_341] : memref<4x128xi32, #tpu.memory_space<vmem>> -> memref<1x128xi32, #tpu.memory_space<vmem>>
    %dma_wait3A_343 = tpu.memref_squeeze %dma_wait3A_342 : memref<1x128xi32, #tpu.memory_space<vmem>> -> memref<128xi32, #tpu.memory_space<vmem>>
    %dma_wait3A_344 = arith.constant 0 : i32
    %dma_wait3A_345 = arith.constant 0 : i32
    %dma_wait3A_346 = tpu.memref_slice %arg17[%dma_wait3A_344, %dma_wait3A_345] : memref<10016x32xf32, #tpu.memory_space<vmem_shared>> -> memref<10016x32xf32, #tpu.memory_space<vmem_shared>>
    tpu.wait_indirect_dma semaphore(%arg18 : memref<!tpu.dma_semaphore, #tpu.memory_space<semaphore_mem>>) src(%dma_wait3A_346 : memref<10016x32xf32, #tpu.memory_space<vmem_shared>>) dst(%dma_wait3A_340 : memref<128x32xf32, #tpu.memory_space<vmem>>)
    %dma_wait3A_347 = arith.constant 2 : i32
    %dma_wait3A_348 = arith.constant 256 : i32
    %dma_wait3A_349 = arith.constant 0 : i32
    %dma_wait3A_350 = tpu.memref_slice %arg14[%dma_wait3A_348, %dma_wait3A_349] : memref<576x32xf32, #tpu.memory_space<vmem>> -> memref<128x32xf32, #tpu.memory_space<vmem>>
    %dma_wait3A_351 = arith.constant 0 : i32
    %dma_wait3A_352 = tpu.memref_slice %arg9[%dma_wait3A_347, %dma_wait3A_351] : memref<4x128xi32, #tpu.memory_space<vmem>> -> memref<1x128xi32, #tpu.memory_space<vmem>>
    %dma_wait3A_353 = tpu.memref_squeeze %dma_wait3A_352 : memref<1x128xi32, #tpu.memory_space<vmem>> -> memref<128xi32, #tpu.memory_space<vmem>>
    %dma_wait3A_354 = arith.constant 0 : i32
    %dma_wait3A_355 = arith.constant 0 : i32
    %dma_wait3A_356 = tpu.memref_slice %arg17[%dma_wait3A_354, %dma_wait3A_355] : memref<10016x32xf32, #tpu.memory_space<vmem_shared>> -> memref<10016x32xf32, #tpu.memory_space<vmem_shared>>
    tpu.wait_indirect_dma semaphore(%arg18 : memref<!tpu.dma_semaphore, #tpu.memory_space<semaphore_mem>>) src(%dma_wait3A_356 : memref<10016x32xf32, #tpu.memory_space<vmem_shared>>) dst(%dma_wait3A_350 : memref<128x32xf32, #tpu.memory_space<vmem>>)
    %dma_wait3A_357 = arith.constant 3 : i32
    %dma_wait3A_358 = arith.constant 384 : i32
    %dma_wait3A_359 = arith.constant 0 : i32
    %dma_wait3A_360 = tpu.memref_slice %arg14[%dma_wait3A_358, %dma_wait3A_359] : memref<576x32xf32, #tpu.memory_space<vmem>> -> memref<128x32xf32, #tpu.memory_space<vmem>>
    %dma_wait3A_361 = arith.constant 0 : i32
    %dma_wait3A_362 = tpu.memref_slice %arg9[%dma_wait3A_357, %dma_wait3A_361] : memref<4x128xi32, #tpu.memory_space<vmem>> -> memref<1x128xi32, #tpu.memory_space<vmem>>
    %dma_wait3A_363 = tpu.memref_squeeze %dma_wait3A_362 : memref<1x128xi32, #tpu.memory_space<vmem>> -> memref<128xi32, #tpu.memory_space<vmem>>
    %dma_wait3A_364 = arith.constant 0 : i32
    %dma_wait3A_365 = arith.constant 0 : i32
    %dma_wait3A_366 = tpu.memref_slice %arg17[%dma_wait3A_364, %dma_wait3A_365] : memref<10016x32xf32, #tpu.memory_space<vmem_shared>> -> memref<10016x32xf32, #tpu.memory_space<vmem_shared>>
    tpu.wait_indirect_dma semaphore(%arg18 : memref<!tpu.dma_semaphore, #tpu.memory_space<semaphore_mem>>) src(%dma_wait3A_366 : memref<10016x32xf32, #tpu.memory_space<vmem_shared>>) dst(%dma_wait3A_360 : memref<128x32xf32, #tpu.memory_space<vmem>>)
    %dma_wait3A_367 = arith.constant 0 : i32
    %dma_wait3A_368 = arith.constant 512 : i32
    %dma_wait3A_369 = arith.constant 0 : i32
    %dma_wait3A_370 = tpu.memref_slice %arg14[%dma_wait3A_368, %dma_wait3A_369] : memref<576x32xf32, #tpu.memory_space<vmem>> -> memref<64x32xf32, #tpu.memory_space<vmem>>
    %dma_wait3A_371 = arith.constant 0 : i32
    %dma_wait3A_372 = tpu.memref_slice %arg11[%dma_wait3A_367, %dma_wait3A_371] : memref<32x64xi32, #tpu.memory_space<vmem>> -> memref<1x64xi32, #tpu.memory_space<vmem>>
    %dma_wait3A_373 = tpu.memref_squeeze %dma_wait3A_372 : memref<1x64xi32, #tpu.memory_space<vmem>> -> memref<64xi32, #tpu.memory_space<vmem>>
    %dma_wait3A_374 = arith.constant 0 : i32
    %dma_wait3A_375 = arith.constant 0 : i32
    %dma_wait3A_376 = tpu.memref_slice %arg17[%dma_wait3A_374, %dma_wait3A_375] : memref<10016x32xf32, #tpu.memory_space<vmem_shared>> -> memref<10016x32xf32, #tpu.memory_space<vmem_shared>>
    tpu.wait_indirect_dma semaphore(%arg18 : memref<!tpu.dma_semaphore, #tpu.memory_space<semaphore_mem>>) src(%dma_wait3A_376 : memref<10016x32xf32, #tpu.memory_space<vmem_shared>>) dst(%dma_wait3A_370 : memref<64x32xf32, #tpu.memory_space<vmem>>)
    %mul3A_377 = arith.constant 32 : i32
    %mul3A_378 = arith.muli %add3A, %mul3A_377 : i32
    "tpu.region"() ({
      %run_scoped3A = tpu.sem_alloc : memref<!tpu.dma_semaphore, #tpu.memory_space<semaphore_mem>>
      %dma_start3A_379 = arith.constant 0 : i32
      %dma_start3A_380 = tpu.memref_slice %arg7[%mul3A_378, %dma_start3A_379] : memref<1024x32xf32, #tpu.memory_space<hbm>> -> memref<32x32xf32, #tpu.memory_space<hbm>>
      %dma_start3A_381 = arith.constant 0 : i32
      %dma_start3A_382 = tpu.memref_slice %arg7[%mul3A_378, %dma_start3A_381] : memref<1024x32xf32, #tpu.memory_space<hbm>> -> memref<32x32xf32, #tpu.memory_space<hbm>>
      tpu.enqueue_dma source(%arg16 : memref<32x32xf32, #tpu.memory_space<vmem>>) target(%dma_start3A_382 : memref<32x32xf32, #tpu.memory_space<hbm>>) target_semaphore(%run_scoped3A : memref<!tpu.dma_semaphore, #tpu.memory_space<semaphore_mem>>)
      %dma_wait3A_383 = arith.constant 0 : i32
      %dma_wait3A_384 = tpu.memref_slice %arg7[%mul3A_378, %dma_wait3A_383] : memref<1024x32xf32, #tpu.memory_space<hbm>> -> memref<32x32xf32, #tpu.memory_space<hbm>>
      %dma_wait3A_385 = arith.constant 0 : i32
      %dma_wait3A_386 = tpu.memref_slice %arg7[%mul3A_378, %dma_wait3A_385] : memref<1024x32xf32, #tpu.memory_space<hbm>> -> memref<32x32xf32, #tpu.memory_space<hbm>>
      tpu.wait_dma2 semaphore(%run_scoped3A : memref<!tpu.dma_semaphore, #tpu.memory_space<semaphore_mem>>) src(%arg16 : memref<32x32xf32, #tpu.memory_space<vmem>>) dst(%dma_wait3A_386 : memref<32x32xf32, #tpu.memory_space<hbm>>)
      tpu.yield
    }) : () -> ()
    return
  }
}

module attributes {stable_mosaic.version = 14 : i64} {
  func.func @body(%arg0: i32, %arg1: memref<1000x128xf32, #tpu.memory_space<vmem>>, %arg2: memref<32x128xf32, #tpu.memory_space<vmem>>, %arg3: memref<1000x1xf32, #tpu.memory_space<vmem>>, %arg4: memref<1000x1xf32, #tpu.memory_space<vmem>>, %arg5: memref<1000x32xf32, #tpu.memory_space<vmem>>) attributes {dimension_semantics = [#tpu.dimension_semantics<arbitrary>], iteration_bounds = array<i64: 10>, scalar_prefetch = 0 : i64, scratch_operands = 0 : i64, tpu.core_type = #tpu.core_type<tc>, window_params = [{transform_indices = @transform_0, window_bounds = array<i64: 1000, 128>}, {pipeline_mode = #tpu.pipeline_mode<synchronous>, transform_indices = @transform_1, window_bounds = array<i64: 32, 128>}, {transform_indices = @transform_2, window_bounds = array<i64: 1000, 1>}, {transform_indices = @transform_3, window_bounds = array<i64: 1000, 1>}, {transform_indices = @transform_4, window_bounds = array<i64: 1000, 32>}]} {
    %get3A = arith.constant 0 : index
    %get3A_0 = arith.constant 0 : index
    %get3A_1 = vector.load %arg1[%get3A, %get3A_0] : memref<1000x128xf32, #tpu.memory_space<vmem>>, vector<1000x128xf32>
    %get3A_2 = arith.constant 0 : index
    %get3A_3 = arith.constant 0 : index
    %get3A_4 = vector.load %arg2[%get3A_2, %get3A_3] : memref<32x128xf32, #tpu.memory_space<vmem>>, vector<32x128xf32>
    %dot_general3A = arith.constant dense<0.000000e+00> : vector<1000x32xf32>
    %dot_general3A_5 = tpu.matmul %get3A_1, %get3A_4, %dot_general3A {dimension_numbers = #tpu.dot_dimension_numbers<[1], [1], [0], [0], [0, 0, 1, 0], [], []>, transpose_lhs_hint = false} : vector<1000x128xf32>, vector<32x128xf32>, vector<1000x32xf32> -> vector<1000x32xf32>
    %iota3A = tpu.iota {dimensions = array<i32: 1>} : vector<1000x32xi32>
    %eq3A = arith.constant 20 : i32
    %eq3A_6 = vector.broadcast %eq3A : i32 to vector<1000x32xi32>
    %eq3A_7 = arith.cmpi eq, %iota3A, %eq3A_6 : vector<1000x32xi32>
    %get3A_8 = arith.constant 0 : index
    %get3A_9 = arith.constant 0 : index
    %get3A_10 = vector.load %arg3[%get3A_8, %get3A_9] : memref<1000x1xf32, #tpu.memory_space<vmem>>, vector<1000x1xf32>
    %eq3A_11 = arith.constant 21 : i32
    %eq3A_12 = vector.broadcast %eq3A_11 : i32 to vector<1000x32xi32>
    %eq3A_13 = arith.cmpi eq, %iota3A, %eq3A_12 : vector<1000x32xi32>
    %get3A_14 = arith.constant 0 : index
    %get3A_15 = arith.constant 0 : index
    %get3A_16 = vector.load %arg4[%get3A_14, %get3A_15] : memref<1000x1xf32, #tpu.memory_space<vmem>>, vector<1000x1xf32>
    %broadcast_in_dim3A = vector.shape_cast %get3A_16 : vector<1000x1xf32> to vector<1000x1xf32>
    %broadcast_in_dim3A_17 = vector.broadcast %broadcast_in_dim3A : vector<1000x1xf32> to vector<1000x32xf32>
    %select_n3A = arith.select %eq3A_13, %broadcast_in_dim3A_17, %dot_general3A_5 : vector<1000x32xi1>, vector<1000x32xf32>
    %broadcast_in_dim3A_18 = vector.shape_cast %get3A_10 : vector<1000x1xf32> to vector<1000x1xf32>
    %broadcast_in_dim3A_19 = vector.broadcast %broadcast_in_dim3A_18 : vector<1000x1xf32> to vector<1000x32xf32>
    %select_n3A_20 = arith.select %eq3A_7, %broadcast_in_dim3A_19, %select_n3A : vector<1000x32xi1>, vector<1000x32xf32>
    %swap3A = arith.constant 0 : index
    %swap3A_21 = arith.constant 0 : index
    %swap3A_22 = vector.load %arg5[%swap3A, %swap3A_21] : memref<1000x32xf32, #tpu.memory_space<vmem>>, vector<1000x32xf32>
    tpu.vector_store %arg5[%swap3A, %swap3A_21], %select_n3A_20 {strides = array<i32>} : memref<1000x32xf32, #tpu.memory_space<vmem>>, vector<1000x32xf32>,
    return
  }
  func.func @transform_0(%arg0: i32) -> (i32, i32) {
    %c0_i32 = arith.constant 0 : i32
    %c0_i32_0 = arith.constant 0 : i32
    return %arg0, %c0_i32 : i32, i32
  }
  func.func @transform_1(%arg0: i32) -> (i32, i32) {
    %c0_i32 = arith.constant 0 : i32
    %c0_i32_0 = arith.constant 0 : i32
    %c0_i32_1 = arith.constant 0 : i32
    return %c0_i32, %c0_i32_0 : i32, i32
  }
  func.func @transform_2(%arg0: i32) -> (i32, i32) {
    %c0_i32 = arith.constant 0 : i32
    %c0_i32_0 = arith.constant 0 : i32
    return %arg0, %c0_i32 : i32, i32
  }
  func.func @transform_3(%arg0: i32) -> (i32, i32) {
    %c0_i32 = arith.constant 0 : i32
    %c0_i32_0 = arith.constant 0 : i32
    return %arg0, %c0_i32 : i32, i32
  }
  func.func @transform_4(%arg0: i32) -> (i32, i32) {
    %c0_i32 = arith.constant 0 : i32
    %c0_i32_0 = arith.constant 0 : i32
    return %arg0, %c0_i32 : i32, i32
  }
}

</mosaic_0001>

<sc_bundles>
// kernel: kernel.4.cloned.1.call-start
scs
__scs_entry_jumppad:
0x0: {  	(pc) =	sbr.rel $0x88, $3  }
0x1: {  	(tag) =	ssettag $0x0;
	lr =	simm.s32 $0x1  }
0x2: {  	[smem:$0x3F9A] =	sst lr;
	_ =	strace $0xD0000000  }
0x3: {  	_ = 	snop  }
0x4: {  	_ = 	snop  }
0x5: {  	_ = 	snop  }
0x6: {  	_ = 	snop  }
0x7: {  	_ = 	snop  }
__scs_overlays_trampoline_lowered:
0x8: {  	[smem:$0x3FA9] =	sst s0  }
0x9: {  	[smem:$0x3FAA] =	sst s1  }
0xa: {  	[smem:$0x3FAB] =	sst s2  }
0xb: {  	[smem:$0x3FAC] =	sst s3  }
0xc: {  	[smem:$0x3FAD] =	sst s4  }
0xd: {  	[smem:$0x3FAE] =	sst s5  }
0xe: {  	[smem:$0x3FAF] =	sst s6  }
0xf: {  	[smem:$0x3FB0] =	sst s7  }
0x10: {  	[smem:$0x3FB1] =	sst s8  }
0x11: {  	[smem:$0x3FB2] =	sst s9;
	s0 =	simm.s32 @!p0 $0x0  }
0x12: {  	s1 =	sld [smem:$0x3F98];
	s0 =	simm.s32 @p0 $0x1  }
0x13: {  	[smem:$0x3FB3] =	sst s0;
	s0 =	simm.s32 @!p1 $0x0  }
0x14: {  	s2 =	sld [smem:$0x3F97];
	s0 =	simm.s32 @p1 $0x1  }
0x15: {  	[smem:$0x3FB4] =	sst s0;
	s0 =	simm.s32 @!p2 $0x0  }
0x16: {  	s3 =	sld [smem:$0x3FDB];
	s0 =	simm.s32 @p2 $0x1  }
0x17: {  	s4 =	simm.s32 $0x1BF5;
	[smem:$0x3FB6] =	sst s0  }
0x18: {  	s0 =	sld [smem:$0x3F99];
	_ =	swait.ge [sflag:s4], $0x0  }
0x19: {  	s7 =	sld [smem:$0x3F9A]  }
0x1a: {  	s8 =	sadd.s32 $0xFFFFE003, lr  }
0x1b: {  	s9 =	sadd.s32 $0xFFFFFEF7, lr;
	s5 =	simm.s32 $0xFFFFFFFF;
	p2 =	slt.u32 s8, $0xFFFFF086  }
0x1c: {  	p1 =	slt.u32 s9, $0xF7A;
	s5 =	simm.s32 @!p2 $0x0  }
0x1d: {  	s5 =	simm.s32 @p1 $0x1;
	p0 =	seq.s32 s7, s2  }
0x1e: {  	s7 =	smul.u32 @!p0 $0xF7A, s2;
	p2 =	seq.s32 @!p0 s5, $0x0  }
0x1f: {  	s9 =	smul.u32 $0xF7A, s1;
	s8 =	simm.s32 @!p0 $0x1BF5;
	p2 =	por !p2, p0  }
0x20: {  	[sflag:s8] =	ssyncset.s32 @!p0 $0xFFFFF086;
	s6 =	sadd.s32 @!p0 s3, s7;
	s7 =	simm.s32 @!p0 $0x108  }
0x21: {  	s3 =	sadd.s32 s3, s9;
	s6 =	sadd.s32 @!p0 $0x88, s6;
	s7 =	simm.s32 @p2 $0x1082  }
0x22: {  	[simem:s7], [sflag:s8] =	dma.local @!p0 [hbm:s6], $0xF7A  }
0x23: {  	s9 =	sor.u32 $0xD0000000, s2;
	s6 =	simm.s32 $0x108;
	_ =	swait.ge @!p0 [sflag:s8], $0x0  }
0x24: {  	s3 =	sadd.s32 $0x88, s3;
	s6 =	simm.s32 @!p1 $0x1082;
	[sflag:s4] =	ssyncset.s32 $0xFFFFF086  }
0x25: {  	[simem:s6], [sflag:s4] =	dma.local [hbm:s3], $0xF7A  }
0x26: {  	[smem:$0x3F9A] =	sst s1;
	(tag) =	ssettag s2;
	_ =	strace s9  }
0x27: {  	s1 =	sld [smem:$0x3FAA]  }
0x28: {  	s2 =	sld [smem:$0x3FAB]  }
0x29: {  	s4 =	sld [smem:$0x3FAD]  }
0x2a: {  	p0 =	seq.s32 s5, $0x0;
	s5 =	sld [smem:$0x3FAE]  }
0x2b: {  	s6 =	sld [smem:$0x3FAF]  }
0x2c: {  	s7 =	sld [smem:$0x3FB0]  }
0x2d: {  	s3 =	simm.s32 $0x108;
	s8 =	sld [smem:$0x3FB1]  }
0x2e: {  	s3 =	simm.s32 @!p0 $0x1082;
	s9 =	sld [smem:$0x3FB2]  }
0x2f: {  	lr =	sadd.s32 s0, s3;
	s0 =	sld [smem:$0x3FA9]  }
0x30: {  	s3 =	sld [smem:$0x3FAC]  }
0x31: {  	[smem:$0x3FB5] =	sst s10  }
0x32: {  	s10 =	sld [smem:$0x3FB3];
	_ =	sdelay $0x3  }
0x33: {  	p0 =	seq.s32 s10, $0x1;
	s10 =	sld [smem:$0x3FB5];
	_ =	sdelay $0x3  }
0x34: {  	[smem:$0x3FB5] =	sst s10  }
0x35: {  	s10 =	sld [smem:$0x3FB4];
	_ =	sdelay $0x3  }
0x36: {  	p1 =	seq.s32 s10, $0x1;
	s10 =	sld [smem:$0x3FB5];
	_ =	sdelay $0x3  }
0x37: {  	[smem:$0x3FB5] =	sst s10  }
0x38: {  	s10 =	sld [smem:$0x3FB6]  }
0x39: {  	_ = 	snop;
	(pc) =	sbr.ind lr, $3  }
0x3a: {  	_ = 	snop  }
0x3b: {  	_ = 	snop  }
0x3c: {  	p2 =	seq.s32 s10, $0x1;
	s10 =	sld [smem:$0x3FB5]  }
0x3d: {  	_ =	shalt  }
0x3e: {  	_ =	shalt  }
0x3f: {  	_ =	shalt  }
0x40: {  	_ =	shalt  }
0x41: {  	_ =	shalt  }
0x42: {  	_ =	shalt  }
0x43: {  	_ =	shalt  }
0x44: {  	_ =	shalt  }
0x45: {  	_ =	shalt  }
0x46: {  	_ =	shalt  }
0x47: {  	_ =	shalt  }
0x48: {  	_ =	shalt  }
0x49: {  	_ =	shalt  }
0x4a: {  	_ =	shalt  }
0x4b: {  	_ =	shalt  }
0x4c: {  	_ =	shalt  }
0x4d: {  	_ =	shalt  }
0x4e: {  	_ =	shalt  }
0x4f: {  	_ =	shalt  }
0x50: {  	_ =	shalt  }
0x51: {  	_ =	shalt  }
0x52: {  	_ =	shalt  }
0x53: {  	_ =	shalt  }
0x54: {  	_ =	shalt  }
0x55: {  	_ =	shalt  }
0x56: {  	_ =	shalt  }
0x57: {  	_ =	shalt  }
0x58: {  	_ =	shalt  }
0x59: {  	_ =	shalt  }
0x5a: {  	_ =	shalt  }
0x5b: {  	_ =	shalt  }
0x5c: {  	_ =	shalt  }
0x5d: {  	_ =	shalt  }
0x5e: {  	_ =	shalt  }
0x5f: {  	_ =	shalt  }
0x60: {  	_ =	shalt  }
0x61: {  	_ =	shalt  }
0x62: {  	_ =	shalt  }
0x63: {  	_ =	shalt  }
0x64: {  	_ =	shalt  }
0x65: {  	_ =	shalt  }
0x66: {  	_ =	shalt  }
0x67: {  	_ =	shalt  }
0x68: {  	_ =	shalt  }
0x69: {  	_ =	shalt  }
0x6a: {  	_ =	shalt  }
0x6b: {  	_ =	shalt  }
0x6c: {  	_ =	shalt  }
0x6d: {  	_ =	shalt  }
0x6e: {  	_ =	shalt  }
0x6f: {  	_ =	shalt  }
0x70: {  	_ =	shalt  }
0x71: {  	_ =	shalt  }
0x72: {  	_ =	shalt  }
0x73: {  	_ =	shalt  }
0x74: {  	_ =	shalt  }
0x75: {  	_ =	shalt  }
0x76: {  	_ =	shalt  }
0x77: {  	_ =	shalt  }
0x78: {  	_ =	shalt  }
0x79: {  	_ =	shalt  }
0x7a: {  	_ =	shalt  }
0x7b: {  	_ =	shalt  }
0x7c: {  	_ =	shalt  }
0x7d: {  	_ =	shalt  }
0x7e: {  	_ =	shalt  }
0x7f: {  	_ =	shalt  }
0x80: {  	_ =	shalt  }
0x81: {  	_ =	shalt  }
0x82: {  	_ =	shalt  }
0x83: {  	_ =	shalt  }
0x84: {  	_ =	shalt  }
0x85: {  	_ =	shalt  }
0x86: {  	_ =	shalt  }
0x87: {  	_ =	shalt  }
.Lfunc_end0:
.L_simem_size_0:
called_computation_lowered:
.L_overlay_start_0:
0x88: {  	s2 =	sld [smem:$0x3FD9]  }
0x89: {  	s3 =	sld [smem:$0x3FFE];
	_ =	sdelay $0x1  }
0x8a: {  	s1 =	srdreg.scid  }
0x8b: {  	s0 =	sand.u32 $0x1, s1  }
0x8c: {  	s17 =	sshll.u32 s0, $0xA;
	s2 =	sadd.s32 s3, s2  }
0x8d: {  	s2 =	sadd.s32 s2, s17  }
0x8e: {  	[smem:$0x3FC1] =	sst s2  }
0x8f: {  	_ = 	snop  }
0x90: {  	s2 =	sld [smem:$0x3FD0];
	(tm) =	ssettm $0x1  }
0x91: {  	s18 =	sld [smem:$0x3FFB];
	_ =	sdelay $0x3  }
0x92: {  	_ =	strace s18  }
0x93: {  	s3 =	sld [smem:$0x3FFC];
	_ =	sdelay $0x3  }
0x94: {  	_ =	strace s3  }
0x95: {  	s3 =	sld [smem:$0x3FFD];
	_ =	sdelay $0x3  }
0x96: {  	_ =	strace s3  }
0x97: {  	_ =	strace $0x8FFFFFFF  }
0x98: {  	s19 =	sld [smem:$0x3FDB];
	_ =	sdelay $0x1  }
0x99: {  	s4 =	simm.s32 $_scs_section_size  }
0x9a: {  	s5 =	simm.s32 $_size__tile_overlayer_lowered;
	s6 =	simm.s32 $_tile_overlayer_lowered  }
0x9b: {  	s22 =	simm.s32 $0x1BFF;
	s21 =	sshll.u32 s6, $0x1;
	s3 =	sadd.s32 s4, s19  }
0x9c: {  	s7 =	simm.s32 $0x0;
	s20 =	sshll.u32 s5, $0x1;
	s5 =	sadd.s32 s21, s3  }
0x9d: {  	[timem:s7], [sflag:s22] =	dma.local [hbm:s5], s20  }
0x9e: {  	_ =	swait.ge [sflag:s22], s20  }
0x9f: {  	s4 =	ssub.s32 $0x0, s20;
	[sflag:s22] =	ssyncset.done $0x0  }
0xa0: {  	[sflag:s22] =	ssyncadd.s32 s4;
	_ =	sdelay $0x1  }
0xa1: {  	s23 =	simm.s32 $0x1B8B  }
0xa2: {  	_ =	swait.ge [sflag:s23], $0x1  }
0xa3: {  	[sflag:s23] =	ssyncset.done $0x0  }
0xa4: {  	s25 =	simm.s32 $0x1B8E;
	s24 =	sld [smem:$0x3FFE];
	[sflag:s23] =	ssyncadd.s32 $0xFFFFFFFF  }
0xa5: {  	s26 =	simm.s32 $execute0_lowered;
	[smem:$0x3FD2] =	sst s25  }
0xa6: {  	s5 =	sshll.u32 s26, $0x1;
	_ =	strace $0x80000046;
	[dreg:$0x1] =	wrdreg $0xFFFFFFFF  }
0xa7: {  	s28 =	simm.s32 $_size_execute0_lowered;
	s3 =	sadd.s32 s3, s5;
	[dreg:$0x0] =	wrdreg $0x0  }
0xa8: {  	s5 =	sshll.u32 s28, $0x1;
	[dreg:$0x2] =	wrdreg s3  }
0xa9: {  	[dreg:$0x3] =	wrdreg s5  }
0xaa: {  	[dreg:$0x4] =	wrdreg $0xC0  }
0xab: {  	_ =	task [dreg:s7], $0x5FFFF  }
0xac: {  	[dreg:$0x1] =	wrdreg $0xFFFFFFFF  }
0xad: {  	[dreg:$0x0] =	wrdreg $0x60  }
0xae: {  	[dreg:$0x2] =	wrdreg s24  }
0xaf: {  	[dreg:$0x3] =	wrdreg s2  }
0xb0: {  	[dreg:$0x4] =	wrdreg $0xE1400  }
0xb1: {  	[dreg:$0x5] =	wrdreg $0x9  }
0xb2: {  	_ =	task.clear_ibuf [dreg:s7], $0x6FFFF;
	_ =	strace $0x90000046  }
0xb3: {  	s29 =	simm.s32 $0x9;
	_ =	strace $0x80000048  }
0xb4: {  	_ =	swait.ge [sflag:s29], $0x1  }
0xb5: {  	[sflag:s29] =	ssyncadd.s32 $0xFFFFFFFF  }
0xb6: {  	_ =	strace $0x90000048  }
0xb7: {  	_ =	sfence  }
0xb8: {  	s30 =	sld [smem:$0x0];
	_ =	sdelay $0x2  }
0xb9: {  	s31 =	sshll.u32 s1, $0xD;
	s1 =	sshrl.u32 s1, $0x2  }
0xba: {  	s3 =	sand.u32 $0x4000, s31;
	s1 =	sadd.s32 s1, s30  }
0xbb: {  	s0 =	sor.u32 s3, s0;
	s1 =	sshll.u32 s1, $0x11  }
0xbc: {  	s0 =	sor.u32 s1, s0  }
0xbd: {  	s0 =	sadd.s32 $0x8F2B, s0  }
0xbe: {  	[sflag:s0] =	ssyncadd.remote.s32 $0x1  }
0xbf: {  	_ =	sfence.sel $0xFFFF  }
0xc0: {  	[dreg:$0x0] =	wrdreg $0xFFFFFFFF;
	(pc) =	sbr.abs _section_cstart, $3  }
0xc1: {  	[dreg:$0x1] =	wrdreg $0xFFFFFFFF  }
0xc2: {  	_ =	task.clear_ibuf [dreg:s7], $0x2FFFF;
	_ =	strace $0x9FFFFFFF  }
0xc3: {  	(tm) =	ssettm $0x7FFFFFFF  }
tec
execute0_lowered:
.L_overlay_start_1:
0x0: {  	(tag) =	ssettag $0x1  }
0x1: {  	s0 =	rddreg [dreg:$0x0];
	v12 =	vlaneseq.u32  }
0x2: {  	s2 =	srdreg.scid;
	s1 =	rddreg [dreg:$0x2];
	v0 =	vor.u32 $0x10, v12  }
0x3: {  	s4 =	stileid.u32;
	s3 =	simm.s32 $0x0;
	s16 =	simm.s32 $0x80;
	v52 =	vor.u32 $0x20, v12;
	[tilespmem:$0x1FF40] =	vst v0  }
0x4: {  	s17 =	simm.s32 $0x3F00;
	s18 =	simm.s32 $0x4D40;
	s19 =	simm.s32 $0x3F80;
	v53 =	vor.u32 $0x30, v12;
	[tilespmem:$0x1FF50] =	vst v52  }
0x5: {  	s20 =	simm.s32 $0x5D40;
	s21 =	simm.s32 $0x4000;
	s28 =	simm.s32 $0x4100;
	v54 =	vor.u32 $0x40, v12;
	[tilespmem:$0x1FF60] =	vst v53  }
0x6: {  	s29 =	simm.s32 $0x9540;
	s30 =	simm.s32 $0x4180;
	s31 =	simm.s32 $0xA540;
	v55 =	vor.u32 $0x50, v12;
	[tilespmem:$0x1FF70] =	vst v54  }
0x7: {  	v63 =	vimm.s32 $0x1F3;
	vm0 =	vcmask $0x300;
	s14 =	simm.s32 $0x4280;
	s15 =	simm.s32 $0xC540;
	s2 =	sand.u32 $0x1, s2;
	v56 =	vor.u32 $0x60, v12;
	[tilespmem:$0x1FF80] =	vst v55  }
0x8: {  	v37 =	vimm.s32 $0x5;
	v38 =	vimm.s32 $0x0;
	s5 =	smul.u32 $0x4E20, s4;
	s6 =	sshll.u32 s4, $0x6;
	[smem:$0x7FF] =	sst s3;
	v57 =	vor.u32 $0x70, v12;
	[tilespmem:$0x1FF90] =	vst v56  }
0x9: {  	v39 =	vimm.s32 $0x1;
	v40 =	vimm.s32 $0x2;
	v58 =	vor.u32 $0x80, v12;
	s12 =	sadd.s32 $0x1D200, s0;
	p0 =	sne.s32 s4, $0x0;
	s7 =	sshll.u32 s2, $0x5;
	[tilespmem:$0x1FFA0] =	vst v57  }
0xa: {  	v41 =	vimm.s32 $0x3;
	v42 =	vimm.s32 $0x4;
	v43 =	vimm.s32 $0x6;
	s4 =	simm.s32 $0xD540;
	[tilespmem:$0x1FFB0] =	vst v58;
	s2 =	ssub.s32 $0x2, s2;
	s7 =	sor.u32 s7, s6  }
0xb: {  	v44 =	vimm.s32 $0x7;
	v45 =	vimm.s32 $0x8;
	v46 =	vimm.s32 $0x9;
	s8 =	sshrl.u32 s5, $0x3;
	_ =	strace $0x80000047;
	s11 =	sshrl.u32 s2, $0x1  }
0xc: {  	v47 =	vimm.s32 $0xA;
	v48 =	vimm.s32 $0xB;
	v49 =	vimm.s32 $0xC;
	[dreg:$0x4] =	wrdreg s12;
	s5 =	sadd.s32 s5, s1;
	s6 =	sor.u32 $0x1C03, s6  }
0xd: {  	v50 =	vimm.s32 $0xD;
	v51 =	vimm.s32 $0xE;
	v59 =	vor.u32 $0x90, v12;
	s9 =	smul.u32 $0x3F, s7;
	s8 =	sadd.s32 s8, s0;
	s10 =	sshll.u32 s7, $0x3  }
0xe: {  	v60 =	vor.u32 $0xA0, v12;
	v61 =	vor.u32 $0xB0, v12;
	v62 =	vor.u32 $0xC0, v12;
	s7 =	sshll.u32 s7, $0x2;
	s2 =	ssub.s32 s2, s11;
	[dreg:$0x6] =	wrdreg s6  }
0xf: {  	v13 =	vor.u32 $0xD0, v12;
	v14 =	vor.u32 $0xE0, v12;
	v15 =	vor.u32 $0xF0, v12;
	s6 =	sadd.s32 $0x4E200, s1;
	s26 =	sshrl.u32 s5, $0x3;
	s11 =	simm.s32 $0x3  }
0x10: {  	v16 =	vor.u32 $0x100, v12;
	v17 =	vor.u32 $0x110, v12;
	v18 =	vor.u32 $0x120, v12;
	s5 =	simm.s32 $0x1;
	s10 =	sadd.s32 s10, s0;
	s22 =	sadd.s32 $0x1800, s8  }
0x11: {  	v19 =	vor.u32 $0x130, v12;
	v20 =	vor.u32 $0x140, v12;
	v21 =	vor.u32 $0x150, v12;
	s25 =	smax.u32 s2, $0x1;
	[dreg:$0xb] =	wrdreg s26;
	s26 =	simm.s32 $0x8D40  }
0x12: {  	v22 =	vor.u32 $0x160, v12;
	v23 =	vor.u32 $0x170, v12;
	v24 =	vor.u32 $0x180, v12;
	s2 =	simm.s32 $0x4200;
	s8 =	simm.s32 $0x2;
	s9 =	sadd.s32 s9, s0  }
0x13: {  	v25 =	vor.u32 $0x190, v12;
	v26 =	vor.u32 $0x1A0, v12;
	v27 =	vor.u32 $0x1B0, v12;
	s0 =	sadd.s32 s7, s0;
	[dreg:$0x5] =	wrdreg s22;
	s24 =	sadd.s32 $0x1B200, s10  }
0x14: {  	v28 =	vor.u32 $0x1C0, v12;
	v29 =	vmul.u32 $0x20, v12;
	v30 =	vor.u32 $0x1D0, v12;
	[dreg:$0xa] =	wrdreg s25;
	s22 =	simm.s32 $0x6D40;
	s25 =	simm.s32 $0x40  }
0x15: {  	v31 =	vor.u32 $0x1E0, v12;
	v0 =	vsel vm0, $0x1F0, v63;
	vm0 =	vcmask $0x704;
	[tilespmem:$0x1FFC0] =	vst v59;
	s7 =	simm.s32 $0x4D00;
	s23 =	sadd.s32 $0xB600, s9;
	[dreg:$0x8] =	wrdreg s24  }
0x16: {  	v52 =	vimm.s32 $0xF;
	[tilespmem:$0x1FFD0] =	vst v60;
	v0 =	vsel vm0, $0x1F1, v0;
	vm0 =	vcmask $0xB08;
	s0 =	sadd.s32 $0x1D400, s0;
	s24 =	simm.s32 $0x7D40;
	[dreg:$0x7] =	wrdreg s23  }
0x17: {  	[tilespmem:$0x1FFE0] =	vst v61;
	v33 =	vor.u32 $0x4015, v29;
	v34 =	vor.u32 $0x4215, v29;
	v35 =	vor.u32 $0x4415, v29;
	s9 =	simm.s32 $0x0;
	[dreg:$0x9] =	wrdreg s0;
	s0 =	sshrl.u32 @!p0 s6, $0x3  }
0x18: {  	[tilespmem:$0x1FFF0] =	vst v62;
	v36 =	vor.u32 $0x4615, v29;
	v32 =	vsel vm0, $0x1F2, v0;
	vm0 =	vmmov $0xf;
	s23 =	simm.s32 $0x4080;
	[dreg:$0xc] =	wrdreg s0;
	s0 =	simm.s32 $0xB540  }
.LBB2_1:
0x19: {  	[dreg:$0xd] =	wrdreg s9  }
0x1a: {  	s6 =	rddreg [dreg:$0x5]  }
0x1b: {  	s9 =	rddreg [dreg:$0x6]  }
0x1c: {  	s10 =	rddreg [dreg:$0xb]  }
0x1d: {  	[spmem:s10], [sflag:s9] =	dma.local [hbm:s6], $0x9C4  }
0x1e: {  	_ =	swait.ge [sflag:s11], $0x9C4  }
0x1f: {  	[sflag:s11] =	ssyncset.done $0x0  }
0x20: {  	s10 =	rddreg [dreg:$0xc];
	[sflag:s11] =	ssyncadd.s32 $0xFFFFF63C  }
0x21: {  	s6 =	rddreg [dreg:$0x1]  }
0x22: {  	[spmem:s10], [sflag:s9] =	dma.local @!p0 [hbm:s6], $0x40  }
0x23: {  	s6 =	simm.s32 @!p0 $0x3  }
0x24: {  	_ =	swait.ge @!p0 [sflag:s6], $0x40  }
0x25: {  	[sflag:s6] =	ssyncset.done @!p0 $0x0  }
0x26: {  	s13 =	simm.s32 $0x4B00;
	s12 =	rddreg [dreg:$0x4];
	[sflag:s6] =	ssyncadd.s32 @!p0 $0xFFFFFFC0  }
0x27: {  	[tilespmem:s13], [sflag:$0x3] =	stream.linear.gather [hbm4b:s12+s3], $0x200, $0x38;
	[tilespmem:$0x12F80] =	vst v63  }
0x28: {  	_ =	swait.ge [sflag:s11], $0x200  }
0x29: {  	[sflag:s11] =	ssyncset.done $0x0  }
0x2a: {  	s10 =	rddreg [dreg:$0x7];
	[sflag:s11] =	ssyncadd.s32 $0xFFFFFE00  }
0x2b: {  	[tilespmem:s3], [sflag:$0x3] =	stream.linear.gather [hbm4b:s10+s3], $0x3F00, $0x38;
	[tilespmem:$0x12F80] =	vst v63  }
0x2c: {  	_ =	swait.ge [sflag:s11], $0x3F00  }
0x2d: {  	[sflag:s11] =	ssyncset.done $0x0  }
0x2e: {  	s13 =	simm.s32 $0x4300;
	s12 =	rddreg [dreg:$0x8];
	[sflag:s11] =	ssyncadd.s32 $0xFFFFC100  }
0x2f: {  	[tilespmem:s13], [sflag:$0x3] =	stream.linear.gather [hbm4b:s12+s3], $0x800, $0x38;
	[tilespmem:$0x12F80] =	vst v63  }
0x30: {  	_ =	swait.ge [sflag:s11], $0x800  }
0x31: {  	[sflag:s11] =	ssyncset.done $0x0  }
0x32: {  	[sflag:s11] =	ssyncadd.s32 $0xFFFFF800  }
0x33: {  	[bflag:$0x0] =	sbarrier.arrive $0xFFFF  }
0x34: {  	v11 =	vld [tilespmem:$0x1FF40];
	_ =	sdelay $0x1  }
0x35: {  	v0 =	vld.idx.msk [tilespmem:v12+s3+$0x0], $0xffff;
	_ =	sdelay $0x3  }
0x36: {  	v53 =	vld [tilespmem:$0x1FF50]  }
0x37: {  	[tilespmem:$0x3F00] =	vst v0  }
0x38: {  	v0 =	vld.idx.msk [tilespmem:v11+s3+$0x0], $0xffff;
	_ =	sdelay $0x3  }
0x39: {  	v54 =	vld [tilespmem:$0x1FF60]  }
0x3a: {  	[tilespmem:$0x3F10] =	vst v0  }
0x3b: {  	v0 =	vld.idx.msk [tilespmem:v53+s3+$0x0], $0xffff;
	_ =	sdelay $0x3  }
0x3c: {  	v55 =	vld [tilespmem:$0x1FF70]  }
0x3d: {  	[tilespmem:$0x3F20] =	vst v0  }
0x3e: {  	v0 =	vld.idx.msk [tilespmem:v54+s3+$0x0], $0xffff;
	_ =	sdelay $0x3  }
0x3f: {  	v56 =	vld [tilespmem:$0x1FF80]  }
0x40: {  	[tilespmem:$0x3F30] =	vst v0  }
0x41: {  	v0 =	vld.idx.msk [tilespmem:v55+s3+$0x0], $0xffff;
	_ =	sdelay $0x3  }
0x42: {  	v57 =	vld [tilespmem:$0x1FF90]  }
0x43: {  	[tilespmem:$0x3F40] =	vst v0  }
0x44: {  	v0 =	vld.idx.msk [tilespmem:v56+s3+$0x0], $0xffff;
	_ =	sdelay $0x3  }
0x45: {  	v58 =	vld [tilespmem:$0x1FFA0]  }
0x46: {  	[tilespmem:$0x3F50] =	vst v0  }
0x47: {  	v0 =	vld.idx.msk [tilespmem:v57+s3+$0x0], $0xffff;
	_ =	sdelay $0x3  }
0x48: {  	v59 =	vld [tilespmem:$0x1FFB0]  }
0x49: {  	[tilespmem:$0x3F60] =	vst v0  }
0x4a: {  	v0 =	vld.idx.msk [tilespmem:v58+s3+$0x0], $0xffff;
	_ =	sdelay $0x3  }
0x4b: {  	v60 =	vld [tilespmem:$0x1FFC0]  }
0x4c: {  	[tilespmem:$0x3F70] =	vst v0  }
0x4d: {  	v0 =	vld.idx.msk [tilespmem:v59+s3+$0x0], $0xffff;
	_ =	sdelay $0x3  }
0x4e: {  	v61 =	vld [tilespmem:$0x1FFD0]  }
0x4f: {  	[tilespmem:$0x3F80] =	vst v0  }
0x50: {  	v0 =	vld.idx.msk [tilespmem:v60+s3+$0x0], $0xffff;
	_ =	sdelay $0x3  }
0x51: {  	v62 =	vld [tilespmem:$0x1FFE0]  }
0x52: {  	[tilespmem:$0x3F90] =	vst v0  }
0x53: {  	v0 =	vld.idx.msk [tilespmem:v61+s3+$0x0], $0xffff;
	_ =	sdelay $0x3  }
0x54: {  	v63 =	vld [tilespmem:$0x1FFF0]  }
0x55: {  	[tilespmem:$0x3FA0] =	vst v0  }
0x56: {  	v0 =	vld.idx.msk [tilespmem:v62+s3+$0x0], $0xffff;
	_ =	sdelay $0x4  }
0x57: {  	[tilespmem:$0x3FB0] =	vst v0  }
0x58: {  	v0 =	vld.idx.msk [tilespmem:v63+s3+$0x0], $0xffff;
	_ =	sdelay $0x4  }
0x59: {  	[tilespmem:$0x3FC0] =	vst v0  }
0x5a: {  	v0 =	vld.idx.msk [tilespmem:v13+s3+$0x0], $0xffff;
	_ =	sdelay $0x4  }
0x5b: {  	[tilespmem:$0x3FD0] =	vst v0  }
0x5c: {  	v0 =	vld.idx.msk [tilespmem:v14+s3+$0x0], $0xffff;
	_ =	sdelay $0x4  }
0x5d: {  	[tilespmem:$0x3FE0] =	vst v0  }
0x5e: {  	v0 =	vld.idx.msk [tilespmem:v15+s3+$0x0], $0xffff;
	_ =	sdelay $0x4  }
0x5f: {  	[tilespmem:$0x3FF0] =	vst v0  }
0x60: {  	v0 =	vld.idx.msk [tilespmem:v16+s3+$0x0], $0xffff;
	_ =	sdelay $0x4  }
0x61: {  	[tilespmem:$0x4000] =	vst v0  }
0x62: {  	v0 =	vld.idx.msk [tilespmem:v17+s3+$0x0], $0xffff;
	_ =	sdelay $0x4  }
0x63: {  	[tilespmem:$0x4010] =	vst v0  }
0x64: {  	v0 =	vld.idx.msk [tilespmem:v18+s3+$0x0], $0xffff;
	_ =	sdelay $0x4  }
0x65: {  	[tilespmem:$0x4020] =	vst v0  }
0x66: {  	v0 =	vld.idx.msk [tilespmem:v19+s3+$0x0], $0xffff;
	_ =	sdelay $0x4  }
0x67: {  	[tilespmem:$0x4030] =	vst v0  }
0x68: {  	v0 =	vld.idx.msk [tilespmem:v20+s3+$0x0], $0xffff;
	_ =	sdelay $0x4  }
0x69: {  	[tilespmem:$0x4040] =	vst v0  }
0x6a: {  	v0 =	vld.idx.msk [tilespmem:v21+s3+$0x0], $0xffff;
	_ =	sdelay $0x4  }
0x6b: {  	[tilespmem:$0x4050] =	vst v0  }
0x6c: {  	v0 =	vld.idx.msk [tilespmem:v22+s3+$0x0], $0xffff;
	_ =	sdelay $0x4  }
0x6d: {  	[tilespmem:$0x4060] =	vst v0  }
0x6e: {  	v0 =	vld.idx.msk [tilespmem:v23+s3+$0x0], $0xffff;
	_ =	sdelay $0x4  }
0x6f: {  	[tilespmem:$0x4070] =	vst v0  }
0x70: {  	v0 =	vld.idx.msk [tilespmem:v24+s3+$0x0], $0xffff;
	_ =	sdelay $0x4  }
0x71: {  	[tilespmem:$0x4080] =	vst v0  }
0x72: {  	v0 =	vld.idx.msk [tilespmem:v25+s3+$0x0], $0xffff;
	_ =	sdelay $0x4  }
0x73: {  	[tilespmem:$0x4090] =	vst v0  }
0x74: {  	v0 =	vld.idx.msk [tilespmem:v26+s3+$0x0], $0xffff;
	_ =	sdelay $0x4  }
0x75: {  	[tilespmem:$0x40A0] =	vst v0  }
0x76: {  	v0 =	vld.idx.msk [tilespmem:v27+s3+$0x0], $0xffff;
	_ =	sdelay $0x4  }
0x77: {  	[tilespmem:$0x40B0] =	vst v0  }
0x78: {  	v0 =	vld.idx.msk [tilespmem:v28+s3+$0x0], $0xffff;
	_ =	sdelay $0x4  }
0x79: {  	[tilespmem:$0x40C0] =	vst v0  }
0x7a: {  	v0 =	vld.idx.msk [tilespmem:v30+s3+$0x0], $0xffff;
	_ =	sdelay $0x4  }
0x7b: {  	[tilespmem:$0x40D0] =	vst v0  }
0x7c: {  	v0 =	vld.idx.msk [tilespmem:v31+s3+$0x0], $0xffff;
	_ =	sdelay $0x4  }
0x7d: {  	[tilespmem:$0x40E0] =	vst v0  }
0x7e: {  	v0 =	vld.idx.msk [tilespmem:v32+s3+$0x0], $0xffff;
	_ =	sdelay $0x4  }
0x7f: {  	v0 =	vnsel vm0, $0x0, v0  }
0x80: {  	[tilespmem:$0x40F0] =	vst v0  }
0x81: {  	[tilespmem:s18], [sflag:$0x1] =	stream.indirect.gather [spmem:s1], $0x20, s17, s16, $0xb8;
	[tilespmem:$0x12F80] =	vst v63  }
0x82: {  	_ = 	snop  }
0x83: {  	[tilespmem:s20], [sflag:$0x1] =	stream.indirect.gather [spmem:s1], $0x20, s19, s16, $0xb8;
	[tilespmem:$0x12F80] =	vst v63  }
0x84: {  	_ = 	snop  }
0x85: {  	[tilespmem:s22], [sflag:$0x1] =	stream.indirect.gather [spmem:s1], $0x20, s21, s16, $0xb8;
	[tilespmem:$0x12F80] =	vst v63  }
0x86: {  	_ = 	snop  }
0x87: {  	[tilespmem:s24], [sflag:$0x1] =	stream.indirect.gather [spmem:s1], $0x20, s23, s16, $0xb8;
	[tilespmem:$0x12F80] =	vst v63  }
0x88: {  	s10 =	simm.s32 $0x0  }
0x89: {  	[tilespmem:s26], [sflag:$0x1] =	stream.indirect.gather [spmem:s1], $0x20, s13, s25, $0xb8;
	[tilespmem:$0x12F80] =	vst v63  }
.LBB2_2:
0x8a: {  	s11 =	sshllo.u32 s10, $0x1  }
0x8b: {  	v0 =	vmov s11  }
0x8c: {  	v0 =	vmul.u32 $0x1F8, v0;
	_ =	sdelay $0x1  }
0x8d: {  	v0 =	vbroadcast v0, $0x0;
	_ =	sdelay $0x1  }
0x8e: {  	v1 =	vadd.s32 v12, v0  }
0x8f: {  	v2 =	vld [tilespmem:$0x1FF40];
	_ =	sdelay $0x2  }
0x90: {  	s6 =	simm.s32 $0x0  }
0x91: {  	v1 =	vld.idx.msk [tilespmem:v1+s6+$0x0], $0xffff  }
0x92: {  	v2 =	vadd.s32 v2, v0;
	_ =	sdelay $0x3  }
0x93: {  	[tilespmem:$0x4100] =	vst v1  }
0x94: {  	v1 =	vld.idx.msk [tilespmem:v2+s6+$0x0], $0xffff  }
0x95: {  	v2 =	vld [tilespmem:$0x1FF50];
	_ =	sdelay $0x4  }
0x96: {  	v2 =	vadd.s32 v2, v0;
	_ =	sdelay $0x3  }
0x97: {  	[tilespmem:$0x4110] =	vst v1  }
0x98: {  	v1 =	vld.idx.msk [tilespmem:v2+s6+$0x0], $0xffff  }
0x99: {  	v2 =	vld [tilespmem:$0x1FF60];
	_ =	sdelay $0x4  }
0x9a: {  	v2 =	vadd.s32 v2, v0;
	_ =	sdelay $0x3  }
0x9b: {  	[tilespmem:$0x4120] =	vst v1  }
0x9c: {  	v1 =	vld.idx.msk [tilespmem:v2+s6+$0x0], $0xffff  }
0x9d: {  	v2 =	vld [tilespmem:$0x1FF70];
	_ =	sdelay $0x4  }
0x9e: {  	v2 =	vadd.s32 v2, v0;
	_ =	sdelay $0x3  }
0x9f: {  	[tilespmem:$0x4130] =	vst v1  }
0xa0: {  	v1 =	vld.idx.msk [tilespmem:v2+s6+$0x0], $0xffff  }
0xa1: {  	v2 =	vld [tilespmem:$0x1FF80];
	_ =	sdelay $0x4  }
0xa2: {  	v2 =	vadd.s32 v2, v0;
	_ =	sdelay $0x3  }
0xa3: {  	[tilespmem:$0x4140] =	vst v1  }
0xa4: {  	v1 =	vld.idx.msk [tilespmem:v2+s6+$0x0], $0xffff  }
0xa5: {  	v2 =	vld [tilespmem:$0x1FF90];
	_ =	sdelay $0x4  }
0xa6: {  	v2 =	vadd.s32 v2, v0;
	_ =	sdelay $0x3  }
0xa7: {  	[tilespmem:$0x4150] =	vst v1  }
0xa8: {  	v1 =	vld.idx.msk [tilespmem:v2+s6+$0x0], $0xffff  }
0xa9: {  	v2 =	vld [tilespmem:$0x1FFA0];
	_ =	sdelay $0x4  }
0xaa: {  	v2 =	vadd.s32 v2, v0;
	_ =	sdelay $0x3  }
0xab: {  	[tilespmem:$0x4160] =	vst v1  }
0xac: {  	v1 =	vld.idx.msk [tilespmem:v2+s6+$0x0], $0xffff  }
0xad: {  	v2 =	vld [tilespmem:$0x1FFB0];
	_ =	sdelay $0x4  }
0xae: {  	v2 =	vadd.s32 v2, v0;
	_ =	sdelay $0x3  }
0xaf: {  	[tilespmem:$0x4170] =	vst v1  }
0xb0: {  	v1 =	vld.idx.msk [tilespmem:v2+s6+$0x0], $0xffff  }
0xb1: {  	v2 =	vld [tilespmem:$0x1FFC0];
	_ =	sdelay $0x4  }
0xb2: {  	v2 =	vadd.s32 v2, v0;
	_ =	sdelay $0x3  }
0xb3: {  	[tilespmem:$0x4180] =	vst v1  }
0xb4: {  	v1 =	vld.idx.msk [tilespmem:v2+s6+$0x0], $0xffff  }
0xb5: {  	v2 =	vld [tilespmem:$0x1FFD0];
	_ =	sdelay $0x4  }
0xb6: {  	v2 =	vadd.s32 v2, v0;
	_ =	sdelay $0x3  }
0xb7: {  	[tilespmem:$0x4190] =	vst v1  }
0xb8: {  	v1 =	vld.idx.msk [tilespmem:v2+s6+$0x0], $0xffff  }
0xb9: {  	v2 =	vld [tilespmem:$0x1FFE0];
	_ =	sdelay $0x4  }
0xba: {  	v2 =	vadd.s32 v2, v0;
	_ =	sdelay $0x3  }
0xbb: {  	[tilespmem:$0x41A0] =	vst v1  }
0xbc: {  	v1 =	vld.idx.msk [tilespmem:v2+s6+$0x0], $0xffff  }
0xbd: {  	v2 =	vld [tilespmem:$0x1FFF0];
	_ =	sdelay $0x4  }
0xbe: {  	v2 =	vadd.s32 v2, v0;
	_ =	sdelay $0x3  }
0xbf: {  	[tilespmem:$0x41B0] =	vst v1  }
0xc0: {  	v1 =	vld.idx.msk [tilespmem:v2+s6+$0x0], $0xffff  }
0xc1: {  	v2 =	vadd.s32 v13, v0;
	_ =	sdelay $0x3  }
0xc2: {  	[tilespmem:$0x41C0] =	vst v1  }
0xc3: {  	v1 =	vld.idx.msk [tilespmem:v2+s6+$0x0], $0xffff  }
0xc4: {  	v2 =	vadd.s32 v14, v0;
	_ =	sdelay $0x3  }
0xc5: {  	[tilespmem:$0x41D0] =	vst v1  }
0xc6: {  	v1 =	vld.idx.msk [tilespmem:v2+s6+$0x0], $0xffff  }
0xc7: {  	v2 =	vadd.s32 v15, v0;
	_ =	sdelay $0x3  }
0xc8: {  	[tilespmem:$0x41E0] =	vst v1  }
0xc9: {  	v1 =	vld.idx.msk [tilespmem:v2+s6+$0x0], $0xffff  }
0xca: {  	v2 =	vadd.s32 v16, v0;
	_ =	sdelay $0x3  }
0xcb: {  	[tilespmem:$0x41F0] =	vst v1  }
0xcc: {  	v1 =	vld.idx.msk [tilespmem:v2+s6+$0x0], $0xffff  }
0xcd: {  	v2 =	vadd.s32 v17, v0;
	_ =	sdelay $0x3  }
0xce: {  	[tilespmem:$0x4200] =	vst v1  }
0xcf: {  	v1 =	vld.idx.msk [tilespmem:v2+s6+$0x0], $0xffff  }
0xd0: {  	v2 =	vadd.s32 v18, v0;
	_ =	sdelay $0x3  }
0xd1: {  	[tilespmem:$0x4210] =	vst v1  }
0xd2: {  	v1 =	vld.idx.msk [tilespmem:v2+s6+$0x0], $0xffff  }
0xd3: {  	v2 =	vadd.s32 v19, v0;
	_ =	sdelay $0x3  }
0xd4: {  	[tilespmem:$0x4220] =	vst v1  }
0xd5: {  	v1 =	vld.idx.msk [tilespmem:v2+s6+$0x0], $0xffff  }
0xd6: {  	v2 =	vadd.s32 v20, v0;
	_ =	sdelay $0x3  }
0xd7: {  	[tilespmem:$0x4230] =	vst v1  }
0xd8: {  	v1 =	vld.idx.msk [tilespmem:v2+s6+$0x0], $0xffff  }
0xd9: {  	v2 =	vadd.s32 v21, v0;
	_ =	sdelay $0x3  }
0xda: {  	[tilespmem:$0x4240] =	vst v1  }
0xdb: {  	v1 =	vld.idx.msk [tilespmem:v2+s6+$0x0], $0xffff  }
0xdc: {  	v2 =	vadd.s32 v22, v0;
	_ =	sdelay $0x3  }
0xdd: {  	[tilespmem:$0x4250] =	vst v1  }
0xde: {  	v1 =	vld.idx.msk [tilespmem:v2+s6+$0x0], $0xffff  }
0xdf: {  	v2 =	vadd.s32 v23, v0;
	_ =	sdelay $0x3  }
0xe0: {  	[tilespmem:$0x4260] =	vst v1  }
0xe1: {  	v1 =	vld.idx.msk [tilespmem:v2+s6+$0x0], $0xffff  }
0xe2: {  	v2 =	vadd.s32 v24, v0;
	_ =	sdelay $0x3  }
0xe3: {  	[tilespmem:$0x4270] =	vst v1  }
0xe4: {  	v1 =	vld.idx.msk [tilespmem:v2+s6+$0x0], $0xffff  }
0xe5: {  	v2 =	vadd.s32 v25, v0;
	_ =	sdelay $0x3  }
0xe6: {  	[tilespmem:$0x4280] =	vst v1  }
0xe7: {  	v1 =	vld.idx.msk [tilespmem:v2+s6+$0x0], $0xffff  }
0xe8: {  	v2 =	vadd.s32 v26, v0;
	_ =	sdelay $0x3  }
0xe9: {  	[tilespmem:$0x4290] =	vst v1  }
0xea: {  	v1 =	vld.idx.msk [tilespmem:v2+s6+$0x0], $0xffff  }
0xeb: {  	v2 =	vadd.s32 v27, v0;
	_ =	sdelay $0x3  }
0xec: {  	[tilespmem:$0x42A0] =	vst v1  }
0xed: {  	v1 =	vld.idx.msk [tilespmem:v2+s6+$0x0], $0xffff  }
0xee: {  	v2 =	vadd.s32 v28, v0;
	_ =	sdelay $0x3  }
0xef: {  	[tilespmem:$0x42B0] =	vst v1  }
0xf0: {  	v1 =	vld.idx.msk [tilespmem:v2+s6+$0x0], $0xffff  }
0xf1: {  	v2 =	vadd.s32 v30, v0;
	_ =	sdelay $0x3  }
0xf2: {  	[tilespmem:$0x42C0] =	vst v1  }
0xf3: {  	v1 =	vld.idx.msk [tilespmem:v2+s6+$0x0], $0xffff  }
0xf4: {  	v2 =	vadd.s32 v31, v0;
	_ =	sdelay $0x3  }
0xf5: {  	[tilespmem:$0x42D0] =	vst v1  }
0xf6: {  	v1 =	vld.idx.msk [tilespmem:v2+s6+$0x0], $0xffff  }
0xf7: {  	v0 =	vadd.s32 v32, v0;
	_ =	sdelay $0x3  }
0xf8: {  	[tilespmem:$0x42E0] =	vst v1  }
0xf9: {  	v0 =	vld.idx.msk [tilespmem:v0+s6+$0x0], $0xffff;
	_ =	sdelay $0x4  }
0xfa: {  	v0 =	vnsel vm0, $0x0, v0  }
0xfb: {  	[tilespmem:$0x42F0] =	vst v0  }
0xfc: {  	[tilespmem:s29], [sflag:$0x2] =	stream.indirect.gather [spmem:s1], $0x20, s28, s16, $0xb8;
	[tilespmem:$0x12F80] =	vst v63  }
0xfd: {  	_ = 	snop  }
0xfe: {  	[tilespmem:s31], [sflag:$0x2] =	stream.indirect.gather [spmem:s1], $0x20, s30, s16, $0xb8;
	[tilespmem:$0x12F80] =	vst v63  }
0xff: {  	s9 =	sshll.u32 s11, $0x6  }
0x100: {  	[tilespmem:s0], [sflag:$0x2] =	stream.indirect.gather [spmem:s1], $0x20, s2, s16, $0xb8;
	[tilespmem:$0x12F80] =	vst v63  }
0x101: {  	s9 =	sand.u32 $0x3FFFFFC0, s9  }
0x102: {  	[tilespmem:s15], [sflag:$0x2] =	stream.indirect.gather [spmem:s1], $0x20, s14, s16, $0xb8;
	[tilespmem:$0x12F80] =	vst v63  }
0x103: {  	s9 =	sadd.s32 $0x4300, s9  }
0x104: {  	[tilespmem:s4], [sflag:$0x2] =	stream.indirect.gather [spmem:s1], $0x20, s9, s25, $0xb8;
	[tilespmem:$0x12F80] =	vst v63  }
0x105: {  	_ =	swait.ge [sflag:s5], $0x1000  }
0x106: {  	[sflag:s5] =	ssyncset.done $0x0  }
0x107: {  	[sflag:s5] =	ssyncadd.s32 $0xFFFFF000  }
0x108: {  	_ =	swait.ge [sflag:s5], $0x1000  }
0x109: {  	[sflag:s5] =	ssyncset.done $0x0  }
0x10a: {  	[sflag:s5] =	ssyncadd.s32 $0xFFFFF000  }
0x10b: {  	_ =	swait.ge [sflag:s5], $0x1000  }
0x10c: {  	[sflag:s5] =	ssyncset.done $0x0  }
0x10d: {  	[sflag:s5] =	ssyncadd.s32 $0xFFFFF000  }
0x10e: {  	_ =	swait.ge [sflag:s5], $0x1000  }
0x10f: {  	[sflag:s5] =	ssyncset.done $0x0  }
0x110: {  	[sflag:s5] =	ssyncadd.s32 $0xFFFFF000  }
0x111: {  	_ =	swait.ge [sflag:s5], $0x800  }
0x112: {  	[sflag:s5] =	ssyncset.done $0x0  }
0x113: {  	[sflag:s5] =	ssyncadd.s32 $0xFFFFF800  }
0x114: {  	v56 =	vld.idx.msk [tilespmem:v33+s18+$0x0], $0xffff;
	_ =	sdelay $0x4  }
0x115: {  	[tilespmem:$0x4D00] =	vst v56  }
0x116: {  	v55 =	vld.idx.msk [tilespmem:v34+s18+$0x0], $0xffff;
	_ =	sdelay $0x4  }
0x117: {  	[tilespmem:$0x4D10] =	vst v55  }
0x118: {  	v54 =	vld.idx.msk [tilespmem:v35+s18+$0x0], $0xffff;
	_ =	sdelay $0x4  }
0x119: {  	[tilespmem:$0x4D20] =	vst v54  }
0x11a: {  	v53 =	vld.idx.msk [tilespmem:v36+s18+$0x0], $0xffff;
	_ =	sdelay $0x4  }
0x11b: {  	s12 =	simm.s32 $0x4B00;
	[tilespmem:$0x4D30] =	vst v53  }
0x11c: {  	v0 =	vld [tilespmem:s12+$0x0]  }
0x11d: {  	v1 =	vmov s6  }
0x11e: {  	v1 =	vshll.u32 v1, $0x5  }
0x11f: {  	v1 =	vor.u32 v29, v1  }
0x120: {  	v1 =	vor.u32 $0x14, v1;
	_ =	sdelay $0x3  }
0x121: {  	v0 =	vld.idx.msk [tilespmem:v0+s7+$0x0], $0xffff  }
0x122: {  	s6 =	simm.s32 $0x4E40;
	v1 =	vld.idx.msk [tilespmem:v1+s18+$0x0], $0xffff  }
0x123: {  	v57 =	vld [tilespmem:s6+$0xE0]  }
0x124: {  	v58 =	vld [tilespmem:s6+$0xC0]  }
0x125: {  	v60 =	vld [tilespmem:s6+$0x40]  }
0x126: {  	v2 =	vld [tilespmem:s6+$0xFFFFFF00];
	v0 =	vsub.f32 $1.000000000e+00, v0  }
0x127: {  	v3 =	vld [tilespmem:s6+$0xFFFFFF10]  }
0x128: {  	v59 =	vmul.f32 v1, v0;
	v0 =	vld [tilespmem:s6+$0xFFFFFF20]  }
0x129: {  	v1 =	vld [tilespmem:s6+$0xFFFFFF30]  }
0x12a: {  	v5 =	vld [tilespmem:s6+$0xFFFFFF40];
	v4 =	vperm.xlane v59, v38  }
0x12b: {  	v7 =	vld [tilespmem:s6+$0xFFFFFF50];
	v6 =	vperm.xlane v59, v39  }
0x12c: {  	v2 =	vmul.f32 v2, v4;
	v3 =	vmul.f32 v3, v4;
	v4 =	vld [tilespmem:s6+$0xFFFFFF60]  }
0x12d: {  	v8 =	vimm.f32 $0.0e+00;
	v61 =	vld [tilespmem:s6+$0xFFFFFF70];
	v9 =	vperm.xlane v59, v40;
	v0 =	vmul.f32 v0, v6  }
0x12e: {  	v1 =	vmul.f32 v1, v6;
	v6 =	vld [tilespmem:s6+$0xFFFFFF80];
	v2 =	vadd.f32 v2, v8;
	v3 =	vadd.f32 v3, v8  }
0x12f: {  	v62 =	vld [tilespmem:s6+$0xFFFFFF90];
	v5 =	vmul.f32 v5, v9;
	v8 =	vperm.xlane v59, v41  }
0x130: {  	v0 =	vadd.f32 v0, v2;
	v1 =	vadd.f32 v1, v3;
	v2 =	vmul.f32 v7, v9;
	v3 =	vld [tilespmem:s6+$0xFFFFFFA0]  }
0x131: {  	v7 =	vperm.xlane v59, v42;
	v9 =	vld [tilespmem:s6+$0xFFFFFFB0];
	v4 =	vmul.f32 v4, v8  }
0x132: {  	v0 =	vadd.f32 v5, v0;
	v1 =	vadd.f32 v2, v1;
	v2 =	vmul.f32 v61, v8;
	v5 =	vld [tilespmem:s6+$0xFFFFFFC0]  }
0x133: {  	v6 =	vmul.f32 v6, v7;
	v8 =	vperm.xlane v59, v37;
	v61 =	vld [tilespmem:s6+$0xFFFFFFD0]  }
0x134: {  	v0 =	vadd.f32 v4, v0;
	v1 =	vadd.f32 v2, v1;
	v2 =	vmul.f32 v62, v7;
	v4 =	vld [tilespmem:s6+$0xFFFFFFE0]  }
0x135: {  	v7 =	vperm.xlane v59, v43;
	v62 =	vld [tilespmem:s6+$0xFFFFFFF0];
	v3 =	vmul.f32 v3, v8  }
0x136: {  	v10 =	vld [tilespmem:s6+$0x0];
	v0 =	vadd.f32 v6, v0;
	v1 =	vadd.f32 v2, v1;
	v2 =	vmul.f32 v9, v8  }
0x137: {  	v63 =	vld [tilespmem:s6+$0x10];
	v8 =	vperm.xlane v59, v44;
	v5 =	vmul.f32 v5, v7  }
0x138: {  	s13 =	simm.s32 $0x10;
	v7 =	vmul.f32 v61, v7;
	v6 =	vadd.f32 v3, v0;
	v9 =	vadd.f32 v2, v1;
	v1 =	vld [tilespmem:s6+$0x20]  }
0x139: {  	v11 =	vmov s13;
	s9 =	simm.s32 $0x4B10;
	v2 =	vperm.xlane v59, v45;
	v0 =	vld [tilespmem:s6+$0x30];
	v3 =	vmul.f32 v4, v8  }
0x13a: {  	v61 =	vld [tilespmem:s9+$0x0];
	v8 =	vmul.f32 v62, v8;
	v5 =	vadd.f32 v5, v6;
	v6 =	vadd.f32 v7, v9  }
0x13b: {  	s13 =	sshll.u32 s10, $0x1;
	s12 =	simm.s32 $0x20;
	v62 =	vld [tilespmem:s6+$0x50];
	v4 =	vperm.xlane v59, v46;
	v9 =	vshll.u32 v11, $0x5;
	v7 =	vmul.f32 v10, v2  }
.LBB2_3:
0x13c: {  	p1 =	sne.s32 s12, $0x1F0;
	v3 =	vadd.f32 v3, v5;
	v5 =	vadd.f32 v8, v6;
	v2 =	vmul.f32 v63, v2;
	v6 =	vld [tilespmem:s6+$0x60]  }
0x13d: {  	v8 =	vor.u32 v29, v9;
	v9 =	vperm.xlane v59, v47;
	v1 =	vmul.f32 v1, v4;
	v10 =	vld [tilespmem:s6+$0x70]  }
0x13e: {  	v3 =	vadd.f32 v7, v3;
	v2 =	vadd.f32 v2, v5;
	v0 =	vmul.f32 v0, v4;
	v4 =	vld [tilespmem:s6+$0x80]  }
0x13f: {  	v5 =	vor.u32 $0x14, v8;
	v7 =	vmul.f32 v60, v9;
	v8 =	vperm.xlane v59, v48;
	v11 =	vld [tilespmem:s6+$0x90]  }
0x140: {  	v1 =	vadd.f32 v1, v3;
	v0 =	vadd.f32 v0, v2;
	v2 =	vmul.f32 v62, v9;
	v3 =	vld [tilespmem:s6+$0xA0]  }
0x141: {  	v9 =	vperm.xlane v59, v49;
	v6 =	vmul.f32 v6, v8;
	v60 =	vld [tilespmem:s6+$0xB0]  }
0x142: {  	v1 =	vadd.f32 v7, v1;
	v0 =	vadd.f32 v2, v0;
	v2 =	vmul.f32 v10, v8;
	v7 =	vld [tilespmem:s6+$0xD0]  }
0x143: {  	v10 =	vperm.xlane v59, v50;
	v8 =	vld.idx.msk [tilespmem:v61+s7+$0x0], $0xffff;
	v4 =	vmul.f32 v4, v9  }
0x144: {  	v1 =	vadd.f32 v6, v1;
	v0 =	vadd.f32 v2, v0;
	v2 =	vmul.f32 v11, v9;
	v6 =	vld [tilespmem:s6+$0xF0]  }
0x145: {  	v9 =	vperm.xlane v59, v51;
	s6 =	sadd.s32 $0x200, s6;
	v5 =	vld.idx.msk [tilespmem:v5+s18+$0x0], $0xffff;
	v3 =	vmul.f32 v3, v10  }
0x146: {  	v11 =	vld [tilespmem:s6+$0xE0];
	v1 =	vadd.f32 v4, v1;
	v0 =	vadd.f32 v2, v0;
	v2 =	vmul.f32 v60, v10  }
0x147: {  	v4 =	vmul.f32 v58, v9;
	v10 =	vperm.xlane v59, v52;
	v58 =	vld [tilespmem:s6+$0xC0]  }
0x148: {  	v60 =	vld [tilespmem:s6+$0x40];
	v1 =	vadd.f32 v3, v1;
	v0 =	vadd.f32 v2, v0;
	v2 =	vmul.f32 v7, v9  }
0x149: {  	v3 =	vsub.f32 $1.000000000e+00, v8;
	v8 =	vmul.f32 v57, v10;
	v7 =	vld [tilespmem:s6+$0xFFFFFF00]  }
0x14a: {  	v9 =	vld [tilespmem:s6+$0xFFFFFF10];
	v1 =	vadd.f32 v4, v1;
	v0 =	vadd.f32 v2, v0;
	v2 =	vmul.f32 v6, v10  }
0x14b: {  	v59 =	vmul.f32 v5, v3;
	v3 =	vld [tilespmem:s6+$0xFFFFFF20];
	v57 =	vmov v11  }
0x14c: {  	v4 =	vld [tilespmem:s6+$0xFFFFFF30];
	v1 =	vadd.f32 v8, v1;
	v0 =	vadd.f32 v2, v0  }
0x14d: {  	v2 =	vperm.xlane v59, v38;
	v5 =	vld [tilespmem:s6+$0xFFFFFF40]  }
0x14e: {  	v6 =	vperm.xlane v59, v39;
	v8 =	vld [tilespmem:s6+$0xFFFFFF50]  }
0x14f: {  	v7 =	vmul.f32 v7, v2;
	v2 =	vmul.f32 v9, v2;
	v9 =	vld [tilespmem:s6+$0xFFFFFF60]  }
0x150: {  	v10 =	vperm.xlane v59, v40;
	v3 =	vmul.f32 v3, v6;
	v11 =	vld [tilespmem:s6+$0xFFFFFF70]  }
0x151: {  	v1 =	vadd.f32 v7, v1;
	v0 =	vadd.f32 v2, v0;
	v2 =	vmul.f32 v4, v6;
	v4 =	vld [tilespmem:s6+$0xFFFFFF80]  }
0x152: {  	v6 =	vperm.xlane v59, v41;
	v5 =	vmul.f32 v5, v10;
	v7 =	vld [tilespmem:s6+$0xFFFFFF90]  }
0x153: {  	v1 =	vadd.f32 v3, v1;
	v0 =	vadd.f32 v2, v0;
	v2 =	vmul.f32 v8, v10;
	v3 =	vld [tilespmem:s6+$0xFFFFFFA0]  }
0x154: {  	v8 =	vmul.f32 v9, v6;
	v9 =	vperm.xlane v59, v42;
	v10 =	vld [tilespmem:s6+$0xFFFFFFB0]  }
0x155: {  	v1 =	vadd.f32 v5, v1;
	v0 =	vadd.f32 v2, v0;
	v2 =	vmul.f32 v11, v6;
	v5 =	vld [tilespmem:s6+$0xFFFFFFC0]  }
0x156: {  	v6 =	vperm.xlane v59, v37;
	v4 =	vmul.f32 v4, v9;
	v11 =	vld [tilespmem:s6+$0xFFFFFFD0]  }
0x157: {  	v1 =	vadd.f32 v8, v1;
	v0 =	vadd.f32 v2, v0;
	v2 =	vmul.f32 v7, v9;
	v7 =	vld [tilespmem:s6+$0xFFFFFFE0]  }
0x158: {  	v8 =	vperm.xlane v59, v43;
	v3 =	vmul.f32 v3, v6;
	v9 =	vld [tilespmem:s6+$0xFFFFFFF0]  }
0x159: {  	v1 =	vadd.f32 v4, v1;
	v0 =	vadd.f32 v2, v0;
	v2 =	vmul.f32 v10, v6;
	v4 =	vld [tilespmem:s6+$0x0]  }
.Ltmp0:
0x15a: {  	v10 =	vperm.xlane v59, v44;
	v5 =	vmul.f32 v5, v8;
	v63 =	vld [tilespmem:s6+$0x10];
	(pc) =	sbr.rel @p1 .LBB2_3-.Ltmp0, $4  }
0x15b: {  	v6 =	vadd.f32 v3, v1;
	v61 =	vadd.f32 v2, v0;
	v8 =	vmul.f32 v11, v8;
	v1 =	vld [tilespmem:s6+$0x20]  }
0x15c: {  	v11 =	vmov s12;
	v2 =	vperm.xlane v59, v45;
	v3 =	vmul.f32 v7, v10;
	v0 =	vld [tilespmem:s6+$0x30]  }
0x15d: {  	s9 =	sadd.s32 $0x10, s9;
	v5 =	vadd.f32 v5, v6;
	v6 =	vadd.f32 v8, v61;
	v8 =	vmul.f32 v9, v10;
	v62 =	vld [tilespmem:s6+$0x50]  }
0x15e: {  	s12 =	sadd.s32 $0x10, s12;
	v9 =	vshll.u32 v11, $0x5;
	v61 =	vld [tilespmem:s9+$0x0];
	v7 =	vmul.f32 v4, v2;
	v4 =	vperm.xlane v59, v46  }
0x15f: {  	_ =	sdelay $0x2  }
0x160: {  	v3 =	vadd.f32 v3, v5;
	v5 =	vadd.f32 v8, v6;
	v6 =	vld [tilespmem:s6+$0x60]  }
0x161: {  	v2 =	vmul.f32 v63, v2;
	v8 =	vor.u32 v29, v9;
	v9 =	vld [tilespmem:s6+$0x70];
	v10 =	vperm.xlane v59, v47  }
0x162: {  	v1 =	vmul.f32 v1, v4;
	v8 =	vor.u32 $0x14, v8;
	v3 =	vadd.f32 v7, v3;
	v7 =	vld [tilespmem:s6+$0x80]  }
0x163: {  	v2 =	vadd.f32 v2, v5;
	v0 =	vmul.f32 v0, v4;
	v4 =	vld [tilespmem:s6+$0x90]  }
0x164: {  	v11 =	vperm.xlane v59, v48;
	v5 =	vmul.f32 v60, v10;
	v1 =	vadd.f32 v1, v3;
	v3 =	vld [tilespmem:s6+$0xA0]  }
0x165: {  	v0 =	vadd.f32 v0, v2;
	v2 =	vmul.f32 v62, v10;
	v10 =	vld.idx.msk [tilespmem:v61+s7+$0x0], $0xffff  }
0x166: {  	v60 =	vperm.xlane v59, v49;
	v61 =	vld [tilespmem:s6+$0xB0];
	v6 =	vmul.f32 v6, v11;
	v1 =	vadd.f32 v5, v1  }
0x167: {  	v0 =	vadd.f32 v2, v0;
	v2 =	vmul.f32 v9, v11;
	v5 =	vld.idx.msk [tilespmem:v8+s18+$0x0], $0xffff  }
0x168: {  	v8 =	vld [tilespmem:s6+$0xD0];
	v9 =	vperm.xlane v59, v50;
	v7 =	vmul.f32 v7, v60;
	v1 =	vadd.f32 v6, v1  }
0x169: {  	v0 =	vadd.f32 v2, v0;
	v2 =	vmul.f32 v4, v60;
	v4 =	vperm.xlane v59, v51  }
0x16a: {  	s9 =	sadd.s32 $0x200, s6;
	v6 =	vld [tilespmem:s6+$0xF0];
	v3 =	vmul.f32 v3, v9;
	v1 =	vadd.f32 v7, v1;
	v7 =	vsub.f32 $1.000000000e+00, v10  }
0x16b: {  	v11 =	vperm.xlane v59, v52;
	v0 =	vadd.f32 v2, v0;
	v2 =	vmul.f32 v61, v9;
	v10 =	vld [tilespmem:s9+$0xFFFFFF00]  }
0x16c: {  	v9 =	vmul.f32 v58, v4;
	v1 =	vadd.f32 v3, v1;
	v3 =	vld [tilespmem:s9+$0xFFFFFF10];
	v5 =	vmul.f32 v5, v7  }
0x16d: {  	v0 =	vadd.f32 v2, v0;
	v2 =	vmul.f32 v8, v4;
	v4 =	vld [tilespmem:s9+$0xFFFFFF20]  }
0x16e: {  	v7 =	vmul.f32 v57, v11;
	v8 =	vld [tilespmem:s9+$0xFFFFFF30];
	v1 =	vadd.f32 v9, v1;
	v9 =	vperm.xlane v5, v38  }
0x16f: {  	v0 =	vadd.f32 v2, v0;
	v2 =	vmul.f32 v6, v11;
	v6 =	vld [tilespmem:s9+$0xFFFFFF40]  }
0x170: {  	v11 =	vld [tilespmem:s9+$0xFFFFFF50];
	v1 =	vadd.f32 v7, v1;
	v7 =	vperm.xlane v5, v39;
	v10 =	vmul.f32 v10, v9  }
0x171: {  	v0 =	vadd.f32 v2, v0;
	v2 =	vmul.f32 v3, v9;
	v3 =	vld [tilespmem:s9+$0xFFFFFF60]  }
0x172: {  	v63 =	vld [tilespmem:s9+$0xFFFFFF70];
	v9 =	vperm.xlane v5, v40;
	v4 =	vmul.f32 v4, v7;
	v1 =	vadd.f32 v10, v1  }
0x173: {  	v0 =	vadd.f32 v2, v0;
	v2 =	vmul.f32 v8, v7;
	v7 =	vld [tilespmem:s9+$0xFFFFFF80]  }
0x174: {  	v10 =	vld [tilespmem:s9+$0xFFFFFF90];
	v6 =	vmul.f32 v6, v9;
	v8 =	vperm.xlane v5, v41;
	v1 =	vadd.f32 v4, v1  }
0x175: {  	v4 =	vld [tilespmem:s9+$0xFFFFFFA0];
	v0 =	vadd.f32 v2, v0;
	v2 =	vmul.f32 v11, v9  }
0x176: {  	v9 =	vperm.xlane v5, v42;
	v11 =	vld [tilespmem:s9+$0xFFFFFFB0];
	v3 =	vmul.f32 v3, v8;
	v1 =	vadd.f32 v6, v1  }
0x177: {  	v6 =	vld [tilespmem:s9+$0xFFFFFFC0];
	v0 =	vadd.f32 v2, v0;
	v2 =	vmul.f32 v63, v8  }
0x178: {  	v60 =	vld [tilespmem:s9+$0xFFFFFFD0];
	v8 =	vperm.xlane v5, v37;
	v7 =	vmul.f32 v7, v9;
	v1 =	vadd.f32 v3, v1  }
0x179: {  	v3 =	vld [tilespmem:s9+$0xFFFFFFE0];
	v0 =	vadd.f32 v2, v0;
	v2 =	vmul.f32 v10, v9  }
0x17a: {  	v4 =	vmul.f32 v4, v8;
	v9 =	vperm.xlane v5, v43;
	v10 =	vld [tilespmem:s9+$0xFFFFFFF0];
	v1 =	vadd.f32 v7, v1  }
0x17b: {  	v7 =	vld [tilespmem:s9+$0x0];
	v0 =	vadd.f32 v2, v0;
	v2 =	vmul.f32 v11, v8  }
0x17c: {  	v6 =	vmul.f32 v6, v9;
	v8 =	vperm.xlane v5, v44;
	v11 =	vld [tilespmem:s9+$0x10];
	v1 =	vadd.f32 v4, v1  }
0x17d: {  	v4 =	vld [tilespmem:s9+$0x20];
	v0 =	vadd.f32 v2, v0;
	v2 =	vmul.f32 v60, v9  }
0x17e: {  	v61 =	vld [tilespmem:s9+$0x30];
	v3 =	vmul.f32 v3, v8;
	v9 =	vperm.xlane v5, v45;
	v1 =	vadd.f32 v6, v1  }
0x17f: {  	v6 =	vld [tilespmem:s9+$0x40];
	v0 =	vadd.f32 v2, v0;
	v2 =	vmul.f32 v10, v8  }
0x180: {  	v8 =	vld [tilespmem:s9+$0x50];
	v7 =	vmul.f32 v7, v9;
	v10 =	vperm.xlane v5, v46;
	v1 =	vadd.f32 v3, v1  }
0x181: {  	v3 =	vld [tilespmem:s9+$0x60];
	v0 =	vadd.f32 v2, v0;
	v2 =	vmul.f32 v11, v9  }
0x182: {  	v4 =	vmul.f32 v4, v10;
	v9 =	vperm.xlane v5, v47;
	v11 =	vld [tilespmem:s9+$0x70];
	v1 =	vadd.f32 v7, v1  }
0x183: {  	v7 =	vld [tilespmem:s9+$0x80];
	v0 =	vadd.f32 v2, v0;
	v2 =	vmul.f32 v61, v10  }
0x184: {  	v62 =	vld [tilespmem:s9+$0x90];
	v6 =	vmul.f32 v6, v9;
	v10 =	vperm.xlane v5, v48;
	v1 =	vadd.f32 v4, v1  }
0x185: {  	v4 =	vld [tilespmem:s9+$0xA0];
	v0 =	vadd.f32 v2, v0;
	v2 =	vmul.f32 v8, v9  }
0x186: {  	v3 =	vmul.f32 v3, v10;
	v8 =	vperm.xlane v5, v49;
	v9 =	vld [tilespmem:s9+$0xB0];
	v1 =	vadd.f32 v6, v1  }
0x187: {  	v6 =	vld [tilespmem:s9+$0xC0];
	v0 =	vadd.f32 v2, v0;
	v2 =	vmul.f32 v11, v10  }
0x188: {  	v10 =	vld [tilespmem:s9+$0xD0];
	v7 =	vmul.f32 v7, v8;
	v11 =	vperm.xlane v5, v50;
	v1 =	vadd.f32 v3, v1  }
0x189: {  	v3 =	vld [tilespmem:s9+$0xE0];
	v0 =	vadd.f32 v2, v0;
	v2 =	vmul.f32 v62, v8  }
0x18a: {  	v63 =	vperm.xlane v5, v51;
	v8 =	vld [tilespmem:s9+$0xF0];
	v4 =	vmul.f32 v4, v11;
	v1 =	vadd.f32 v7, v1  }
0x18b: {  	v7 =	vld [tilespmem:$0x8D40];
	v0 =	vadd.f32 v2, v0;
	v2 =	vmul.f32 v9, v11  }
0x18c: {  	v5 =	vperm.xlane v5, v52;
	v6 =	vmul.f32 v6, v63;
	v1 =	vadd.f32 v4, v1;
	v4 =	vld [tilespmem:$0x8D50]  }
0x18d: {  	v9 =	vld [tilespmem:$0x8D60];
	v0 =	vadd.f32 v2, v0;
	v2 =	vmul.f32 v10, v63  }
0x18e: {  	v3 =	vmul.f32 v3, v5;
	v10 =	vld [tilespmem:$0x8D70];
	v1 =	vadd.f32 v6, v1;
	v6 =	vperm.xlane v56, v38  }
0x18f: {  	v0 =	vadd.f32 v2, v0;
	v2 =	vmul.f32 v8, v5;
	v5 =	vld [tilespmem:$0x8D80]  }
0x190: {  	v8 =	vld [tilespmem:$0x8D90];
	v1 =	vadd.f32 v3, v1;
	v3 =	vmul.f32 v7, v6;
	v7 =	vperm.xlane v56, v39  }
0x191: {  	v0 =	vadd.f32 v2, v0;
	v2 =	vmul.f32 v4, v6;
	v4 =	vld [tilespmem:$0x8DA0]  }
0x192: {  	v6 =	vperm.xlane v56, v40;
	v1 =	vadd.f32 v3, v1;
	v3 =	vmul.f32 v9, v7;
	v9 =	vld [tilespmem:$0x8DB0]  }
0x193: {  	v0 =	vadd.f32 v2, v0;
	v2 =	vmul.f32 v10, v7;
	v7 =	vld [tilespmem:$0x8DC0]  }
0x194: {  	v10 =	vld [tilespmem:$0x8DD0];
	v1 =	vadd.f32 v3, v1;
	v3 =	vmul.f32 v5, v6;
	v5 =	vperm.xlane v56, v41  }
0x195: {  	v0 =	vadd.f32 v2, v0;
	v2 =	vmul.f32 v8, v6;
	v6 =	vld [tilespmem:$0x8DE0]  }
0x196: {  	v8 =	vld [tilespmem:$0x8DF0];
	v1 =	vadd.f32 v3, v1;
	v3 =	vmul.f32 v4, v5;
	v4 =	vperm.xlane v56, v42  }
0x197: {  	v0 =	vadd.f32 v2, v0;
	v2 =	vmul.f32 v9, v5;
	v5 =	vld [tilespmem:$0x8E00]  }
0x198: {  	v9 =	vld [tilespmem:$0x8E10];
	v1 =	vadd.f32 v3, v1;
	v3 =	vmul.f32 v7, v4;
	v7 =	vperm.xlane v56, v37  }
0x199: {  	v0 =	vadd.f32 v2, v0;
	v2 =	vmul.f32 v10, v4;
	v4 =	vld [tilespmem:$0x8E20]  }
0x19a: {  	v10 =	vld [tilespmem:$0x8E30];
	v1 =	vadd.f32 v3, v1;
	v3 =	vmul.f32 v6, v7;
	v6 =	vperm.xlane v56, v43  }
0x19b: {  	v0 =	vadd.f32 v2, v0;
	v2 =	vmul.f32 v8, v7;
	v7 =	vld [tilespmem:$0x8E40]  }
0x19c: {  	v8 =	vld [tilespmem:$0x8E50];
	v1 =	vadd.f32 v3, v1;
	v3 =	vmul.f32 v5, v6;
	v5 =	vperm.xlane v56, v44  }
0x19d: {  	v0 =	vadd.f32 v2, v0;
	v2 =	vmul.f32 v9, v6;
	v6 =	vld [tilespmem:$0x8E60]  }
0x19e: {  	v9 =	vld [tilespmem:$0x8E70];
	v1 =	vadd.f32 v3, v1;
	v3 =	vmul.f32 v4, v5;
	v4 =	vperm.xlane v56, v45  }
0x19f: {  	v0 =	vadd.f32 v2, v0;
	v2 =	vmul.f32 v10, v5;
	v5 =	vld [tilespmem:$0x8E80]  }
0x1a0: {  	v10 =	vld [tilespmem:$0x8E90];
	v1 =	vadd.f32 v3, v1;
	v3 =	vmul.f32 v7, v4;
	v7 =	vperm.xlane v56, v46  }
0x1a1: {  	v0 =	vadd.f32 v2, v0;
	v2 =	vmul.f32 v8, v4;
	v4 =	vld [tilespmem:$0x8EA0]  }
0x1a2: {  	v8 =	vld [tilespmem:$0x8EB0];
	v1 =	vadd.f32 v3, v1;
	v3 =	vmul.f32 v6, v7;
	v6 =	vperm.xlane v56, v47  }
0x1a3: {  	v0 =	vadd.f32 v2, v0;
	v2 =	vmul.f32 v9, v7;
	v7 =	vld [tilespmem:$0x8EC0]  }
0x1a4: {  	v9 =	vld [tilespmem:$0x8ED0];
	v1 =	vadd.f32 v3, v1;
	v3 =	vmul.f32 v5, v6;
	v5 =	vperm.xlane v56, v48  }
0x1a5: {  	v0 =	vadd.f32 v2, v0;
	v2 =	vmul.f32 v10, v6;
	v6 =	vld [tilespmem:$0x8EE0]  }
0x1a6: {  	v10 =	vld [tilespmem:$0x8EF0];
	v1 =	vadd.f32 v3, v1;
	v3 =	vmul.f32 v4, v5;
	v4 =	vperm.xlane v56, v49  }
0x1a7: {  	v0 =	vadd.f32 v2, v0;
	v2 =	vmul.f32 v8, v5;
	v5 =	vld [tilespmem:$0x8F00]  }
0x1a8: {  	v8 =	vld [tilespmem:$0x8F10];
	v1 =	vadd.f32 v3, v1;
	v3 =	vmul.f32 v7, v4;
	v7 =	vperm.xlane v56, v50  }
0x1a9: {  	v0 =	vadd.f32 v2, v0;
	v2 =	vmul.f32 v9, v4;
	v4 =	vld [tilespmem:$0x8F20]  }
0x1aa: {  	v9 =	vld [tilespmem:$0x8F30];
	v1 =	vadd.f32 v3, v1;
	v3 =	vmul.f32 v6, v7;
	v6 =	vperm.xlane v56, v51  }
0x1ab: {  	v0 =	vadd.f32 v2, v0;
	v2 =	vmul.f32 v10, v7;
	v7 =	vld [tilespmem:$0x8F40]  }
0x1ac: {  	v10 =	vld [tilespmem:$0x8F50];
	v1 =	vadd.f32 v3, v1;
	v3 =	vmul.f32 v5, v6;
	v5 =	vperm.xlane v56, v52  }
0x1ad: {  	v0 =	vadd.f32 v2, v0;
	v2 =	vmul.f32 v8, v6;
	v6 =	vld [tilespmem:$0x8F60]  }
0x1ae: {  	v8 =	vld [tilespmem:$0x8F70];
	v1 =	vadd.f32 v3, v1;
	v3 =	vmul.f32 v4, v5;
	v4 =	vperm.xlane v55, v38  }
0x1af: {  	v0 =	vadd.f32 v2, v0;
	v2 =	vmul.f32 v9, v5;
	v5 =	vld [tilespmem:$0x8F80]  }
0x1b0: {  	v9 =	vld [tilespmem:$0x8F90];
	v1 =	vadd.f32 v3, v1;
	v3 =	vmul.f32 v7, v4;
	v7 =	vperm.xlane v55, v39  }
0x1b1: {  	v0 =	vadd.f32 v2, v0;
	v2 =	vmul.f32 v10, v4;
	v4 =	vld [tilespmem:$0x8FA0]  }
0x1b2: {  	v10 =	vld [tilespmem:$0x8FB0];
	v1 =	vadd.f32 v3, v1;
	v3 =	vmul.f32 v6, v7;
	v6 =	vperm.xlane v55, v40  }
0x1b3: {  	v0 =	vadd.f32 v2, v0;
	v2 =	vmul.f32 v8, v7;
	v7 =	vld [tilespmem:$0x8FC0]  }
0x1b4: {  	v8 =	vld [tilespmem:$0x8FD0];
	v1 =	vadd.f32 v3, v1;
	v3 =	vmul.f32 v5, v6;
	v5 =	vperm.xlane v55, v41  }
0x1b5: {  	v0 =	vadd.f32 v2, v0;
	v2 =	vmul.f32 v9, v6;
	v6 =	vld [tilespmem:$0x8FE0]  }
0x1b6: {  	v9 =	vld [tilespmem:$0x8FF0];
	v1 =	vadd.f32 v3, v1;
	v3 =	vmul.f32 v4, v5;
	v4 =	vperm.xlane v55, v42  }
0x1b7: {  	v0 =	vadd.f32 v2, v0;
	v2 =	vmul.f32 v10, v5;
	v5 =	vld [tilespmem:$0x9000]  }
0x1b8: {  	v10 =	vld [tilespmem:$0x9010];
	v1 =	vadd.f32 v3, v1;
	v3 =	vmul.f32 v7, v4;
	v7 =	vperm.xlane v55, v37  }
0x1b9: {  	v0 =	vadd.f32 v2, v0;
	v2 =	vmul.f32 v8, v4;
	v4 =	vld [tilespmem:$0x9020]  }
0x1ba: {  	v8 =	vld [tilespmem:$0x9030];
	v1 =	vadd.f32 v3, v1;
	v3 =	vmul.f32 v6, v7;
	v6 =	vperm.xlane v55, v43  }
0x1bb: {  	v0 =	vadd.f32 v2, v0;
	v2 =	vmul.f32 v9, v7;
	v7 =	vld [tilespmem:$0x9040]  }
0x1bc: {  	v9 =	vld [tilespmem:$0x9050];
	v1 =	vadd.f32 v3, v1;
	v3 =	vmul.f32 v5, v6;
	v5 =	vperm.xlane v55, v44  }
0x1bd: {  	v0 =	vadd.f32 v2, v0;
	v2 =	vmul.f32 v10, v6;
	v6 =	vld [tilespmem:$0x9060]  }
0x1be: {  	v10 =	vld [tilespmem:$0x9070];
	v1 =	vadd.f32 v3, v1;
	v3 =	vmul.f32 v4, v5;
	v4 =	vperm.xlane v55, v45  }
0x1bf: {  	v0 =	vadd.f32 v2, v0;
	v2 =	vmul.f32 v8, v5;
	v5 =	vld [tilespmem:$0x9080]  }
0x1c0: {  	v8 =	vld [tilespmem:$0x9090];
	v1 =	vadd.f32 v3, v1;
	v3 =	vmul.f32 v7, v4;
	v7 =	vperm.xlane v55, v46  }
0x1c1: {  	v0 =	vadd.f32 v2, v0;
	v2 =	vmul.f32 v9, v4;
	v4 =	vld [tilespmem:$0x90A0]  }
0x1c2: {  	v9 =	vld [tilespmem:$0x90B0];
	v1 =	vadd.f32 v3, v1;
	v3 =	vmul.f32 v6, v7;
	v6 =	vperm.xlane v55, v47  }
0x1c3: {  	v0 =	vadd.f32 v2, v0;
	v2 =	vmul.f32 v10, v7;
	v7 =	vld [tilespmem:$0x90C0]  }
0x1c4: {  	v10 =	vld [tilespmem:$0x90D0];
	v1 =	vadd.f32 v3, v1;
	v3 =	vmul.f32 v5, v6;
	v5 =	vperm.xlane v55, v48  }
0x1c5: {  	v0 =	vadd.f32 v2, v0;
	v2 =	vmul.f32 v8, v6;
	v6 =	vld [tilespmem:$0x90E0]  }
0x1c6: {  	v8 =	vld [tilespmem:$0x90F0];
	v1 =	vadd.f32 v3, v1;
	v3 =	vmul.f32 v4, v5;
	v4 =	vperm.xlane v55, v49  }
0x1c7: {  	v0 =	vadd.f32 v2, v0;
	v2 =	vmul.f32 v9, v5;
	v5 =	vld [tilespmem:$0x9100]  }
0x1c8: {  	v9 =	vld [tilespmem:$0x9110];
	v1 =	vadd.f32 v3, v1;
	v3 =	vmul.f32 v7, v4;
	v7 =	vperm.xlane v55, v50  }
0x1c9: {  	v0 =	vadd.f32 v2, v0;
	v2 =	vmul.f32 v10, v4;
	v4 =	vld [tilespmem:$0x9120]  }
0x1ca: {  	v10 =	vld [tilespmem:$0x9130];
	v1 =	vadd.f32 v3, v1;
	v3 =	vmul.f32 v6, v7;
	v6 =	vperm.xlane v55, v51  }
0x1cb: {  	v0 =	vadd.f32 v2, v0;
	v2 =	vmul.f32 v8, v7;
	v7 =	vld [tilespmem:$0x9140]  }
0x1cc: {  	v8 =	vld [tilespmem:$0x9150];
	v1 =	vadd.f32 v3, v1;
	v3 =	vmul.f32 v5, v6;
	v5 =	vperm.xlane v55, v52  }
0x1cd: {  	v0 =	vadd.f32 v2, v0;
	v2 =	vmul.f32 v9, v6;
	v6 =	vld [tilespmem:$0x9160]  }
0x1ce: {  	v9 =	vld [tilespmem:$0x9170];
	v1 =	vadd.f32 v3, v1;
	v3 =	vmul.f32 v4, v5;
	v4 =	vperm.xlane v54, v38  }
0x1cf: {  	v0 =	vadd.f32 v2, v0;
	v2 =	vmul.f32 v10, v5;
	v5 =	vld [tilespmem:$0x9180]  }
0x1d0: {  	v10 =	vld [tilespmem:$0x9190];
	v1 =	vadd.f32 v3, v1;
	v3 =	vmul.f32 v7, v4;
	v7 =	vperm.xlane v54, v39  }
0x1d1: {  	v0 =	vadd.f32 v2, v0;
	v2 =	vmul.f32 v8, v4;
	v4 =	vld [tilespmem:$0x91A0]  }
0x1d2: {  	v8 =	vld [tilespmem:$0x91B0];
	v1 =	vadd.f32 v3, v1;
	v3 =	vmul.f32 v6, v7;
	v6 =	vperm.xlane v54, v40  }
0x1d3: {  	v0 =	vadd.f32 v2, v0;
	v2 =	vmul.f32 v9, v7;
	v7 =	vld [tilespmem:$0x91C0]  }
0x1d4: {  	v9 =	vld [tilespmem:$0x91D0];
	v1 =	vadd.f32 v3, v1;
	v3 =	vmul.f32 v5, v6;
	v5 =	vperm.xlane v54, v41  }
0x1d5: {  	v0 =	vadd.f32 v2, v0;
	v2 =	vmul.f32 v10, v6;
	v6 =	vld [tilespmem:$0x91E0]  }
0x1d6: {  	v10 =	vld [tilespmem:$0x91F0];
	v1 =	vadd.f32 v3, v1;
	v3 =	vmul.f32 v4, v5;
	v4 =	vperm.xlane v54, v42  }
0x1d7: {  	v0 =	vadd.f32 v2, v0;
	v2 =	vmul.f32 v8, v5;
	v5 =	vld [tilespmem:$0x9200]  }
0x1d8: {  	v8 =	vld [tilespmem:$0x9210];
	v1 =	vadd.f32 v3, v1;
	v3 =	vmul.f32 v7, v4;
	v7 =	vperm.xlane v54, v37  }
0x1d9: {  	v0 =	vadd.f32 v2, v0;
	v2 =	vmul.f32 v9, v4;
	v4 =	vld [tilespmem:$0x9220]  }
0x1da: {  	v9 =	vld [tilespmem:$0x9230];
	v1 =	vadd.f32 v3, v1;
	v3 =	vmul.f32 v6, v7;
	v6 =	vperm.xlane v54, v43  }
0x1db: {  	v0 =	vadd.f32 v2, v0;
	v2 =	vmul.f32 v10, v7;
	v7 =	vld [tilespmem:$0x9240]  }
0x1dc: {  	v10 =	vld [tilespmem:$0x9250];
	v1 =	vadd.f32 v3, v1;
	v3 =	vmul.f32 v5, v6;
	v5 =	vperm.xlane v54, v44  }
0x1dd: {  	v0 =	vadd.f32 v2, v0;
	v2 =	vmul.f32 v8, v6;
	v6 =	vld [tilespmem:$0x9260]  }
0x1de: {  	v8 =	vld [tilespmem:$0x9270];
	v1 =	vadd.f32 v3, v1;
	v3 =	vmul.f32 v4, v5;
	v4 =	vperm.xlane v54, v45  }
0x1df: {  	v0 =	vadd.f32 v2, v0;
	v2 =	vmul.f32 v9, v5;
	v5 =	vld [tilespmem:$0x9280]  }
0x1e0: {  	v9 =	vld [tilespmem:$0x9290];
	v1 =	vadd.f32 v3, v1;
	v3 =	vmul.f32 v7, v4;
	v7 =	vperm.xlane v54, v46  }
0x1e1: {  	v0 =	vadd.f32 v2, v0;
	v2 =	vmul.f32 v10, v4;
	v4 =	vld [tilespmem:$0x92A0]  }
0x1e2: {  	v10 =	vld [tilespmem:$0x92B0];
	v1 =	vadd.f32 v3, v1;
	v3 =	vmul.f32 v6, v7;
	v6 =	vperm.xlane v54, v47  }
0x1e3: {  	v0 =	vadd.f32 v2, v0;
	v2 =	vmul.f32 v8, v7;
	v7 =	vld [tilespmem:$0x92C0]  }
0x1e4: {  	v8 =	vld [tilespmem:$0x92D0];
	v1 =	vadd.f32 v3, v1;
	v3 =	vmul.f32 v5, v6;
	v5 =	vperm.xlane v54, v48  }
0x1e5: {  	v0 =	vadd.f32 v2, v0;
	v2 =	vmul.f32 v9, v6;
	v6 =	vld [tilespmem:$0x92E0]  }
0x1e6: {  	v9 =	vld [tilespmem:$0x92F0];
	v1 =	vadd.f32 v3, v1;
	v3 =	vmul.f32 v4, v5;
	v4 =	vperm.xlane v54, v49  }
0x1e7: {  	v0 =	vadd.f32 v2, v0;
	v2 =	vmul.f32 v10, v5;
	v5 =	vld [tilespmem:$0x9300]  }
0x1e8: {  	v10 =	vld [tilespmem:$0x9310];
	v1 =	vadd.f32 v3, v1;
	v3 =	vmul.f32 v7, v4;
	v7 =	vperm.xlane v54, v50  }
0x1e9: {  	v0 =	vadd.f32 v2, v0;
	v2 =	vmul.f32 v8, v4;
	v4 =	vld [tilespmem:$0x9320]  }
0x1ea: {  	v8 =	vld [tilespmem:$0x9330];
	v1 =	vadd.f32 v3, v1;
	v3 =	vmul.f32 v6, v7;
	v6 =	vperm.xlane v54, v51  }
0x1eb: {  	v0 =	vadd.f32 v2, v0;
	v2 =	vmul.f32 v9, v7;
	v7 =	vld [tilespmem:$0x9340]  }
0x1ec: {  	v9 =	vld [tilespmem:$0x9350];
	v1 =	vadd.f32 v3, v1;
	v3 =	vmul.f32 v5, v6;
	v5 =	vperm.xlane v54, v52  }
0x1ed: {  	v0 =	vadd.f32 v2, v0;
	v2 =	vmul.f32 v10, v6;
	v6 =	vld [tilespmem:$0x9360]  }
0x1ee: {  	v10 =	vld [tilespmem:$0x9370];
	v1 =	vadd.f32 v3, v1;
	v3 =	vmul.f32 v4, v5;
	v4 =	vperm.xlane v53, v38  }
0x1ef: {  	v0 =	vadd.f32 v2, v0;
	v2 =	vmul.f32 v8, v5;
	v5 =	vld [tilespmem:$0x9380]  }
0x1f0: {  	v8 =	vld [tilespmem:$0x9390];
	v1 =	vadd.f32 v3, v1;
	v3 =	vmul.f32 v7, v4;
	v7 =	vperm.xlane v53, v39  }
0x1f1: {  	v0 =	vadd.f32 v2, v0;
	v2 =	vmul.f32 v9, v4;
	v4 =	vld [tilespmem:$0x93A0]  }
0x1f2: {  	v9 =	vld [tilespmem:$0x93B0];
	v1 =	vadd.f32 v3, v1;
	v3 =	vmul.f32 v6, v7;
	v6 =	vperm.xlane v53, v40  }
0x1f3: {  	v0 =	vadd.f32 v2, v0;
	v2 =	vmul.f32 v10, v7;
	v7 =	vld [tilespmem:$0x93C0]  }
0x1f4: {  	v10 =	vld [tilespmem:$0x93D0];
	v1 =	vadd.f32 v3, v1;
	v3 =	vmul.f32 v5, v6;
	v5 =	vperm.xlane v53, v41  }
0x1f5: {  	v0 =	vadd.f32 v2, v0;
	v2 =	vmul.f32 v8, v6;
	v6 =	vld [tilespmem:$0x93E0]  }
0x1f6: {  	v8 =	vld [tilespmem:$0x93F0];
	v1 =	vadd.f32 v3, v1;
	v3 =	vmul.f32 v4, v5;
	v4 =	vperm.xlane v53, v42  }
0x1f7: {  	v0 =	vadd.f32 v2, v0;
	v2 =	vmul.f32 v9, v5;
	v5 =	vld [tilespmem:$0x9400]  }
0x1f8: {  	v9 =	vld [tilespmem:$0x9410];
	v1 =	vadd.f32 v3, v1;
	v3 =	vmul.f32 v7, v4;
	v7 =	vperm.xlane v53, v37  }
0x1f9: {  	v0 =	vadd.f32 v2, v0;
	v2 =	vmul.f32 v10, v4;
	v4 =	vld [tilespmem:$0x9420]  }
0x1fa: {  	v10 =	vld [tilespmem:$0x9430];
	v1 =	vadd.f32 v3, v1;
	v3 =	vmul.f32 v6, v7;
	v6 =	vperm.xlane v53, v43  }
0x1fb: {  	v0 =	vadd.f32 v2, v0;
	v2 =	vmul.f32 v8, v7;
	v7 =	vld [tilespmem:$0x9440]  }
0x1fc: {  	v8 =	vld [tilespmem:$0x9450];
	v1 =	vadd.f32 v3, v1;
	v3 =	vmul.f32 v5, v6;
	v5 =	vperm.xlane v53, v44  }
0x1fd: {  	v0 =	vadd.f32 v2, v0;
	v2 =	vmul.f32 v9, v6;
	v6 =	vld [tilespmem:$0x9460]  }
0x1fe: {  	v9 =	vld [tilespmem:$0x9470];
	v1 =	vadd.f32 v3, v1;
	v3 =	vmul.f32 v4, v5;
	v4 =	vperm.xlane v53, v45  }
0x1ff: {  	v0 =	vadd.f32 v2, v0;
	v2 =	vmul.f32 v10, v5;
	v5 =	vld [tilespmem:$0x9480]  }
0x200: {  	v10 =	vld [tilespmem:$0x9490];
	v1 =	vadd.f32 v3, v1;
	v3 =	vmul.f32 v7, v4;
	v7 =	vperm.xlane v53, v46  }
0x201: {  	v0 =	vadd.f32 v2, v0;
	v2 =	vmul.f32 v8, v4;
	v4 =	vld [tilespmem:$0x94A0]  }
0x202: {  	v8 =	vld [tilespmem:$0x94B0];
	v1 =	vadd.f32 v3, v1;
	v3 =	vmul.f32 v6, v7;
	v6 =	vperm.xlane v53, v47  }
0x203: {  	v0 =	vadd.f32 v2, v0;
	v2 =	vmul.f32 v9, v7;
	v7 =	vld [tilespmem:$0x94C0]  }
0x204: {  	v9 =	vld [tilespmem:$0x94D0];
	v1 =	vadd.f32 v3, v1;
	v3 =	vmul.f32 v5, v6;
	v5 =	vperm.xlane v53, v48  }
0x205: {  	v0 =	vadd.f32 v2, v0;
	v2 =	vmul.f32 v10, v6;
	v6 =	vld [tilespmem:$0x94E0]  }
0x206: {  	v10 =	vld [tilespmem:$0x94F0];
	v1 =	vadd.f32 v3, v1;
	v3 =	vmul.f32 v4, v5;
	v4 =	vperm.xlane v53, v49  }
0x207: {  	v0 =	vadd.f32 v2, v0;
	v2 =	vmul.f32 v8, v5;
	v5 =	vld [tilespmem:$0x9500]  }
0x208: {  	v8 =	vld [tilespmem:$0x9510];
	v1 =	vadd.f32 v3, v1;
	v3 =	vmul.f32 v7, v4;
	v7 =	vperm.xlane v53, v50  }
0x209: {  	v0 =	vadd.f32 v2, v0;
	v2 =	vmul.f32 v9, v4;
	v4 =	vld [tilespmem:$0x9520]  }
0x20a: {  	v9 =	vld [tilespmem:$0x9530];
	v1 =	vadd.f32 v3, v1;
	v3 =	vmul.f32 v6, v7;
	v6 =	vperm.xlane v53, v51  }
0x20b: {  	v0 =	vadd.f32 v2, v0;
	v2 =	vmul.f32 v10, v7  }
0x20c: {  	v1 =	vadd.f32 v3, v1;
	v3 =	vmul.f32 v5, v6  }
0x20d: {  	v5 =	vperm.xlane v53, v52;
	v0 =	vadd.f32 v2, v0;
	v2 =	vmul.f32 v8, v6  }
0x20e: {  	v1 =	vadd.f32 v3, v1  }
0x20f: {  	v3 =	vmul.f32 v9, v5;
	v0 =	vadd.f32 v2, v0;
	v2 =	vmul.f32 v4, v5;
	_ =	sdelay $0x1  }
0x210: {  	v1 =	vadd.f32 v2, v1;
	v0 =	vadd.f32 v3, v0;
	_ =	sdelay $0x1  }
0x211: {  	v1 =	vmax.f32 v1, $0.0e+00;
	v0 =	vmax.f32 v0, $0.0e+00  }
0x212: {  	v2 =	vnsel vm0, $0xC1F00000, v0;
	(xrf0) =	vmax.scan.msk.f32 $0xffff, v1  }
0x213: {  	(xrf0) =	vmax.scan.msk.f32 $0xffff, v2;
	_ =	sdelay $0x4  }
0x214: {  	v2, _, _ =	vpop (xrf0)  }
0x215: {  	(v2sf) =	vpush v2, $0xF;
	v2, _, _ =	vpop (xrf0)  }
0x216: {  	(v2sf) =	vpush v2, $0xF;
	_ =	sdelay $0xd  }
0x217: {  	s12 =	spop (v2sf)  }
0x218: {  	s9 =	spop (v2sf)  }
0x219: {  	s6 =	smax.f32 s12, s9  }
0x21a: {  	v2 =	vmov s6  }
0x21b: {  	v1 =	vsub.f32 v1, v2  }
0x21c: {  	v0 =	vsub.f32 v0, v2  }
0x21d: {  	v1 =	vmul.f32 $1.442695020e+00, v1  }
0x21e: {  	v0 =	vmul.f32 $1.442695020e+00, v0  }
0x21f: {  	(erf) = vpow2.f32 v1  }
0x220: {  	(erf) = vpow2.f32 v0;
	_ =	sdelay $0x7  }
0x221: {  	v0 =	vpop (erf)  }
0x222: {  	v1 =	vpop (erf)  }
0x223: {  	(xrf2) =	vadd.scan.msk.f32 $0xffff, v0;
	v1 =	vnsel vm0, $0x0, v1  }
0x224: {  	(xrf2) =	vadd.scan.msk.f32 $0xffff, v1;
	_ =	sdelay $0x8  }
0x225: {  	v2, _, _ =	vpop (xrf2)  }
0x226: {  	(v2sf) =	vpush v2, $0xF;
	v2, _, _ =	vpop (xrf2)  }
0x227: {  	(v2sf) =	vpush v2, $0xF;
	_ =	sdelay $0xd  }
0x228: {  	s9 =	spop (v2sf)  }
0x229: {  	s12 =	spop (v2sf)  }
0x22a: {  	s6 =	sadd.f32 s12, s9;
	_ =	sdelay $0x1  }
0x22b: {  	v2 =	vmov s6  }
0x22c: {  	(erf) = vrcp.f32 v2;
	_ =	sdelay $0x3  }
0x22d: {  	s9 =	smin.u32 s13, $0x1D  }
0x22e: {  	s9 =	sadd.s32 $0x2, s9  }
0x22f: {  	v2 =	vmov s9  }
0x230: {  	v2 =	vmul.u32 $0x1F8, v2;
	_ =	sdelay $0x1  }
0x231: {  	v2 =	vbroadcast v2, $0x0;
	v3 =	vpop (erf)  }
0x232: {  	s12 =	sshll.u32 s10, $0x6;
	v1 =	vmul.f32 v3, v1  }
0x233: {  	s6 =	sand.u32 $0x3FFFFFC0, s12;
	v4 =	vadd.s32 v12, v2  }
0x234: {  	[tilespmem:s6+$0xDD50] =	vst v1;
	v1 =	vld [tilespmem:$0x1FF40]  }
0x235: {  	v0 =	vmul.f32 v3, v0;
	_ =	sdelay $0x1  }
0x236: {  	s13 =	simm.s32 $0x0;
	[tilespmem:s6+$0xDD40] =	vst v0  }
0x237: {  	v0 =	vld.idx.msk [tilespmem:v4+s13+$0x0], $0xffff  }
0x238: {  	v1 =	vadd.s32 v1, v2;
	_ =	sdelay $0x3  }
0x239: {  	[tilespmem:$0x3F00] =	vst v0  }
0x23a: {  	v0 =	vld.idx.msk [tilespmem:v1+s13+$0x0], $0xffff  }
0x23b: {  	v1 =	vld [tilespmem:$0x1FF50];
	_ =	sdelay $0x4  }
0x23c: {  	v1 =	vadd.s32 v1, v2;
	_ =	sdelay $0x3  }
0x23d: {  	[tilespmem:$0x3F10] =	vst v0  }
0x23e: {  	v0 =	vld.idx.msk [tilespmem:v1+s13+$0x0], $0xffff  }
0x23f: {  	v1 =	vld [tilespmem:$0x1FF60];
	_ =	sdelay $0x4  }
0x240: {  	v1 =	vadd.s32 v1, v2;
	_ =	sdelay $0x3  }
0x241: {  	[tilespmem:$0x3F20] =	vst v0  }
0x242: {  	v0 =	vld.idx.msk [tilespmem:v1+s13+$0x0], $0xffff  }
0x243: {  	v1 =	vld [tilespmem:$0x1FF70];
	_ =	sdelay $0x4  }
0x244: {  	v1 =	vadd.s32 v1, v2;
	_ =	sdelay $0x3  }
0x245: {  	[tilespmem:$0x3F30] =	vst v0  }
0x246: {  	v0 =	vld.idx.msk [tilespmem:v1+s13+$0x0], $0xffff  }
0x247: {  	v1 =	vld [tilespmem:$0x1FF80];
	_ =	sdelay $0x4  }
0x248: {  	v1 =	vadd.s32 v1, v2;
	_ =	sdelay $0x3  }
0x249: {  	[tilespmem:$0x3F40] =	vst v0  }
0x24a: {  	v0 =	vld.idx.msk [tilespmem:v1+s13+$0x0], $0xffff  }
0x24b: {  	v1 =	vld [tilespmem:$0x1FF90];
	_ =	sdelay $0x4  }
0x24c: {  	v1 =	vadd.s32 v1, v2;
	_ =	sdelay $0x3  }
0x24d: {  	[tilespmem:$0x3F50] =	vst v0  }
0x24e: {  	v0 =	vld.idx.msk [tilespmem:v1+s13+$0x0], $0xffff  }
0x24f: {  	v1 =	vld [tilespmem:$0x1FFA0];
	_ =	sdelay $0x4  }
0x250: {  	v1 =	vadd.s32 v1, v2;
	_ =	sdelay $0x3  }
0x251: {  	[tilespmem:$0x3F60] =	vst v0  }
0x252: {  	v0 =	vld.idx.msk [tilespmem:v1+s13+$0x0], $0xffff  }
0x253: {  	v1 =	vld [tilespmem:$0x1FFB0];
	_ =	sdelay $0x4  }
0x254: {  	v1 =	vadd.s32 v1, v2;
	_ =	sdelay $0x3  }
0x255: {  	[tilespmem:$0x3F70] =	vst v0  }
0x256: {  	v0 =	vld.idx.msk [tilespmem:v1+s13+$0x0], $0xffff  }
0x257: {  	v1 =	vld [tilespmem:$0x1FFC0];
	_ =	sdelay $0x4  }
0x258: {  	v1 =	vadd.s32 v1, v2;
	_ =	sdelay $0x3  }
0x259: {  	[tilespmem:$0x3F80] =	vst v0  }
0x25a: {  	v0 =	vld.idx.msk [tilespmem:v1+s13+$0x0], $0xffff  }
0x25b: {  	v1 =	vld [tilespmem:$0x1FFD0];
	_ =	sdelay $0x4  }
0x25c: {  	v1 =	vadd.s32 v1, v2;
	_ =	sdelay $0x3  }
0x25d: {  	[tilespmem:$0x3F90] =	vst v0  }
0x25e: {  	v0 =	vld.idx.msk [tilespmem:v1+s13+$0x0], $0xffff  }
0x25f: {  	v1 =	vld [tilespmem:$0x1FFE0];
	_ =	sdelay $0x4  }
0x260: {  	v1 =	vadd.s32 v1, v2;
	_ =	sdelay $0x3  }
0x261: {  	[tilespmem:$0x3FA0] =	vst v0  }
0x262: {  	v0 =	vld.idx.msk [tilespmem:v1+s13+$0x0], $0xffff  }
0x263: {  	v1 =	vld [tilespmem:$0x1FFF0];
	_ =	sdelay $0x4  }
0x264: {  	v1 =	vadd.s32 v1, v2;
	_ =	sdelay $0x3  }
0x265: {  	[tilespmem:$0x3FB0] =	vst v0  }
0x266: {  	v0 =	vld.idx.msk [tilespmem:v1+s13+$0x0], $0xffff  }
0x267: {  	v1 =	vadd.s32 v13, v2;
	_ =	sdelay $0x3  }
0x268: {  	[tilespmem:$0x3FC0] =	vst v0  }
0x269: {  	v0 =	vld.idx.msk [tilespmem:v1+s13+$0x0], $0xffff  }
0x26a: {  	v1 =	vadd.s32 v14, v2;
	_ =	sdelay $0x3  }
0x26b: {  	[tilespmem:$0x3FD0] =	vst v0  }
0x26c: {  	v0 =	vld.idx.msk [tilespmem:v1+s13+$0x0], $0xffff  }
0x26d: {  	v1 =	vadd.s32 v15, v2;
	_ =	sdelay $0x3  }
0x26e: {  	[tilespmem:$0x3FE0] =	vst v0  }
0x26f: {  	v0 =	vld.idx.msk [tilespmem:v1+s13+$0x0], $0xffff  }
0x270: {  	v1 =	vadd.s32 v16, v2;
	_ =	sdelay $0x3  }
0x271: {  	[tilespmem:$0x3FF0] =	vst v0  }
0x272: {  	v0 =	vld.idx.msk [tilespmem:v1+s13+$0x0], $0xffff  }
0x273: {  	v1 =	vadd.s32 v17, v2;
	_ =	sdelay $0x3  }
0x274: {  	[tilespmem:$0x4000] =	vst v0  }
0x275: {  	v0 =	vld.idx.msk [tilespmem:v1+s13+$0x0], $0xffff  }
0x276: {  	v1 =	vadd.s32 v18, v2;
	_ =	sdelay $0x3  }
0x277: {  	[tilespmem:$0x4010] =	vst v0  }
0x278: {  	v0 =	vld.idx.msk [tilespmem:v1+s13+$0x0], $0xffff  }
0x279: {  	v1 =	vadd.s32 v19, v2;
	_ =	sdelay $0x3  }
0x27a: {  	[tilespmem:$0x4020] =	vst v0  }
0x27b: {  	v0 =	vld.idx.msk [tilespmem:v1+s13+$0x0], $0xffff  }
0x27c: {  	v1 =	vadd.s32 v20, v2;
	_ =	sdelay $0x3  }
0x27d: {  	[tilespmem:$0x4030] =	vst v0  }
0x27e: {  	v0 =	vld.idx.msk [tilespmem:v1+s13+$0x0], $0xffff  }
0x27f: {  	v1 =	vadd.s32 v21, v2;
	_ =	sdelay $0x3  }
0x280: {  	[tilespmem:$0x4040] =	vst v0  }
0x281: {  	v0 =	vld.idx.msk [tilespmem:v1+s13+$0x0], $0xffff  }
0x282: {  	v1 =	vadd.s32 v22, v2;
	_ =	sdelay $0x3  }
0x283: {  	[tilespmem:$0x4050] =	vst v0  }
0x284: {  	v0 =	vld.idx.msk [tilespmem:v1+s13+$0x0], $0xffff  }
0x285: {  	v1 =	vadd.s32 v23, v2;
	_ =	sdelay $0x3  }
0x286: {  	[tilespmem:$0x4060] =	vst v0  }
0x287: {  	v0 =	vld.idx.msk [tilespmem:v1+s13+$0x0], $0xffff  }
0x288: {  	v1 =	vadd.s32 v24, v2;
	_ =	sdelay $0x3  }
0x289: {  	[tilespmem:$0x4070] =	vst v0  }
0x28a: {  	v0 =	vld.idx.msk [tilespmem:v1+s13+$0x0], $0xffff  }
0x28b: {  	v1 =	vadd.s32 v25, v2;
	_ =	sdelay $0x3  }
0x28c: {  	[tilespmem:$0x4080] =	vst v0  }
0x28d: {  	v0 =	vld.idx.msk [tilespmem:v1+s13+$0x0], $0xffff  }
0x28e: {  	v1 =	vadd.s32 v26, v2;
	_ =	sdelay $0x3  }
0x28f: {  	[tilespmem:$0x4090] =	vst v0  }
0x290: {  	v0 =	vld.idx.msk [tilespmem:v1+s13+$0x0], $0xffff  }
0x291: {  	v1 =	vadd.s32 v27, v2;
	_ =	sdelay $0x3  }
0x292: {  	[tilespmem:$0x40A0] =	vst v0  }
0x293: {  	v0 =	vld.idx.msk [tilespmem:v1+s13+$0x0], $0xffff  }
0x294: {  	v1 =	vadd.s32 v28, v2;
	_ =	sdelay $0x3  }
0x295: {  	[tilespmem:$0x40B0] =	vst v0  }
0x296: {  	v0 =	vld.idx.msk [tilespmem:v1+s13+$0x0], $0xffff  }
0x297: {  	v1 =	vadd.s32 v30, v2;
	_ =	sdelay $0x3  }
0x298: {  	[tilespmem:$0x40C0] =	vst v0  }
0x299: {  	v0 =	vld.idx.msk [tilespmem:v1+s13+$0x0], $0xffff  }
0x29a: {  	v1 =	vadd.s32 v31, v2;
	_ =	sdelay $0x3  }
0x29b: {  	[tilespmem:$0x40D0] =	vst v0  }
0x29c: {  	v0 =	vld.idx.msk [tilespmem:v1+s13+$0x0], $0xffff  }
0x29d: {  	v1 =	vadd.s32 v32, v2;
	_ =	sdelay $0x3  }
0x29e: {  	[tilespmem:$0x40E0] =	vst v0  }
0x29f: {  	v0 =	vld.idx.msk [tilespmem:v1+s13+$0x0], $0xffff;
	_ =	sdelay $0x4  }
0x2a0: {  	v0 =	vnsel vm0, $0x0, v0  }
0x2a1: {  	[tilespmem:$0x40F0] =	vst v0  }
0x2a2: {  	[tilespmem:s18], [sflag:$0x1] =	stream.indirect.gather [spmem:s1], $0x20, s17, s16, $0xb8;
	[tilespmem:$0x12F80] =	vst v63  }
0x2a3: {  	_ = 	snop  }
0x2a4: {  	[tilespmem:s20], [sflag:$0x1] =	stream.indirect.gather [spmem:s1], $0x20, s19, s16, $0xb8;
	[tilespmem:$0x12F80] =	vst v63  }
0x2a5: {  	_ = 	snop  }
0x2a6: {  	[tilespmem:s22], [sflag:$0x1] =	stream.indirect.gather [spmem:s1], $0x20, s21, s16, $0xb8;
	[tilespmem:$0x12F80] =	vst v63  }
0x2a7: {  	s9 =	sshll.u32 s9, $0x6  }
0x2a8: {  	[tilespmem:s24], [sflag:$0x1] =	stream.indirect.gather [spmem:s1], $0x20, s23, s16, $0xb8;
	[tilespmem:$0x12F80] =	vst v63  }
0x2a9: {  	s9 =	sadd.s32 $0x4300, s9  }
0x2aa: {  	[tilespmem:s26], [sflag:$0x1] =	stream.indirect.gather [spmem:s1], $0x20, s9, s25, $0xb8;
	[tilespmem:$0x12F80] =	vst v63  }
0x2ab: {  	_ =	swait.ge [sflag:s8], $0x1000  }
0x2ac: {  	[sflag:s8] =	ssyncset.done $0x0  }
0x2ad: {  	[sflag:s8] =	ssyncadd.s32 $0xFFFFF000  }
0x2ae: {  	_ =	swait.ge [sflag:s8], $0x1000  }
0x2af: {  	[sflag:s8] =	ssyncset.done $0x0  }
0x2b0: {  	[sflag:s8] =	ssyncadd.s32 $0xFFFFF000  }
0x2b1: {  	_ =	swait.ge [sflag:s8], $0x1000  }
0x2b2: {  	[sflag:s8] =	ssyncset.done $0x0  }
0x2b3: {  	[sflag:s8] =	ssyncadd.s32 $0xFFFFF000  }
0x2b4: {  	_ =	swait.ge [sflag:s8], $0x1000  }
0x2b5: {  	[sflag:s8] =	ssyncset.done $0x0  }
0x2b6: {  	[sflag:s8] =	ssyncadd.s32 $0xFFFFF000  }
0x2b7: {  	_ =	swait.ge [sflag:s8], $0x800  }
0x2b8: {  	[sflag:s8] =	ssyncset.done $0x0  }
0x2b9: {  	[sflag:s8] =	ssyncadd.s32 $0xFFFFF800  }
0x2ba: {  	v56 =	vld.idx.msk [tilespmem:v33+s29+$0x0], $0xffff;
	_ =	sdelay $0x4  }
0x2bb: {  	[tilespmem:$0x4D00] =	vst v56  }
0x2bc: {  	v55 =	vld.idx.msk [tilespmem:v34+s29+$0x0], $0xffff;
	_ =	sdelay $0x4  }
0x2bd: {  	[tilespmem:$0x4D10] =	vst v55  }
0x2be: {  	v54 =	vld.idx.msk [tilespmem:v35+s29+$0x0], $0xffff;
	_ =	sdelay $0x4  }
0x2bf: {  	[tilespmem:$0x4D20] =	vst v54  }
0x2c0: {  	v53 =	vld.idx.msk [tilespmem:v36+s29+$0x0], $0xffff;
	_ =	sdelay $0x4  }
0x2c1: {  	s12 =	simm.s32 $0x4B00;
	[tilespmem:$0x4D30] =	vst v53  }
0x2c2: {  	v0 =	vld [tilespmem:s12+$0x0]  }
0x2c3: {  	v1 =	vmov s13  }
0x2c4: {  	v1 =	vshll.u32 v1, $0x5  }
0x2c5: {  	v1 =	vor.u32 v29, v1  }
0x2c6: {  	v1 =	vor.u32 $0x14, v1;
	_ =	sdelay $0x3  }
0x2c7: {  	v0 =	vld.idx.msk [tilespmem:v0+s7+$0x0], $0xffff  }
0x2c8: {  	s6 =	simm.s32 $0x9640;
	v1 =	vld.idx.msk [tilespmem:v1+s29+$0x0], $0xffff  }
0x2c9: {  	v57 =	vld [tilespmem:s6+$0xE0]  }
0x2ca: {  	v58 =	vld [tilespmem:s6+$0xC0]  }
0x2cb: {  	v60 =	vld [tilespmem:s6+$0x40]  }
0x2cc: {  	v2 =	vld [tilespmem:s6+$0xFFFFFF00];
	v0 =	vsub.f32 $1.000000000e+00, v0  }
0x2cd: {  	v3 =	vld [tilespmem:s6+$0xFFFFFF10]  }
0x2ce: {  	v59 =	vmul.f32 v1, v0;
	v0 =	vld [tilespmem:s6+$0xFFFFFF20]  }
0x2cf: {  	v1 =	vld [tilespmem:s6+$0xFFFFFF30]  }
0x2d0: {  	v5 =	vld [tilespmem:s6+$0xFFFFFF40];
	v4 =	vperm.xlane v59, v38  }
0x2d1: {  	v7 =	vld [tilespmem:s6+$0xFFFFFF50];
	v6 =	vperm.xlane v59, v39  }
0x2d2: {  	v2 =	vmul.f32 v2, v4;
	v3 =	vmul.f32 v3, v4;
	v4 =	vld [tilespmem:s6+$0xFFFFFF60]  }
0x2d3: {  	v8 =	vimm.f32 $0.0e+00;
	v10 =	vld [tilespmem:s6+$0xFFFFFF70];
	v9 =	vperm.xlane v59, v40;
	v0 =	vmul.f32 v0, v6  }
0x2d4: {  	v1 =	vmul.f32 v1, v6;
	v6 =	vld [tilespmem:s6+$0xFFFFFF80];
	v2 =	vadd.f32 v2, v8;
	v3 =	vadd.f32 v3, v8  }
0x2d5: {  	v11 =	vld [tilespmem:s6+$0xFFFFFF90];
	v5 =	vmul.f32 v5, v9;
	v8 =	vperm.xlane v59, v41  }
0x2d6: {  	v0 =	vadd.f32 v0, v2;
	v1 =	vadd.f32 v1, v3;
	v2 =	vmul.f32 v7, v9;
	v3 =	vld [tilespmem:s6+$0xFFFFFFA0]  }
0x2d7: {  	v7 =	vperm.xlane v59, v42;
	v9 =	vld [tilespmem:s6+$0xFFFFFFB0];
	v4 =	vmul.f32 v4, v8  }
0x2d8: {  	v0 =	vadd.f32 v5, v0;
	v1 =	vadd.f32 v2, v1;
	v2 =	vmul.f32 v10, v8;
	v5 =	vld [tilespmem:s6+$0xFFFFFFC0]  }
0x2d9: {  	v6 =	vmul.f32 v6, v7;
	v8 =	vperm.xlane v59, v37;
	v10 =	vld [tilespmem:s6+$0xFFFFFFD0]  }
0x2da: {  	v0 =	vadd.f32 v4, v0;
	v1 =	vadd.f32 v2, v1;
	v2 =	vmul.f32 v11, v7;
	v4 =	vld [tilespmem:s6+$0xFFFFFFE0]  }
0x2db: {  	v7 =	vperm.xlane v59, v43;
	v11 =	vld [tilespmem:s6+$0xFFFFFFF0];
	v3 =	vmul.f32 v3, v8  }
0x2dc: {  	v12 =	vld [tilespmem:s6+$0x0];
	v6 =	vadd.f32 v6, v0;
	v1 =	vadd.f32 v2, v1;
	v2 =	vmul.f32 v9, v8  }
0x2dd: {  	v8 =	vperm.xlane v59, v44;
	v0 =	vld [tilespmem:s6+$0x10];
	v5 =	vmul.f32 v5, v7  }
0x2de: {  	s13 =	simm.s32 $0x10;
	v7 =	vmul.f32 v10, v7;
	v6 =	vadd.f32 v3, v6;
	v9 =	vadd.f32 v2, v1;
	v1 =	vld [tilespmem:s6+$0x20]  }
0x2df: {  	v63 =	vld [tilespmem:s6+$0x30];
	v10 =	vmov s13;
	v2 =	vperm.xlane v59, v45;
	v3 =	vmul.f32 v4, v8  }
0x2e0: {  	s9 =	simm.s32 $0x4B10;
	v62 =	vld [tilespmem:s6+$0x50];
	v8 =	vmul.f32 v11, v8;
	v6 =	vadd.f32 v5, v6;
	v7 =	vadd.f32 v7, v9  }
0x2e1: {  	v61 =	vld [tilespmem:s9+$0x0];
	s12 =	simm.s32 $0x20;
	v4 =	vperm.xlane v59, v46;
	v9 =	vshll.u32 v10, $0x5;
	v5 =	vmul.f32 v12, v2  }
.LBB2_5:
0x2e2: {  	p1 =	sne.s32 s12, $0x1F0;
	v3 =	vadd.f32 v3, v6;
	v6 =	vadd.f32 v8, v7;
	v0 =	vmul.f32 v0, v2;
	v2 =	vld [tilespmem:s6+$0x60]  }
0x2e3: {  	v7 =	vor.u32 v29, v9;
	v8 =	vperm.xlane v59, v47;
	v1 =	vmul.f32 v1, v4;
	v9 =	vld [tilespmem:s6+$0x70]  }
0x2e4: {  	v3 =	vadd.f32 v5, v3;
	v0 =	vadd.f32 v0, v6;
	v4 =	vmul.f32 v63, v4;
	v5 =	vld [tilespmem:s6+$0x80]  }
0x2e5: {  	v10 =	vperm.xlane v59, v48;
	v6 =	vor.u32 $0x14, v7;
	v7 =	vmul.f32 v60, v8;
	v11 =	vld [tilespmem:s6+$0x90]  }
0x2e6: {  	v1 =	vadd.f32 v1, v3;
	v0 =	vadd.f32 v4, v0;
	v3 =	vmul.f32 v62, v8;
	v4 =	vld [tilespmem:s6+$0xA0]  }
0x2e7: {  	v8 =	vperm.xlane v59, v49;
	v2 =	vmul.f32 v2, v10;
	v12 =	vld [tilespmem:s6+$0xB0]  }
0x2e8: {  	v1 =	vadd.f32 v7, v1;
	v0 =	vadd.f32 v3, v0;
	v3 =	vmul.f32 v9, v10;
	v7 =	vld [tilespmem:s6+$0xD0]  }
0x2e9: {  	v10 =	vperm.xlane v59, v50;
	v9 =	vld.idx.msk [tilespmem:v61+s7+$0x0], $0xffff;
	v5 =	vmul.f32 v5, v8  }
0x2ea: {  	v1 =	vadd.f32 v2, v1;
	v0 =	vadd.f32 v3, v0;
	v2 =	vmul.f32 v11, v8;
	v3 =	vld [tilespmem:s6+$0xF0]  }
0x2eb: {  	v8 =	vperm.xlane v59, v51;
	s6 =	sadd.s32 $0x200, s6;
	v6 =	vld.idx.msk [tilespmem:v6+s29+$0x0], $0xffff;
	v4 =	vmul.f32 v4, v10  }
0x2ec: {  	v11 =	vld [tilespmem:s6+$0xE0];
	v1 =	vadd.f32 v5, v1;
	v0 =	vadd.f32 v2, v0;
	v2 =	vmul.f32 v12, v10  }
0x2ed: {  	v5 =	vmul.f32 v58, v8;
	v10 =	vperm.xlane v59, v52;
	v58 =	vld [tilespmem:s6+$0xC0]  }
0x2ee: {  	v60 =	vld [tilespmem:s6+$0x40];
	v1 =	vadd.f32 v4, v1;
	v0 =	vadd.f32 v2, v0;
	v2 =	vmul.f32 v7, v8  }
0x2ef: {  	v4 =	vsub.f32 $1.000000000e+00, v9;
	v8 =	vmul.f32 v57, v10;
	v7 =	vld [tilespmem:s6+$0xFFFFFF00]  }
0x2f0: {  	v9 =	vld [tilespmem:s6+$0xFFFFFF10];
	v1 =	vadd.f32 v5, v1;
	v0 =	vadd.f32 v2, v0;
	v2 =	vmul.f32 v3, v10  }
0x2f1: {  	v59 =	vmul.f32 v6, v4;
	v3 =	vld [tilespmem:s6+$0xFFFFFF20];
	v57 =	vmov v11  }
0x2f2: {  	v4 =	vld [tilespmem:s6+$0xFFFFFF30];
	v1 =	vadd.f32 v8, v1;
	v0 =	vadd.f32 v2, v0  }
0x2f3: {  	v2 =	vperm.xlane v59, v38;
	v5 =	vld [tilespmem:s6+$0xFFFFFF40]  }
0x2f4: {  	v6 =	vperm.xlane v59, v39;
	v8 =	vld [tilespmem:s6+$0xFFFFFF50]  }
0x2f5: {  	v7 =	vmul.f32 v7, v2;
	v2 =	vmul.f32 v9, v2;
	v9 =	vld [tilespmem:s6+$0xFFFFFF60]  }
0x2f6: {  	v10 =	vperm.xlane v59, v40;
	v3 =	vmul.f32 v3, v6;
	v11 =	vld [tilespmem:s6+$0xFFFFFF70]  }
0x2f7: {  	v1 =	vadd.f32 v7, v1;
	v0 =	vadd.f32 v2, v0;
	v2 =	vmul.f32 v4, v6;
	v4 =	vld [tilespmem:s6+$0xFFFFFF80]  }
0x2f8: {  	v6 =	vperm.xlane v59, v41;
	v5 =	vmul.f32 v5, v10;
	v7 =	vld [tilespmem:s6+$0xFFFFFF90]  }
0x2f9: {  	v1 =	vadd.f32 v3, v1;
	v0 =	vadd.f32 v2, v0;
	v2 =	vmul.f32 v8, v10;
	v3 =	vld [tilespmem:s6+$0xFFFFFFA0]  }
0x2fa: {  	v8 =	vmul.f32 v9, v6;
	v9 =	vperm.xlane v59, v42;
	v10 =	vld [tilespmem:s6+$0xFFFFFFB0]  }
0x2fb: {  	v1 =	vadd.f32 v5, v1;
	v0 =	vadd.f32 v2, v0;
	v2 =	vmul.f32 v11, v6;
	v5 =	vld [tilespmem:s6+$0xFFFFFFC0]  }
0x2fc: {  	v6 =	vperm.xlane v59, v37;
	v4 =	vmul.f32 v4, v9;
	v11 =	vld [tilespmem:s6+$0xFFFFFFD0]  }
0x2fd: {  	v1 =	vadd.f32 v8, v1;
	v0 =	vadd.f32 v2, v0;
	v2 =	vmul.f32 v7, v9;
	v7 =	vld [tilespmem:s6+$0xFFFFFFE0]  }
0x2fe: {  	v8 =	vperm.xlane v59, v43;
	v3 =	vmul.f32 v3, v6;
	v9 =	vld [tilespmem:s6+$0xFFFFFFF0]  }
0x2ff: {  	v1 =	vadd.f32 v4, v1;
	v2 =	vadd.f32 v2, v0;
	v4 =	vmul.f32 v10, v6;
	v10 =	vld [tilespmem:s6+$0x0]  }
.Ltmp1:
0x300: {  	v12 =	vperm.xlane v59, v44;
	v5 =	vmul.f32 v5, v8;
	v0 =	vld [tilespmem:s6+$0x10];
	(pc) =	sbr.rel @p1 .LBB2_5-.Ltmp1, $4  }
0x301: {  	v6 =	vadd.f32 v3, v1;
	v4 =	vadd.f32 v4, v2;
	v8 =	vmul.f32 v11, v8;
	v1 =	vld [tilespmem:s6+$0x20]  }
0x302: {  	v11 =	vmov s12;
	v2 =	vperm.xlane v59, v45;
	v3 =	vmul.f32 v7, v12;
	v63 =	vld [tilespmem:s6+$0x30]  }
0x303: {  	s9 =	sadd.s32 $0x10, s9;
	v6 =	vadd.f32 v5, v6;
	v7 =	vadd.f32 v8, v4;
	v8 =	vmul.f32 v9, v12;
	v62 =	vld [tilespmem:s6+$0x50]  }
0x304: {  	s12 =	sadd.s32 $0x10, s12;
	v9 =	vshll.u32 v11, $0x5;
	v4 =	vperm.xlane v59, v46;
	v61 =	vld [tilespmem:s9+$0x0];
	v5 =	vmul.f32 v10, v2  }
0x305: {  	_ =	sdelay $0x1  }
0x306: {  	v3 =	vadd.f32 v3, v6;
	v6 =	vadd.f32 v8, v7;
	v7 =	vld [tilespmem:s6+$0x60]  }
0x307: {  	v0 =	vmul.f32 v0, v2;
	v2 =	vor.u32 v29, v9;
	v8 =	vld [tilespmem:s6+$0x70]  }
0x308: {  	v9 =	vperm.xlane v59, v47;
	v1 =	vmul.f32 v1, v4;
	v3 =	vadd.f32 v5, v3;
	v5 =	vld [tilespmem:s6+$0x80]  }
0x309: {  	v2 =	vor.u32 $0x14, v2;
	v0 =	vadd.f32 v0, v6;
	v63 =	vmul.f32 v63, v4;
	v6 =	vld [tilespmem:s6+$0x90]  }
0x30a: {  	v11 =	vperm.xlane v59, v48;
	v10 =	vmul.f32 v60, v9;
	v60 =	vld [tilespmem:s6+$0xB0];
	v1 =	vadd.f32 v1, v3  }
0x30b: {  	v4 =	vmul.f32 v62, v9;
	v3 =	vld [tilespmem:s6+$0xA0];
	v0 =	vadd.f32 v63, v0  }
0x30c: {  	v12 =	vperm.xlane v59, v49;
	v9 =	vld.idx.msk [tilespmem:v61+s7+$0x0], $0xffff;
	v7 =	vmul.f32 v7, v11;
	v1 =	vadd.f32 v10, v1  }
0x30d: {  	v62 =	vmul.f32 v8, v11;
	v8 =	vld [tilespmem:s6+$0xD0];
	v0 =	vadd.f32 v4, v0  }
0x30e: {  	v63 =	vperm.xlane v59, v50;
	v2 =	vld.idx.msk [tilespmem:v2+s29+$0x0], $0xffff;
	v5 =	vmul.f32 v5, v12;
	v1 =	vadd.f32 v7, v1  }
0x30f: {  	v11 =	vmul.f32 v6, v12;
	v0 =	vadd.f32 v62, v0  }
0x310: {  	s12 =	sadd.s32 $0x200, s6;
	v6 =	vperm.xlane v59, v51;
	v7 =	vld [tilespmem:s6+$0xF0];
	v3 =	vmul.f32 v3, v63;
	v1 =	vadd.f32 v5, v1  }
0x311: {  	v10 =	vld [tilespmem:s12+$0xFFFFFF00];
	v61 =	vmul.f32 v60, v63;
	v5 =	vsub.f32 $1.000000000e+00, v9;
	v0 =	vadd.f32 v11, v0  }
0x312: {  	v62 =	vmul.f32 v58, v6;
	v63 =	vperm.xlane v59, v52;
	v1 =	vadd.f32 v3, v1;
	v3 =	vld [tilespmem:s12+$0xFFFFFF10]  }
0x313: {  	v58 =	vmul.f32 v8, v6;
	v2 =	vmul.f32 v2, v5;
	v0 =	vadd.f32 v61, v0;
	v5 =	vld [tilespmem:s12+$0xFFFFFF20]  }
0x314: {  	v8 =	vld [tilespmem:s12+$0xFFFFFF30];
	v59 =	vmul.f32 v57, v63;
	v1 =	vadd.f32 v62, v1  }
0x315: {  	v61 =	vmul.f32 v7, v63;
	v60 =	vperm.xlane v2, v38;
	v0 =	vadd.f32 v58, v0;
	v62 =	vld [tilespmem:s12+$0xFFFFFF40]  }
0x316: {  	v57 =	vld [tilespmem:s12+$0xFFFFFF50];
	v63 =	vperm.xlane v2, v39;
	v1 =	vadd.f32 v59, v1  }
0x317: {  	v58 =	vld [tilespmem:s12+$0xFFFFFF60];
	v10 =	vmul.f32 v10, v60;
	v0 =	vadd.f32 v61, v0;
	v3 =	vmul.f32 v3, v60  }
0x318: {  	v12 =	vld [tilespmem:s12+$0xFFFFFF70];
	v59 =	vperm.xlane v2, v40;
	v5 =	vmul.f32 v5, v63  }
0x319: {  	v6 =	vld [tilespmem:s12+$0xFFFFFF80];
	v60 =	vmul.f32 v8, v63;
	v1 =	vadd.f32 v10, v1;
	v0 =	vadd.f32 v3, v0  }
0x31a: {  	v61 =	vperm.xlane v2, v41;
	v10 =	vld [tilespmem:s12+$0xFFFFFF90];
	v7 =	vmul.f32 v62, v59  }
0x31b: {  	v63 =	vld [tilespmem:s12+$0xFFFFFFA0];
	v62 =	vmul.f32 v57, v59;
	v1 =	vadd.f32 v5, v1;
	v0 =	vadd.f32 v60, v0  }
0x31c: {  	v4 =	vmul.f32 v58, v61;
	v57 =	vperm.xlane v2, v42;
	v58 =	vld [tilespmem:s12+$0xFFFFFFB0]  }
0x31d: {  	v59 =	vmul.f32 v12, v61;
	v60 =	vld [tilespmem:s12+$0xFFFFFFC0];
	v1 =	vadd.f32 v7, v1;
	v0 =	vadd.f32 v62, v0  }
0x31e: {  	v61 =	vperm.xlane v2, v37;
	v12 =	vld [tilespmem:s12+$0xFFFFFFD0];
	v6 =	vmul.f32 v6, v57  }
0x31f: {  	v62 =	vmul.f32 v10, v57;
	v1 =	vadd.f32 v4, v1;
	v4 =	vld [tilespmem:s12+$0xFFFFFFE0];
	v0 =	vadd.f32 v59, v0  }
0x320: {  	v5 =	vmul.f32 v63, v61;
	v63 =	vperm.xlane v2, v43;
	v10 =	vld [tilespmem:s12+$0xFFFFFFF0]  }
0x321: {  	v57 =	vmul.f32 v58, v61;
	v58 =	vld [tilespmem:s12+$0x0];
	v1 =	vadd.f32 v6, v1;
	v0 =	vadd.f32 v62, v0  }
0x322: {  	v59 =	vperm.xlane v2, v44;
	v7 =	vmul.f32 v60, v63;
	v60 =	vld [tilespmem:s12+$0x10]  }
0x323: {  	v61 =	vmul.f32 v12, v63;
	v62 =	vld [tilespmem:s12+$0x20];
	v1 =	vadd.f32 v5, v1;
	v0 =	vadd.f32 v57, v0  }
0x324: {  	v12 =	vld [tilespmem:s12+$0x30];
	v63 =	vperm.xlane v2, v45;
	v4 =	vmul.f32 v4, v59  }
0x325: {  	v57 =	vmul.f32 v10, v59;
	v1 =	vadd.f32 v7, v1;
	v7 =	vld [tilespmem:s12+$0x40];
	v0 =	vadd.f32 v61, v0  }
0x326: {  	v8 =	vld [tilespmem:s12+$0x50];
	v6 =	vmul.f32 v58, v63;
	v58 =	vperm.xlane v2, v46  }
0x327: {  	v59 =	vmul.f32 v60, v63;
	v60 =	vld [tilespmem:s12+$0x60];
	v1 =	vadd.f32 v4, v1;
	v0 =	vadd.f32 v57, v0  }
0x328: {  	v61 =	vperm.xlane v2, v47;
	v5 =	vmul.f32 v62, v58;
	v62 =	vld [tilespmem:s12+$0x70]  }
0x329: {  	v63 =	vmul.f32 v12, v58;
	v57 =	vld [tilespmem:s12+$0x80];
	v1 =	vadd.f32 v6, v1;
	v0 =	vadd.f32 v59, v0  }
0x32a: {  	v12 =	vld [tilespmem:s12+$0x90];
	v58 =	vperm.xlane v2, v48;
	v7 =	vmul.f32 v7, v61  }
0x32b: {  	v59 =	vmul.f32 v8, v61;
	v61 =	vld [tilespmem:s12+$0xB0];
	v1 =	vadd.f32 v5, v1;
	v0 =	vadd.f32 v63, v0  }
0x32c: {  	v5 =	vld [tilespmem:s12+$0xA0];
	v4 =	vmul.f32 v60, v58;
	v60 =	vperm.xlane v2, v49  }
0x32d: {  	v62 =	vmul.f32 v62, v58;
	v63 =	vld [tilespmem:s12+$0xD0];
	v1 =	vadd.f32 v7, v1;
	v0 =	vadd.f32 v59, v0  }
0x32e: {  	v7 =	vld [tilespmem:s12+$0xC0];
	v6 =	vmul.f32 v57, v60;
	v57 =	vperm.xlane v2, v50  }
0x32f: {  	v58 =	vld [tilespmem:s12+$0xE0];
	v59 =	vmul.f32 v12, v60;
	v1 =	vadd.f32 v4, v1;
	v0 =	vadd.f32 v62, v0  }
0x330: {  	v8 =	vld [tilespmem:s12+$0xF0];
	v12 =	vperm.xlane v2, v51;
	v60 =	vmul.f32 v61, v57  }
0x331: {  	v61 =	vld [tilespmem:$0xD540];
	v5 =	vmul.f32 v5, v57;
	v1 =	vadd.f32 v6, v1;
	v0 =	vadd.f32 v59, v0  }
0x332: {  	v2 =	vperm.xlane v2, v52;
	v62 =	vld [tilespmem:$0xD550];
	v63 =	vmul.f32 v63, v12  }
0x333: {  	v57 =	vld [tilespmem:$0xD560];
	v7 =	vmul.f32 v7, v12;
	v1 =	vadd.f32 v5, v1;
	v0 =	vadd.f32 v60, v0  }
0x334: {  	v4 =	vmul.f32 v58, v2;
	v58 =	vperm.xlane v56, v38;
	v59 =	vld [tilespmem:$0xD570]  }
0x335: {  	v3 =	vld [tilespmem:$0xD580];
	v2 =	vmul.f32 v8, v2;
	v1 =	vadd.f32 v7, v1;
	v0 =	vadd.f32 v63, v0  }
0x336: {  	v8 =	vld [tilespmem:$0xD590];
	v60 =	vmul.f32 v61, v58;
	v61 =	vperm.xlane v56, v39  }
0x337: {  	v62 =	vmul.f32 v62, v58;
	v63 =	vld [tilespmem:$0xD5A0];
	v1 =	vadd.f32 v4, v1;
	v0 =	vadd.f32 v2, v0  }
0x338: {  	v9 =	vld [tilespmem:$0xD5B0];
	v58 =	vperm.xlane v56, v40;
	v57 =	vmul.f32 v57, v61  }
0x339: {  	v59 =	vmul.f32 v59, v61;
	v1 =	vadd.f32 v60, v1;
	v60 =	vld [tilespmem:$0xD5C0];
	v0 =	vadd.f32 v62, v0  }
0x33a: {  	v10 =	vld [tilespmem:$0xD5D0];
	v3 =	vmul.f32 v3, v58;
	v61 =	vperm.xlane v56, v41  }
0x33b: {  	v7 =	vld [tilespmem:$0xD5E0];
	v62 =	vmul.f32 v8, v58;
	v1 =	vadd.f32 v57, v1;
	v0 =	vadd.f32 v59, v0  }
0x33c: {  	v58 =	vld [tilespmem:$0xD5F0];
	v63 =	vmul.f32 v63, v61;
	v57 =	vperm.xlane v56, v42  }
0x33d: {  	v4 =	vld [tilespmem:$0xD600];
	v59 =	vmul.f32 v9, v61;
	v1 =	vadd.f32 v3, v1;
	v0 =	vadd.f32 v62, v0  }
0x33e: {  	v61 =	vperm.xlane v56, v37;
	v9 =	vld [tilespmem:$0xD610];
	v60 =	vmul.f32 v60, v57  }
0x33f: {  	v5 =	vld [tilespmem:$0xD620];
	v62 =	vmul.f32 v10, v57;
	v1 =	vadd.f32 v63, v1;
	v0 =	vadd.f32 v59, v0  }
0x340: {  	v57 =	vperm.xlane v56, v43;
	v10 =	vld [tilespmem:$0xD630];
	v63 =	vmul.f32 v7, v61  }
0x341: {  	v58 =	vmul.f32 v58, v61;
	v59 =	vld [tilespmem:$0xD640];
	v1 =	vadd.f32 v60, v1;
	v0 =	vadd.f32 v62, v0  }
0x342: {  	v8 =	vld [tilespmem:$0xD650];
	v61 =	vperm.xlane v56, v44;
	v60 =	vmul.f32 v4, v57  }
0x343: {  	v7 =	vld [tilespmem:$0xD660];
	v62 =	vmul.f32 v9, v57;
	v1 =	vadd.f32 v63, v1;
	v0 =	vadd.f32 v58, v0  }
0x344: {  	v57 =	vperm.xlane v56, v45;
	v9 =	vld [tilespmem:$0xD670];
	v63 =	vmul.f32 v5, v61  }
0x345: {  	v4 =	vld [tilespmem:$0xD680];
	v58 =	vmul.f32 v10, v61;
	v1 =	vadd.f32 v60, v1;
	v0 =	vadd.f32 v62, v0  }
0x346: {  	v61 =	vld [tilespmem:$0xD690];
	v59 =	vmul.f32 v59, v57;
	v60 =	vperm.xlane v56, v46  }
0x347: {  	v5 =	vld [tilespmem:$0xD6A0];
	v62 =	vmul.f32 v8, v57;
	v1 =	vadd.f32 v63, v1;
	v0 =	vadd.f32 v58, v0  }
0x348: {  	v57 =	vperm.xlane v56, v47;
	v8 =	vld [tilespmem:$0xD6B0];
	v63 =	vmul.f32 v7, v60  }
0x349: {  	v6 =	vld [tilespmem:$0xD6C0];
	v58 =	vmul.f32 v9, v60;
	v1 =	vadd.f32 v59, v1;
	v0 =	vadd.f32 v62, v0  }
0x34a: {  	v60 =	vperm.xlane v56, v48;
	v9 =	vld [tilespmem:$0xD6D0];
	v59 =	vmul.f32 v4, v57  }
0x34b: {  	v61 =	vmul.f32 v61, v57;
	v62 =	vld [tilespmem:$0xD6E0];
	v1 =	vadd.f32 v63, v1;
	v0 =	vadd.f32 v58, v0  }
0x34c: {  	v10 =	vld [tilespmem:$0xD6F0];
	v57 =	vperm.xlane v56, v49;
	v63 =	vmul.f32 v5, v60  }
0x34d: {  	v4 =	vld [tilespmem:$0xD700];
	v58 =	vmul.f32 v8, v60;
	v1 =	vadd.f32 v59, v1;
	v0 =	vadd.f32 v61, v0  }
0x34e: {  	v60 =	vperm.xlane v56, v50;
	v8 =	vld [tilespmem:$0xD710];
	v59 =	vmul.f32 v6, v57  }
0x34f: {  	v5 =	vld [tilespmem:$0xD720];
	v61 =	vmul.f32 v9, v57;
	v1 =	vadd.f32 v63, v1;
	v0 =	vadd.f32 v58, v0  }
0x350: {  	v57 =	vld [tilespmem:$0xD730];
	v62 =	vmul.f32 v62, v60;
	v63 =	vperm.xlane v56, v51  }
0x351: {  	v6 =	vld [tilespmem:$0xD740];
	v58 =	vmul.f32 v10, v60;
	v1 =	vadd.f32 v59, v1;
	v0 =	vadd.f32 v61, v0  }
0x352: {  	v60 =	vperm.xlane v56, v52;
	v10 =	vld [tilespmem:$0xD750];
	v59 =	vmul.f32 v4, v63  }
0x353: {  	v56 =	vld [tilespmem:$0xD770];
	v61 =	vmul.f32 v8, v63;
	v1 =	vadd.f32 v62, v1;
	v0 =	vadd.f32 v58, v0  }
0x354: {  	v7 =	vld [tilespmem:$0xD760];
	v63 =	vperm.xlane v55, v38;
	v62 =	vmul.f32 v5, v60  }
0x355: {  	v57 =	vmul.f32 v57, v60;
	v58 =	vld [tilespmem:$0xD780];
	v1 =	vadd.f32 v59, v1;
	v0 =	vadd.f32 v61, v0  }
0x356: {  	v9 =	vld [tilespmem:$0xD790];
	v60 =	vperm.xlane v55, v39;
	v59 =	vmul.f32 v6, v63  }
0x357: {  	v5 =	vld [tilespmem:$0xD7A0];
	v61 =	vmul.f32 v10, v63;
	v1 =	vadd.f32 v62, v1;
	v0 =	vadd.f32 v57, v0  }
0x358: {  	v56 =	vmul.f32 v56, v60;
	v63 =	vperm.xlane v55, v40;
	v10 =	vld [tilespmem:$0xD7B0]  }
0x359: {  	v62 =	vmul.f32 v7, v60;
	v60 =	vld [tilespmem:$0xD7D0];
	v1 =	vadd.f32 v59, v1;
	v0 =	vadd.f32 v61, v0  }
0x35a: {  	v57 =	vld [tilespmem:$0xD7C0];
	v58 =	vmul.f32 v58, v63;
	v59 =	vperm.xlane v55, v41  }
0x35b: {  	v7 =	vld [tilespmem:$0xD7E0];
	v61 =	vmul.f32 v9, v63;
	v1 =	vadd.f32 v62, v1;
	v0 =	vadd.f32 v56, v0  }
0x35c: {  	v63 =	vperm.xlane v55, v42;
	v9 =	vld [tilespmem:$0xD7F0];
	v62 =	vmul.f32 v5, v59  }
0x35d: {  	v4 =	vld [tilespmem:$0xD800];
	v56 =	vmul.f32 v10, v59;
	v1 =	vadd.f32 v58, v1;
	v0 =	vadd.f32 v61, v0  }
0x35e: {  	v59 =	vld [tilespmem:$0xD810];
	v60 =	vmul.f32 v60, v63;
	v58 =	vperm.xlane v55, v37  }
0x35f: {  	v57 =	vmul.f32 v57, v63;
	v61 =	vld [tilespmem:$0xD820];
	v1 =	vadd.f32 v62, v1;
	v0 =	vadd.f32 v56, v0  }
0x360: {  	v8 =	vld [tilespmem:$0xD830];
	v63 =	vperm.xlane v55, v43;
	v62 =	vmul.f32 v7, v58  }
0x361: {  	v6 =	vld [tilespmem:$0xD840];
	v56 =	vmul.f32 v9, v58;
	v1 =	vadd.f32 v57, v1;
	v0 =	vadd.f32 v60, v0  }
0x362: {  	v58 =	vperm.xlane v55, v44;
	v9 =	vld [tilespmem:$0xD850];
	v57 =	vmul.f32 v4, v63  }
0x363: {  	v59 =	vmul.f32 v59, v63;
	v63 =	vld [tilespmem:$0xD870];
	v1 =	vadd.f32 v62, v1;
	v0 =	vadd.f32 v56, v0  }
0x364: {  	v60 =	vld [tilespmem:$0xD860];
	v61 =	vmul.f32 v61, v58;
	v62 =	vperm.xlane v55, v45  }
0x365: {  	v4 =	vld [tilespmem:$0xD880];
	v56 =	vmul.f32 v8, v58;
	v1 =	vadd.f32 v57, v1;
	v0 =	vadd.f32 v59, v0  }
0x366: {  	v58 =	vperm.xlane v55, v46;
	v8 =	vld [tilespmem:$0xD890];
	v57 =	vmul.f32 v6, v62  }
0x367: {  	v5 =	vld [tilespmem:$0xD8A0];
	v59 =	vmul.f32 v9, v62;
	v1 =	vadd.f32 v61, v1;
	v0 =	vadd.f32 v56, v0  }
0x368: {  	v62 =	vld [tilespmem:$0xD8B0];
	v63 =	vmul.f32 v63, v58;
	v61 =	vperm.xlane v55, v47  }
0x369: {  	v60 =	vmul.f32 v60, v58;
	v56 =	vld [tilespmem:$0xD8C0];
	v1 =	vadd.f32 v57, v1;
	v0 =	vadd.f32 v59, v0  }
0x36a: {  	v10 =	vld [tilespmem:$0xD8D0];
	v58 =	vperm.xlane v55, v48;
	v57 =	vmul.f32 v4, v61  }
0x36b: {  	v7 =	vld [tilespmem:$0xD8E0];
	v59 =	vmul.f32 v8, v61;
	v1 =	vadd.f32 v60, v1;
	v0 =	vadd.f32 v63, v0  }
0x36c: {  	v61 =	vperm.xlane v55, v49;
	v8 =	vld [tilespmem:$0xD8F0];
	v60 =	vmul.f32 v5, v58  }
0x36d: {  	v62 =	vmul.f32 v62, v58;
	v58 =	vld [tilespmem:$0xD910];
	v1 =	vadd.f32 v57, v1;
	v0 =	vadd.f32 v59, v0  }
0x36e: {  	v63 =	vld [tilespmem:$0xD900];
	v56 =	vmul.f32 v56, v61;
	v57 =	vperm.xlane v55, v50  }
0x36f: {  	v5 =	vld [tilespmem:$0xD920];
	v59 =	vmul.f32 v10, v61;
	v1 =	vadd.f32 v60, v1;
	v0 =	vadd.f32 v62, v0  }
0x370: {  	v61 =	vperm.xlane v55, v51;
	v10 =	vld [tilespmem:$0xD930];
	v60 =	vmul.f32 v7, v57  }
0x371: {  	v6 =	vld [tilespmem:$0xD940];
	v62 =	vmul.f32 v8, v57;
	v1 =	vadd.f32 v56, v1;
	v0 =	vadd.f32 v59, v0  }
0x372: {  	v57 =	vld [tilespmem:$0xD950];
	v58 =	vmul.f32 v58, v61;
	v56 =	vperm.xlane v55, v52  }
0x373: {  	v63 =	vmul.f32 v63, v61;
	v59 =	vld [tilespmem:$0xD960];
	v1 =	vadd.f32 v60, v1;
	v0 =	vadd.f32 v62, v0  }
0x374: {  	v61 =	vperm.xlane v54, v38;
	v60 =	vmul.f32 v5, v56;
	v62 =	vld [tilespmem:$0xD970]  }
0x375: {  	v4 =	vld [tilespmem:$0xD980];
	v1 =	vadd.f32 v63, v1;
	v63 =	vmul.f32 v10, v56;
	v0 =	vadd.f32 v58, v0  }
0x376: {  	v55 =	vmul.f32 v6, v61;
	v56 =	vperm.xlane v54, v39;
	v10 =	vld [tilespmem:$0xD990]  }
0x377: {  	v57 =	vmul.f32 v57, v61;
	v58 =	vld [tilespmem:$0xD9A0];
	v1 =	vadd.f32 v60, v1;
	v0 =	vadd.f32 v63, v0  }
0x378: {  	v61 =	vld [tilespmem:$0xD9B0];
	v59 =	vmul.f32 v59, v56;
	v60 =	vperm.xlane v54, v40  }
0x379: {  	v63 =	vld [tilespmem:$0xD9C0];
	v1 =	vadd.f32 v55, v1;
	v62 =	vmul.f32 v62, v56;
	v0 =	vadd.f32 v57, v0  }
0x37a: {  	v9 =	vld [tilespmem:$0xD9D0];
	v55 =	vmul.f32 v4, v60;
	v56 =	vperm.xlane v54, v41  }
0x37b: {  	v7 =	vld [tilespmem:$0xD9E0];
	v57 =	vmul.f32 v10, v60;
	v1 =	vadd.f32 v59, v1;
	v0 =	vadd.f32 v62, v0  }
0x37c: {  	v60 =	vld [tilespmem:$0xD9F0];
	v58 =	vmul.f32 v58, v56;
	v59 =	vperm.xlane v54, v42  }
0x37d: {  	v61 =	vmul.f32 v61, v56;
	v56 =	vld [tilespmem:$0xDA10];
	v1 =	vadd.f32 v55, v1;
	v0 =	vadd.f32 v57, v0  }
0x37e: {  	v62 =	vld [tilespmem:$0xDA00];
	v63 =	vmul.f32 v63, v59;
	v55 =	vperm.xlane v54, v37  }
0x37f: {  	v5 =	vld [tilespmem:$0xDA20];
	v57 =	vmul.f32 v9, v59;
	v1 =	vadd.f32 v58, v1;
	v0 =	vadd.f32 v61, v0  }
0x380: {  	v59 =	vperm.xlane v54, v43;
	v9 =	vld [tilespmem:$0xDA30];
	v58 =	vmul.f32 v7, v55  }
0x381: {  	v60 =	vmul.f32 v60, v55;
	v55 =	vld [tilespmem:$0xDA50];
	v1 =	vadd.f32 v63, v1;
	v0 =	vadd.f32 v57, v0  }
0x382: {  	v61 =	vld [tilespmem:$0xDA40];
	v56 =	vmul.f32 v56, v59;
	v63 =	vperm.xlane v54, v44  }
0x383: {  	v62 =	vmul.f32 v62, v59;
	v57 =	vld [tilespmem:$0xDA60];
	v1 =	vadd.f32 v58, v1;
	v0 =	vadd.f32 v60, v0  }
0x384: {  	v8 =	vld [tilespmem:$0xDA70];
	v59 =	vperm.xlane v54, v45;
	v58 =	vmul.f32 v5, v63  }
0x385: {  	v4 =	vld [tilespmem:$0xDA80];
	v60 =	vmul.f32 v9, v63;
	v1 =	vadd.f32 v62, v1;
	v0 =	vadd.f32 v56, v0  }
0x386: {  	v63 =	vld [tilespmem:$0xDA90];
	v55 =	vmul.f32 v55, v59;
	v62 =	vperm.xlane v54, v46  }
0x387: {  	v61 =	vmul.f32 v61, v59;
	v59 =	vld [tilespmem:$0xDAB0];
	v1 =	vadd.f32 v58, v1;
	v0 =	vadd.f32 v60, v0  }
0x388: {  	v56 =	vld [tilespmem:$0xDAA0];
	v57 =	vmul.f32 v57, v62;
	v58 =	vperm.xlane v54, v47  }
0x389: {  	v6 =	vld [tilespmem:$0xDAC0];
	v60 =	vmul.f32 v8, v62;
	v1 =	vadd.f32 v61, v1;
	v0 =	vadd.f32 v55, v0  }
0x38a: {  	v62 =	vperm.xlane v54, v48;
	v8 =	vld [tilespmem:$0xDAD0];
	v61 =	vmul.f32 v4, v58  }
0x38b: {  	v63 =	vmul.f32 v63, v58;
	v58 =	vld [tilespmem:$0xDAF0];
	v1 =	vadd.f32 v57, v1;
	v0 =	vadd.f32 v60, v0  }
0x38c: {  	v55 =	vld [tilespmem:$0xDAE0];
	v59 =	vmul.f32 v59, v62;
	v57 =	vperm.xlane v54, v49  }
0x38d: {  	v56 =	vmul.f32 v56, v62;
	v60 =	vld [tilespmem:$0xDB00];
	v1 =	vadd.f32 v61, v1;
	v0 =	vadd.f32 v63, v0  }
0x38e: {  	v10 =	vld [tilespmem:$0xDB10];
	v62 =	vperm.xlane v54, v50;
	v61 =	vmul.f32 v6, v57  }
0x38f: {  	v5 =	vld [tilespmem:$0xDB20];
	v63 =	vmul.f32 v8, v57;
	v1 =	vadd.f32 v56, v1;
	v0 =	vadd.f32 v59, v0  }
0x390: {  	v57 =	vld [tilespmem:$0xDB30];
	v58 =	vmul.f32 v58, v62;
	v56 =	vperm.xlane v54, v51  }
0x391: {  	v55 =	vmul.f32 v55, v62;
	v59 =	vld [tilespmem:$0xDB40];
	v1 =	vadd.f32 v61, v1;
	v0 =	vadd.f32 v63, v0  }
0x392: {  	v62 =	vld [tilespmem:$0xDB50];
	v60 =	vmul.f32 v60, v56;
	v61 =	vperm.xlane v54, v52  }
0x393: {  	v7 =	vld [tilespmem:$0xDB60];
	v63 =	vmul.f32 v10, v56;
	v1 =	vadd.f32 v55, v1;
	v0 =	vadd.f32 v58, v0  }
0x394: {  	v56 =	vld [tilespmem:$0xDB70];
	v54 =	vmul.f32 v5, v61;
	v55 =	vperm.xlane v53, v38  }
0x395: {  	v57 =	vmul.f32 v57, v61;
	v61 =	vld [tilespmem:$0xDB90];
	v1 =	vadd.f32 v60, v1;
	v0 =	vadd.f32 v63, v0  }
0x396: {  	v58 =	vld [tilespmem:$0xDB80];
	v59 =	vmul.f32 v59, v55;
	v60 =	vperm.xlane v53, v39  }
0x397: {  	v62 =	vmul.f32 v62, v55;
	v63 =	vld [tilespmem:$0xDBA0];
	v1 =	vadd.f32 v54, v1;
	v0 =	vadd.f32 v57, v0  }
0x398: {  	v9 =	vld [tilespmem:$0xDBB0];
	v55 =	vperm.xlane v53, v40;
	v54 =	vmul.f32 v7, v60  }
0x399: {  	v56 =	vmul.f32 v56, v60;
	v57 =	vld [tilespmem:$0xDBC0];
	v1 =	vadd.f32 v59, v1;
	v0 =	vadd.f32 v62, v0  }
0x39a: {  	v60 =	vld [tilespmem:$0xDBD0];
	v61 =	vmul.f32 v61, v55;
	v59 =	vperm.xlane v53, v41  }
0x39b: {  	v58 =	vmul.f32 v58, v55;
	v62 =	vld [tilespmem:$0xDBE0];
	v1 =	vadd.f32 v54, v1;
	v0 =	vadd.f32 v56, v0  }
0x39c: {  	v55 =	vld [tilespmem:$0xDBF0];
	v63 =	vmul.f32 v63, v59;
	v54 =	vperm.xlane v53, v42  }
0x39d: {  	v4 =	vld [tilespmem:$0xDC00];
	v56 =	vmul.f32 v9, v59;
	v1 =	vadd.f32 v58, v1;
	v0 =	vadd.f32 v61, v0  }
0x39e: {  	v59 =	vld [tilespmem:$0xDC10];
	v57 =	vmul.f32 v57, v54;
	v58 =	vperm.xlane v53, v37  }
0x39f: {  	v60 =	vmul.f32 v60, v54;
	v54 =	vld [tilespmem:$0xDC30];
	v1 =	vadd.f32 v63, v1;
	v0 =	vadd.f32 v56, v0  }
0x3a0: {  	v61 =	vld [tilespmem:$0xDC20];
	v62 =	vmul.f32 v62, v58;
	v63 =	vperm.xlane v53, v43  }
0x3a1: {  	v55 =	vmul.f32 v55, v58;
	v56 =	vld [tilespmem:$0xDC40];
	v1 =	vadd.f32 v57, v1;
	v0 =	vadd.f32 v60, v0  }
0x3a2: {  	v8 =	vld [tilespmem:$0xDC50];
	v58 =	vperm.xlane v53, v44;
	v57 =	vmul.f32 v4, v63  }
0x3a3: {  	v59 =	vmul.f32 v59, v63;
	v60 =	vld [tilespmem:$0xDC60];
	v1 =	vadd.f32 v62, v1;
	v0 =	vadd.f32 v55, v0  }
0x3a4: {  	v63 =	vld [tilespmem:$0xDC70];
	v54 =	vmul.f32 v54, v58;
	v62 =	vperm.xlane v53, v45  }
0x3a5: {  	v61 =	vmul.f32 v61, v58;
	v55 =	vld [tilespmem:$0xDC80];
	v1 =	vadd.f32 v57, v1;
	v0 =	vadd.f32 v59, v0  }
0x3a6: {  	v58 =	vld [tilespmem:$0xDC90];
	v56 =	vmul.f32 v56, v62;
	v57 =	vperm.xlane v53, v46  }
0x3a7: {  	v5 =	vld [tilespmem:$0xDCA0];
	v59 =	vmul.f32 v8, v62;
	v1 =	vadd.f32 v61, v1;
	v0 =	vadd.f32 v54, v0  }
0x3a8: {  	v62 =	vld [tilespmem:$0xDCB0];
	v60 =	vmul.f32 v60, v57;
	v61 =	vperm.xlane v53, v47  }
0x3a9: {  	v63 =	vmul.f32 v63, v57;
	v57 =	vld [tilespmem:$0xDCD0];
	v1 =	vadd.f32 v56, v1;
	v0 =	vadd.f32 v59, v0  }
0x3aa: {  	v54 =	vld [tilespmem:$0xDCC0];
	v55 =	vmul.f32 v55, v61;
	v56 =	vperm.xlane v53, v48  }
0x3ab: {  	v58 =	vmul.f32 v58, v61;
	v59 =	vld [tilespmem:$0xDCE0];
	v1 =	vadd.f32 v60, v1;
	v0 =	vadd.f32 v63, v0  }
0x3ac: {  	v10 =	vld [tilespmem:$0xDCF0];
	v61 =	vperm.xlane v53, v49;
	v60 =	vmul.f32 v5, v56  }
0x3ad: {  	v62 =	vmul.f32 v62, v56;
	v63 =	vld [tilespmem:$0xDD00];
	v1 =	vadd.f32 v55, v1;
	v0 =	vadd.f32 v58, v0  }
0x3ae: {  	v56 =	vld [tilespmem:$0xDD10];
	v57 =	vmul.f32 v57, v61;
	v55 =	vperm.xlane v53, v50  }
0x3af: {  	v54 =	vmul.f32 v54, v61;
	v61 =	vld [tilespmem:$0xDD30];
	v1 =	vadd.f32 v60, v1;
	v0 =	vadd.f32 v62, v0  }
0x3b0: {  	v58 =	vld [tilespmem:$0xDD20];
	v59 =	vmul.f32 v59, v55;
	v60 =	vperm.xlane v53, v51  }
0x3b1: {  	v62 =	vmul.f32 v10, v55;
	v1 =	vadd.f32 v54, v1;
	v0 =	vadd.f32 v57, v0  }
0x3b2: {  	v11 =	vperm.xlane v53, v52;
	v63 =	vmul.f32 v63, v60  }
0x3b3: {  	v10 =	vmul.f32 v56, v60;
	v1 =	vadd.f32 v59, v1;
	v0 =	vadd.f32 v62, v0  }
0x3b4: {  	v54 =	vmul.f32 v61, v11  }
0x3b5: {  	v53 =	vmul.f32 v58, v11;
	v1 =	vadd.f32 v63, v1;
	v0 =	vadd.f32 v10, v0;
	_ =	sdelay $0x1  }
0x3b6: {  	v1 =	vadd.f32 v53, v1;
	v0 =	vadd.f32 v54, v0;
	_ =	sdelay $0x1  }
0x3b7: {  	v1 =	vmax.f32 v1, $0.0e+00;
	v0 =	vmax.f32 v0, $0.0e+00  }
0x3b8: {  	(xrf0) =	vmax.scan.msk.f32 $0xffff, v1;
	v55 =	vnsel vm0, $0xC1F00000, v0  }
0x3b9: {  	(xrf0) =	vmax.scan.msk.f32 $0xffff, v55;
	_ =	sdelay $0x4  }
0x3ba: {  	v56, _, _ =	vpop (xrf0)  }
0x3bb: {  	(v2sf) =	vpush v56, $0xF;
	v57, _, _ =	vpop (xrf0)  }
0x3bc: {  	(v2sf) =	vpush v57, $0xF;
	_ =	sdelay $0xd  }
0x3bd: {  	s13 =	spop (v2sf)  }
0x3be: {  	s9 =	spop (v2sf)  }
0x3bf: {  	s6 =	smax.f32 s13, s9  }
0x3c0: {  	v58 =	vmov s6  }
0x3c1: {  	v1 =	vsub.f32 v1, v58  }
0x3c2: {  	v0 =	vsub.f32 v0, v58  }
0x3c3: {  	v1 =	vmul.f32 $1.442695020e+00, v1  }
0x3c4: {  	v0 =	vmul.f32 $1.442695020e+00, v0  }
0x3c5: {  	(erf) = vpow2.f32 v1  }
0x3c6: {  	(erf) = vpow2.f32 v0;
	_ =	sdelay $0x7  }
0x3c7: {  	v59 =	vpop (erf)  }
0x3c8: {  	v60 =	vpop (erf)  }
0x3c9: {  	(xrf2) =	vadd.scan.msk.f32 $0xffff, v59;
	v1 =	vnsel vm0, $0x0, v60  }
0x3ca: {  	(xrf2) =	vadd.scan.msk.f32 $0xffff, v1;
	_ =	sdelay $0x8  }
0x3cb: {  	v61, _, _ =	vpop (xrf2)  }
0x3cc: {  	(v2sf) =	vpush v61, $0xF;
	v62, _, _ =	vpop (xrf2)  }
0x3cd: {  	(v2sf) =	vpush v62, $0xF;
	_ =	sdelay $0xd  }
0x3ce: {  	s9 =	spop (v2sf)  }
0x3cf: {  	s12 =	spop (v2sf)  }
0x3d0: {  	s6 =	sadd.f32 s12, s9;
	_ =	sdelay $0x1  }
0x3d1: {  	v63 =	vmov s6  }
0x3d2: {  	(erf) = vrcp.f32 v63;
	_ =	sdelay $0x6  }
0x3d3: {  	s10 =	sadd.s32 $0x1, s10  }
0x3d4: {  	p1 =	sne.s32 s10, $0x10  }
.Ltmp2:
0x3d5: {  	v2 =	vpop (erf);
	(pc) =	sbr.rel @p1 .LBB2_2-.Ltmp2, $4  }
0x3d6: {  	s13 =	sshll.u32 s11, $0x5;
	v0 =	vmul.f32 v2, v59  }
0x3d7: {  	s6 =	sand.u32 $0x3FFFFFE0, s13;
	v1 =	vmul.f32 v2, v1  }
0x3d8: {  	[tilespmem:s6+$0xDD40] =	vst v0  }
0x3d9: {  	v12 =	vlaneseq.u32;
	[tilespmem:s6+$0xDD50] =	vst v1  }
0x3da: {  	_ =	swait.ge [sflag:s5], $0x1000  }
0x3db: {  	[sflag:s5] =	ssyncset.done $0x0  }
0x3dc: {  	[sflag:s5] =	ssyncadd.s32 $0xFFFFF000  }
0x3dd: {  	_ =	swait.ge [sflag:s5], $0x1000  }
0x3de: {  	[sflag:s5] =	ssyncset.done $0x0  }
0x3df: {  	[sflag:s5] =	ssyncadd.s32 $0xFFFFF000  }
0x3e0: {  	_ =	swait.ge [sflag:s5], $0x1000  }
0x3e1: {  	[sflag:s5] =	ssyncset.done $0x0  }
0x3e2: {  	[sflag:s5] =	ssyncadd.s32 $0xFFFFF000  }
0x3e3: {  	_ =	swait.ge [sflag:s5], $0x1000  }
0x3e4: {  	[sflag:s5] =	ssyncset.done $0x0  }
0x3e5: {  	[sflag:s5] =	ssyncadd.s32 $0xFFFFF000  }
0x3e6: {  	_ =	swait.ge [sflag:s5], $0x800  }
0x3e7: {  	s9 =	simm.s32 $0xDD40;
	[sflag:s5] =	ssyncset.done $0x0  }
0x3e8: {  	s11 =	simm.s32 $0x3;
	s6 =	rddreg [dreg:$0x9];
	[sflag:s5] =	ssyncadd.s32 $0xFFFFF800  }
0x3e9: {  	[hbm4b:s6+s3] =	stream.linear.scatter [tilespmem:s9], [sflag:$0x3], $0x400, $0x38;
	[tilespmem:$0x12F80] =	vst v63  }
0x3ea: {  	_ =	swait.ge [sflag:s11], $0x400  }
0x3eb: {  	s12 =	rddreg [dreg:$0xd]  }
0x3ec: {  	s13 =	rddreg [dreg:$0xa];
	s9 =	sadd.s32 $0x1, s12  }
0x3ed: {  	p1 =	sne.s32 s9, s13  }
.Ltmp3:
0x3ee: {  	_ = 	snop;
	(pc) =	sbr.rel @p1 .LBB2_1-.Ltmp3, $3  }
0x3ef: {  	_ =	sdelay $0x1  }
0x3f0: {  	[sflag:s11] =	ssyncset.done $0x0  }
0x3f1: {  	[sflag:s11] =	ssyncadd.s32 $0xFFFFFC00  }
0x3f2: {  	_ =	sfence.sel $0x180000  }
0x3f3: {  	[bflag:$0x0] =	sbarrier.arrive $0xFFFF  }
0x3f4: {  	_ =	strace $0x90000047  }
0x3f5: {  	[bflag:$0x2] =	sbarrier.arrive $0xFFFF  }
0x3f6: {  	s0 =	rddreg [dreg:$0x3]  }
0x3f7: {  	s0 =	sadd.s32 @!p0 $0x100000, s0  }
0x3f8: {  	[sflag:s0] =	ssyncadd.tile.s32 @!p0 $0x1;
	_ =	shalt  }
.Lfunc_end2:
_tile_overlayer_lowered:
.L_overlay_start_2:
0x3f9: {  	(tag) =	ssettag $0x2  }
0x3fa: {  	s0 =	rddreg [dreg:$0x0];
	s2 =	stileid.u32  }
0x3fb: {  	s1 =	rddreg [dreg:$0x1];
	p0 =	sne.s32 s2, $0x0  }
0x3fc: {  	s3 =	rddreg [dreg:$0x2];
	[bflag:$0x3] =	sbarrier.arrive $0xFFFF;
	s2 =	simm.s32 @!p0 $0x1C03  }
0x3fd: {  	[timem:s3], [sflag:s2] =	dma.local @!p0 [hbm:s0], s1  }
0x3fe: {  	s0 =	simm.s32 @!p0 $0x3  }
0x3ff: {  	_ =	swait.ge @!p0 [sflag:s0], s1  }
0x400: {  	s1 =	ssub.s32 @!p0 $0x0, s1;
	[sflag:s0] =	ssyncset.done @!p0 $0x0  }
0x401: {  	[sflag:s0] =	ssyncadd.s32 @!p0 s1  }
0x402: {  	[bflag:$0x3] =	sbarrier.arrive $0xFFFF  }
0x403: {  	_ =	shalt  }

</sc_bundles>
